<compile_context>
chip_gen: v7x
topology: tpu7x:2x2x1
jax: 0.10.2.dev20260603
libtpu: 0.0.44.dev20260713+nightly
codegen_flags: <defaults>
</compile_context>

<pallas_src>
import functools

import jax
import jax.numpy as jnp
from jax import lax
from jax.experimental import pallas as pl
from jax.experimental.pallas import tpu as pltpu
from jax.experimental.pallas import tpu_sc as plsc

C = 128
L = 16


def _make_sc_conv(N, D, E):
    info = plsc.get_sparse_core_info()
    NC, NS = info.num_cores, info.num_subcores
    NW = NC * NS
    n_chunks = E // C
    assert E % C == 0 and N % L == 0

    n_full = N // C
    tail = N - n_full * C
    n_row_chunks = n_full + (1 if tail else 0)
    jj_iters = -(-n_row_chunks // NS)

    mesh = plsc.VectorSubcoreMesh(core_axis_name="c", subcore_axis_name="s")

    @functools.partial(
        pl.kernel,
        out_type=(
            jax.ShapeDtypeStruct((NC, N, D), jnp.float32),
            jax.ShapeDtypeStruct((NW * N,), jnp.float32),
        ),
        mesh=mesh,
        compiler_params=pltpu.CompilerParams(needs_layout_passes=False),
        scratch_types=[
            pltpu.VMEM((C,), jnp.int32),
            pltpu.VMEM((C,), jnp.int32),
            pltpu.VMEM((C,), jnp.float32),
            pltpu.VMEM((C, D), jnp.float32),
            pltpu.VMEM((N,), jnp.float32),
            pltpu.VMEM_SHARED((N, D), jnp.float32),
            pltpu.SemaphoreType.DMA,
        ],
    )
    def conv(x_hbm, src_hbm, dst_hbm, ea_hbm, y_hbm, s_hbm,
             src_v, dst_v, ea_v, rows_v, s_acc, y_sh, sem):
        cid = lax.axis_index("c")
        sid = lax.axis_index("s")
        wid = sid * NC + cid

        zero16 = jnp.zeros((L,), jnp.float32)

        def zrow(r, _):
            for k in range(D // L):
                rows_v[r, pl.ds(k * L, L)] = zero16
            return 0
        lax.fori_loop(0, C, zrow, 0)

        for jj in range(jj_iters):
            ch = sid + jj * NS
            r0 = pl.multiple_of(ch * C, C)

            @pl.when(ch < n_full)
            def _():
                pltpu.sync_copy(rows_v, y_sh.at[pl.ds(r0, C)])
            if tail:
                @pl.when(ch == n_full)
                def _():
                    pltpu.sync_copy(rows_v.at[pl.ds(0, tail)],
                                    y_sh.at[pl.ds(n_full * C, tail)])

        def zs(i, _):
            s_acc[pl.ds(i * L, L)] = zero16
            return 0
        lax.fori_loop(0, N // L, zs, 0)

        plsc.subcore_barrier()

        base = n_chunks // NW
        extra = n_chunks % NW
        cnt = base + jnp.where(wid < extra, 1, 0)

        def chunk_body(i, _):
            ch = wid + i * NW
            eb = pl.multiple_of(ch * C, C)
            pltpu.sync_copy(src_hbm.at[pl.ds(eb, C)], src_v)
            pltpu.sync_copy(dst_hbm.at[pl.ds(eb, C)], dst_v)
            pltpu.sync_copy(ea_hbm.at[pl.ds(eb, C)], ea_v)
            pltpu.async_copy(x_hbm.at[src_v], rows_v, sem).wait()

            def scale16(j, _):
                src16 = src_v[pl.ds(j * L, L)]
                ea16 = ea_v[pl.ds(j * L, L)]
                plsc.addupdate_scatter(s_acc, [src16], ea16)
                for t in range(L):
                    e = j * L + t
                    b = plsc.load_gather(ea_v, [jnp.full((L,), e, jnp.int32)])
                    for k in range(D // L):
                        rows_v[e, pl.ds(k * L, L)] = rows_v[e, pl.ds(k * L, L)] * b
                return 0
            lax.fori_loop(0, C // L, scale16, 0)

            pltpu.sync_copy(rows_v, y_sh.at[dst_v], add=True)
            return 0
        lax.fori_loop(0, cnt, chunk_body, 0)

        plsc.subcore_barrier()

        for jj in range(jj_iters):
            ch = sid + jj * NS
            r0 = pl.multiple_of(ch * C, C)

            @pl.when(ch < n_full)
            def _():
                pltpu.sync_copy(y_sh.at[pl.ds(r0, C)], rows_v)
                pltpu.sync_copy(rows_v, y_hbm.at[cid, pl.ds(r0, C)])
            if tail:
                @pl.when(ch == n_full)
                def _():
                    pltpu.sync_copy(y_sh.at[pl.ds(n_full * C, tail)],
                                    rows_v.at[pl.ds(0, tail)])
                    pltpu.sync_copy(rows_v.at[pl.ds(0, tail)],
                                    y_hbm.at[cid, pl.ds(n_full * C, tail)])
        pltpu.sync_copy(s_acc, s_hbm.at[pl.ds(pl.multiple_of(wid * N, 8), N)])

    return conv


def _tc_dense(y_part, s_part, x, ea_self, W1, b1, W2, b2):
    N, D = x.shape
    H = W1.shape[0]

    def body(yp, sp, xb, eas, W1r, b1r, W2r, b2r, out):
        y = yp[0] + yp[1] + eas[...] * xb[...]
        h1 = lax.dot_general(y, W1r[...], (((1,), (1,)), ((), ())),
                             preferred_element_type=jnp.float32)
        h1 = jnp.maximum(h1 + b1r[...], 0.0)
        stot = jnp.sum(sp[...], axis=0)[:, None] + eas[...]
        v = jnp.sum(stot * h1, axis=0, keepdims=True) * (1.0 / N)
        out[...] = lax.dot_general(v, W2r[...], (((1,), (1,)), ((), ())),
                                   preferred_element_type=jnp.float32) + b2r[...]

    return pl.pallas_call(
        body,
        out_shape=jax.ShapeDtypeStruct((1, H), jnp.float32),
    )(y_part, s_part, x, ea_self, W1, b1.reshape(1, H), W2, b2.reshape(1, H))


def kernel(x, edge_index, edge_attr, W1, b1, W2, b2):
    N, D = x.shape
    E = edge_index.shape[1]
    src = edge_index[0]
    dst = edge_index[1]
    ea_e = edge_attr[:E]
    ea_self = edge_attr[E:].reshape(N, 1)

    info = plsc.get_sparse_core_info()
    NW = info.num_cores * info.num_subcores

    conv = _make_sc_conv(N, D, E)
    y_part, s_flat = conv(x, src, dst, ea_e)
    s_part = s_flat.reshape(NW, N)
    out = _tc_dense(y_part, s_part, x, ea_self, W1, b1, W2, b2)
    return out.reshape(D)

# --- scband reference (transcript-rebuilt; emitter-appended) ---
"""Pipeline reference for scband-omega-singularity-model-25984552141467 (READ-ONLY COPY).

The authoritative reference and input builder live on the scoring server;
editing this copy changes nothing except your own understanding.
"""

import jax, jax.numpy as jnp
import numpy as np

N = 10000
E = 320000
D = 128
H = 128


def setup_inputs(seed: int = 0) -> dict:
    key = jax.random.key(seed)
    ks = jax.random.split(key, 7)
    x = jax.random.normal(ks[0], (N, D), dtype=jnp.float32)
    edge_index = jax.random.randint(ks[1], (2, E), 0, N, dtype=jnp.int32)
    edge_attr = jax.random.normal(ks[2], (E + N,), dtype=jnp.float32)
    W1 = jax.random.normal(ks[3], (H, D), dtype=jnp.float32) * 0.05
    b1 = jnp.zeros((H,), dtype=jnp.float32)
    W2 = jax.random.normal(ks[4], (H, H), dtype=jnp.float32) * 0.05
    b2 = jnp.zeros((H,), dtype=jnp.float32)
    return {"x": x, "edge_index": edge_index, "edge_attr": edge_attr,
            "W1": W1, "b1": b1, "W2": W2, "b2": b2}


def reference(x, edge_index, edge_attr, W1, b1, W2, b2):
    n = x.shape[0]
    # add_self_loops: append (i, i) for every node
    loops = jnp.arange(n, dtype=edge_index.dtype)
    ei = jnp.concatenate([edge_index, jnp.stack([loops, loops], axis=0)], axis=1)
    src, dst = ei[0], ei[1]

    def conv(h):
        # message: x_j * edge_attr.view(-1, 1); aggr='add'
        msg = jnp.take(h, src, axis=0) * edge_attr[:, None]
        return jax.ops.segment_sum(msg, dst, num_segments=n)

    h = conv(x)
    h = h @ W1.T + b1
    h = jax.nn.relu(h)
    h = conv(h)
    h = h @ W2.T + b2
    global_phi_q = jnp.mean(h, axis=0)
    return global_phi_q

if __name__ == "__main__":
    import jax
    _d = setup_inputs()
    print(jax.jit(kernel)(*tuple(_d.values())))

</pallas_src>

<mosaic_0001>
#map = affine_map<(d0, d1) -> (0, 0)>
#map1 = affine_map<(d0, d1) -> (0)>
#map2 = affine_map<(d0, d1) -> (0, 0, 0)>
module attributes {stable_mosaic.version = 14 : i64} {
  func.func @conv(%arg0: i32, %arg1: i32, %arg2: memref<10000x128xf32, #tpu.memory_space<hbm>>, %arg3: memref<320000xi32, #tpu.memory_space<hbm>>, %arg4: memref<320000xi32, #tpu.memory_space<hbm>>, %arg5: memref<320000xf32, #tpu.memory_space<hbm>>, %arg6: memref<2x10000x128xf32, #tpu.memory_space<hbm>>, %arg7: memref<320000xf32, #tpu.memory_space<hbm>>, %arg8: memref<128xi32, #tpu.memory_space<vmem>>, %arg9: memref<128xi32, #tpu.memory_space<vmem>>, %arg10: memref<128xf32, #tpu.memory_space<vmem>>, %arg11: memref<128x128xf32, #tpu.memory_space<vmem>>, %arg12: memref<10000xf32, #tpu.memory_space<vmem>>, %arg13: memref<10000x128xf32, #tpu.memory_space<vmem_shared>>, %arg14: memref<!tpu.dma_semaphore, #tpu.memory_space<semaphore_mem>>) attributes {dimension_semantics = [#tpu.dimension_semantics<core_parallel>, #tpu.dimension_semantics<subcore_parallel>], iteration_bounds = array<i64: 2, 16>, scalar_prefetch = 0 : i64, scratch_operands = 7 : i64, tpu.core_type = #tpu.core_type<sc_vector_subcore>, window_params = [{transform_indices = #map}, {transform_indices = #map1}, {transform_indices = #map1}, {transform_indices = #map1}, {transform_indices = #map2}, {transform_indices = #map1}]} {
    %mul3A = arith.constant 2 : i32
    %mul3A_0 = arith.muli %arg1, %mul3A : i32
    %add3A = arith.addi %mul3A_0, %arg0 : i32
    %broadcast_in_dim3A = arith.constant 0.000000e+00 : f32
    %broadcast_in_dim3A_1 = vector.broadcast %broadcast_in_dim3A : f32 to vector<16xf32>
    %scan3A = arith.constant 0 : i32
    %scan3A_2 = arith.constant 0 : i32
    %scan3A_3 = arith.constant 128 : i32
    %scan3A_4 = arith.addi %scan3A_2, %scan3A_3 : i32
    %scan3A_5 = arith.constant 1 : i32
    %scan3A_6 = scf.for %scan3A_180 = %scan3A_2 to %scan3A_4 step %scan3A_5 iter_args(%scan3A_181 = %scan3A) -> (i32)  : i32 {
      %swap3A = arith.index_cast %scan3A_180 : i32 to index
      %swap3A_182 = arith.constant 0 : index
      %swap3A_183 = tpu.vector_load %arg11[%swap3A, %swap3A_182] {strides = array<i32>} : memref<128x128xf32, #tpu.memory_space<vmem>>, vector<16xf32>,
      tpu.vector_store %arg11[%swap3A, %swap3A_182], %broadcast_in_dim3A_1 {strides = array<i32>} : memref<128x128xf32, #tpu.memory_space<vmem>>, vector<16xf32>,
      %swap3A_184 = arith.index_cast %scan3A_180 : i32 to index
      %swap3A_185 = arith.constant 16 : index
      %swap3A_186 = tpu.vector_load %arg11[%swap3A_184, %swap3A_185] {strides = array<i32>} : memref<128x128xf32, #tpu.memory_space<vmem>>, vector<16xf32>,
      tpu.vector_store %arg11[%swap3A_184, %swap3A_185], %broadcast_in_dim3A_1 {strides = array<i32>} : memref<128x128xf32, #tpu.memory_space<vmem>>, vector<16xf32>,
      %swap3A_187 = arith.index_cast %scan3A_180 : i32 to index
      %swap3A_188 = arith.constant 32 : index
      %swap3A_189 = tpu.vector_load %arg11[%swap3A_187, %swap3A_188] {strides = array<i32>} : memref<128x128xf32, #tpu.memory_space<vmem>>, vector<16xf32>,
      tpu.vector_store %arg11[%swap3A_187, %swap3A_188], %broadcast_in_dim3A_1 {strides = array<i32>} : memref<128x128xf32, #tpu.memory_space<vmem>>, vector<16xf32>,
      %swap3A_190 = arith.index_cast %scan3A_180 : i32 to index
      %swap3A_191 = arith.constant 48 : index
      %swap3A_192 = tpu.vector_load %arg11[%swap3A_190, %swap3A_191] {strides = array<i32>} : memref<128x128xf32, #tpu.memory_space<vmem>>, vector<16xf32>,
      tpu.vector_store %arg11[%swap3A_190, %swap3A_191], %broadcast_in_dim3A_1 {strides = array<i32>} : memref<128x128xf32, #tpu.memory_space<vmem>>, vector<16xf32>,
      %swap3A_193 = arith.index_cast %scan3A_180 : i32 to index
      %swap3A_194 = arith.constant 64 : index
      %swap3A_195 = tpu.vector_load %arg11[%swap3A_193, %swap3A_194] {strides = array<i32>} : memref<128x128xf32, #tpu.memory_space<vmem>>, vector<16xf32>,
      tpu.vector_store %arg11[%swap3A_193, %swap3A_194], %broadcast_in_dim3A_1 {strides = array<i32>} : memref<128x128xf32, #tpu.memory_space<vmem>>, vector<16xf32>,
      %swap3A_196 = arith.index_cast %scan3A_180 : i32 to index
      %swap3A_197 = arith.constant 80 : index
      %swap3A_198 = tpu.vector_load %arg11[%swap3A_196, %swap3A_197] {strides = array<i32>} : memref<128x128xf32, #tpu.memory_space<vmem>>, vector<16xf32>,
      tpu.vector_store %arg11[%swap3A_196, %swap3A_197], %broadcast_in_dim3A_1 {strides = array<i32>} : memref<128x128xf32, #tpu.memory_space<vmem>>, vector<16xf32>,
      %swap3A_199 = arith.index_cast %scan3A_180 : i32 to index
      %swap3A_200 = arith.constant 96 : index
      %swap3A_201 = tpu.vector_load %arg11[%swap3A_199, %swap3A_200] {strides = array<i32>} : memref<128x128xf32, #tpu.memory_space<vmem>>, vector<16xf32>,
      tpu.vector_store %arg11[%swap3A_199, %swap3A_200], %broadcast_in_dim3A_1 {strides = array<i32>} : memref<128x128xf32, #tpu.memory_space<vmem>>, vector<16xf32>,
      %swap3A_202 = arith.index_cast %scan3A_180 : i32 to index
      %swap3A_203 = arith.constant 112 : index
      %swap3A_204 = tpu.vector_load %arg11[%swap3A_202, %swap3A_203] {strides = array<i32>} : memref<128x128xf32, #tpu.memory_space<vmem>>, vector<16xf32>,
      tpu.vector_store %arg11[%swap3A_202, %swap3A_203], %broadcast_in_dim3A_1 {strides = array<i32>} : memref<128x128xf32, #tpu.memory_space<vmem>>, vector<16xf32>,
      %scan3A_205 = arith.constant 0 : i32
      scf.yield %scan3A_205 : i32
    }
    %scan3A_7 = arith.constant 128 : i32
    %add3A_8 = arith.constant 0 : i32
    %add3A_9 = arith.addi %arg1, %add3A_8 : i32
    %mul3A_10 = arith.constant 128 : i32
    %mul3A_11 = arith.muli %add3A_9, %mul3A_10 : i32
    %multiple_of3A = tpu.assume_multiple %mul3A_11, 128 : i32
    %lt3A = arith.constant 78 : i32
    %lt3A_12 = arith.cmpi slt, %add3A_9, %lt3A : i32
    %convert_element_type3A = arith.extui %lt3A_12 : i1 to i32
    %cond3A = arith.constant 0 : i32
    %cond3A_13 = arith.cmpi ne, %convert_element_type3A, %cond3A : i32
    scf.if %cond3A_13 {
      "tpu.region"() ({
        %run_scoped3A = tpu.sem_alloc : memref<!tpu.dma_semaphore, #tpu.memory_space<semaphore_mem>>
        %dma_start3A = arith.constant 0 : i32
        %dma_start3A_180 = tpu.memref_slice %arg13[%multiple_of3A, %dma_start3A] : memref<10000x128xf32, #tpu.memory_space<vmem_shared>> -> memref<128x128xf32, #tpu.memory_space<vmem_shared>>
        %dma_start3A_181 = arith.constant 0 : i32
        %dma_start3A_182 = tpu.memref_slice %arg13[%multiple_of3A, %dma_start3A_181] : memref<10000x128xf32, #tpu.memory_space<vmem_shared>> -> memref<128x128xf32, #tpu.memory_space<vmem_shared>>
        tpu.enqueue_dma source(%arg11 : memref<128x128xf32, #tpu.memory_space<vmem>>) target(%dma_start3A_182 : memref<128x128xf32, #tpu.memory_space<vmem_shared>>) target_semaphore(%run_scoped3A : memref<!tpu.dma_semaphore, #tpu.memory_space<semaphore_mem>>)
        %dma_wait3A = arith.constant 0 : i32
        %dma_wait3A_183 = tpu.memref_slice %arg13[%multiple_of3A, %dma_wait3A] : memref<10000x128xf32, #tpu.memory_space<vmem_shared>> -> memref<128x128xf32, #tpu.memory_space<vmem_shared>>
        %dma_wait3A_184 = arith.constant 0 : i32
        %dma_wait3A_185 = tpu.memref_slice %arg13[%multiple_of3A, %dma_wait3A_184] : memref<10000x128xf32, #tpu.memory_space<vmem_shared>> -> memref<128x128xf32, #tpu.memory_space<vmem_shared>>
        tpu.wait_dma2 semaphore(%run_scoped3A : memref<!tpu.dma_semaphore, #tpu.memory_space<semaphore_mem>>) src(%arg11 : memref<128x128xf32, #tpu.memory_space<vmem>>) dst(%dma_wait3A_185 : memref<128x128xf32, #tpu.memory_space<vmem_shared>>)
        tpu.yield
      }) : () -> ()
    } else {
    }
    %eq3A = arith.constant 78 : i32
    %eq3A_14 = arith.cmpi eq, %add3A_9, %eq3A : i32
    %convert_element_type3A_15 = arith.extui %eq3A_14 : i1 to i32
    %cond3A_16 = arith.constant 0 : i32
    %cond3A_17 = arith.cmpi ne, %convert_element_type3A_15, %cond3A_16 : i32
    scf.if %cond3A_17 {
      "tpu.region"() ({
        %run_scoped3A = tpu.sem_alloc : memref<!tpu.dma_semaphore, #tpu.memory_space<semaphore_mem>>
        %dma_start3A = arith.constant 0 : i32
        %dma_start3A_180 = arith.constant 0 : i32
        %dma_start3A_181 = tpu.memref_slice %arg11[%dma_start3A, %dma_start3A_180] : memref<128x128xf32, #tpu.memory_space<vmem>> -> memref<16x128xf32, #tpu.memory_space<vmem>>
        %dma_start3A_182 = arith.constant 9984 : i32
        %dma_start3A_183 = arith.constant 0 : i32
        %dma_start3A_184 = tpu.memref_slice %arg13[%dma_start3A_182, %dma_start3A_183] : memref<10000x128xf32, #tpu.memory_space<vmem_shared>> -> memref<16x128xf32, #tpu.memory_space<vmem_shared>>
        %dma_start3A_185 = arith.constant 9984 : i32
        %dma_start3A_186 = arith.constant 0 : i32
        %dma_start3A_187 = tpu.memref_slice %arg13[%dma_start3A_185, %dma_start3A_186] : memref<10000x128xf32, #tpu.memory_space<vmem_shared>> -> memref<16x128xf32, #tpu.memory_space<vmem_shared>>
        %dma_start3A_188 = arith.constant 0 : i32
        %dma_start3A_189 = arith.constant 0 : i32
        %dma_start3A_190 = tpu.memref_slice %arg11[%dma_start3A_188, %dma_start3A_189] : memref<128x128xf32, #tpu.memory_space<vmem>> -> memref<16x128xf32, #tpu.memory_space<vmem>>
        tpu.enqueue_dma source(%dma_start3A_190 : memref<16x128xf32, #tpu.memory_space<vmem>>) target(%dma_start3A_187 : memref<16x128xf32, #tpu.memory_space<vmem_shared>>) target_semaphore(%run_scoped3A : memref<!tpu.dma_semaphore, #tpu.memory_space<semaphore_mem>>)
        %dma_wait3A = arith.constant 0 : i32
        %dma_wait3A_191 = arith.constant 0 : i32
        %dma_wait3A_192 = tpu.memref_slice %arg11[%dma_wait3A, %dma_wait3A_191] : memref<128x128xf32, #tpu.memory_space<vmem>> -> memref<16x128xf32, #tpu.memory_space<vmem>>
        %dma_wait3A_193 = arith.constant 9984 : i32
        %dma_wait3A_194 = arith.constant 0 : i32
        %dma_wait3A_195 = tpu.memref_slice %arg13[%dma_wait3A_193, %dma_wait3A_194] : memref<10000x128xf32, #tpu.memory_space<vmem_shared>> -> memref<16x128xf32, #tpu.memory_space<vmem_shared>>
        %dma_wait3A_196 = arith.constant 9984 : i32
        %dma_wait3A_197 = arith.constant 0 : i32
        %dma_wait3A_198 = tpu.memref_slice %arg13[%dma_wait3A_196, %dma_wait3A_197] : memref<10000x128xf32, #tpu.memory_space<vmem_shared>> -> memref<16x128xf32, #tpu.memory_space<vmem_shared>>
        %dma_wait3A_199 = arith.constant 0 : i32
        %dma_wait3A_200 = arith.constant 0 : i32
        %dma_wait3A_201 = tpu.memref_slice %arg11[%dma_wait3A_199, %dma_wait3A_200] : memref<128x128xf32, #tpu.memory_space<vmem>> -> memref<16x128xf32, #tpu.memory_space<vmem>>
        tpu.wait_dma2 semaphore(%run_scoped3A : memref<!tpu.dma_semaphore, #tpu.memory_space<semaphore_mem>>) src(%dma_wait3A_201 : memref<16x128xf32, #tpu.memory_space<vmem>>) dst(%dma_wait3A_198 : memref<16x128xf32, #tpu.memory_space<vmem_shared>>)
        tpu.yield
      }) : () -> ()
    } else {
    }
    %add3A_18 = arith.constant 16 : i32
    %add3A_19 = arith.addi %arg1, %add3A_18 : i32
    %mul3A_20 = arith.constant 128 : i32
    %mul3A_21 = arith.muli %add3A_19, %mul3A_20 : i32
    %multiple_of3A_22 = tpu.assume_multiple %mul3A_21, 128 : i32
    %lt3A_23 = arith.constant 78 : i32
    %lt3A_24 = arith.cmpi slt, %add3A_19, %lt3A_23 : i32
    %convert_element_type3A_25 = arith.extui %lt3A_24 : i1 to i32
    %cond3A_26 = arith.constant 0 : i32
    %cond3A_27 = arith.cmpi ne, %convert_element_type3A_25, %cond3A_26 : i32
    scf.if %cond3A_27 {
      "tpu.region"() ({
        %run_scoped3A = tpu.sem_alloc : memref<!tpu.dma_semaphore, #tpu.memory_space<semaphore_mem>>
        %dma_start3A = arith.constant 0 : i32
        %dma_start3A_180 = tpu.memref_slice %arg13[%multiple_of3A_22, %dma_start3A] : memref<10000x128xf32, #tpu.memory_space<vmem_shared>> -> memref<128x128xf32, #tpu.memory_space<vmem_shared>>
        %dma_start3A_181 = arith.constant 0 : i32
        %dma_start3A_182 = tpu.memref_slice %arg13[%multiple_of3A_22, %dma_start3A_181] : memref<10000x128xf32, #tpu.memory_space<vmem_shared>> -> memref<128x128xf32, #tpu.memory_space<vmem_shared>>
        tpu.enqueue_dma source(%arg11 : memref<128x128xf32, #tpu.memory_space<vmem>>) target(%dma_start3A_182 : memref<128x128xf32, #tpu.memory_space<vmem_shared>>) target_semaphore(%run_scoped3A : memref<!tpu.dma_semaphore, #tpu.memory_space<semaphore_mem>>)
        %dma_wait3A = arith.constant 0 : i32
        %dma_wait3A_183 = tpu.memref_slice %arg13[%multiple_of3A_22, %dma_wait3A] : memref<10000x128xf32, #tpu.memory_space<vmem_shared>> -> memref<128x128xf32, #tpu.memory_space<vmem_shared>>
        %dma_wait3A_184 = arith.constant 0 : i32
        %dma_wait3A_185 = tpu.memref_slice %arg13[%multiple_of3A_22, %dma_wait3A_184] : memref<10000x128xf32, #tpu.memory_space<vmem_shared>> -> memref<128x128xf32, #tpu.memory_space<vmem_shared>>
        tpu.wait_dma2 semaphore(%run_scoped3A : memref<!tpu.dma_semaphore, #tpu.memory_space<semaphore_mem>>) src(%arg11 : memref<128x128xf32, #tpu.memory_space<vmem>>) dst(%dma_wait3A_185 : memref<128x128xf32, #tpu.memory_space<vmem_shared>>)
        tpu.yield
      }) : () -> ()
    } else {
    }
    %eq3A_28 = arith.constant 78 : i32
    %eq3A_29 = arith.cmpi eq, %add3A_19, %eq3A_28 : i32
    %convert_element_type3A_30 = arith.extui %eq3A_29 : i1 to i32
    %cond3A_31 = arith.constant 0 : i32
    %cond3A_32 = arith.cmpi ne, %convert_element_type3A_30, %cond3A_31 : i32
    scf.if %cond3A_32 {
      "tpu.region"() ({
        %run_scoped3A = tpu.sem_alloc : memref<!tpu.dma_semaphore, #tpu.memory_space<semaphore_mem>>
        %dma_start3A = arith.constant 0 : i32
        %dma_start3A_180 = arith.constant 0 : i32
        %dma_start3A_181 = tpu.memref_slice %arg11[%dma_start3A, %dma_start3A_180] : memref<128x128xf32, #tpu.memory_space<vmem>> -> memref<16x128xf32, #tpu.memory_space<vmem>>
        %dma_start3A_182 = arith.constant 9984 : i32
        %dma_start3A_183 = arith.constant 0 : i32
        %dma_start3A_184 = tpu.memref_slice %arg13[%dma_start3A_182, %dma_start3A_183] : memref<10000x128xf32, #tpu.memory_space<vmem_shared>> -> memref<16x128xf32, #tpu.memory_space<vmem_shared>>
        %dma_start3A_185 = arith.constant 9984 : i32
        %dma_start3A_186 = arith.constant 0 : i32
        %dma_start3A_187 = tpu.memref_slice %arg13[%dma_start3A_185, %dma_start3A_186] : memref<10000x128xf32, #tpu.memory_space<vmem_shared>> -> memref<16x128xf32, #tpu.memory_space<vmem_shared>>
        %dma_start3A_188 = arith.constant 0 : i32
        %dma_start3A_189 = arith.constant 0 : i32
        %dma_start3A_190 = tpu.memref_slice %arg11[%dma_start3A_188, %dma_start3A_189] : memref<128x128xf32, #tpu.memory_space<vmem>> -> memref<16x128xf32, #tpu.memory_space<vmem>>
        tpu.enqueue_dma source(%dma_start3A_190 : memref<16x128xf32, #tpu.memory_space<vmem>>) target(%dma_start3A_187 : memref<16x128xf32, #tpu.memory_space<vmem_shared>>) target_semaphore(%run_scoped3A : memref<!tpu.dma_semaphore, #tpu.memory_space<semaphore_mem>>)
        %dma_wait3A = arith.constant 0 : i32
        %dma_wait3A_191 = arith.constant 0 : i32
        %dma_wait3A_192 = tpu.memref_slice %arg11[%dma_wait3A, %dma_wait3A_191] : memref<128x128xf32, #tpu.memory_space<vmem>> -> memref<16x128xf32, #tpu.memory_space<vmem>>
        %dma_wait3A_193 = arith.constant 9984 : i32
        %dma_wait3A_194 = arith.constant 0 : i32
        %dma_wait3A_195 = tpu.memref_slice %arg13[%dma_wait3A_193, %dma_wait3A_194] : memref<10000x128xf32, #tpu.memory_space<vmem_shared>> -> memref<16x128xf32, #tpu.memory_space<vmem_shared>>
        %dma_wait3A_196 = arith.constant 9984 : i32
        %dma_wait3A_197 = arith.constant 0 : i32
        %dma_wait3A_198 = tpu.memref_slice %arg13[%dma_wait3A_196, %dma_wait3A_197] : memref<10000x128xf32, #tpu.memory_space<vmem_shared>> -> memref<16x128xf32, #tpu.memory_space<vmem_shared>>
        %dma_wait3A_199 = arith.constant 0 : i32
        %dma_wait3A_200 = arith.constant 0 : i32
        %dma_wait3A_201 = tpu.memref_slice %arg11[%dma_wait3A_199, %dma_wait3A_200] : memref<128x128xf32, #tpu.memory_space<vmem>> -> memref<16x128xf32, #tpu.memory_space<vmem>>
        tpu.wait_dma2 semaphore(%run_scoped3A : memref<!tpu.dma_semaphore, #tpu.memory_space<semaphore_mem>>) src(%dma_wait3A_201 : memref<16x128xf32, #tpu.memory_space<vmem>>) dst(%dma_wait3A_198 : memref<16x128xf32, #tpu.memory_space<vmem_shared>>)
        tpu.yield
      }) : () -> ()
    } else {
    }
    %add3A_33 = arith.constant 32 : i32
    %add3A_34 = arith.addi %arg1, %add3A_33 : i32
    %mul3A_35 = arith.constant 128 : i32
    %mul3A_36 = arith.muli %add3A_34, %mul3A_35 : i32
    %multiple_of3A_37 = tpu.assume_multiple %mul3A_36, 128 : i32
    %lt3A_38 = arith.constant 78 : i32
    %lt3A_39 = arith.cmpi slt, %add3A_34, %lt3A_38 : i32
    %convert_element_type3A_40 = arith.extui %lt3A_39 : i1 to i32
    %cond3A_41 = arith.constant 0 : i32
    %cond3A_42 = arith.cmpi ne, %convert_element_type3A_40, %cond3A_41 : i32
    scf.if %cond3A_42 {
      "tpu.region"() ({
        %run_scoped3A = tpu.sem_alloc : memref<!tpu.dma_semaphore, #tpu.memory_space<semaphore_mem>>
        %dma_start3A = arith.constant 0 : i32
        %dma_start3A_180 = tpu.memref_slice %arg13[%multiple_of3A_37, %dma_start3A] : memref<10000x128xf32, #tpu.memory_space<vmem_shared>> -> memref<128x128xf32, #tpu.memory_space<vmem_shared>>
        %dma_start3A_181 = arith.constant 0 : i32
        %dma_start3A_182 = tpu.memref_slice %arg13[%multiple_of3A_37, %dma_start3A_181] : memref<10000x128xf32, #tpu.memory_space<vmem_shared>> -> memref<128x128xf32, #tpu.memory_space<vmem_shared>>
        tpu.enqueue_dma source(%arg11 : memref<128x128xf32, #tpu.memory_space<vmem>>) target(%dma_start3A_182 : memref<128x128xf32, #tpu.memory_space<vmem_shared>>) target_semaphore(%run_scoped3A : memref<!tpu.dma_semaphore, #tpu.memory_space<semaphore_mem>>)
        %dma_wait3A = arith.constant 0 : i32
        %dma_wait3A_183 = tpu.memref_slice %arg13[%multiple_of3A_37, %dma_wait3A] : memref<10000x128xf32, #tpu.memory_space<vmem_shared>> -> memref<128x128xf32, #tpu.memory_space<vmem_shared>>
        %dma_wait3A_184 = arith.constant 0 : i32
        %dma_wait3A_185 = tpu.memref_slice %arg13[%multiple_of3A_37, %dma_wait3A_184] : memref<10000x128xf32, #tpu.memory_space<vmem_shared>> -> memref<128x128xf32, #tpu.memory_space<vmem_shared>>
        tpu.wait_dma2 semaphore(%run_scoped3A : memref<!tpu.dma_semaphore, #tpu.memory_space<semaphore_mem>>) src(%arg11 : memref<128x128xf32, #tpu.memory_space<vmem>>) dst(%dma_wait3A_185 : memref<128x128xf32, #tpu.memory_space<vmem_shared>>)
        tpu.yield
      }) : () -> ()
    } else {
    }
    %eq3A_43 = arith.constant 78 : i32
    %eq3A_44 = arith.cmpi eq, %add3A_34, %eq3A_43 : i32
    %convert_element_type3A_45 = arith.extui %eq3A_44 : i1 to i32
    %cond3A_46 = arith.constant 0 : i32
    %cond3A_47 = arith.cmpi ne, %convert_element_type3A_45, %cond3A_46 : i32
    scf.if %cond3A_47 {
      "tpu.region"() ({
        %run_scoped3A = tpu.sem_alloc : memref<!tpu.dma_semaphore, #tpu.memory_space<semaphore_mem>>
        %dma_start3A = arith.constant 0 : i32
        %dma_start3A_180 = arith.constant 0 : i32
        %dma_start3A_181 = tpu.memref_slice %arg11[%dma_start3A, %dma_start3A_180] : memref<128x128xf32, #tpu.memory_space<vmem>> -> memref<16x128xf32, #tpu.memory_space<vmem>>
        %dma_start3A_182 = arith.constant 9984 : i32
        %dma_start3A_183 = arith.constant 0 : i32
        %dma_start3A_184 = tpu.memref_slice %arg13[%dma_start3A_182, %dma_start3A_183] : memref<10000x128xf32, #tpu.memory_space<vmem_shared>> -> memref<16x128xf32, #tpu.memory_space<vmem_shared>>
        %dma_start3A_185 = arith.constant 9984 : i32
        %dma_start3A_186 = arith.constant 0 : i32
        %dma_start3A_187 = tpu.memref_slice %arg13[%dma_start3A_185, %dma_start3A_186] : memref<10000x128xf32, #tpu.memory_space<vmem_shared>> -> memref<16x128xf32, #tpu.memory_space<vmem_shared>>
        %dma_start3A_188 = arith.constant 0 : i32
        %dma_start3A_189 = arith.constant 0 : i32
        %dma_start3A_190 = tpu.memref_slice %arg11[%dma_start3A_188, %dma_start3A_189] : memref<128x128xf32, #tpu.memory_space<vmem>> -> memref<16x128xf32, #tpu.memory_space<vmem>>
        tpu.enqueue_dma source(%dma_start3A_190 : memref<16x128xf32, #tpu.memory_space<vmem>>) target(%dma_start3A_187 : memref<16x128xf32, #tpu.memory_space<vmem_shared>>) target_semaphore(%run_scoped3A : memref<!tpu.dma_semaphore, #tpu.memory_space<semaphore_mem>>)
        %dma_wait3A = arith.constant 0 : i32
        %dma_wait3A_191 = arith.constant 0 : i32
        %dma_wait3A_192 = tpu.memref_slice %arg11[%dma_wait3A, %dma_wait3A_191] : memref<128x128xf32, #tpu.memory_space<vmem>> -> memref<16x128xf32, #tpu.memory_space<vmem>>
        %dma_wait3A_193 = arith.constant 9984 : i32
        %dma_wait3A_194 = arith.constant 0 : i32
        %dma_wait3A_195 = tpu.memref_slice %arg13[%dma_wait3A_193, %dma_wait3A_194] : memref<10000x128xf32, #tpu.memory_space<vmem_shared>> -> memref<16x128xf32, #tpu.memory_space<vmem_shared>>
        %dma_wait3A_196 = arith.constant 9984 : i32
        %dma_wait3A_197 = arith.constant 0 : i32
        %dma_wait3A_198 = tpu.memref_slice %arg13[%dma_wait3A_196, %dma_wait3A_197] : memref<10000x128xf32, #tpu.memory_space<vmem_shared>> -> memref<16x128xf32, #tpu.memory_space<vmem_shared>>
        %dma_wait3A_199 = arith.constant 0 : i32
        %dma_wait3A_200 = arith.constant 0 : i32
        %dma_wait3A_201 = tpu.memref_slice %arg11[%dma_wait3A_199, %dma_wait3A_200] : memref<128x128xf32, #tpu.memory_space<vmem>> -> memref<16x128xf32, #tpu.memory_space<vmem>>
        tpu.wait_dma2 semaphore(%run_scoped3A : memref<!tpu.dma_semaphore, #tpu.memory_space<semaphore_mem>>) src(%dma_wait3A_201 : memref<16x128xf32, #tpu.memory_space<vmem>>) dst(%dma_wait3A_198 : memref<16x128xf32, #tpu.memory_space<vmem_shared>>)
        tpu.yield
      }) : () -> ()
    } else {
    }
    %add3A_48 = arith.constant 48 : i32
    %add3A_49 = arith.addi %arg1, %add3A_48 : i32
    %mul3A_50 = arith.constant 128 : i32
    %mul3A_51 = arith.muli %add3A_49, %mul3A_50 : i32
    %multiple_of3A_52 = tpu.assume_multiple %mul3A_51, 128 : i32
    %lt3A_53 = arith.constant 78 : i32
    %lt3A_54 = arith.cmpi slt, %add3A_49, %lt3A_53 : i32
    %convert_element_type3A_55 = arith.extui %lt3A_54 : i1 to i32
    %cond3A_56 = arith.constant 0 : i32
    %cond3A_57 = arith.cmpi ne, %convert_element_type3A_55, %cond3A_56 : i32
    scf.if %cond3A_57 {
      "tpu.region"() ({
        %run_scoped3A = tpu.sem_alloc : memref<!tpu.dma_semaphore, #tpu.memory_space<semaphore_mem>>
        %dma_start3A = arith.constant 0 : i32
        %dma_start3A_180 = tpu.memref_slice %arg13[%multiple_of3A_52, %dma_start3A] : memref<10000x128xf32, #tpu.memory_space<vmem_shared>> -> memref<128x128xf32, #tpu.memory_space<vmem_shared>>
        %dma_start3A_181 = arith.constant 0 : i32
        %dma_start3A_182 = tpu.memref_slice %arg13[%multiple_of3A_52, %dma_start3A_181] : memref<10000x128xf32, #tpu.memory_space<vmem_shared>> -> memref<128x128xf32, #tpu.memory_space<vmem_shared>>
        tpu.enqueue_dma source(%arg11 : memref<128x128xf32, #tpu.memory_space<vmem>>) target(%dma_start3A_182 : memref<128x128xf32, #tpu.memory_space<vmem_shared>>) target_semaphore(%run_scoped3A : memref<!tpu.dma_semaphore, #tpu.memory_space<semaphore_mem>>)
        %dma_wait3A = arith.constant 0 : i32
        %dma_wait3A_183 = tpu.memref_slice %arg13[%multiple_of3A_52, %dma_wait3A] : memref<10000x128xf32, #tpu.memory_space<vmem_shared>> -> memref<128x128xf32, #tpu.memory_space<vmem_shared>>
        %dma_wait3A_184 = arith.constant 0 : i32
        %dma_wait3A_185 = tpu.memref_slice %arg13[%multiple_of3A_52, %dma_wait3A_184] : memref<10000x128xf32, #tpu.memory_space<vmem_shared>> -> memref<128x128xf32, #tpu.memory_space<vmem_shared>>
        tpu.wait_dma2 semaphore(%run_scoped3A : memref<!tpu.dma_semaphore, #tpu.memory_space<semaphore_mem>>) src(%arg11 : memref<128x128xf32, #tpu.memory_space<vmem>>) dst(%dma_wait3A_185 : memref<128x128xf32, #tpu.memory_space<vmem_shared>>)
        tpu.yield
      }) : () -> ()
    } else {
    }
    %eq3A_58 = arith.constant 78 : i32
    %eq3A_59 = arith.cmpi eq, %add3A_49, %eq3A_58 : i32
    %convert_element_type3A_60 = arith.extui %eq3A_59 : i1 to i32
    %cond3A_61 = arith.constant 0 : i32
    %cond3A_62 = arith.cmpi ne, %convert_element_type3A_60, %cond3A_61 : i32
    scf.if %cond3A_62 {
      "tpu.region"() ({
        %run_scoped3A = tpu.sem_alloc : memref<!tpu.dma_semaphore, #tpu.memory_space<semaphore_mem>>
        %dma_start3A = arith.constant 0 : i32
        %dma_start3A_180 = arith.constant 0 : i32
        %dma_start3A_181 = tpu.memref_slice %arg11[%dma_start3A, %dma_start3A_180] : memref<128x128xf32, #tpu.memory_space<vmem>> -> memref<16x128xf32, #tpu.memory_space<vmem>>
        %dma_start3A_182 = arith.constant 9984 : i32
        %dma_start3A_183 = arith.constant 0 : i32
        %dma_start3A_184 = tpu.memref_slice %arg13[%dma_start3A_182, %dma_start3A_183] : memref<10000x128xf32, #tpu.memory_space<vmem_shared>> -> memref<16x128xf32, #tpu.memory_space<vmem_shared>>
        %dma_start3A_185 = arith.constant 9984 : i32
        %dma_start3A_186 = arith.constant 0 : i32
        %dma_start3A_187 = tpu.memref_slice %arg13[%dma_start3A_185, %dma_start3A_186] : memref<10000x128xf32, #tpu.memory_space<vmem_shared>> -> memref<16x128xf32, #tpu.memory_space<vmem_shared>>
        %dma_start3A_188 = arith.constant 0 : i32
        %dma_start3A_189 = arith.constant 0 : i32
        %dma_start3A_190 = tpu.memref_slice %arg11[%dma_start3A_188, %dma_start3A_189] : memref<128x128xf32, #tpu.memory_space<vmem>> -> memref<16x128xf32, #tpu.memory_space<vmem>>
        tpu.enqueue_dma source(%dma_start3A_190 : memref<16x128xf32, #tpu.memory_space<vmem>>) target(%dma_start3A_187 : memref<16x128xf32, #tpu.memory_space<vmem_shared>>) target_semaphore(%run_scoped3A : memref<!tpu.dma_semaphore, #tpu.memory_space<semaphore_mem>>)
        %dma_wait3A = arith.constant 0 : i32
        %dma_wait3A_191 = arith.constant 0 : i32
        %dma_wait3A_192 = tpu.memref_slice %arg11[%dma_wait3A, %dma_wait3A_191] : memref<128x128xf32, #tpu.memory_space<vmem>> -> memref<16x128xf32, #tpu.memory_space<vmem>>
        %dma_wait3A_193 = arith.constant 9984 : i32
        %dma_wait3A_194 = arith.constant 0 : i32
        %dma_wait3A_195 = tpu.memref_slice %arg13[%dma_wait3A_193, %dma_wait3A_194] : memref<10000x128xf32, #tpu.memory_space<vmem_shared>> -> memref<16x128xf32, #tpu.memory_space<vmem_shared>>
        %dma_wait3A_196 = arith.constant 9984 : i32
        %dma_wait3A_197 = arith.constant 0 : i32
        %dma_wait3A_198 = tpu.memref_slice %arg13[%dma_wait3A_196, %dma_wait3A_197] : memref<10000x128xf32, #tpu.memory_space<vmem_shared>> -> memref<16x128xf32, #tpu.memory_space<vmem_shared>>
        %dma_wait3A_199 = arith.constant 0 : i32
        %dma_wait3A_200 = arith.constant 0 : i32
        %dma_wait3A_201 = tpu.memref_slice %arg11[%dma_wait3A_199, %dma_wait3A_200] : memref<128x128xf32, #tpu.memory_space<vmem>> -> memref<16x128xf32, #tpu.memory_space<vmem>>
        tpu.wait_dma2 semaphore(%run_scoped3A : memref<!tpu.dma_semaphore, #tpu.memory_space<semaphore_mem>>) src(%dma_wait3A_201 : memref<16x128xf32, #tpu.memory_space<vmem>>) dst(%dma_wait3A_198 : memref<16x128xf32, #tpu.memory_space<vmem_shared>>)
        tpu.yield
      }) : () -> ()
    } else {
    }
    %add3A_63 = arith.constant 64 : i32
    %add3A_64 = arith.addi %arg1, %add3A_63 : i32
    %mul3A_65 = arith.constant 128 : i32
    %mul3A_66 = arith.muli %add3A_64, %mul3A_65 : i32
    %multiple_of3A_67 = tpu.assume_multiple %mul3A_66, 128 : i32
    %lt3A_68 = arith.constant 78 : i32
    %lt3A_69 = arith.cmpi slt, %add3A_64, %lt3A_68 : i32
    %convert_element_type3A_70 = arith.extui %lt3A_69 : i1 to i32
    %cond3A_71 = arith.constant 0 : i32
    %cond3A_72 = arith.cmpi ne, %convert_element_type3A_70, %cond3A_71 : i32
    scf.if %cond3A_72 {
      "tpu.region"() ({
        %run_scoped3A = tpu.sem_alloc : memref<!tpu.dma_semaphore, #tpu.memory_space<semaphore_mem>>
        %dma_start3A = arith.constant 0 : i32
        %dma_start3A_180 = tpu.memref_slice %arg13[%multiple_of3A_67, %dma_start3A] : memref<10000x128xf32, #tpu.memory_space<vmem_shared>> -> memref<128x128xf32, #tpu.memory_space<vmem_shared>>
        %dma_start3A_181 = arith.constant 0 : i32
        %dma_start3A_182 = tpu.memref_slice %arg13[%multiple_of3A_67, %dma_start3A_181] : memref<10000x128xf32, #tpu.memory_space<vmem_shared>> -> memref<128x128xf32, #tpu.memory_space<vmem_shared>>
        tpu.enqueue_dma source(%arg11 : memref<128x128xf32, #tpu.memory_space<vmem>>) target(%dma_start3A_182 : memref<128x128xf32, #tpu.memory_space<vmem_shared>>) target_semaphore(%run_scoped3A : memref<!tpu.dma_semaphore, #tpu.memory_space<semaphore_mem>>)
        %dma_wait3A = arith.constant 0 : i32
        %dma_wait3A_183 = tpu.memref_slice %arg13[%multiple_of3A_67, %dma_wait3A] : memref<10000x128xf32, #tpu.memory_space<vmem_shared>> -> memref<128x128xf32, #tpu.memory_space<vmem_shared>>
        %dma_wait3A_184 = arith.constant 0 : i32
        %dma_wait3A_185 = tpu.memref_slice %arg13[%multiple_of3A_67, %dma_wait3A_184] : memref<10000x128xf32, #tpu.memory_space<vmem_shared>> -> memref<128x128xf32, #tpu.memory_space<vmem_shared>>
        tpu.wait_dma2 semaphore(%run_scoped3A : memref<!tpu.dma_semaphore, #tpu.memory_space<semaphore_mem>>) src(%arg11 : memref<128x128xf32, #tpu.memory_space<vmem>>) dst(%dma_wait3A_185 : memref<128x128xf32, #tpu.memory_space<vmem_shared>>)
        tpu.yield
      }) : () -> ()
    } else {
    }
    %eq3A_73 = arith.constant 78 : i32
    %eq3A_74 = arith.cmpi eq, %add3A_64, %eq3A_73 : i32
    %convert_element_type3A_75 = arith.extui %eq3A_74 : i1 to i32
    %cond3A_76 = arith.constant 0 : i32
    %cond3A_77 = arith.cmpi ne, %convert_element_type3A_75, %cond3A_76 : i32
    scf.if %cond3A_77 {
      "tpu.region"() ({
        %run_scoped3A = tpu.sem_alloc : memref<!tpu.dma_semaphore, #tpu.memory_space<semaphore_mem>>
        %dma_start3A = arith.constant 0 : i32
        %dma_start3A_180 = arith.constant 0 : i32
        %dma_start3A_181 = tpu.memref_slice %arg11[%dma_start3A, %dma_start3A_180] : memref<128x128xf32, #tpu.memory_space<vmem>> -> memref<16x128xf32, #tpu.memory_space<vmem>>
        %dma_start3A_182 = arith.constant 9984 : i32
        %dma_start3A_183 = arith.constant 0 : i32
        %dma_start3A_184 = tpu.memref_slice %arg13[%dma_start3A_182, %dma_start3A_183] : memref<10000x128xf32, #tpu.memory_space<vmem_shared>> -> memref<16x128xf32, #tpu.memory_space<vmem_shared>>
        %dma_start3A_185 = arith.constant 9984 : i32
        %dma_start3A_186 = arith.constant 0 : i32
        %dma_start3A_187 = tpu.memref_slice %arg13[%dma_start3A_185, %dma_start3A_186] : memref<10000x128xf32, #tpu.memory_space<vmem_shared>> -> memref<16x128xf32, #tpu.memory_space<vmem_shared>>
        %dma_start3A_188 = arith.constant 0 : i32
        %dma_start3A_189 = arith.constant 0 : i32
        %dma_start3A_190 = tpu.memref_slice %arg11[%dma_start3A_188, %dma_start3A_189] : memref<128x128xf32, #tpu.memory_space<vmem>> -> memref<16x128xf32, #tpu.memory_space<vmem>>
        tpu.enqueue_dma source(%dma_start3A_190 : memref<16x128xf32, #tpu.memory_space<vmem>>) target(%dma_start3A_187 : memref<16x128xf32, #tpu.memory_space<vmem_shared>>) target_semaphore(%run_scoped3A : memref<!tpu.dma_semaphore, #tpu.memory_space<semaphore_mem>>)
        %dma_wait3A = arith.constant 0 : i32
        %dma_wait3A_191 = arith.constant 0 : i32
        %dma_wait3A_192 = tpu.memref_slice %arg11[%dma_wait3A, %dma_wait3A_191] : memref<128x128xf32, #tpu.memory_space<vmem>> -> memref<16x128xf32, #tpu.memory_space<vmem>>
        %dma_wait3A_193 = arith.constant 9984 : i32
        %dma_wait3A_194 = arith.constant 0 : i32
        %dma_wait3A_195 = tpu.memref_slice %arg13[%dma_wait3A_193, %dma_wait3A_194] : memref<10000x128xf32, #tpu.memory_space<vmem_shared>> -> memref<16x128xf32, #tpu.memory_space<vmem_shared>>
        %dma_wait3A_196 = arith.constant 9984 : i32
        %dma_wait3A_197 = arith.constant 0 : i32
        %dma_wait3A_198 = tpu.memref_slice %arg13[%dma_wait3A_196, %dma_wait3A_197] : memref<10000x128xf32, #tpu.memory_space<vmem_shared>> -> memref<16x128xf32, #tpu.memory_space<vmem_shared>>
        %dma_wait3A_199 = arith.constant 0 : i32
        %dma_wait3A_200 = arith.constant 0 : i32
        %dma_wait3A_201 = tpu.memref_slice %arg11[%dma_wait3A_199, %dma_wait3A_200] : memref<128x128xf32, #tpu.memory_space<vmem>> -> memref<16x128xf32, #tpu.memory_space<vmem>>
        tpu.wait_dma2 semaphore(%run_scoped3A : memref<!tpu.dma_semaphore, #tpu.memory_space<semaphore_mem>>) src(%dma_wait3A_201 : memref<16x128xf32, #tpu.memory_space<vmem>>) dst(%dma_wait3A_198 : memref<16x128xf32, #tpu.memory_space<vmem_shared>>)
        tpu.yield
      }) : () -> ()
    } else {
    }
    %scan3A_78 = arith.constant 0 : i32
    %scan3A_79 = arith.constant 0 : i32
    %scan3A_80 = arith.constant 625 : i32
    %scan3A_81 = arith.addi %scan3A_79, %scan3A_80 : i32
    %scan3A_82 = arith.constant 1 : i32
    %scan3A_83 = scf.for %scan3A_180 = %scan3A_79 to %scan3A_81 step %scan3A_82 iter_args(%scan3A_181 = %scan3A_78) -> (i32)  : i32 {
      %mul3A_182 = arith.constant 16 : i32
      %mul3A_183 = arith.muli %scan3A_180, %mul3A_182 : i32
      %swap3A = arith.index_cast %mul3A_183 : i32 to index
      %swap3A_184 = tpu.vector_load %arg12[%swap3A] {strides = array<i32>} : memref<10000xf32, #tpu.memory_space<vmem>>, vector<16xf32>,
      tpu.vector_store %arg12[%swap3A], %broadcast_in_dim3A_1 {strides = array<i32>} : memref<10000xf32, #tpu.memory_space<vmem>>, vector<16xf32>,
      %scan3A_185 = arith.constant 0 : i32
      scf.yield %scan3A_185 : i32
    }
    %scan3A_84 = arith.constant 625 : i32
    %barrier3A = arith.constant 0 : index
    tpu.barrier barrier_id(%barrier3A)
    %lt3A_85 = arith.constant 4 : i32
    %lt3A_86 = arith.cmpi slt, %add3A, %lt3A_85 : i32
    %jit3A = arith.constant 1 : i32
    %jit3A_87 = arith.constant 0 : i32
    %select_n3A = arith.select %lt3A_86, %jit3A, %jit3A_87 : i32
    %add3A_88 = arith.constant 78 : i32
    %add3A_89 = arith.addi %add3A_88, %select_n3A : i32
    %while3A = arith.constant 0 : i32
    %while3A_90 = arith.constant 0 : i32
    %while3A_91 = arith.subi %add3A_89, %while3A : i32
    %while3A_92 = arith.addi %while3A, %while3A_91 : i32
    %while3A_93 = arith.constant 1 : i32
    %while3A_94 = arith.divsi %while3A_91, %while3A_93 : i32
    %while3A_95 = arith.muli %while3A_94, %while3A_93 : i32
    %while3A_96 = arith.addi %while3A, %while3A_95 : i32
    %while3A_97 = arith.constant 1 : i32
    %while3A_98 = scf.for %while3A_180 = %while3A to %while3A_96 step %while3A_97 iter_args(%while3A_181 = %while3A_90) -> (i32)  : i32 {
      %mul3A_182 = arith.constant 32 : i32
      %mul3A_183 = arith.muli %while3A_180, %mul3A_182 : i32
      %add3A_184 = arith.addi %add3A, %mul3A_183 : i32
      %mul3A_185 = arith.constant 128 : i32
      %mul3A_186 = arith.muli %add3A_184, %mul3A_185 : i32
      %multiple_of3A_187 = tpu.assume_multiple %mul3A_186, 128 : i32
      "tpu.region"() ({
        %run_scoped3A = tpu.sem_alloc : memref<!tpu.dma_semaphore, #tpu.memory_space<semaphore_mem>>
        %dma_start3A_200 = tpu.memref_slice %arg3[%multiple_of3A_187] : memref<320000xi32, #tpu.memory_space<hbm>> -> memref<128xi32, #tpu.memory_space<hbm>>
        %dma_start3A_201 = tpu.memref_slice %arg3[%multiple_of3A_187] : memref<320000xi32, #tpu.memory_space<hbm>> -> memref<128xi32, #tpu.memory_space<hbm>>
        tpu.enqueue_dma source(%dma_start3A_201 : memref<128xi32, #tpu.memory_space<hbm>>) target(%arg8 : memref<128xi32, #tpu.memory_space<vmem>>) target_semaphore(%run_scoped3A : memref<!tpu.dma_semaphore, #tpu.memory_space<semaphore_mem>>)
        %dma_wait3A_202 = tpu.memref_slice %arg3[%multiple_of3A_187] : memref<320000xi32, #tpu.memory_space<hbm>> -> memref<128xi32, #tpu.memory_space<hbm>>
        %dma_wait3A_203 = tpu.memref_slice %arg3[%multiple_of3A_187] : memref<320000xi32, #tpu.memory_space<hbm>> -> memref<128xi32, #tpu.memory_space<hbm>>
        tpu.wait_dma2 semaphore(%run_scoped3A : memref<!tpu.dma_semaphore, #tpu.memory_space<semaphore_mem>>) src(%dma_wait3A_203 : memref<128xi32, #tpu.memory_space<hbm>>) dst(%arg8 : memref<128xi32, #tpu.memory_space<vmem>>)
        tpu.yield
      }) : () -> ()
      "tpu.region"() ({
        %run_scoped3A = tpu.sem_alloc : memref<!tpu.dma_semaphore, #tpu.memory_space<semaphore_mem>>
        %dma_start3A_200 = tpu.memref_slice %arg4[%multiple_of3A_187] : memref<320000xi32, #tpu.memory_space<hbm>> -> memref<128xi32, #tpu.memory_space<hbm>>
        %dma_start3A_201 = tpu.memref_slice %arg4[%multiple_of3A_187] : memref<320000xi32, #tpu.memory_space<hbm>> -> memref<128xi32, #tpu.memory_space<hbm>>
        tpu.enqueue_dma source(%dma_start3A_201 : memref<128xi32, #tpu.memory_space<hbm>>) target(%arg9 : memref<128xi32, #tpu.memory_space<vmem>>) target_semaphore(%run_scoped3A : memref<!tpu.dma_semaphore, #tpu.memory_space<semaphore_mem>>)
        %dma_wait3A_202 = tpu.memref_slice %arg4[%multiple_of3A_187] : memref<320000xi32, #tpu.memory_space<hbm>> -> memref<128xi32, #tpu.memory_space<hbm>>
        %dma_wait3A_203 = tpu.memref_slice %arg4[%multiple_of3A_187] : memref<320000xi32, #tpu.memory_space<hbm>> -> memref<128xi32, #tpu.memory_space<hbm>>
        tpu.wait_dma2 semaphore(%run_scoped3A : memref<!tpu.dma_semaphore, #tpu.memory_space<semaphore_mem>>) src(%dma_wait3A_203 : memref<128xi32, #tpu.memory_space<hbm>>) dst(%arg9 : memref<128xi32, #tpu.memory_space<vmem>>)
        tpu.yield
      }) : () -> ()
      "tpu.region"() ({
        %run_scoped3A = tpu.sem_alloc : memref<!tpu.dma_semaphore, #tpu.memory_space<semaphore_mem>>
        %dma_start3A_200 = tpu.memref_slice %arg5[%multiple_of3A_187] : memref<320000xf32, #tpu.memory_space<hbm>> -> memref<128xf32, #tpu.memory_space<hbm>>
        %dma_start3A_201 = tpu.memref_slice %arg5[%multiple_of3A_187] : memref<320000xf32, #tpu.memory_space<hbm>> -> memref<128xf32, #tpu.memory_space<hbm>>
        tpu.enqueue_dma source(%dma_start3A_201 : memref<128xf32, #tpu.memory_space<hbm>>) target(%arg10 : memref<128xf32, #tpu.memory_space<vmem>>) target_semaphore(%run_scoped3A : memref<!tpu.dma_semaphore, #tpu.memory_space<semaphore_mem>>)
        %dma_wait3A_202 = tpu.memref_slice %arg5[%multiple_of3A_187] : memref<320000xf32, #tpu.memory_space<hbm>> -> memref<128xf32, #tpu.memory_space<hbm>>
        %dma_wait3A_203 = tpu.memref_slice %arg5[%multiple_of3A_187] : memref<320000xf32, #tpu.memory_space<hbm>> -> memref<128xf32, #tpu.memory_space<hbm>>
        tpu.wait_dma2 semaphore(%run_scoped3A : memref<!tpu.dma_semaphore, #tpu.memory_space<semaphore_mem>>) src(%dma_wait3A_203 : memref<128xf32, #tpu.memory_space<hbm>>) dst(%arg10 : memref<128xf32, #tpu.memory_space<vmem>>)
        tpu.yield
      }) : () -> ()
      %dma_start3A = arith.constant 0 : i32
      %dma_start3A_188 = arith.constant 0 : i32
      %dma_start3A_189 = tpu.memref_slice %arg2[%dma_start3A, %dma_start3A_188] : memref<10000x128xf32, #tpu.memory_space<hbm>> -> memref<10000x128xf32, #tpu.memory_space<hbm>>
      tpu.enqueue_indirect_dma source(%dma_start3A_189 : memref<10000x128xf32, #tpu.memory_space<hbm>>) target(%arg11 : memref<128x128xf32, #tpu.memory_space<vmem>>) offsets(%arg8 : memref<128xi32, #tpu.memory_space<vmem>>) semaphore(%arg14 : memref<!tpu.dma_semaphore, #tpu.memory_space<semaphore_mem>>)
      %dma_wait3A = arith.constant 0 : i32
      %dma_wait3A_190 = arith.constant 0 : i32
      %dma_wait3A_191 = tpu.memref_slice %arg2[%dma_wait3A, %dma_wait3A_190] : memref<10000x128xf32, #tpu.memory_space<hbm>> -> memref<10000x128xf32, #tpu.memory_space<hbm>>
      tpu.wait_indirect_dma semaphore(%arg14 : memref<!tpu.dma_semaphore, #tpu.memory_space<semaphore_mem>>) src(%dma_wait3A_191 : memref<10000x128xf32, #tpu.memory_space<hbm>>) dst(%arg11 : memref<128x128xf32, #tpu.memory_space<vmem>>)
      %scan3A_192 = arith.constant 0 : i32
      %scan3A_193 = arith.constant 0 : i32
      %scan3A_194 = arith.constant 8 : i32
      %scan3A_195 = arith.addi %scan3A_193, %scan3A_194 : i32
      %scan3A_196 = arith.constant 1 : i32
      %scan3A_197 = scf.for %scan3A_200 = %scan3A_193 to %scan3A_195 step %scan3A_196 iter_args(%scan3A_201 = %scan3A_192) -> (i32)  : i32 {
        %mul3A_202 = arith.constant 16 : i32
        %mul3A_203 = arith.muli %scan3A_200, %mul3A_202 : i32
        %get3A = arith.index_cast %mul3A_203 : i32 to index
        %get3A_204 = tpu.vector_load %arg8[%get3A] {strides = array<i32>} : memref<128xi32, #tpu.memory_space<vmem>>, vector<16xi32>,
        %mul3A_205 = arith.constant 16 : i32
        %mul3A_206 = arith.muli %scan3A_200, %mul3A_205 : i32
        %get3A_207 = arith.index_cast %mul3A_206 : i32 to index
        %get3A_208 = tpu.vector_load %arg10[%get3A_207] {strides = array<i32>} : memref<128xf32, #tpu.memory_space<vmem>>, vector<16xf32>,
        tpu.vector_store_idx %arg12[%get3A_204], %get3A_208 {add = true} : memref<10000xf32, #tpu.memory_space<vmem>>[vector<16xi32>], vector<16xf32>,
        %mul3A_209 = arith.constant 16 : i32
        %mul3A_210 = arith.muli %scan3A_200, %mul3A_209 : i32
        %add3A_211 = arith.constant 0 : i32
        %add3A_212 = arith.addi %mul3A_210, %add3A_211 : i32
        %broadcast_in_dim3A_213 = vector.broadcast %add3A_212 : i32 to vector<16xi32>
        %gather3A = tpu.vector_load_idx %arg10[%broadcast_in_dim3A_213] : memref<128xf32, #tpu.memory_space<vmem>>[vector<16xi32>], vector<16xf32>,
        %get3A_214 = arith.index_cast %add3A_212 : i32 to index
        %get3A_215 = arith.constant 0 : index
        %get3A_216 = tpu.vector_load %arg11[%get3A_214, %get3A_215] {strides = array<i32>} : memref<128x128xf32, #tpu.memory_space<vmem>>, vector<16xf32>,
        %mul3A_217 = arith.mulf %get3A_216, %gather3A : vector<16xf32>
        %swap3A = arith.index_cast %add3A_212 : i32 to index
        %swap3A_218 = arith.constant 0 : index
        %swap3A_219 = tpu.vector_load %arg11[%swap3A, %swap3A_218] {strides = array<i32>} : memref<128x128xf32, #tpu.memory_space<vmem>>, vector<16xf32>,
        tpu.vector_store %arg11[%swap3A, %swap3A_218], %mul3A_217 {strides = array<i32>} : memref<128x128xf32, #tpu.memory_space<vmem>>, vector<16xf32>,
        %get3A_220 = arith.index_cast %add3A_212 : i32 to index
        %get3A_221 = arith.constant 16 : index
        %get3A_222 = tpu.vector_load %arg11[%get3A_220, %get3A_221] {strides = array<i32>} : memref<128x128xf32, #tpu.memory_space<vmem>>, vector<16xf32>,
        %mul3A_223 = arith.mulf %get3A_222, %gather3A : vector<16xf32>
        %swap3A_224 = arith.index_cast %add3A_212 : i32 to index
        %swap3A_225 = arith.constant 16 : index
        %swap3A_226 = tpu.vector_load %arg11[%swap3A_224, %swap3A_225] {strides = array<i32>} : memref<128x128xf32, #tpu.memory_space<vmem>>, vector<16xf32>,
        tpu.vector_store %arg11[%swap3A_224, %swap3A_225], %mul3A_223 {strides = array<i32>} : memref<128x128xf32, #tpu.memory_space<vmem>>, vector<16xf32>,
        %get3A_227 = arith.index_cast %add3A_212 : i32 to index
        %get3A_228 = arith.constant 32 : index
        %get3A_229 = tpu.vector_load %arg11[%get3A_227, %get3A_228] {strides = array<i32>} : memref<128x128xf32, #tpu.memory_space<vmem>>, vector<16xf32>,
        %mul3A_230 = arith.mulf %get3A_229, %gather3A : vector<16xf32>
        %swap3A_231 = arith.index_cast %add3A_212 : i32 to index
        %swap3A_232 = arith.constant 32 : index
        %swap3A_233 = tpu.vector_load %arg11[%swap3A_231, %swap3A_232] {strides = array<i32>} : memref<128x128xf32, #tpu.memory_space<vmem>>, vector<16xf32>,
        tpu.vector_store %arg11[%swap3A_231, %swap3A_232], %mul3A_230 {strides = array<i32>} : memref<128x128xf32, #tpu.memory_space<vmem>>, vector<16xf32>,
        %get3A_234 = arith.index_cast %add3A_212 : i32 to index
        %get3A_235 = arith.constant 48 : index
        %get3A_236 = tpu.vector_load %arg11[%get3A_234, %get3A_235] {strides = array<i32>} : memref<128x128xf32, #tpu.memory_space<vmem>>, vector<16xf32>,
        %mul3A_237 = arith.mulf %get3A_236, %gather3A : vector<16xf32>
        %swap3A_238 = arith.index_cast %add3A_212 : i32 to index
        %swap3A_239 = arith.constant 48 : index
        %swap3A_240 = tpu.vector_load %arg11[%swap3A_238, %swap3A_239] {strides = array<i32>} : memref<128x128xf32, #tpu.memory_space<vmem>>, vector<16xf32>,
        tpu.vector_store %arg11[%swap3A_238, %swap3A_239], %mul3A_237 {strides = array<i32>} : memref<128x128xf32, #tpu.memory_space<vmem>>, vector<16xf32>,
        %get3A_241 = arith.index_cast %add3A_212 : i32 to index
        %get3A_242 = arith.constant 64 : index
        %get3A_243 = tpu.vector_load %arg11[%get3A_241, %get3A_242] {strides = array<i32>} : memref<128x128xf32, #tpu.memory_space<vmem>>, vector<16xf32>,
        %mul3A_244 = arith.mulf %get3A_243, %gather3A : vector<16xf32>
        %swap3A_245 = arith.index_cast %add3A_212 : i32 to index
        %swap3A_246 = arith.constant 64 : index
        %swap3A_247 = tpu.vector_load %arg11[%swap3A_245, %swap3A_246] {strides = array<i32>} : memref<128x128xf32, #tpu.memory_space<vmem>>, vector<16xf32>,
        tpu.vector_store %arg11[%swap3A_245, %swap3A_246], %mul3A_244 {strides = array<i32>} : memref<128x128xf32, #tpu.memory_space<vmem>>, vector<16xf32>,
        %get3A_248 = arith.index_cast %add3A_212 : i32 to index
        %get3A_249 = arith.constant 80 : index
        %get3A_250 = tpu.vector_load %arg11[%get3A_248, %get3A_249] {strides = array<i32>} : memref<128x128xf32, #tpu.memory_space<vmem>>, vector<16xf32>,
        %mul3A_251 = arith.mulf %get3A_250, %gather3A : vector<16xf32>
        %swap3A_252 = arith.index_cast %add3A_212 : i32 to index
        %swap3A_253 = arith.constant 80 : index
        %swap3A_254 = tpu.vector_load %arg11[%swap3A_252, %swap3A_253] {strides = array<i32>} : memref<128x128xf32, #tpu.memory_space<vmem>>, vector<16xf32>,
        tpu.vector_store %arg11[%swap3A_252, %swap3A_253], %mul3A_251 {strides = array<i32>} : memref<128x128xf32, #tpu.memory_space<vmem>>, vector<16xf32>,
        %get3A_255 = arith.index_cast %add3A_212 : i32 to index
        %get3A_256 = arith.constant 96 : index
        %get3A_257 = tpu.vector_load %arg11[%get3A_255, %get3A_256] {strides = array<i32>} : memref<128x128xf32, #tpu.memory_space<vmem>>, vector<16xf32>,
        %mul3A_258 = arith.mulf %get3A_257, %gather3A : vector<16xf32>
        %swap3A_259 = arith.index_cast %add3A_212 : i32 to index
        %swap3A_260 = arith.constant 96 : index
        %swap3A_261 = tpu.vector_load %arg11[%swap3A_259, %swap3A_260] {strides = array<i32>} : memref<128x128xf32, #tpu.memory_space<vmem>>, vector<16xf32>,
        tpu.vector_store %arg11[%swap3A_259, %swap3A_260], %mul3A_258 {strides = array<i32>} : memref<128x128xf32, #tpu.memory_space<vmem>>, vector<16xf32>,
        %get3A_262 = arith.index_cast %add3A_212 : i32 to index
        %get3A_263 = arith.constant 112 : index
        %get3A_264 = tpu.vector_load %arg11[%get3A_262, %get3A_263] {strides = array<i32>} : memref<128x128xf32, #tpu.memory_space<vmem>>, vector<16xf32>,
        %mul3A_265 = arith.mulf %get3A_264, %gather3A : vector<16xf32>
        %swap3A_266 = arith.index_cast %add3A_212 : i32 to index
        %swap3A_267 = arith.constant 112 : index
        %swap3A_268 = tpu.vector_load %arg11[%swap3A_266, %swap3A_267] {strides = array<i32>} : memref<128x128xf32, #tpu.memory_space<vmem>>, vector<16xf32>,
        tpu.vector_store %arg11[%swap3A_266, %swap3A_267], %mul3A_265 {strides = array<i32>} : memref<128x128xf32, #tpu.memory_space<vmem>>, vector<16xf32>,
        %mul3A_269 = arith.constant 16 : i32
        %mul3A_270 = arith.muli %scan3A_200, %mul3A_269 : i32
        %add3A_271 = arith.constant 1 : i32
        %add3A_272 = arith.addi %mul3A_270, %add3A_271 : i32
        %broadcast_in_dim3A_273 = vector.broadcast %add3A_272 : i32 to vector<16xi32>
        %gather3A_274 = tpu.vector_load_idx %arg10[%broadcast_in_dim3A_273] : memref<128xf32, #tpu.memory_space<vmem>>[vector<16xi32>], vector<16xf32>,
        %get3A_275 = arith.index_cast %add3A_272 : i32 to index
        %get3A_276 = arith.constant 0 : index
        %get3A_277 = tpu.vector_load %arg11[%get3A_275, %get3A_276] {strides = array<i32>} : memref<128x128xf32, #tpu.memory_space<vmem>>, vector<16xf32>,
        %mul3A_278 = arith.mulf %get3A_277, %gather3A_274 : vector<16xf32>
        %swap3A_279 = arith.index_cast %add3A_272 : i32 to index
        %swap3A_280 = arith.constant 0 : index
        %swap3A_281 = tpu.vector_load %arg11[%swap3A_279, %swap3A_280] {strides = array<i32>} : memref<128x128xf32, #tpu.memory_space<vmem>>, vector<16xf32>,
        tpu.vector_store %arg11[%swap3A_279, %swap3A_280], %mul3A_278 {strides = array<i32>} : memref<128x128xf32, #tpu.memory_space<vmem>>, vector<16xf32>,
        %get3A_282 = arith.index_cast %add3A_272 : i32 to index
        %get3A_283 = arith.constant 16 : index
        %get3A_284 = tpu.vector_load %arg11[%get3A_282, %get3A_283] {strides = array<i32>} : memref<128x128xf32, #tpu.memory_space<vmem>>, vector<16xf32>,
        %mul3A_285 = arith.mulf %get3A_284, %gather3A_274 : vector<16xf32>
        %swap3A_286 = arith.index_cast %add3A_272 : i32 to index
        %swap3A_287 = arith.constant 16 : index
        %swap3A_288 = tpu.vector_load %arg11[%swap3A_286, %swap3A_287] {strides = array<i32>} : memref<128x128xf32, #tpu.memory_space<vmem>>, vector<16xf32>,
        tpu.vector_store %arg11[%swap3A_286, %swap3A_287], %mul3A_285 {strides = array<i32>} : memref<128x128xf32, #tpu.memory_space<vmem>>, vector<16xf32>,
        %get3A_289 = arith.index_cast %add3A_272 : i32 to index
        %get3A_290 = arith.constant 32 : index
        %get3A_291 = tpu.vector_load %arg11[%get3A_289, %get3A_290] {strides = array<i32>} : memref<128x128xf32, #tpu.memory_space<vmem>>, vector<16xf32>,
        %mul3A_292 = arith.mulf %get3A_291, %gather3A_274 : vector<16xf32>
        %swap3A_293 = arith.index_cast %add3A_272 : i32 to index
        %swap3A_294 = arith.constant 32 : index
        %swap3A_295 = tpu.vector_load %arg11[%swap3A_293, %swap3A_294] {strides = array<i32>} : memref<128x128xf32, #tpu.memory_space<vmem>>, vector<16xf32>,
        tpu.vector_store %arg11[%swap3A_293, %swap3A_294], %mul3A_292 {strides = array<i32>} : memref<128x128xf32, #tpu.memory_space<vmem>>, vector<16xf32>,
        %get3A_296 = arith.index_cast %add3A_272 : i32 to index
        %get3A_297 = arith.constant 48 : index
        %get3A_298 = tpu.vector_load %arg11[%get3A_296, %get3A_297] {strides = array<i32>} : memref<128x128xf32, #tpu.memory_space<vmem>>, vector<16xf32>,
        %mul3A_299 = arith.mulf %get3A_298, %gather3A_274 : vector<16xf32>
        %swap3A_300 = arith.index_cast %add3A_272 : i32 to index
        %swap3A_301 = arith.constant 48 : index
        %swap3A_302 = tpu.vector_load %arg11[%swap3A_300, %swap3A_301] {strides = array<i32>} : memref<128x128xf32, #tpu.memory_space<vmem>>, vector<16xf32>,
        tpu.vector_store %arg11[%swap3A_300, %swap3A_301], %mul3A_299 {strides = array<i32>} : memref<128x128xf32, #tpu.memory_space<vmem>>, vector<16xf32>,
        %get3A_303 = arith.index_cast %add3A_272 : i32 to index
        %get3A_304 = arith.constant 64 : index
        %get3A_305 = tpu.vector_load %arg11[%get3A_303, %get3A_304] {strides = array<i32>} : memref<128x128xf32, #tpu.memory_space<vmem>>, vector<16xf32>,
        %mul3A_306 = arith.mulf %get3A_305, %gather3A_274 : vector<16xf32>
        %swap3A_307 = arith.index_cast %add3A_272 : i32 to index
        %swap3A_308 = arith.constant 64 : index
        %swap3A_309 = tpu.vector_load %arg11[%swap3A_307, %swap3A_308] {strides = array<i32>} : memref<128x128xf32, #tpu.memory_space<vmem>>, vector<16xf32>,
        tpu.vector_store %arg11[%swap3A_307, %swap3A_308], %mul3A_306 {strides = array<i32>} : memref<128x128xf32, #tpu.memory_space<vmem>>, vector<16xf32>,
        %get3A_310 = arith.index_cast %add3A_272 : i32 to index
        %get3A_311 = arith.constant 80 : index
        %get3A_312 = tpu.vector_load %arg11[%get3A_310, %get3A_311] {strides = array<i32>} : memref<128x128xf32, #tpu.memory_space<vmem>>, vector<16xf32>,
        %mul3A_313 = arith.mulf %get3A_312, %gather3A_274 : vector<16xf32>
        %swap3A_314 = arith.index_cast %add3A_272 : i32 to index
        %swap3A_315 = arith.constant 80 : index
        %swap3A_316 = tpu.vector_load %arg11[%swap3A_314, %swap3A_315] {strides = array<i32>} : memref<128x128xf32, #tpu.memory_space<vmem>>, vector<16xf32>,
        tpu.vector_store %arg11[%swap3A_314, %swap3A_315], %mul3A_313 {strides = array<i32>} : memref<128x128xf32, #tpu.memory_space<vmem>>, vector<16xf32>,
        %get3A_317 = arith.index_cast %add3A_272 : i32 to index
        %get3A_318 = arith.constant 96 : index
        %get3A_319 = tpu.vector_load %arg11[%get3A_317, %get3A_318] {strides = array<i32>} : memref<128x128xf32, #tpu.memory_space<vmem>>, vector<16xf32>,
        %mul3A_320 = arith.mulf %get3A_319, %gather3A_274 : vector<16xf32>
        %swap3A_321 = arith.index_cast %add3A_272 : i32 to index
        %swap3A_322 = arith.constant 96 : index
        %swap3A_323 = tpu.vector_load %arg11[%swap3A_321, %swap3A_322] {strides = array<i32>} : memref<128x128xf32, #tpu.memory_space<vmem>>, vector<16xf32>,
        tpu.vector_store %arg11[%swap3A_321, %swap3A_322], %mul3A_320 {strides = array<i32>} : memref<128x128xf32, #tpu.memory_space<vmem>>, vector<16xf32>,
        %get3A_324 = arith.index_cast %add3A_272 : i32 to index
        %get3A_325 = arith.constant 112 : index
        %get3A_326 = tpu.vector_load %arg11[%get3A_324, %get3A_325] {strides = array<i32>} : memref<128x128xf32, #tpu.memory_space<vmem>>, vector<16xf32>,
        %mul3A_327 = arith.mulf %get3A_326, %gather3A_274 : vector<16xf32>
        %swap3A_328 = arith.index_cast %add3A_272 : i32 to index
        %swap3A_329 = arith.constant 112 : index
        %swap3A_330 = tpu.vector_load %arg11[%swap3A_328, %swap3A_329] {strides = array<i32>} : memref<128x128xf32, #tpu.memory_space<vmem>>, vector<16xf32>,
        tpu.vector_store %arg11[%swap3A_328, %swap3A_329], %mul3A_327 {strides = array<i32>} : memref<128x128xf32, #tpu.memory_space<vmem>>, vector<16xf32>,
        %mul3A_331 = arith.constant 16 : i32
        %mul3A_332 = arith.muli %scan3A_200, %mul3A_331 : i32
        %add3A_333 = arith.constant 2 : i32
        %add3A_334 = arith.addi %mul3A_332, %add3A_333 : i32
        %broadcast_in_dim3A_335 = vector.broadcast %add3A_334 : i32 to vector<16xi32>
        %gather3A_336 = tpu.vector_load_idx %arg10[%broadcast_in_dim3A_335] : memref<128xf32, #tpu.memory_space<vmem>>[vector<16xi32>], vector<16xf32>,
        %get3A_337 = arith.index_cast %add3A_334 : i32 to index
        %get3A_338 = arith.constant 0 : index
        %get3A_339 = tpu.vector_load %arg11[%get3A_337, %get3A_338] {strides = array<i32>} : memref<128x128xf32, #tpu.memory_space<vmem>>, vector<16xf32>,
        %mul3A_340 = arith.mulf %get3A_339, %gather3A_336 : vector<16xf32>
        %swap3A_341 = arith.index_cast %add3A_334 : i32 to index
        %swap3A_342 = arith.constant 0 : index
        %swap3A_343 = tpu.vector_load %arg11[%swap3A_341, %swap3A_342] {strides = array<i32>} : memref<128x128xf32, #tpu.memory_space<vmem>>, vector<16xf32>,
        tpu.vector_store %arg11[%swap3A_341, %swap3A_342], %mul3A_340 {strides = array<i32>} : memref<128x128xf32, #tpu.memory_space<vmem>>, vector<16xf32>,
        %get3A_344 = arith.index_cast %add3A_334 : i32 to index
        %get3A_345 = arith.constant 16 : index
        %get3A_346 = tpu.vector_load %arg11[%get3A_344, %get3A_345] {strides = array<i32>} : memref<128x128xf32, #tpu.memory_space<vmem>>, vector<16xf32>,
        %mul3A_347 = arith.mulf %get3A_346, %gather3A_336 : vector<16xf32>
        %swap3A_348 = arith.index_cast %add3A_334 : i32 to index
        %swap3A_349 = arith.constant 16 : index
        %swap3A_350 = tpu.vector_load %arg11[%swap3A_348, %swap3A_349] {strides = array<i32>} : memref<128x128xf32, #tpu.memory_space<vmem>>, vector<16xf32>,
        tpu.vector_store %arg11[%swap3A_348, %swap3A_349], %mul3A_347 {strides = array<i32>} : memref<128x128xf32, #tpu.memory_space<vmem>>, vector<16xf32>,
        %get3A_351 = arith.index_cast %add3A_334 : i32 to index
        %get3A_352 = arith.constant 32 : index
        %get3A_353 = tpu.vector_load %arg11[%get3A_351, %get3A_352] {strides = array<i32>} : memref<128x128xf32, #tpu.memory_space<vmem>>, vector<16xf32>,
        %mul3A_354 = arith.mulf %get3A_353, %gather3A_336 : vector<16xf32>
        %swap3A_355 = arith.index_cast %add3A_334 : i32 to index
        %swap3A_356 = arith.constant 32 : index
        %swap3A_357 = tpu.vector_load %arg11[%swap3A_355, %swap3A_356] {strides = array<i32>} : memref<128x128xf32, #tpu.memory_space<vmem>>, vector<16xf32>,
        tpu.vector_store %arg11[%swap3A_355, %swap3A_356], %mul3A_354 {strides = array<i32>} : memref<128x128xf32, #tpu.memory_space<vmem>>, vector<16xf32>,
        %get3A_358 = arith.index_cast %add3A_334 : i32 to index
        %get3A_359 = arith.constant 48 : index
        %get3A_360 = tpu.vector_load %arg11[%get3A_358, %get3A_359] {strides = array<i32>} : memref<128x128xf32, #tpu.memory_space<vmem>>, vector<16xf32>,
        %mul3A_361 = arith.mulf %get3A_360, %gather3A_336 : vector<16xf32>
        %swap3A_362 = arith.index_cast %add3A_334 : i32 to index
        %swap3A_363 = arith.constant 48 : index
        %swap3A_364 = tpu.vector_load %arg11[%swap3A_362, %swap3A_363] {strides = array<i32>} : memref<128x128xf32, #tpu.memory_space<vmem>>, vector<16xf32>,
        tpu.vector_store %arg11[%swap3A_362, %swap3A_363], %mul3A_361 {strides = array<i32>} : memref<128x128xf32, #tpu.memory_space<vmem>>, vector<16xf32>,
        %get3A_365 = arith.index_cast %add3A_334 : i32 to index
        %get3A_366 = arith.constant 64 : index
        %get3A_367 = tpu.vector_load %arg11[%get3A_365, %get3A_366] {strides = array<i32>} : memref<128x128xf32, #tpu.memory_space<vmem>>, vector<16xf32>,
        %mul3A_368 = arith.mulf %get3A_367, %gather3A_336 : vector<16xf32>
        %swap3A_369 = arith.index_cast %add3A_334 : i32 to index
        %swap3A_370 = arith.constant 64 : index
        %swap3A_371 = tpu.vector_load %arg11[%swap3A_369, %swap3A_370] {strides = array<i32>} : memref<128x128xf32, #tpu.memory_space<vmem>>, vector<16xf32>,
        tpu.vector_store %arg11[%swap3A_369, %swap3A_370], %mul3A_368 {strides = array<i32>} : memref<128x128xf32, #tpu.memory_space<vmem>>, vector<16xf32>,
        %get3A_372 = arith.index_cast %add3A_334 : i32 to index
        %get3A_373 = arith.constant 80 : index
        %get3A_374 = tpu.vector_load %arg11[%get3A_372, %get3A_373] {strides = array<i32>} : memref<128x128xf32, #tpu.memory_space<vmem>>, vector<16xf32>,
        %mul3A_375 = arith.mulf %get3A_374, %gather3A_336 : vector<16xf32>
        %swap3A_376 = arith.index_cast %add3A_334 : i32 to index
        %swap3A_377 = arith.constant 80 : index
        %swap3A_378 = tpu.vector_load %arg11[%swap3A_376, %swap3A_377] {strides = array<i32>} : memref<128x128xf32, #tpu.memory_space<vmem>>, vector<16xf32>,
        tpu.vector_store %arg11[%swap3A_376, %swap3A_377], %mul3A_375 {strides = array<i32>} : memref<128x128xf32, #tpu.memory_space<vmem>>, vector<16xf32>,
        %get3A_379 = arith.index_cast %add3A_334 : i32 to index
        %get3A_380 = arith.constant 96 : index
        %get3A_381 = tpu.vector_load %arg11[%get3A_379, %get3A_380] {strides = array<i32>} : memref<128x128xf32, #tpu.memory_space<vmem>>, vector<16xf32>,
        %mul3A_382 = arith.mulf %get3A_381, %gather3A_336 : vector<16xf32>
        %swap3A_383 = arith.index_cast %add3A_334 : i32 to index
        %swap3A_384 = arith.constant 96 : index
        %swap3A_385 = tpu.vector_load %arg11[%swap3A_383, %swap3A_384] {strides = array<i32>} : memref<128x128xf32, #tpu.memory_space<vmem>>, vector<16xf32>,
        tpu.vector_store %arg11[%swap3A_383, %swap3A_384], %mul3A_382 {strides = array<i32>} : memref<128x128xf32, #tpu.memory_space<vmem>>, vector<16xf32>,
        %get3A_386 = arith.index_cast %add3A_334 : i32 to index
        %get3A_387 = arith.constant 112 : index
        %get3A_388 = tpu.vector_load %arg11[%get3A_386, %get3A_387] {strides = array<i32>} : memref<128x128xf32, #tpu.memory_space<vmem>>, vector<16xf32>,
        %mul3A_389 = arith.mulf %get3A_388, %gather3A_336 : vector<16xf32>
        %swap3A_390 = arith.index_cast %add3A_334 : i32 to index
        %swap3A_391 = arith.constant 112 : index
        %swap3A_392 = tpu.vector_load %arg11[%swap3A_390, %swap3A_391] {strides = array<i32>} : memref<128x128xf32, #tpu.memory_space<vmem>>, vector<16xf32>,
        tpu.vector_store %arg11[%swap3A_390, %swap3A_391], %mul3A_389 {strides = array<i32>} : memref<128x128xf32, #tpu.memory_space<vmem>>, vector<16xf32>,
        %mul3A_393 = arith.constant 16 : i32
        %mul3A_394 = arith.muli %scan3A_200, %mul3A_393 : i32
        %add3A_395 = arith.constant 3 : i32
        %add3A_396 = arith.addi %mul3A_394, %add3A_395 : i32
        %broadcast_in_dim3A_397 = vector.broadcast %add3A_396 : i32 to vector<16xi32>
        %gather3A_398 = tpu.vector_load_idx %arg10[%broadcast_in_dim3A_397] : memref<128xf32, #tpu.memory_space<vmem>>[vector<16xi32>], vector<16xf32>,
        %get3A_399 = arith.index_cast %add3A_396 : i32 to index
        %get3A_400 = arith.constant 0 : index
        %get3A_401 = tpu.vector_load %arg11[%get3A_399, %get3A_400] {strides = array<i32>} : memref<128x128xf32, #tpu.memory_space<vmem>>, vector<16xf32>,
        %mul3A_402 = arith.mulf %get3A_401, %gather3A_398 : vector<16xf32>
        %swap3A_403 = arith.index_cast %add3A_396 : i32 to index
        %swap3A_404 = arith.constant 0 : index
        %swap3A_405 = tpu.vector_load %arg11[%swap3A_403, %swap3A_404] {strides = array<i32>} : memref<128x128xf32, #tpu.memory_space<vmem>>, vector<16xf32>,
        tpu.vector_store %arg11[%swap3A_403, %swap3A_404], %mul3A_402 {strides = array<i32>} : memref<128x128xf32, #tpu.memory_space<vmem>>, vector<16xf32>,
        %get3A_406 = arith.index_cast %add3A_396 : i32 to index
        %get3A_407 = arith.constant 16 : index
        %get3A_408 = tpu.vector_load %arg11[%get3A_406, %get3A_407] {strides = array<i32>} : memref<128x128xf32, #tpu.memory_space<vmem>>, vector<16xf32>,
        %mul3A_409 = arith.mulf %get3A_408, %gather3A_398 : vector<16xf32>
        %swap3A_410 = arith.index_cast %add3A_396 : i32 to index
        %swap3A_411 = arith.constant 16 : index
        %swap3A_412 = tpu.vector_load %arg11[%swap3A_410, %swap3A_411] {strides = array<i32>} : memref<128x128xf32, #tpu.memory_space<vmem>>, vector<16xf32>,
        tpu.vector_store %arg11[%swap3A_410, %swap3A_411], %mul3A_409 {strides = array<i32>} : memref<128x128xf32, #tpu.memory_space<vmem>>, vector<16xf32>,
        %get3A_413 = arith.index_cast %add3A_396 : i32 to index
        %get3A_414 = arith.constant 32 : index
        %get3A_415 = tpu.vector_load %arg11[%get3A_413, %get3A_414] {strides = array<i32>} : memref<128x128xf32, #tpu.memory_space<vmem>>, vector<16xf32>,
        %mul3A_416 = arith.mulf %get3A_415, %gather3A_398 : vector<16xf32>
        %swap3A_417 = arith.index_cast %add3A_396 : i32 to index
        %swap3A_418 = arith.constant 32 : index
        %swap3A_419 = tpu.vector_load %arg11[%swap3A_417, %swap3A_418] {strides = array<i32>} : memref<128x128xf32, #tpu.memory_space<vmem>>, vector<16xf32>,
        tpu.vector_store %arg11[%swap3A_417, %swap3A_418], %mul3A_416 {strides = array<i32>} : memref<128x128xf32, #tpu.memory_space<vmem>>, vector<16xf32>,
        %get3A_420 = arith.index_cast %add3A_396 : i32 to index
        %get3A_421 = arith.constant 48 : index
        %get3A_422 = tpu.vector_load %arg11[%get3A_420, %get3A_421] {strides = array<i32>} : memref<128x128xf32, #tpu.memory_space<vmem>>, vector<16xf32>,
        %mul3A_423 = arith.mulf %get3A_422, %gather3A_398 : vector<16xf32>
        %swap3A_424 = arith.index_cast %add3A_396 : i32 to index
        %swap3A_425 = arith.constant 48 : index
        %swap3A_426 = tpu.vector_load %arg11[%swap3A_424, %swap3A_425] {strides = array<i32>} : memref<128x128xf32, #tpu.memory_space<vmem>>, vector<16xf32>,
        tpu.vector_store %arg11[%swap3A_424, %swap3A_425], %mul3A_423 {strides = array<i32>} : memref<128x128xf32, #tpu.memory_space<vmem>>, vector<16xf32>,
        %get3A_427 = arith.index_cast %add3A_396 : i32 to index
        %get3A_428 = arith.constant 64 : index
        %get3A_429 = tpu.vector_load %arg11[%get3A_427, %get3A_428] {strides = array<i32>} : memref<128x128xf32, #tpu.memory_space<vmem>>, vector<16xf32>,
        %mul3A_430 = arith.mulf %get3A_429, %gather3A_398 : vector<16xf32>
        %swap3A_431 = arith.index_cast %add3A_396 : i32 to index
        %swap3A_432 = arith.constant 64 : index
        %swap3A_433 = tpu.vector_load %arg11[%swap3A_431, %swap3A_432] {strides = array<i32>} : memref<128x128xf32, #tpu.memory_space<vmem>>, vector<16xf32>,
        tpu.vector_store %arg11[%swap3A_431, %swap3A_432], %mul3A_430 {strides = array<i32>} : memref<128x128xf32, #tpu.memory_space<vmem>>, vector<16xf32>,
        %get3A_434 = arith.index_cast %add3A_396 : i32 to index
        %get3A_435 = arith.constant 80 : index
        %get3A_436 = tpu.vector_load %arg11[%get3A_434, %get3A_435] {strides = array<i32>} : memref<128x128xf32, #tpu.memory_space<vmem>>, vector<16xf32>,
        %mul3A_437 = arith.mulf %get3A_436, %gather3A_398 : vector<16xf32>
        %swap3A_438 = arith.index_cast %add3A_396 : i32 to index
        %swap3A_439 = arith.constant 80 : index
        %swap3A_440 = tpu.vector_load %arg11[%swap3A_438, %swap3A_439] {strides = array<i32>} : memref<128x128xf32, #tpu.memory_space<vmem>>, vector<16xf32>,
        tpu.vector_store %arg11[%swap3A_438, %swap3A_439], %mul3A_437 {strides = array<i32>} : memref<128x128xf32, #tpu.memory_space<vmem>>, vector<16xf32>,
        %get3A_441 = arith.index_cast %add3A_396 : i32 to index
        %get3A_442 = arith.constant 96 : index
        %get3A_443 = tpu.vector_load %arg11[%get3A_441, %get3A_442] {strides = array<i32>} : memref<128x128xf32, #tpu.memory_space<vmem>>, vector<16xf32>,
        %mul3A_444 = arith.mulf %get3A_443, %gather3A_398 : vector<16xf32>
        %swap3A_445 = arith.index_cast %add3A_396 : i32 to index
        %swap3A_446 = arith.constant 96 : index
        %swap3A_447 = tpu.vector_load %arg11[%swap3A_445, %swap3A_446] {strides = array<i32>} : memref<128x128xf32, #tpu.memory_space<vmem>>, vector<16xf32>,
        tpu.vector_store %arg11[%swap3A_445, %swap3A_446], %mul3A_444 {strides = array<i32>} : memref<128x128xf32, #tpu.memory_space<vmem>>, vector<16xf32>,
        %get3A_448 = arith.index_cast %add3A_396 : i32 to index
        %get3A_449 = arith.constant 112 : index
        %get3A_450 = tpu.vector_load %arg11[%get3A_448, %get3A_449] {strides = array<i32>} : memref<128x128xf32, #tpu.memory_space<vmem>>, vector<16xf32>,
        %mul3A_451 = arith.mulf %get3A_450, %gather3A_398 : vector<16xf32>
        %swap3A_452 = arith.index_cast %add3A_396 : i32 to index
        %swap3A_453 = arith.constant 112 : index
        %swap3A_454 = tpu.vector_load %arg11[%swap3A_452, %swap3A_453] {strides = array<i32>} : memref<128x128xf32, #tpu.memory_space<vmem>>, vector<16xf32>,
        tpu.vector_store %arg11[%swap3A_452, %swap3A_453], %mul3A_451 {strides = array<i32>} : memref<128x128xf32, #tpu.memory_space<vmem>>, vector<16xf32>,
        %mul3A_455 = arith.constant 16 : i32
        %mul3A_456 = arith.muli %scan3A_200, %mul3A_455 : i32
        %add3A_457 = arith.constant 4 : i32
        %add3A_458 = arith.addi %mul3A_456, %add3A_457 : i32
        %broadcast_in_dim3A_459 = vector.broadcast %add3A_458 : i32 to vector<16xi32>
        %gather3A_460 = tpu.vector_load_idx %arg10[%broadcast_in_dim3A_459] : memref<128xf32, #tpu.memory_space<vmem>>[vector<16xi32>], vector<16xf32>,
        %get3A_461 = arith.index_cast %add3A_458 : i32 to index
        %get3A_462 = arith.constant 0 : index
        %get3A_463 = tpu.vector_load %arg11[%get3A_461, %get3A_462] {strides = array<i32>} : memref<128x128xf32, #tpu.memory_space<vmem>>, vector<16xf32>,
        %mul3A_464 = arith.mulf %get3A_463, %gather3A_460 : vector<16xf32>
        %swap3A_465 = arith.index_cast %add3A_458 : i32 to index
        %swap3A_466 = arith.constant 0 : index
        %swap3A_467 = tpu.vector_load %arg11[%swap3A_465, %swap3A_466] {strides = array<i32>} : memref<128x128xf32, #tpu.memory_space<vmem>>, vector<16xf32>,
        tpu.vector_store %arg11[%swap3A_465, %swap3A_466], %mul3A_464 {strides = array<i32>} : memref<128x128xf32, #tpu.memory_space<vmem>>, vector<16xf32>,
        %get3A_468 = arith.index_cast %add3A_458 : i32 to index
        %get3A_469 = arith.constant 16 : index
        %get3A_470 = tpu.vector_load %arg11[%get3A_468, %get3A_469] {strides = array<i32>} : memref<128x128xf32, #tpu.memory_space<vmem>>, vector<16xf32>,
        %mul3A_471 = arith.mulf %get3A_470, %gather3A_460 : vector<16xf32>
        %swap3A_472 = arith.index_cast %add3A_458 : i32 to index
        %swap3A_473 = arith.constant 16 : index
        %swap3A_474 = tpu.vector_load %arg11[%swap3A_472, %swap3A_473] {strides = array<i32>} : memref<128x128xf32, #tpu.memory_space<vmem>>, vector<16xf32>,
        tpu.vector_store %arg11[%swap3A_472, %swap3A_473], %mul3A_471 {strides = array<i32>} : memref<128x128xf32, #tpu.memory_space<vmem>>, vector<16xf32>,
        %get3A_475 = arith.index_cast %add3A_458 : i32 to index
        %get3A_476 = arith.constant 32 : index
        %get3A_477 = tpu.vector_load %arg11[%get3A_475, %get3A_476] {strides = array<i32>} : memref<128x128xf32, #tpu.memory_space<vmem>>, vector<16xf32>,
        %mul3A_478 = arith.mulf %get3A_477, %gather3A_460 : vector<16xf32>
        %swap3A_479 = arith.index_cast %add3A_458 : i32 to index
        %swap3A_480 = arith.constant 32 : index
        %swap3A_481 = tpu.vector_load %arg11[%swap3A_479, %swap3A_480] {strides = array<i32>} : memref<128x128xf32, #tpu.memory_space<vmem>>, vector<16xf32>,
        tpu.vector_store %arg11[%swap3A_479, %swap3A_480], %mul3A_478 {strides = array<i32>} : memref<128x128xf32, #tpu.memory_space<vmem>>, vector<16xf32>,
        %get3A_482 = arith.index_cast %add3A_458 : i32 to index
        %get3A_483 = arith.constant 48 : index
        %get3A_484 = tpu.vector_load %arg11[%get3A_482, %get3A_483] {strides = array<i32>} : memref<128x128xf32, #tpu.memory_space<vmem>>, vector<16xf32>,
        %mul3A_485 = arith.mulf %get3A_484, %gather3A_460 : vector<16xf32>
        %swap3A_486 = arith.index_cast %add3A_458 : i32 to index
        %swap3A_487 = arith.constant 48 : index
        %swap3A_488 = tpu.vector_load %arg11[%swap3A_486, %swap3A_487] {strides = array<i32>} : memref<128x128xf32, #tpu.memory_space<vmem>>, vector<16xf32>,
        tpu.vector_store %arg11[%swap3A_486, %swap3A_487], %mul3A_485 {strides = array<i32>} : memref<128x128xf32, #tpu.memory_space<vmem>>, vector<16xf32>,
        %get3A_489 = arith.index_cast %add3A_458 : i32 to index
        %get3A_490 = arith.constant 64 : index
        %get3A_491 = tpu.vector_load %arg11[%get3A_489, %get3A_490] {strides = array<i32>} : memref<128x128xf32, #tpu.memory_space<vmem>>, vector<16xf32>,
        %mul3A_492 = arith.mulf %get3A_491, %gather3A_460 : vector<16xf32>
        %swap3A_493 = arith.index_cast %add3A_458 : i32 to index
        %swap3A_494 = arith.constant 64 : index
        %swap3A_495 = tpu.vector_load %arg11[%swap3A_493, %swap3A_494] {strides = array<i32>} : memref<128x128xf32, #tpu.memory_space<vmem>>, vector<16xf32>,
        tpu.vector_store %arg11[%swap3A_493, %swap3A_494], %mul3A_492 {strides = array<i32>} : memref<128x128xf32, #tpu.memory_space<vmem>>, vector<16xf32>,
        %get3A_496 = arith.index_cast %add3A_458 : i32 to index
        %get3A_497 = arith.constant 80 : index
        %get3A_498 = tpu.vector_load %arg11[%get3A_496, %get3A_497] {strides = array<i32>} : memref<128x128xf32, #tpu.memory_space<vmem>>, vector<16xf32>,
        %mul3A_499 = arith.mulf %get3A_498, %gather3A_460 : vector<16xf32>
        %swap3A_500 = arith.index_cast %add3A_458 : i32 to index
        %swap3A_501 = arith.constant 80 : index
        %swap3A_502 = tpu.vector_load %arg11[%swap3A_500, %swap3A_501] {strides = array<i32>} : memref<128x128xf32, #tpu.memory_space<vmem>>, vector<16xf32>,
        tpu.vector_store %arg11[%swap3A_500, %swap3A_501], %mul3A_499 {strides = array<i32>} : memref<128x128xf32, #tpu.memory_space<vmem>>, vector<16xf32>,
        %get3A_503 = arith.index_cast %add3A_458 : i32 to index
        %get3A_504 = arith.constant 96 : index
        %get3A_505 = tpu.vector_load %arg11[%get3A_503, %get3A_504] {strides = array<i32>} : memref<128x128xf32, #tpu.memory_space<vmem>>, vector<16xf32>,
        %mul3A_506 = arith.mulf %get3A_505, %gather3A_460 : vector<16xf32>
        %swap3A_507 = arith.index_cast %add3A_458 : i32 to index
        %swap3A_508 = arith.constant 96 : index
        %swap3A_509 = tpu.vector_load %arg11[%swap3A_507, %swap3A_508] {strides = array<i32>} : memref<128x128xf32, #tpu.memory_space<vmem>>, vector<16xf32>,
        tpu.vector_store %arg11[%swap3A_507, %swap3A_508], %mul3A_506 {strides = array<i32>} : memref<128x128xf32, #tpu.memory_space<vmem>>, vector<16xf32>,
        %get3A_510 = arith.index_cast %add3A_458 : i32 to index
        %get3A_511 = arith.constant 112 : index
        %get3A_512 = tpu.vector_load %arg11[%get3A_510, %get3A_511] {strides = array<i32>} : memref<128x128xf32, #tpu.memory_space<vmem>>, vector<16xf32>,
        %mul3A_513 = arith.mulf %get3A_512, %gather3A_460 : vector<16xf32>
        %swap3A_514 = arith.index_cast %add3A_458 : i32 to index
        %swap3A_515 = arith.constant 112 : index
        %swap3A_516 = tpu.vector_load %arg11[%swap3A_514, %swap3A_515] {strides = array<i32>} : memref<128x128xf32, #tpu.memory_space<vmem>>, vector<16xf32>,
        tpu.vector_store %arg11[%swap3A_514, %swap3A_515], %mul3A_513 {strides = array<i32>} : memref<128x128xf32, #tpu.memory_space<vmem>>, vector<16xf32>,
        %mul3A_517 = arith.constant 16 : i32
        %mul3A_518 = arith.muli %scan3A_200, %mul3A_517 : i32
        %add3A_519 = arith.constant 5 : i32
        %add3A_520 = arith.addi %mul3A_518, %add3A_519 : i32
        %broadcast_in_dim3A_521 = vector.broadcast %add3A_520 : i32 to vector<16xi32>
        %gather3A_522 = tpu.vector_load_idx %arg10[%broadcast_in_dim3A_521] : memref<128xf32, #tpu.memory_space<vmem>>[vector<16xi32>], vector<16xf32>,
        %get3A_523 = arith.index_cast %add3A_520 : i32 to index
        %get3A_524 = arith.constant 0 : index
        %get3A_525 = tpu.vector_load %arg11[%get3A_523, %get3A_524] {strides = array<i32>} : memref<128x128xf32, #tpu.memory_space<vmem>>, vector<16xf32>,
        %mul3A_526 = arith.mulf %get3A_525, %gather3A_522 : vector<16xf32>
        %swap3A_527 = arith.index_cast %add3A_520 : i32 to index
        %swap3A_528 = arith.constant 0 : index
        %swap3A_529 = tpu.vector_load %arg11[%swap3A_527, %swap3A_528] {strides = array<i32>} : memref<128x128xf32, #tpu.memory_space<vmem>>, vector<16xf32>,
        tpu.vector_store %arg11[%swap3A_527, %swap3A_528], %mul3A_526 {strides = array<i32>} : memref<128x128xf32, #tpu.memory_space<vmem>>, vector<16xf32>,
        %get3A_530 = arith.index_cast %add3A_520 : i32 to index
        %get3A_531 = arith.constant 16 : index
        %get3A_532 = tpu.vector_load %arg11[%get3A_530, %get3A_531] {strides = array<i32>} : memref<128x128xf32, #tpu.memory_space<vmem>>, vector<16xf32>,
        %mul3A_533 = arith.mulf %get3A_532, %gather3A_522 : vector<16xf32>
        %swap3A_534 = arith.index_cast %add3A_520 : i32 to index
        %swap3A_535 = arith.constant 16 : index
        %swap3A_536 = tpu.vector_load %arg11[%swap3A_534, %swap3A_535] {strides = array<i32>} : memref<128x128xf32, #tpu.memory_space<vmem>>, vector<16xf32>,
        tpu.vector_store %arg11[%swap3A_534, %swap3A_535], %mul3A_533 {strides = array<i32>} : memref<128x128xf32, #tpu.memory_space<vmem>>, vector<16xf32>,
        %get3A_537 = arith.index_cast %add3A_520 : i32 to index
        %get3A_538 = arith.constant 32 : index
        %get3A_539 = tpu.vector_load %arg11[%get3A_537, %get3A_538] {strides = array<i32>} : memref<128x128xf32, #tpu.memory_space<vmem>>, vector<16xf32>,
        %mul3A_540 = arith.mulf %get3A_539, %gather3A_522 : vector<16xf32>
        %swap3A_541 = arith.index_cast %add3A_520 : i32 to index
        %swap3A_542 = arith.constant 32 : index
        %swap3A_543 = tpu.vector_load %arg11[%swap3A_541, %swap3A_542] {strides = array<i32>} : memref<128x128xf32, #tpu.memory_space<vmem>>, vector<16xf32>,
        tpu.vector_store %arg11[%swap3A_541, %swap3A_542], %mul3A_540 {strides = array<i32>} : memref<128x128xf32, #tpu.memory_space<vmem>>, vector<16xf32>,
        %get3A_544 = arith.index_cast %add3A_520 : i32 to index
        %get3A_545 = arith.constant 48 : index
        %get3A_546 = tpu.vector_load %arg11[%get3A_544, %get3A_545] {strides = array<i32>} : memref<128x128xf32, #tpu.memory_space<vmem>>, vector<16xf32>,
        %mul3A_547 = arith.mulf %get3A_546, %gather3A_522 : vector<16xf32>
        %swap3A_548 = arith.index_cast %add3A_520 : i32 to index
        %swap3A_549 = arith.constant 48 : index
        %swap3A_550 = tpu.vector_load %arg11[%swap3A_548, %swap3A_549] {strides = array<i32>} : memref<128x128xf32, #tpu.memory_space<vmem>>, vector<16xf32>,
        tpu.vector_store %arg11[%swap3A_548, %swap3A_549], %mul3A_547 {strides = array<i32>} : memref<128x128xf32, #tpu.memory_space<vmem>>, vector<16xf32>,
        %get3A_551 = arith.index_cast %add3A_520 : i32 to index
        %get3A_552 = arith.constant 64 : index
        %get3A_553 = tpu.vector_load %arg11[%get3A_551, %get3A_552] {strides = array<i32>} : memref<128x128xf32, #tpu.memory_space<vmem>>, vector<16xf32>,
        %mul3A_554 = arith.mulf %get3A_553, %gather3A_522 : vector<16xf32>
        %swap3A_555 = arith.index_cast %add3A_520 : i32 to index
        %swap3A_556 = arith.constant 64 : index
        %swap3A_557 = tpu.vector_load %arg11[%swap3A_555, %swap3A_556] {strides = array<i32>} : memref<128x128xf32, #tpu.memory_space<vmem>>, vector<16xf32>,
        tpu.vector_store %arg11[%swap3A_555, %swap3A_556], %mul3A_554 {strides = array<i32>} : memref<128x128xf32, #tpu.memory_space<vmem>>, vector<16xf32>,
        %get3A_558 = arith.index_cast %add3A_520 : i32 to index
        %get3A_559 = arith.constant 80 : index
        %get3A_560 = tpu.vector_load %arg11[%get3A_558, %get3A_559] {strides = array<i32>} : memref<128x128xf32, #tpu.memory_space<vmem>>, vector<16xf32>,
        %mul3A_561 = arith.mulf %get3A_560, %gather3A_522 : vector<16xf32>
        %swap3A_562 = arith.index_cast %add3A_520 : i32 to index
        %swap3A_563 = arith.constant 80 : index
        %swap3A_564 = tpu.vector_load %arg11[%swap3A_562, %swap3A_563] {strides = array<i32>} : memref<128x128xf32, #tpu.memory_space<vmem>>, vector<16xf32>,
        tpu.vector_store %arg11[%swap3A_562, %swap3A_563], %mul3A_561 {strides = array<i32>} : memref<128x128xf32, #tpu.memory_space<vmem>>, vector<16xf32>,
        %get3A_565 = arith.index_cast %add3A_520 : i32 to index
        %get3A_566 = arith.constant 96 : index
        %get3A_567 = tpu.vector_load %arg11[%get3A_565, %get3A_566] {strides = array<i32>} : memref<128x128xf32, #tpu.memory_space<vmem>>, vector<16xf32>,
        %mul3A_568 = arith.mulf %get3A_567, %gather3A_522 : vector<16xf32>
        %swap3A_569 = arith.index_cast %add3A_520 : i32 to index
        %swap3A_570 = arith.constant 96 : index
        %swap3A_571 = tpu.vector_load %arg11[%swap3A_569, %swap3A_570] {strides = array<i32>} : memref<128x128xf32, #tpu.memory_space<vmem>>, vector<16xf32>,
        tpu.vector_store %arg11[%swap3A_569, %swap3A_570], %mul3A_568 {strides = array<i32>} : memref<128x128xf32, #tpu.memory_space<vmem>>, vector<16xf32>,
        %get3A_572 = arith.index_cast %add3A_520 : i32 to index
        %get3A_573 = arith.constant 112 : index
        %get3A_574 = tpu.vector_load %arg11[%get3A_572, %get3A_573] {strides = array<i32>} : memref<128x128xf32, #tpu.memory_space<vmem>>, vector<16xf32>,
        %mul3A_575 = arith.mulf %get3A_574, %gather3A_522 : vector<16xf32>
        %swap3A_576 = arith.index_cast %add3A_520 : i32 to index
        %swap3A_577 = arith.constant 112 : index
        %swap3A_578 = tpu.vector_load %arg11[%swap3A_576, %swap3A_577] {strides = array<i32>} : memref<128x128xf32, #tpu.memory_space<vmem>>, vector<16xf32>,
        tpu.vector_store %arg11[%swap3A_576, %swap3A_577], %mul3A_575 {strides = array<i32>} : memref<128x128xf32, #tpu.memory_space<vmem>>, vector<16xf32>,
        %mul3A_579 = arith.constant 16 : i32
        %mul3A_580 = arith.muli %scan3A_200, %mul3A_579 : i32
        %add3A_581 = arith.constant 6 : i32
        %add3A_582 = arith.addi %mul3A_580, %add3A_581 : i32
        %broadcast_in_dim3A_583 = vector.broadcast %add3A_582 : i32 to vector<16xi32>
        %gather3A_584 = tpu.vector_load_idx %arg10[%broadcast_in_dim3A_583] : memref<128xf32, #tpu.memory_space<vmem>>[vector<16xi32>], vector<16xf32>,
        %get3A_585 = arith.index_cast %add3A_582 : i32 to index
        %get3A_586 = arith.constant 0 : index
        %get3A_587 = tpu.vector_load %arg11[%get3A_585, %get3A_586] {strides = array<i32>} : memref<128x128xf32, #tpu.memory_space<vmem>>, vector<16xf32>,
        %mul3A_588 = arith.mulf %get3A_587, %gather3A_584 : vector<16xf32>
        %swap3A_589 = arith.index_cast %add3A_582 : i32 to index
        %swap3A_590 = arith.constant 0 : index
        %swap3A_591 = tpu.vector_load %arg11[%swap3A_589, %swap3A_590] {strides = array<i32>} : memref<128x128xf32, #tpu.memory_space<vmem>>, vector<16xf32>,
        tpu.vector_store %arg11[%swap3A_589, %swap3A_590], %mul3A_588 {strides = array<i32>} : memref<128x128xf32, #tpu.memory_space<vmem>>, vector<16xf32>,
        %get3A_592 = arith.index_cast %add3A_582 : i32 to index
        %get3A_593 = arith.constant 16 : index
        %get3A_594 = tpu.vector_load %arg11[%get3A_592, %get3A_593] {strides = array<i32>} : memref<128x128xf32, #tpu.memory_space<vmem>>, vector<16xf32>,
        %mul3A_595 = arith.mulf %get3A_594, %gather3A_584 : vector<16xf32>
        %swap3A_596 = arith.index_cast %add3A_582 : i32 to index
        %swap3A_597 = arith.constant 16 : index
        %swap3A_598 = tpu.vector_load %arg11[%swap3A_596, %swap3A_597] {strides = array<i32>} : memref<128x128xf32, #tpu.memory_space<vmem>>, vector<16xf32>,
        tpu.vector_store %arg11[%swap3A_596, %swap3A_597], %mul3A_595 {strides = array<i32>} : memref<128x128xf32, #tpu.memory_space<vmem>>, vector<16xf32>,
        %get3A_599 = arith.index_cast %add3A_582 : i32 to index
        %get3A_600 = arith.constant 32 : index
        %get3A_601 = tpu.vector_load %arg11[%get3A_599, %get3A_600] {strides = array<i32>} : memref<128x128xf32, #tpu.memory_space<vmem>>, vector<16xf32>,
        %mul3A_602 = arith.mulf %get3A_601, %gather3A_584 : vector<16xf32>
        %swap3A_603 = arith.index_cast %add3A_582 : i32 to index
        %swap3A_604 = arith.constant 32 : index
        %swap3A_605 = tpu.vector_load %arg11[%swap3A_603, %swap3A_604] {strides = array<i32>} : memref<128x128xf32, #tpu.memory_space<vmem>>, vector<16xf32>,
        tpu.vector_store %arg11[%swap3A_603, %swap3A_604], %mul3A_602 {strides = array<i32>} : memref<128x128xf32, #tpu.memory_space<vmem>>, vector<16xf32>,
        %get3A_606 = arith.index_cast %add3A_582 : i32 to index
        %get3A_607 = arith.constant 48 : index
        %get3A_608 = tpu.vector_load %arg11[%get3A_606, %get3A_607] {strides = array<i32>} : memref<128x128xf32, #tpu.memory_space<vmem>>, vector<16xf32>,
        %mul3A_609 = arith.mulf %get3A_608, %gather3A_584 : vector<16xf32>
        %swap3A_610 = arith.index_cast %add3A_582 : i32 to index
        %swap3A_611 = arith.constant 48 : index
        %swap3A_612 = tpu.vector_load %arg11[%swap3A_610, %swap3A_611] {strides = array<i32>} : memref<128x128xf32, #tpu.memory_space<vmem>>, vector<16xf32>,
        tpu.vector_store %arg11[%swap3A_610, %swap3A_611], %mul3A_609 {strides = array<i32>} : memref<128x128xf32, #tpu.memory_space<vmem>>, vector<16xf32>,
        %get3A_613 = arith.index_cast %add3A_582 : i32 to index
        %get3A_614 = arith.constant 64 : index
        %get3A_615 = tpu.vector_load %arg11[%get3A_613, %get3A_614] {strides = array<i32>} : memref<128x128xf32, #tpu.memory_space<vmem>>, vector<16xf32>,
        %mul3A_616 = arith.mulf %get3A_615, %gather3A_584 : vector<16xf32>
        %swap3A_617 = arith.index_cast %add3A_582 : i32 to index
        %swap3A_618 = arith.constant 64 : index
        %swap3A_619 = tpu.vector_load %arg11[%swap3A_617, %swap3A_618] {strides = array<i32>} : memref<128x128xf32, #tpu.memory_space<vmem>>, vector<16xf32>,
        tpu.vector_store %arg11[%swap3A_617, %swap3A_618], %mul3A_616 {strides = array<i32>} : memref<128x128xf32, #tpu.memory_space<vmem>>, vector<16xf32>,
        %get3A_620 = arith.index_cast %add3A_582 : i32 to index
        %get3A_621 = arith.constant 80 : index
        %get3A_622 = tpu.vector_load %arg11[%get3A_620, %get3A_621] {strides = array<i32>} : memref<128x128xf32, #tpu.memory_space<vmem>>, vector<16xf32>,
        %mul3A_623 = arith.mulf %get3A_622, %gather3A_584 : vector<16xf32>
        %swap3A_624 = arith.index_cast %add3A_582 : i32 to index
        %swap3A_625 = arith.constant 80 : index
        %swap3A_626 = tpu.vector_load %arg11[%swap3A_624, %swap3A_625] {strides = array<i32>} : memref<128x128xf32, #tpu.memory_space<vmem>>, vector<16xf32>,
        tpu.vector_store %arg11[%swap3A_624, %swap3A_625], %mul3A_623 {strides = array<i32>} : memref<128x128xf32, #tpu.memory_space<vmem>>, vector<16xf32>,
        %get3A_627 = arith.index_cast %add3A_582 : i32 to index
        %get3A_628 = arith.constant 96 : index
        %get3A_629 = tpu.vector_load %arg11[%get3A_627, %get3A_628] {strides = array<i32>} : memref<128x128xf32, #tpu.memory_space<vmem>>, vector<16xf32>,
        %mul3A_630 = arith.mulf %get3A_629, %gather3A_584 : vector<16xf32>
        %swap3A_631 = arith.index_cast %add3A_582 : i32 to index
        %swap3A_632 = arith.constant 96 : index
        %swap3A_633 = tpu.vector_load %arg11[%swap3A_631, %swap3A_632] {strides = array<i32>} : memref<128x128xf32, #tpu.memory_space<vmem>>, vector<16xf32>,
        tpu.vector_store %arg11[%swap3A_631, %swap3A_632], %mul3A_630 {strides = array<i32>} : memref<128x128xf32, #tpu.memory_space<vmem>>, vector<16xf32>,
        %get3A_634 = arith.index_cast %add3A_582 : i32 to index
        %get3A_635 = arith.constant 112 : index
        %get3A_636 = tpu.vector_load %arg11[%get3A_634, %get3A_635] {strides = array<i32>} : memref<128x128xf32, #tpu.memory_space<vmem>>, vector<16xf32>,
        %mul3A_637 = arith.mulf %get3A_636, %gather3A_584 : vector<16xf32>
        %swap3A_638 = arith.index_cast %add3A_582 : i32 to index
        %swap3A_639 = arith.constant 112 : index
        %swap3A_640 = tpu.vector_load %arg11[%swap3A_638, %swap3A_639] {strides = array<i32>} : memref<128x128xf32, #tpu.memory_space<vmem>>, vector<16xf32>,
        tpu.vector_store %arg11[%swap3A_638, %swap3A_639], %mul3A_637 {strides = array<i32>} : memref<128x128xf32, #tpu.memory_space<vmem>>, vector<16xf32>,
        %mul3A_641 = arith.constant 16 : i32
        %mul3A_642 = arith.muli %scan3A_200, %mul3A_641 : i32
        %add3A_643 = arith.constant 7 : i32
        %add3A_644 = arith.addi %mul3A_642, %add3A_643 : i32
        %broadcast_in_dim3A_645 = vector.broadcast %add3A_644 : i32 to vector<16xi32>
        %gather3A_646 = tpu.vector_load_idx %arg10[%broadcast_in_dim3A_645] : memref<128xf32, #tpu.memory_space<vmem>>[vector<16xi32>], vector<16xf32>,
        %get3A_647 = arith.index_cast %add3A_644 : i32 to index
        %get3A_648 = arith.constant 0 : index
        %get3A_649 = tpu.vector_load %arg11[%get3A_647, %get3A_648] {strides = array<i32>} : memref<128x128xf32, #tpu.memory_space<vmem>>, vector<16xf32>,
        %mul3A_650 = arith.mulf %get3A_649, %gather3A_646 : vector<16xf32>
        %swap3A_651 = arith.index_cast %add3A_644 : i32 to index
        %swap3A_652 = arith.constant 0 : index
        %swap3A_653 = tpu.vector_load %arg11[%swap3A_651, %swap3A_652] {strides = array<i32>} : memref<128x128xf32, #tpu.memory_space<vmem>>, vector<16xf32>,
        tpu.vector_store %arg11[%swap3A_651, %swap3A_652], %mul3A_650 {strides = array<i32>} : memref<128x128xf32, #tpu.memory_space<vmem>>, vector<16xf32>,
        %get3A_654 = arith.index_cast %add3A_644 : i32 to index
        %get3A_655 = arith.constant 16 : index
        %get3A_656 = tpu.vector_load %arg11[%get3A_654, %get3A_655] {strides = array<i32>} : memref<128x128xf32, #tpu.memory_space<vmem>>, vector<16xf32>,
        %mul3A_657 = arith.mulf %get3A_656, %gather3A_646 : vector<16xf32>
        %swap3A_658 = arith.index_cast %add3A_644 : i32 to index
        %swap3A_659 = arith.constant 16 : index
        %swap3A_660 = tpu.vector_load %arg11[%swap3A_658, %swap3A_659] {strides = array<i32>} : memref<128x128xf32, #tpu.memory_space<vmem>>, vector<16xf32>,
        tpu.vector_store %arg11[%swap3A_658, %swap3A_659], %mul3A_657 {strides = array<i32>} : memref<128x128xf32, #tpu.memory_space<vmem>>, vector<16xf32>,
        %get3A_661 = arith.index_cast %add3A_644 : i32 to index
        %get3A_662 = arith.constant 32 : index
        %get3A_663 = tpu.vector_load %arg11[%get3A_661, %get3A_662] {strides = array<i32>} : memref<128x128xf32, #tpu.memory_space<vmem>>, vector<16xf32>,
        %mul3A_664 = arith.mulf %get3A_663, %gather3A_646 : vector<16xf32>
        %swap3A_665 = arith.index_cast %add3A_644 : i32 to index
        %swap3A_666 = arith.constant 32 : index
        %swap3A_667 = tpu.vector_load %arg11[%swap3A_665, %swap3A_666] {strides = array<i32>} : memref<128x128xf32, #tpu.memory_space<vmem>>, vector<16xf32>,
        tpu.vector_store %arg11[%swap3A_665, %swap3A_666], %mul3A_664 {strides = array<i32>} : memref<128x128xf32, #tpu.memory_space<vmem>>, vector<16xf32>,
        %get3A_668 = arith.index_cast %add3A_644 : i32 to index
        %get3A_669 = arith.constant 48 : index
        %get3A_670 = tpu.vector_load %arg11[%get3A_668, %get3A_669] {strides = array<i32>} : memref<128x128xf32, #tpu.memory_space<vmem>>, vector<16xf32>,
        %mul3A_671 = arith.mulf %get3A_670, %gather3A_646 : vector<16xf32>
        %swap3A_672 = arith.index_cast %add3A_644 : i32 to index
        %swap3A_673 = arith.constant 48 : index
        %swap3A_674 = tpu.vector_load %arg11[%swap3A_672, %swap3A_673] {strides = array<i32>} : memref<128x128xf32, #tpu.memory_space<vmem>>, vector<16xf32>,
        tpu.vector_store %arg11[%swap3A_672, %swap3A_673], %mul3A_671 {strides = array<i32>} : memref<128x128xf32, #tpu.memory_space<vmem>>, vector<16xf32>,
        %get3A_675 = arith.index_cast %add3A_644 : i32 to index
        %get3A_676 = arith.constant 64 : index
        %get3A_677 = tpu.vector_load %arg11[%get3A_675, %get3A_676] {strides = array<i32>} : memref<128x128xf32, #tpu.memory_space<vmem>>, vector<16xf32>,
        %mul3A_678 = arith.mulf %get3A_677, %gather3A_646 : vector<16xf32>
        %swap3A_679 = arith.index_cast %add3A_644 : i32 to index
        %swap3A_680 = arith.constant 64 : index
        %swap3A_681 = tpu.vector_load %arg11[%swap3A_679, %swap3A_680] {strides = array<i32>} : memref<128x128xf32, #tpu.memory_space<vmem>>, vector<16xf32>,
        tpu.vector_store %arg11[%swap3A_679, %swap3A_680], %mul3A_678 {strides = array<i32>} : memref<128x128xf32, #tpu.memory_space<vmem>>, vector<16xf32>,
        %get3A_682 = arith.index_cast %add3A_644 : i32 to index
        %get3A_683 = arith.constant 80 : index
        %get3A_684 = tpu.vector_load %arg11[%get3A_682, %get3A_683] {strides = array<i32>} : memref<128x128xf32, #tpu.memory_space<vmem>>, vector<16xf32>,
        %mul3A_685 = arith.mulf %get3A_684, %gather3A_646 : vector<16xf32>
        %swap3A_686 = arith.index_cast %add3A_644 : i32 to index
        %swap3A_687 = arith.constant 80 : index
        %swap3A_688 = tpu.vector_load %arg11[%swap3A_686, %swap3A_687] {strides = array<i32>} : memref<128x128xf32, #tpu.memory_space<vmem>>, vector<16xf32>,
        tpu.vector_store %arg11[%swap3A_686, %swap3A_687], %mul3A_685 {strides = array<i32>} : memref<128x128xf32, #tpu.memory_space<vmem>>, vector<16xf32>,
        %get3A_689 = arith.index_cast %add3A_644 : i32 to index
        %get3A_690 = arith.constant 96 : index
        %get3A_691 = tpu.vector_load %arg11[%get3A_689, %get3A_690] {strides = array<i32>} : memref<128x128xf32, #tpu.memory_space<vmem>>, vector<16xf32>,
        %mul3A_692 = arith.mulf %get3A_691, %gather3A_646 : vector<16xf32>
        %swap3A_693 = arith.index_cast %add3A_644 : i32 to index
        %swap3A_694 = arith.constant 96 : index
        %swap3A_695 = tpu.vector_load %arg11[%swap3A_693, %swap3A_694] {strides = array<i32>} : memref<128x128xf32, #tpu.memory_space<vmem>>, vector<16xf32>,
        tpu.vector_store %arg11[%swap3A_693, %swap3A_694], %mul3A_692 {strides = array<i32>} : memref<128x128xf32, #tpu.memory_space<vmem>>, vector<16xf32>,
        %get3A_696 = arith.index_cast %add3A_644 : i32 to index
        %get3A_697 = arith.constant 112 : index
        %get3A_698 = tpu.vector_load %arg11[%get3A_696, %get3A_697] {strides = array<i32>} : memref<128x128xf32, #tpu.memory_space<vmem>>, vector<16xf32>,
        %mul3A_699 = arith.mulf %get3A_698, %gather3A_646 : vector<16xf32>
        %swap3A_700 = arith.index_cast %add3A_644 : i32 to index
        %swap3A_701 = arith.constant 112 : index
        %swap3A_702 = tpu.vector_load %arg11[%swap3A_700, %swap3A_701] {strides = array<i32>} : memref<128x128xf32, #tpu.memory_space<vmem>>, vector<16xf32>,
        tpu.vector_store %arg11[%swap3A_700, %swap3A_701], %mul3A_699 {strides = array<i32>} : memref<128x128xf32, #tpu.memory_space<vmem>>, vector<16xf32>,
        %mul3A_703 = arith.constant 16 : i32
        %mul3A_704 = arith.muli %scan3A_200, %mul3A_703 : i32
        %add3A_705 = arith.constant 8 : i32
        %add3A_706 = arith.addi %mul3A_704, %add3A_705 : i32
        %broadcast_in_dim3A_707 = vector.broadcast %add3A_706 : i32 to vector<16xi32>
        %gather3A_708 = tpu.vector_load_idx %arg10[%broadcast_in_dim3A_707] : memref<128xf32, #tpu.memory_space<vmem>>[vector<16xi32>], vector<16xf32>,
        %get3A_709 = arith.index_cast %add3A_706 : i32 to index
        %get3A_710 = arith.constant 0 : index
        %get3A_711 = tpu.vector_load %arg11[%get3A_709, %get3A_710] {strides = array<i32>} : memref<128x128xf32, #tpu.memory_space<vmem>>, vector<16xf32>,
        %mul3A_712 = arith.mulf %get3A_711, %gather3A_708 : vector<16xf32>
        %swap3A_713 = arith.index_cast %add3A_706 : i32 to index
        %swap3A_714 = arith.constant 0 : index
        %swap3A_715 = tpu.vector_load %arg11[%swap3A_713, %swap3A_714] {strides = array<i32>} : memref<128x128xf32, #tpu.memory_space<vmem>>, vector<16xf32>,
        tpu.vector_store %arg11[%swap3A_713, %swap3A_714], %mul3A_712 {strides = array<i32>} : memref<128x128xf32, #tpu.memory_space<vmem>>, vector<16xf32>,
        %get3A_716 = arith.index_cast %add3A_706 : i32 to index
        %get3A_717 = arith.constant 16 : index
        %get3A_718 = tpu.vector_load %arg11[%get3A_716, %get3A_717] {strides = array<i32>} : memref<128x128xf32, #tpu.memory_space<vmem>>, vector<16xf32>,
        %mul3A_719 = arith.mulf %get3A_718, %gather3A_708 : vector<16xf32>
        %swap3A_720 = arith.index_cast %add3A_706 : i32 to index
        %swap3A_721 = arith.constant 16 : index
        %swap3A_722 = tpu.vector_load %arg11[%swap3A_720, %swap3A_721] {strides = array<i32>} : memref<128x128xf32, #tpu.memory_space<vmem>>, vector<16xf32>,
        tpu.vector_store %arg11[%swap3A_720, %swap3A_721], %mul3A_719 {strides = array<i32>} : memref<128x128xf32, #tpu.memory_space<vmem>>, vector<16xf32>,
        %get3A_723 = arith.index_cast %add3A_706 : i32 to index
        %get3A_724 = arith.constant 32 : index
        %get3A_725 = tpu.vector_load %arg11[%get3A_723, %get3A_724] {strides = array<i32>} : memref<128x128xf32, #tpu.memory_space<vmem>>, vector<16xf32>,
        %mul3A_726 = arith.mulf %get3A_725, %gather3A_708 : vector<16xf32>
        %swap3A_727 = arith.index_cast %add3A_706 : i32 to index
        %swap3A_728 = arith.constant 32 : index
        %swap3A_729 = tpu.vector_load %arg11[%swap3A_727, %swap3A_728] {strides = array<i32>} : memref<128x128xf32, #tpu.memory_space<vmem>>, vector<16xf32>,
        tpu.vector_store %arg11[%swap3A_727, %swap3A_728], %mul3A_726 {strides = array<i32>} : memref<128x128xf32, #tpu.memory_space<vmem>>, vector<16xf32>,
        %get3A_730 = arith.index_cast %add3A_706 : i32 to index
        %get3A_731 = arith.constant 48 : index
        %get3A_732 = tpu.vector_load %arg11[%get3A_730, %get3A_731] {strides = array<i32>} : memref<128x128xf32, #tpu.memory_space<vmem>>, vector<16xf32>,
        %mul3A_733 = arith.mulf %get3A_732, %gather3A_708 : vector<16xf32>
        %swap3A_734 = arith.index_cast %add3A_706 : i32 to index
        %swap3A_735 = arith.constant 48 : index
        %swap3A_736 = tpu.vector_load %arg11[%swap3A_734, %swap3A_735] {strides = array<i32>} : memref<128x128xf32, #tpu.memory_space<vmem>>, vector<16xf32>,
        tpu.vector_store %arg11[%swap3A_734, %swap3A_735], %mul3A_733 {strides = array<i32>} : memref<128x128xf32, #tpu.memory_space<vmem>>, vector<16xf32>,
        %get3A_737 = arith.index_cast %add3A_706 : i32 to index
        %get3A_738 = arith.constant 64 : index
        %get3A_739 = tpu.vector_load %arg11[%get3A_737, %get3A_738] {strides = array<i32>} : memref<128x128xf32, #tpu.memory_space<vmem>>, vector<16xf32>,
        %mul3A_740 = arith.mulf %get3A_739, %gather3A_708 : vector<16xf32>
        %swap3A_741 = arith.index_cast %add3A_706 : i32 to index
        %swap3A_742 = arith.constant 64 : index
        %swap3A_743 = tpu.vector_load %arg11[%swap3A_741, %swap3A_742] {strides = array<i32>} : memref<128x128xf32, #tpu.memory_space<vmem>>, vector<16xf32>,
        tpu.vector_store %arg11[%swap3A_741, %swap3A_742], %mul3A_740 {strides = array<i32>} : memref<128x128xf32, #tpu.memory_space<vmem>>, vector<16xf32>,
        %get3A_744 = arith.index_cast %add3A_706 : i32 to index
        %get3A_745 = arith.constant 80 : index
        %get3A_746 = tpu.vector_load %arg11[%get3A_744, %get3A_745] {strides = array<i32>} : memref<128x128xf32, #tpu.memory_space<vmem>>, vector<16xf32>,
        %mul3A_747 = arith.mulf %get3A_746, %gather3A_708 : vector<16xf32>
        %swap3A_748 = arith.index_cast %add3A_706 : i32 to index
        %swap3A_749 = arith.constant 80 : index
        %swap3A_750 = tpu.vector_load %arg11[%swap3A_748, %swap3A_749] {strides = array<i32>} : memref<128x128xf32, #tpu.memory_space<vmem>>, vector<16xf32>,
        tpu.vector_store %arg11[%swap3A_748, %swap3A_749], %mul3A_747 {strides = array<i32>} : memref<128x128xf32, #tpu.memory_space<vmem>>, vector<16xf32>,
        %get3A_751 = arith.index_cast %add3A_706 : i32 to index
        %get3A_752 = arith.constant 96 : index
        %get3A_753 = tpu.vector_load %arg11[%get3A_751, %get3A_752] {strides = array<i32>} : memref<128x128xf32, #tpu.memory_space<vmem>>, vector<16xf32>,
        %mul3A_754 = arith.mulf %get3A_753, %gather3A_708 : vector<16xf32>
        %swap3A_755 = arith.index_cast %add3A_706 : i32 to index
        %swap3A_756 = arith.constant 96 : index
        %swap3A_757 = tpu.vector_load %arg11[%swap3A_755, %swap3A_756] {strides = array<i32>} : memref<128x128xf32, #tpu.memory_space<vmem>>, vector<16xf32>,
        tpu.vector_store %arg11[%swap3A_755, %swap3A_756], %mul3A_754 {strides = array<i32>} : memref<128x128xf32, #tpu.memory_space<vmem>>, vector<16xf32>,
        %get3A_758 = arith.index_cast %add3A_706 : i32 to index
        %get3A_759 = arith.constant 112 : index
        %get3A_760 = tpu.vector_load %arg11[%get3A_758, %get3A_759] {strides = array<i32>} : memref<128x128xf32, #tpu.memory_space<vmem>>, vector<16xf32>,
        %mul3A_761 = arith.mulf %get3A_760, %gather3A_708 : vector<16xf32>
        %swap3A_762 = arith.index_cast %add3A_706 : i32 to index
        %swap3A_763 = arith.constant 112 : index
        %swap3A_764 = tpu.vector_load %arg11[%swap3A_762, %swap3A_763] {strides = array<i32>} : memref<128x128xf32, #tpu.memory_space<vmem>>, vector<16xf32>,
        tpu.vector_store %arg11[%swap3A_762, %swap3A_763], %mul3A_761 {strides = array<i32>} : memref<128x128xf32, #tpu.memory_space<vmem>>, vector<16xf32>,
        %mul3A_765 = arith.constant 16 : i32
        %mul3A_766 = arith.muli %scan3A_200, %mul3A_765 : i32
        %add3A_767 = arith.constant 9 : i32
        %add3A_768 = arith.addi %mul3A_766, %add3A_767 : i32
        %broadcast_in_dim3A_769 = vector.broadcast %add3A_768 : i32 to vector<16xi32>
        %gather3A_770 = tpu.vector_load_idx %arg10[%broadcast_in_dim3A_769] : memref<128xf32, #tpu.memory_space<vmem>>[vector<16xi32>], vector<16xf32>,
        %get3A_771 = arith.index_cast %add3A_768 : i32 to index
        %get3A_772 = arith.constant 0 : index
        %get3A_773 = tpu.vector_load %arg11[%get3A_771, %get3A_772] {strides = array<i32>} : memref<128x128xf32, #tpu.memory_space<vmem>>, vector<16xf32>,
        %mul3A_774 = arith.mulf %get3A_773, %gather3A_770 : vector<16xf32>
        %swap3A_775 = arith.index_cast %add3A_768 : i32 to index
        %swap3A_776 = arith.constant 0 : index
        %swap3A_777 = tpu.vector_load %arg11[%swap3A_775, %swap3A_776] {strides = array<i32>} : memref<128x128xf32, #tpu.memory_space<vmem>>, vector<16xf32>,
        tpu.vector_store %arg11[%swap3A_775, %swap3A_776], %mul3A_774 {strides = array<i32>} : memref<128x128xf32, #tpu.memory_space<vmem>>, vector<16xf32>,
        %get3A_778 = arith.index_cast %add3A_768 : i32 to index
        %get3A_779 = arith.constant 16 : index
        %get3A_780 = tpu.vector_load %arg11[%get3A_778, %get3A_779] {strides = array<i32>} : memref<128x128xf32, #tpu.memory_space<vmem>>, vector<16xf32>,
        %mul3A_781 = arith.mulf %get3A_780, %gather3A_770 : vector<16xf32>
        %swap3A_782 = arith.index_cast %add3A_768 : i32 to index
        %swap3A_783 = arith.constant 16 : index
        %swap3A_784 = tpu.vector_load %arg11[%swap3A_782, %swap3A_783] {strides = array<i32>} : memref<128x128xf32, #tpu.memory_space<vmem>>, vector<16xf32>,
        tpu.vector_store %arg11[%swap3A_782, %swap3A_783], %mul3A_781 {strides = array<i32>} : memref<128x128xf32, #tpu.memory_space<vmem>>, vector<16xf32>,
        %get3A_785 = arith.index_cast %add3A_768 : i32 to index
        %get3A_786 = arith.constant 32 : index
        %get3A_787 = tpu.vector_load %arg11[%get3A_785, %get3A_786] {strides = array<i32>} : memref<128x128xf32, #tpu.memory_space<vmem>>, vector<16xf32>,
        %mul3A_788 = arith.mulf %get3A_787, %gather3A_770 : vector<16xf32>
        %swap3A_789 = arith.index_cast %add3A_768 : i32 to index
        %swap3A_790 = arith.constant 32 : index
        %swap3A_791 = tpu.vector_load %arg11[%swap3A_789, %swap3A_790] {strides = array<i32>} : memref<128x128xf32, #tpu.memory_space<vmem>>, vector<16xf32>,
        tpu.vector_store %arg11[%swap3A_789, %swap3A_790], %mul3A_788 {strides = array<i32>} : memref<128x128xf32, #tpu.memory_space<vmem>>, vector<16xf32>,
        %get3A_792 = arith.index_cast %add3A_768 : i32 to index
        %get3A_793 = arith.constant 48 : index
        %get3A_794 = tpu.vector_load %arg11[%get3A_792, %get3A_793] {strides = array<i32>} : memref<128x128xf32, #tpu.memory_space<vmem>>, vector<16xf32>,
        %mul3A_795 = arith.mulf %get3A_794, %gather3A_770 : vector<16xf32>
        %swap3A_796 = arith.index_cast %add3A_768 : i32 to index
        %swap3A_797 = arith.constant 48 : index
        %swap3A_798 = tpu.vector_load %arg11[%swap3A_796, %swap3A_797] {strides = array<i32>} : memref<128x128xf32, #tpu.memory_space<vmem>>, vector<16xf32>,
        tpu.vector_store %arg11[%swap3A_796, %swap3A_797], %mul3A_795 {strides = array<i32>} : memref<128x128xf32, #tpu.memory_space<vmem>>, vector<16xf32>,
        %get3A_799 = arith.index_cast %add3A_768 : i32 to index
        %get3A_800 = arith.constant 64 : index
        %get3A_801 = tpu.vector_load %arg11[%get3A_799, %get3A_800] {strides = array<i32>} : memref<128x128xf32, #tpu.memory_space<vmem>>, vector<16xf32>,
        %mul3A_802 = arith.mulf %get3A_801, %gather3A_770 : vector<16xf32>
        %swap3A_803 = arith.index_cast %add3A_768 : i32 to index
        %swap3A_804 = arith.constant 64 : index
        %swap3A_805 = tpu.vector_load %arg11[%swap3A_803, %swap3A_804] {strides = array<i32>} : memref<128x128xf32, #tpu.memory_space<vmem>>, vector<16xf32>,
        tpu.vector_store %arg11[%swap3A_803, %swap3A_804], %mul3A_802 {strides = array<i32>} : memref<128x128xf32, #tpu.memory_space<vmem>>, vector<16xf32>,
        %get3A_806 = arith.index_cast %add3A_768 : i32 to index
        %get3A_807 = arith.constant 80 : index
        %get3A_808 = tpu.vector_load %arg11[%get3A_806, %get3A_807] {strides = array<i32>} : memref<128x128xf32, #tpu.memory_space<vmem>>, vector<16xf32>,
        %mul3A_809 = arith.mulf %get3A_808, %gather3A_770 : vector<16xf32>
        %swap3A_810 = arith.index_cast %add3A_768 : i32 to index
        %swap3A_811 = arith.constant 80 : index
        %swap3A_812 = tpu.vector_load %arg11[%swap3A_810, %swap3A_811] {strides = array<i32>} : memref<128x128xf32, #tpu.memory_space<vmem>>, vector<16xf32>,
        tpu.vector_store %arg11[%swap3A_810, %swap3A_811], %mul3A_809 {strides = array<i32>} : memref<128x128xf32, #tpu.memory_space<vmem>>, vector<16xf32>,
        %get3A_813 = arith.index_cast %add3A_768 : i32 to index
        %get3A_814 = arith.constant 96 : index
        %get3A_815 = tpu.vector_load %arg11[%get3A_813, %get3A_814] {strides = array<i32>} : memref<128x128xf32, #tpu.memory_space<vmem>>, vector<16xf32>,
        %mul3A_816 = arith.mulf %get3A_815, %gather3A_770 : vector<16xf32>
        %swap3A_817 = arith.index_cast %add3A_768 : i32 to index
        %swap3A_818 = arith.constant 96 : index
        %swap3A_819 = tpu.vector_load %arg11[%swap3A_817, %swap3A_818] {strides = array<i32>} : memref<128x128xf32, #tpu.memory_space<vmem>>, vector<16xf32>,
        tpu.vector_store %arg11[%swap3A_817, %swap3A_818], %mul3A_816 {strides = array<i32>} : memref<128x128xf32, #tpu.memory_space<vmem>>, vector<16xf32>,
        %get3A_820 = arith.index_cast %add3A_768 : i32 to index
        %get3A_821 = arith.constant 112 : index
        %get3A_822 = tpu.vector_load %arg11[%get3A_820, %get3A_821] {strides = array<i32>} : memref<128x128xf32, #tpu.memory_space<vmem>>, vector<16xf32>,
        %mul3A_823 = arith.mulf %get3A_822, %gather3A_770 : vector<16xf32>
        %swap3A_824 = arith.index_cast %add3A_768 : i32 to index
        %swap3A_825 = arith.constant 112 : index
        %swap3A_826 = tpu.vector_load %arg11[%swap3A_824, %swap3A_825] {strides = array<i32>} : memref<128x128xf32, #tpu.memory_space<vmem>>, vector<16xf32>,
        tpu.vector_store %arg11[%swap3A_824, %swap3A_825], %mul3A_823 {strides = array<i32>} : memref<128x128xf32, #tpu.memory_space<vmem>>, vector<16xf32>,
        %mul3A_827 = arith.constant 16 : i32
        %mul3A_828 = arith.muli %scan3A_200, %mul3A_827 : i32
        %add3A_829 = arith.constant 10 : i32
        %add3A_830 = arith.addi %mul3A_828, %add3A_829 : i32
        %broadcast_in_dim3A_831 = vector.broadcast %add3A_830 : i32 to vector<16xi32>
        %gather3A_832 = tpu.vector_load_idx %arg10[%broadcast_in_dim3A_831] : memref<128xf32, #tpu.memory_space<vmem>>[vector<16xi32>], vector<16xf32>,
        %get3A_833 = arith.index_cast %add3A_830 : i32 to index
        %get3A_834 = arith.constant 0 : index
        %get3A_835 = tpu.vector_load %arg11[%get3A_833, %get3A_834] {strides = array<i32>} : memref<128x128xf32, #tpu.memory_space<vmem>>, vector<16xf32>,
        %mul3A_836 = arith.mulf %get3A_835, %gather3A_832 : vector<16xf32>
        %swap3A_837 = arith.index_cast %add3A_830 : i32 to index
        %swap3A_838 = arith.constant 0 : index
        %swap3A_839 = tpu.vector_load %arg11[%swap3A_837, %swap3A_838] {strides = array<i32>} : memref<128x128xf32, #tpu.memory_space<vmem>>, vector<16xf32>,
        tpu.vector_store %arg11[%swap3A_837, %swap3A_838], %mul3A_836 {strides = array<i32>} : memref<128x128xf32, #tpu.memory_space<vmem>>, vector<16xf32>,
        %get3A_840 = arith.index_cast %add3A_830 : i32 to index
        %get3A_841 = arith.constant 16 : index
        %get3A_842 = tpu.vector_load %arg11[%get3A_840, %get3A_841] {strides = array<i32>} : memref<128x128xf32, #tpu.memory_space<vmem>>, vector<16xf32>,
        %mul3A_843 = arith.mulf %get3A_842, %gather3A_832 : vector<16xf32>
        %swap3A_844 = arith.index_cast %add3A_830 : i32 to index
        %swap3A_845 = arith.constant 16 : index
        %swap3A_846 = tpu.vector_load %arg11[%swap3A_844, %swap3A_845] {strides = array<i32>} : memref<128x128xf32, #tpu.memory_space<vmem>>, vector<16xf32>,
        tpu.vector_store %arg11[%swap3A_844, %swap3A_845], %mul3A_843 {strides = array<i32>} : memref<128x128xf32, #tpu.memory_space<vmem>>, vector<16xf32>,
        %get3A_847 = arith.index_cast %add3A_830 : i32 to index
        %get3A_848 = arith.constant 32 : index
        %get3A_849 = tpu.vector_load %arg11[%get3A_847, %get3A_848] {strides = array<i32>} : memref<128x128xf32, #tpu.memory_space<vmem>>, vector<16xf32>,
        %mul3A_850 = arith.mulf %get3A_849, %gather3A_832 : vector<16xf32>
        %swap3A_851 = arith.index_cast %add3A_830 : i32 to index
        %swap3A_852 = arith.constant 32 : index
        %swap3A_853 = tpu.vector_load %arg11[%swap3A_851, %swap3A_852] {strides = array<i32>} : memref<128x128xf32, #tpu.memory_space<vmem>>, vector<16xf32>,
        tpu.vector_store %arg11[%swap3A_851, %swap3A_852], %mul3A_850 {strides = array<i32>} : memref<128x128xf32, #tpu.memory_space<vmem>>, vector<16xf32>,
        %get3A_854 = arith.index_cast %add3A_830 : i32 to index
        %get3A_855 = arith.constant 48 : index
        %get3A_856 = tpu.vector_load %arg11[%get3A_854, %get3A_855] {strides = array<i32>} : memref<128x128xf32, #tpu.memory_space<vmem>>, vector<16xf32>,
        %mul3A_857 = arith.mulf %get3A_856, %gather3A_832 : vector<16xf32>
        %swap3A_858 = arith.index_cast %add3A_830 : i32 to index
        %swap3A_859 = arith.constant 48 : index
        %swap3A_860 = tpu.vector_load %arg11[%swap3A_858, %swap3A_859] {strides = array<i32>} : memref<128x128xf32, #tpu.memory_space<vmem>>, vector<16xf32>,
        tpu.vector_store %arg11[%swap3A_858, %swap3A_859], %mul3A_857 {strides = array<i32>} : memref<128x128xf32, #tpu.memory_space<vmem>>, vector<16xf32>,
        %get3A_861 = arith.index_cast %add3A_830 : i32 to index
        %get3A_862 = arith.constant 64 : index
        %get3A_863 = tpu.vector_load %arg11[%get3A_861, %get3A_862] {strides = array<i32>} : memref<128x128xf32, #tpu.memory_space<vmem>>, vector<16xf32>,
        %mul3A_864 = arith.mulf %get3A_863, %gather3A_832 : vector<16xf32>
        %swap3A_865 = arith.index_cast %add3A_830 : i32 to index
        %swap3A_866 = arith.constant 64 : index
        %swap3A_867 = tpu.vector_load %arg11[%swap3A_865, %swap3A_866] {strides = array<i32>} : memref<128x128xf32, #tpu.memory_space<vmem>>, vector<16xf32>,
        tpu.vector_store %arg11[%swap3A_865, %swap3A_866], %mul3A_864 {strides = array<i32>} : memref<128x128xf32, #tpu.memory_space<vmem>>, vector<16xf32>,
        %get3A_868 = arith.index_cast %add3A_830 : i32 to index
        %get3A_869 = arith.constant 80 : index
        %get3A_870 = tpu.vector_load %arg11[%get3A_868, %get3A_869] {strides = array<i32>} : memref<128x128xf32, #tpu.memory_space<vmem>>, vector<16xf32>,
        %mul3A_871 = arith.mulf %get3A_870, %gather3A_832 : vector<16xf32>
        %swap3A_872 = arith.index_cast %add3A_830 : i32 to index
        %swap3A_873 = arith.constant 80 : index
        %swap3A_874 = tpu.vector_load %arg11[%swap3A_872, %swap3A_873] {strides = array<i32>} : memref<128x128xf32, #tpu.memory_space<vmem>>, vector<16xf32>,
        tpu.vector_store %arg11[%swap3A_872, %swap3A_873], %mul3A_871 {strides = array<i32>} : memref<128x128xf32, #tpu.memory_space<vmem>>, vector<16xf32>,
        %get3A_875 = arith.index_cast %add3A_830 : i32 to index
        %get3A_876 = arith.constant 96 : index
        %get3A_877 = tpu.vector_load %arg11[%get3A_875, %get3A_876] {strides = array<i32>} : memref<128x128xf32, #tpu.memory_space<vmem>>, vector<16xf32>,
        %mul3A_878 = arith.mulf %get3A_877, %gather3A_832 : vector<16xf32>
        %swap3A_879 = arith.index_cast %add3A_830 : i32 to index
        %swap3A_880 = arith.constant 96 : index
        %swap3A_881 = tpu.vector_load %arg11[%swap3A_879, %swap3A_880] {strides = array<i32>} : memref<128x128xf32, #tpu.memory_space<vmem>>, vector<16xf32>,
        tpu.vector_store %arg11[%swap3A_879, %swap3A_880], %mul3A_878 {strides = array<i32>} : memref<128x128xf32, #tpu.memory_space<vmem>>, vector<16xf32>,
        %get3A_882 = arith.index_cast %add3A_830 : i32 to index
        %get3A_883 = arith.constant 112 : index
        %get3A_884 = tpu.vector_load %arg11[%get3A_882, %get3A_883] {strides = array<i32>} : memref<128x128xf32, #tpu.memory_space<vmem>>, vector<16xf32>,
        %mul3A_885 = arith.mulf %get3A_884, %gather3A_832 : vector<16xf32>
        %swap3A_886 = arith.index_cast %add3A_830 : i32 to index
        %swap3A_887 = arith.constant 112 : index
        %swap3A_888 = tpu.vector_load %arg11[%swap3A_886, %swap3A_887] {strides = array<i32>} : memref<128x128xf32, #tpu.memory_space<vmem>>, vector<16xf32>,
        tpu.vector_store %arg11[%swap3A_886, %swap3A_887], %mul3A_885 {strides = array<i32>} : memref<128x128xf32, #tpu.memory_space<vmem>>, vector<16xf32>,
        %mul3A_889 = arith.constant 16 : i32
        %mul3A_890 = arith.muli %scan3A_200, %mul3A_889 : i32
        %add3A_891 = arith.constant 11 : i32
        %add3A_892 = arith.addi %mul3A_890, %add3A_891 : i32
        %broadcast_in_dim3A_893 = vector.broadcast %add3A_892 : i32 to vector<16xi32>
        %gather3A_894 = tpu.vector_load_idx %arg10[%broadcast_in_dim3A_893] : memref<128xf32, #tpu.memory_space<vmem>>[vector<16xi32>], vector<16xf32>,
        %get3A_895 = arith.index_cast %add3A_892 : i32 to index
        %get3A_896 = arith.constant 0 : index
        %get3A_897 = tpu.vector_load %arg11[%get3A_895, %get3A_896] {strides = array<i32>} : memref<128x128xf32, #tpu.memory_space<vmem>>, vector<16xf32>,
        %mul3A_898 = arith.mulf %get3A_897, %gather3A_894 : vector<16xf32>
        %swap3A_899 = arith.index_cast %add3A_892 : i32 to index
        %swap3A_900 = arith.constant 0 : index
        %swap3A_901 = tpu.vector_load %arg11[%swap3A_899, %swap3A_900] {strides = array<i32>} : memref<128x128xf32, #tpu.memory_space<vmem>>, vector<16xf32>,
        tpu.vector_store %arg11[%swap3A_899, %swap3A_900], %mul3A_898 {strides = array<i32>} : memref<128x128xf32, #tpu.memory_space<vmem>>, vector<16xf32>,
        %get3A_902 = arith.index_cast %add3A_892 : i32 to index
        %get3A_903 = arith.constant 16 : index
        %get3A_904 = tpu.vector_load %arg11[%get3A_902, %get3A_903] {strides = array<i32>} : memref<128x128xf32, #tpu.memory_space<vmem>>, vector<16xf32>,
        %mul3A_905 = arith.mulf %get3A_904, %gather3A_894 : vector<16xf32>
        %swap3A_906 = arith.index_cast %add3A_892 : i32 to index
        %swap3A_907 = arith.constant 16 : index
        %swap3A_908 = tpu.vector_load %arg11[%swap3A_906, %swap3A_907] {strides = array<i32>} : memref<128x128xf32, #tpu.memory_space<vmem>>, vector<16xf32>,
        tpu.vector_store %arg11[%swap3A_906, %swap3A_907], %mul3A_905 {strides = array<i32>} : memref<128x128xf32, #tpu.memory_space<vmem>>, vector<16xf32>,
        %get3A_909 = arith.index_cast %add3A_892 : i32 to index
        %get3A_910 = arith.constant 32 : index
        %get3A_911 = tpu.vector_load %arg11[%get3A_909, %get3A_910] {strides = array<i32>} : memref<128x128xf32, #tpu.memory_space<vmem>>, vector<16xf32>,
        %mul3A_912 = arith.mulf %get3A_911, %gather3A_894 : vector<16xf32>
        %swap3A_913 = arith.index_cast %add3A_892 : i32 to index
        %swap3A_914 = arith.constant 32 : index
        %swap3A_915 = tpu.vector_load %arg11[%swap3A_913, %swap3A_914] {strides = array<i32>} : memref<128x128xf32, #tpu.memory_space<vmem>>, vector<16xf32>,
        tpu.vector_store %arg11[%swap3A_913, %swap3A_914], %mul3A_912 {strides = array<i32>} : memref<128x128xf32, #tpu.memory_space<vmem>>, vector<16xf32>,
        %get3A_916 = arith.index_cast %add3A_892 : i32 to index
        %get3A_917 = arith.constant 48 : index
        %get3A_918 = tpu.vector_load %arg11[%get3A_916, %get3A_917] {strides = array<i32>} : memref<128x128xf32, #tpu.memory_space<vmem>>, vector<16xf32>,
        %mul3A_919 = arith.mulf %get3A_918, %gather3A_894 : vector<16xf32>
        %swap3A_920 = arith.index_cast %add3A_892 : i32 to index
        %swap3A_921 = arith.constant 48 : index
        %swap3A_922 = tpu.vector_load %arg11[%swap3A_920, %swap3A_921] {strides = array<i32>} : memref<128x128xf32, #tpu.memory_space<vmem>>, vector<16xf32>,
        tpu.vector_store %arg11[%swap3A_920, %swap3A_921], %mul3A_919 {strides = array<i32>} : memref<128x128xf32, #tpu.memory_space<vmem>>, vector<16xf32>,
        %get3A_923 = arith.index_cast %add3A_892 : i32 to index
        %get3A_924 = arith.constant 64 : index
        %get3A_925 = tpu.vector_load %arg11[%get3A_923, %get3A_924] {strides = array<i32>} : memref<128x128xf32, #tpu.memory_space<vmem>>, vector<16xf32>,
        %mul3A_926 = arith.mulf %get3A_925, %gather3A_894 : vector<16xf32>
        %swap3A_927 = arith.index_cast %add3A_892 : i32 to index
        %swap3A_928 = arith.constant 64 : index
        %swap3A_929 = tpu.vector_load %arg11[%swap3A_927, %swap3A_928] {strides = array<i32>} : memref<128x128xf32, #tpu.memory_space<vmem>>, vector<16xf32>,
        tpu.vector_store %arg11[%swap3A_927, %swap3A_928], %mul3A_926 {strides = array<i32>} : memref<128x128xf32, #tpu.memory_space<vmem>>, vector<16xf32>,
        %get3A_930 = arith.index_cast %add3A_892 : i32 to index
        %get3A_931 = arith.constant 80 : index
        %get3A_932 = tpu.vector_load %arg11[%get3A_930, %get3A_931] {strides = array<i32>} : memref<128x128xf32, #tpu.memory_space<vmem>>, vector<16xf32>,
        %mul3A_933 = arith.mulf %get3A_932, %gather3A_894 : vector<16xf32>
        %swap3A_934 = arith.index_cast %add3A_892 : i32 to index
        %swap3A_935 = arith.constant 80 : index
        %swap3A_936 = tpu.vector_load %arg11[%swap3A_934, %swap3A_935] {strides = array<i32>} : memref<128x128xf32, #tpu.memory_space<vmem>>, vector<16xf32>,
        tpu.vector_store %arg11[%swap3A_934, %swap3A_935], %mul3A_933 {strides = array<i32>} : memref<128x128xf32, #tpu.memory_space<vmem>>, vector<16xf32>,
        %get3A_937 = arith.index_cast %add3A_892 : i32 to index
        %get3A_938 = arith.constant 96 : index
        %get3A_939 = tpu.vector_load %arg11[%get3A_937, %get3A_938] {strides = array<i32>} : memref<128x128xf32, #tpu.memory_space<vmem>>, vector<16xf32>,
        %mul3A_940 = arith.mulf %get3A_939, %gather3A_894 : vector<16xf32>
        %swap3A_941 = arith.index_cast %add3A_892 : i32 to index
        %swap3A_942 = arith.constant 96 : index
        %swap3A_943 = tpu.vector_load %arg11[%swap3A_941, %swap3A_942] {strides = array<i32>} : memref<128x128xf32, #tpu.memory_space<vmem>>, vector<16xf32>,
        tpu.vector_store %arg11[%swap3A_941, %swap3A_942], %mul3A_940 {strides = array<i32>} : memref<128x128xf32, #tpu.memory_space<vmem>>, vector<16xf32>,
        %get3A_944 = arith.index_cast %add3A_892 : i32 to index
        %get3A_945 = arith.constant 112 : index
        %get3A_946 = tpu.vector_load %arg11[%get3A_944, %get3A_945] {strides = array<i32>} : memref<128x128xf32, #tpu.memory_space<vmem>>, vector<16xf32>,
        %mul3A_947 = arith.mulf %get3A_946, %gather3A_894 : vector<16xf32>
        %swap3A_948 = arith.index_cast %add3A_892 : i32 to index
        %swap3A_949 = arith.constant 112 : index
        %swap3A_950 = tpu.vector_load %arg11[%swap3A_948, %swap3A_949] {strides = array<i32>} : memref<128x128xf32, #tpu.memory_space<vmem>>, vector<16xf32>,
        tpu.vector_store %arg11[%swap3A_948, %swap3A_949], %mul3A_947 {strides = array<i32>} : memref<128x128xf32, #tpu.memory_space<vmem>>, vector<16xf32>,
        %mul3A_951 = arith.constant 16 : i32
        %mul3A_952 = arith.muli %scan3A_200, %mul3A_951 : i32
        %add3A_953 = arith.constant 12 : i32
        %add3A_954 = arith.addi %mul3A_952, %add3A_953 : i32
        %broadcast_in_dim3A_955 = vector.broadcast %add3A_954 : i32 to vector<16xi32>
        %gather3A_956 = tpu.vector_load_idx %arg10[%broadcast_in_dim3A_955] : memref<128xf32, #tpu.memory_space<vmem>>[vector<16xi32>], vector<16xf32>,
        %get3A_957 = arith.index_cast %add3A_954 : i32 to index
        %get3A_958 = arith.constant 0 : index
        %get3A_959 = tpu.vector_load %arg11[%get3A_957, %get3A_958] {strides = array<i32>} : memref<128x128xf32, #tpu.memory_space<vmem>>, vector<16xf32>,
        %mul3A_960 = arith.mulf %get3A_959, %gather3A_956 : vector<16xf32>
        %swap3A_961 = arith.index_cast %add3A_954 : i32 to index
        %swap3A_962 = arith.constant 0 : index
        %swap3A_963 = tpu.vector_load %arg11[%swap3A_961, %swap3A_962] {strides = array<i32>} : memref<128x128xf32, #tpu.memory_space<vmem>>, vector<16xf32>,
        tpu.vector_store %arg11[%swap3A_961, %swap3A_962], %mul3A_960 {strides = array<i32>} : memref<128x128xf32, #tpu.memory_space<vmem>>, vector<16xf32>,
        %get3A_964 = arith.index_cast %add3A_954 : i32 to index
        %get3A_965 = arith.constant 16 : index
        %get3A_966 = tpu.vector_load %arg11[%get3A_964, %get3A_965] {strides = array<i32>} : memref<128x128xf32, #tpu.memory_space<vmem>>, vector<16xf32>,
        %mul3A_967 = arith.mulf %get3A_966, %gather3A_956 : vector<16xf32>
        %swap3A_968 = arith.index_cast %add3A_954 : i32 to index
        %swap3A_969 = arith.constant 16 : index
        %swap3A_970 = tpu.vector_load %arg11[%swap3A_968, %swap3A_969] {strides = array<i32>} : memref<128x128xf32, #tpu.memory_space<vmem>>, vector<16xf32>,
        tpu.vector_store %arg11[%swap3A_968, %swap3A_969], %mul3A_967 {strides = array<i32>} : memref<128x128xf32, #tpu.memory_space<vmem>>, vector<16xf32>,
        %get3A_971 = arith.index_cast %add3A_954 : i32 to index
        %get3A_972 = arith.constant 32 : index
        %get3A_973 = tpu.vector_load %arg11[%get3A_971, %get3A_972] {strides = array<i32>} : memref<128x128xf32, #tpu.memory_space<vmem>>, vector<16xf32>,
        %mul3A_974 = arith.mulf %get3A_973, %gather3A_956 : vector<16xf32>
        %swap3A_975 = arith.index_cast %add3A_954 : i32 to index
        %swap3A_976 = arith.constant 32 : index
        %swap3A_977 = tpu.vector_load %arg11[%swap3A_975, %swap3A_976] {strides = array<i32>} : memref<128x128xf32, #tpu.memory_space<vmem>>, vector<16xf32>,
        tpu.vector_store %arg11[%swap3A_975, %swap3A_976], %mul3A_974 {strides = array<i32>} : memref<128x128xf32, #tpu.memory_space<vmem>>, vector<16xf32>,
        %get3A_978 = arith.index_cast %add3A_954 : i32 to index
        %get3A_979 = arith.constant 48 : index
        %get3A_980 = tpu.vector_load %arg11[%get3A_978, %get3A_979] {strides = array<i32>} : memref<128x128xf32, #tpu.memory_space<vmem>>, vector<16xf32>,
        %mul3A_981 = arith.mulf %get3A_980, %gather3A_956 : vector<16xf32>
        %swap3A_982 = arith.index_cast %add3A_954 : i32 to index
        %swap3A_983 = arith.constant 48 : index
        %swap3A_984 = tpu.vector_load %arg11[%swap3A_982, %swap3A_983] {strides = array<i32>} : memref<128x128xf32, #tpu.memory_space<vmem>>, vector<16xf32>,
        tpu.vector_store %arg11[%swap3A_982, %swap3A_983], %mul3A_981 {strides = array<i32>} : memref<128x128xf32, #tpu.memory_space<vmem>>, vector<16xf32>,
        %get3A_985 = arith.index_cast %add3A_954 : i32 to index
        %get3A_986 = arith.constant 64 : index
        %get3A_987 = tpu.vector_load %arg11[%get3A_985, %get3A_986] {strides = array<i32>} : memref<128x128xf32, #tpu.memory_space<vmem>>, vector<16xf32>,
        %mul3A_988 = arith.mulf %get3A_987, %gather3A_956 : vector<16xf32>
        %swap3A_989 = arith.index_cast %add3A_954 : i32 to index
        %swap3A_990 = arith.constant 64 : index
        %swap3A_991 = tpu.vector_load %arg11[%swap3A_989, %swap3A_990] {strides = array<i32>} : memref<128x128xf32, #tpu.memory_space<vmem>>, vector<16xf32>,
        tpu.vector_store %arg11[%swap3A_989, %swap3A_990], %mul3A_988 {strides = array<i32>} : memref<128x128xf32, #tpu.memory_space<vmem>>, vector<16xf32>,
        %get3A_992 = arith.index_cast %add3A_954 : i32 to index
        %get3A_993 = arith.constant 80 : index
        %get3A_994 = tpu.vector_load %arg11[%get3A_992, %get3A_993] {strides = array<i32>} : memref<128x128xf32, #tpu.memory_space<vmem>>, vector<16xf32>,
        %mul3A_995 = arith.mulf %get3A_994, %gather3A_956 : vector<16xf32>
        %swap3A_996 = arith.index_cast %add3A_954 : i32 to index
        %swap3A_997 = arith.constant 80 : index
        %swap3A_998 = tpu.vector_load %arg11[%swap3A_996, %swap3A_997] {strides = array<i32>} : memref<128x128xf32, #tpu.memory_space<vmem>>, vector<16xf32>,
        tpu.vector_store %arg11[%swap3A_996, %swap3A_997], %mul3A_995 {strides = array<i32>} : memref<128x128xf32, #tpu.memory_space<vmem>>, vector<16xf32>,
        %get3A_999 = arith.index_cast %add3A_954 : i32 to index
        %get3A_1000 = arith.constant 96 : index
        %get3A_1001 = tpu.vector_load %arg11[%get3A_999, %get3A_1000] {strides = array<i32>} : memref<128x128xf32, #tpu.memory_space<vmem>>, vector<16xf32>,
        %mul3A_1002 = arith.mulf %get3A_1001, %gather3A_956 : vector<16xf32>
        %swap3A_1003 = arith.index_cast %add3A_954 : i32 to index
        %swap3A_1004 = arith.constant 96 : index
        %swap3A_1005 = tpu.vector_load %arg11[%swap3A_1003, %swap3A_1004] {strides = array<i32>} : memref<128x128xf32, #tpu.memory_space<vmem>>, vector<16xf32>,
        tpu.vector_store %arg11[%swap3A_1003, %swap3A_1004], %mul3A_1002 {strides = array<i32>} : memref<128x128xf32, #tpu.memory_space<vmem>>, vector<16xf32>,
        %get3A_1006 = arith.index_cast %add3A_954 : i32 to index
        %get3A_1007 = arith.constant 112 : index
        %get3A_1008 = tpu.vector_load %arg11[%get3A_1006, %get3A_1007] {strides = array<i32>} : memref<128x128xf32, #tpu.memory_space<vmem>>, vector<16xf32>,
        %mul3A_1009 = arith.mulf %get3A_1008, %gather3A_956 : vector<16xf32>
        %swap3A_1010 = arith.index_cast %add3A_954 : i32 to index
        %swap3A_1011 = arith.constant 112 : index
        %swap3A_1012 = tpu.vector_load %arg11[%swap3A_1010, %swap3A_1011] {strides = array<i32>} : memref<128x128xf32, #tpu.memory_space<vmem>>, vector<16xf32>,
        tpu.vector_store %arg11[%swap3A_1010, %swap3A_1011], %mul3A_1009 {strides = array<i32>} : memref<128x128xf32, #tpu.memory_space<vmem>>, vector<16xf32>,
        %mul3A_1013 = arith.constant 16 : i32
        %mul3A_1014 = arith.muli %scan3A_200, %mul3A_1013 : i32
        %add3A_1015 = arith.constant 13 : i32
        %add3A_1016 = arith.addi %mul3A_1014, %add3A_1015 : i32
        %broadcast_in_dim3A_1017 = vector.broadcast %add3A_1016 : i32 to vector<16xi32>
        %gather3A_1018 = tpu.vector_load_idx %arg10[%broadcast_in_dim3A_1017] : memref<128xf32, #tpu.memory_space<vmem>>[vector<16xi32>], vector<16xf32>,
        %get3A_1019 = arith.index_cast %add3A_1016 : i32 to index
        %get3A_1020 = arith.constant 0 : index
        %get3A_1021 = tpu.vector_load %arg11[%get3A_1019, %get3A_1020] {strides = array<i32>} : memref<128x128xf32, #tpu.memory_space<vmem>>, vector<16xf32>,
        %mul3A_1022 = arith.mulf %get3A_1021, %gather3A_1018 : vector<16xf32>
        %swap3A_1023 = arith.index_cast %add3A_1016 : i32 to index
        %swap3A_1024 = arith.constant 0 : index
        %swap3A_1025 = tpu.vector_load %arg11[%swap3A_1023, %swap3A_1024] {strides = array<i32>} : memref<128x128xf32, #tpu.memory_space<vmem>>, vector<16xf32>,
        tpu.vector_store %arg11[%swap3A_1023, %swap3A_1024], %mul3A_1022 {strides = array<i32>} : memref<128x128xf32, #tpu.memory_space<vmem>>, vector<16xf32>,
        %get3A_1026 = arith.index_cast %add3A_1016 : i32 to index
        %get3A_1027 = arith.constant 16 : index
        %get3A_1028 = tpu.vector_load %arg11[%get3A_1026, %get3A_1027] {strides = array<i32>} : memref<128x128xf32, #tpu.memory_space<vmem>>, vector<16xf32>,
        %mul3A_1029 = arith.mulf %get3A_1028, %gather3A_1018 : vector<16xf32>
        %swap3A_1030 = arith.index_cast %add3A_1016 : i32 to index
        %swap3A_1031 = arith.constant 16 : index
        %swap3A_1032 = tpu.vector_load %arg11[%swap3A_1030, %swap3A_1031] {strides = array<i32>} : memref<128x128xf32, #tpu.memory_space<vmem>>, vector<16xf32>,
        tpu.vector_store %arg11[%swap3A_1030, %swap3A_1031], %mul3A_1029 {strides = array<i32>} : memref<128x128xf32, #tpu.memory_space<vmem>>, vector<16xf32>,
        %get3A_1033 = arith.index_cast %add3A_1016 : i32 to index
        %get3A_1034 = arith.constant 32 : index
        %get3A_1035 = tpu.vector_load %arg11[%get3A_1033, %get3A_1034] {strides = array<i32>} : memref<128x128xf32, #tpu.memory_space<vmem>>, vector<16xf32>,
        %mul3A_1036 = arith.mulf %get3A_1035, %gather3A_1018 : vector<16xf32>
        %swap3A_1037 = arith.index_cast %add3A_1016 : i32 to index
        %swap3A_1038 = arith.constant 32 : index
        %swap3A_1039 = tpu.vector_load %arg11[%swap3A_1037, %swap3A_1038] {strides = array<i32>} : memref<128x128xf32, #tpu.memory_space<vmem>>, vector<16xf32>,
        tpu.vector_store %arg11[%swap3A_1037, %swap3A_1038], %mul3A_1036 {strides = array<i32>} : memref<128x128xf32, #tpu.memory_space<vmem>>, vector<16xf32>,
        %get3A_1040 = arith.index_cast %add3A_1016 : i32 to index
        %get3A_1041 = arith.constant 48 : index
        %get3A_1042 = tpu.vector_load %arg11[%get3A_1040, %get3A_1041] {strides = array<i32>} : memref<128x128xf32, #tpu.memory_space<vmem>>, vector<16xf32>,
        %mul3A_1043 = arith.mulf %get3A_1042, %gather3A_1018 : vector<16xf32>
        %swap3A_1044 = arith.index_cast %add3A_1016 : i32 to index
        %swap3A_1045 = arith.constant 48 : index
        %swap3A_1046 = tpu.vector_load %arg11[%swap3A_1044, %swap3A_1045] {strides = array<i32>} : memref<128x128xf32, #tpu.memory_space<vmem>>, vector<16xf32>,
        tpu.vector_store %arg11[%swap3A_1044, %swap3A_1045], %mul3A_1043 {strides = array<i32>} : memref<128x128xf32, #tpu.memory_space<vmem>>, vector<16xf32>,
        %get3A_1047 = arith.index_cast %add3A_1016 : i32 to index
        %get3A_1048 = arith.constant 64 : index
        %get3A_1049 = tpu.vector_load %arg11[%get3A_1047, %get3A_1048] {strides = array<i32>} : memref<128x128xf32, #tpu.memory_space<vmem>>, vector<16xf32>,
        %mul3A_1050 = arith.mulf %get3A_1049, %gather3A_1018 : vector<16xf32>
        %swap3A_1051 = arith.index_cast %add3A_1016 : i32 to index
        %swap3A_1052 = arith.constant 64 : index
        %swap3A_1053 = tpu.vector_load %arg11[%swap3A_1051, %swap3A_1052] {strides = array<i32>} : memref<128x128xf32, #tpu.memory_space<vmem>>, vector<16xf32>,
        tpu.vector_store %arg11[%swap3A_1051, %swap3A_1052], %mul3A_1050 {strides = array<i32>} : memref<128x128xf32, #tpu.memory_space<vmem>>, vector<16xf32>,
        %get3A_1054 = arith.index_cast %add3A_1016 : i32 to index
        %get3A_1055 = arith.constant 80 : index
        %get3A_1056 = tpu.vector_load %arg11[%get3A_1054, %get3A_1055] {strides = array<i32>} : memref<128x128xf32, #tpu.memory_space<vmem>>, vector<16xf32>,
        %mul3A_1057 = arith.mulf %get3A_1056, %gather3A_1018 : vector<16xf32>
        %swap3A_1058 = arith.index_cast %add3A_1016 : i32 to index
        %swap3A_1059 = arith.constant 80 : index
        %swap3A_1060 = tpu.vector_load %arg11[%swap3A_1058, %swap3A_1059] {strides = array<i32>} : memref<128x128xf32, #tpu.memory_space<vmem>>, vector<16xf32>,
        tpu.vector_store %arg11[%swap3A_1058, %swap3A_1059], %mul3A_1057 {strides = array<i32>} : memref<128x128xf32, #tpu.memory_space<vmem>>, vector<16xf32>,
        %get3A_1061 = arith.index_cast %add3A_1016 : i32 to index
        %get3A_1062 = arith.constant 96 : index
        %get3A_1063 = tpu.vector_load %arg11[%get3A_1061, %get3A_1062] {strides = array<i32>} : memref<128x128xf32, #tpu.memory_space<vmem>>, vector<16xf32>,
        %mul3A_1064 = arith.mulf %get3A_1063, %gather3A_1018 : vector<16xf32>
        %swap3A_1065 = arith.index_cast %add3A_1016 : i32 to index
        %swap3A_1066 = arith.constant 96 : index
        %swap3A_1067 = tpu.vector_load %arg11[%swap3A_1065, %swap3A_1066] {strides = array<i32>} : memref<128x128xf32, #tpu.memory_space<vmem>>, vector<16xf32>,
        tpu.vector_store %arg11[%swap3A_1065, %swap3A_1066], %mul3A_1064 {strides = array<i32>} : memref<128x128xf32, #tpu.memory_space<vmem>>, vector<16xf32>,
        %get3A_1068 = arith.index_cast %add3A_1016 : i32 to index
        %get3A_1069 = arith.constant 112 : index
        %get3A_1070 = tpu.vector_load %arg11[%get3A_1068, %get3A_1069] {strides = array<i32>} : memref<128x128xf32, #tpu.memory_space<vmem>>, vector<16xf32>,
        %mul3A_1071 = arith.mulf %get3A_1070, %gather3A_1018 : vector<16xf32>
        %swap3A_1072 = arith.index_cast %add3A_1016 : i32 to index
        %swap3A_1073 = arith.constant 112 : index
        %swap3A_1074 = tpu.vector_load %arg11[%swap3A_1072, %swap3A_1073] {strides = array<i32>} : memref<128x128xf32, #tpu.memory_space<vmem>>, vector<16xf32>,
        tpu.vector_store %arg11[%swap3A_1072, %swap3A_1073], %mul3A_1071 {strides = array<i32>} : memref<128x128xf32, #tpu.memory_space<vmem>>, vector<16xf32>,
        %mul3A_1075 = arith.constant 16 : i32
        %mul3A_1076 = arith.muli %scan3A_200, %mul3A_1075 : i32
        %add3A_1077 = arith.constant 14 : i32
        %add3A_1078 = arith.addi %mul3A_1076, %add3A_1077 : i32
        %broadcast_in_dim3A_1079 = vector.broadcast %add3A_1078 : i32 to vector<16xi32>
        %gather3A_1080 = tpu.vector_load_idx %arg10[%broadcast_in_dim3A_1079] : memref<128xf32, #tpu.memory_space<vmem>>[vector<16xi32>], vector<16xf32>,
        %get3A_1081 = arith.index_cast %add3A_1078 : i32 to index
        %get3A_1082 = arith.constant 0 : index
        %get3A_1083 = tpu.vector_load %arg11[%get3A_1081, %get3A_1082] {strides = array<i32>} : memref<128x128xf32, #tpu.memory_space<vmem>>, vector<16xf32>,
        %mul3A_1084 = arith.mulf %get3A_1083, %gather3A_1080 : vector<16xf32>
        %swap3A_1085 = arith.index_cast %add3A_1078 : i32 to index
        %swap3A_1086 = arith.constant 0 : index
        %swap3A_1087 = tpu.vector_load %arg11[%swap3A_1085, %swap3A_1086] {strides = array<i32>} : memref<128x128xf32, #tpu.memory_space<vmem>>, vector<16xf32>,
        tpu.vector_store %arg11[%swap3A_1085, %swap3A_1086], %mul3A_1084 {strides = array<i32>} : memref<128x128xf32, #tpu.memory_space<vmem>>, vector<16xf32>,
        %get3A_1088 = arith.index_cast %add3A_1078 : i32 to index
        %get3A_1089 = arith.constant 16 : index
        %get3A_1090 = tpu.vector_load %arg11[%get3A_1088, %get3A_1089] {strides = array<i32>} : memref<128x128xf32, #tpu.memory_space<vmem>>, vector<16xf32>,
        %mul3A_1091 = arith.mulf %get3A_1090, %gather3A_1080 : vector<16xf32>
        %swap3A_1092 = arith.index_cast %add3A_1078 : i32 to index
        %swap3A_1093 = arith.constant 16 : index
        %swap3A_1094 = tpu.vector_load %arg11[%swap3A_1092, %swap3A_1093] {strides = array<i32>} : memref<128x128xf32, #tpu.memory_space<vmem>>, vector<16xf32>,
        tpu.vector_store %arg11[%swap3A_1092, %swap3A_1093], %mul3A_1091 {strides = array<i32>} : memref<128x128xf32, #tpu.memory_space<vmem>>, vector<16xf32>,
        %get3A_1095 = arith.index_cast %add3A_1078 : i32 to index
        %get3A_1096 = arith.constant 32 : index
        %get3A_1097 = tpu.vector_load %arg11[%get3A_1095, %get3A_1096] {strides = array<i32>} : memref<128x128xf32, #tpu.memory_space<vmem>>, vector<16xf32>,
        %mul3A_1098 = arith.mulf %get3A_1097, %gather3A_1080 : vector<16xf32>
        %swap3A_1099 = arith.index_cast %add3A_1078 : i32 to index
        %swap3A_1100 = arith.constant 32 : index
        %swap3A_1101 = tpu.vector_load %arg11[%swap3A_1099, %swap3A_1100] {strides = array<i32>} : memref<128x128xf32, #tpu.memory_space<vmem>>, vector<16xf32>,
        tpu.vector_store %arg11[%swap3A_1099, %swap3A_1100], %mul3A_1098 {strides = array<i32>} : memref<128x128xf32, #tpu.memory_space<vmem>>, vector<16xf32>,
        %get3A_1102 = arith.index_cast %add3A_1078 : i32 to index
        %get3A_1103 = arith.constant 48 : index
        %get3A_1104 = tpu.vector_load %arg11[%get3A_1102, %get3A_1103] {strides = array<i32>} : memref<128x128xf32, #tpu.memory_space<vmem>>, vector<16xf32>,
        %mul3A_1105 = arith.mulf %get3A_1104, %gather3A_1080 : vector<16xf32>
        %swap3A_1106 = arith.index_cast %add3A_1078 : i32 to index
        %swap3A_1107 = arith.constant 48 : index
        %swap3A_1108 = tpu.vector_load %arg11[%swap3A_1106, %swap3A_1107] {strides = array<i32>} : memref<128x128xf32, #tpu.memory_space<vmem>>, vector<16xf32>,
        tpu.vector_store %arg11[%swap3A_1106, %swap3A_1107], %mul3A_1105 {strides = array<i32>} : memref<128x128xf32, #tpu.memory_space<vmem>>, vector<16xf32>,
        %get3A_1109 = arith.index_cast %add3A_1078 : i32 to index
        %get3A_1110 = arith.constant 64 : index
        %get3A_1111 = tpu.vector_load %arg11[%get3A_1109, %get3A_1110] {strides = array<i32>} : memref<128x128xf32, #tpu.memory_space<vmem>>, vector<16xf32>,
        %mul3A_1112 = arith.mulf %get3A_1111, %gather3A_1080 : vector<16xf32>
        %swap3A_1113 = arith.index_cast %add3A_1078 : i32 to index
        %swap3A_1114 = arith.constant 64 : index
        %swap3A_1115 = tpu.vector_load %arg11[%swap3A_1113, %swap3A_1114] {strides = array<i32>} : memref<128x128xf32, #tpu.memory_space<vmem>>, vector<16xf32>,
        tpu.vector_store %arg11[%swap3A_1113, %swap3A_1114], %mul3A_1112 {strides = array<i32>} : memref<128x128xf32, #tpu.memory_space<vmem>>, vector<16xf32>,
        %get3A_1116 = arith.index_cast %add3A_1078 : i32 to index
        %get3A_1117 = arith.constant 80 : index
        %get3A_1118 = tpu.vector_load %arg11[%get3A_1116, %get3A_1117] {strides = array<i32>} : memref<128x128xf32, #tpu.memory_space<vmem>>, vector<16xf32>,
        %mul3A_1119 = arith.mulf %get3A_1118, %gather3A_1080 : vector<16xf32>
        %swap3A_1120 = arith.index_cast %add3A_1078 : i32 to index
        %swap3A_1121 = arith.constant 80 : index
        %swap3A_1122 = tpu.vector_load %arg11[%swap3A_1120, %swap3A_1121] {strides = array<i32>} : memref<128x128xf32, #tpu.memory_space<vmem>>, vector<16xf32>,
        tpu.vector_store %arg11[%swap3A_1120, %swap3A_1121], %mul3A_1119 {strides = array<i32>} : memref<128x128xf32, #tpu.memory_space<vmem>>, vector<16xf32>,
        %get3A_1123 = arith.index_cast %add3A_1078 : i32 to index
        %get3A_1124 = arith.constant 96 : index
        %get3A_1125 = tpu.vector_load %arg11[%get3A_1123, %get3A_1124] {strides = array<i32>} : memref<128x128xf32, #tpu.memory_space<vmem>>, vector<16xf32>,
        %mul3A_1126 = arith.mulf %get3A_1125, %gather3A_1080 : vector<16xf32>
        %swap3A_1127 = arith.index_cast %add3A_1078 : i32 to index
        %swap3A_1128 = arith.constant 96 : index
        %swap3A_1129 = tpu.vector_load %arg11[%swap3A_1127, %swap3A_1128] {strides = array<i32>} : memref<128x128xf32, #tpu.memory_space<vmem>>, vector<16xf32>,
        tpu.vector_store %arg11[%swap3A_1127, %swap3A_1128], %mul3A_1126 {strides = array<i32>} : memref<128x128xf32, #tpu.memory_space<vmem>>, vector<16xf32>,
        %get3A_1130 = arith.index_cast %add3A_1078 : i32 to index
        %get3A_1131 = arith.constant 112 : index
        %get3A_1132 = tpu.vector_load %arg11[%get3A_1130, %get3A_1131] {strides = array<i32>} : memref<128x128xf32, #tpu.memory_space<vmem>>, vector<16xf32>,
        %mul3A_1133 = arith.mulf %get3A_1132, %gather3A_1080 : vector<16xf32>
        %swap3A_1134 = arith.index_cast %add3A_1078 : i32 to index
        %swap3A_1135 = arith.constant 112 : index
        %swap3A_1136 = tpu.vector_load %arg11[%swap3A_1134, %swap3A_1135] {strides = array<i32>} : memref<128x128xf32, #tpu.memory_space<vmem>>, vector<16xf32>,
        tpu.vector_store %arg11[%swap3A_1134, %swap3A_1135], %mul3A_1133 {strides = array<i32>} : memref<128x128xf32, #tpu.memory_space<vmem>>, vector<16xf32>,
        %mul3A_1137 = arith.constant 16 : i32
        %mul3A_1138 = arith.muli %scan3A_200, %mul3A_1137 : i32
        %add3A_1139 = arith.constant 15 : i32
        %add3A_1140 = arith.addi %mul3A_1138, %add3A_1139 : i32
        %broadcast_in_dim3A_1141 = vector.broadcast %add3A_1140 : i32 to vector<16xi32>
        %gather3A_1142 = tpu.vector_load_idx %arg10[%broadcast_in_dim3A_1141] : memref<128xf32, #tpu.memory_space<vmem>>[vector<16xi32>], vector<16xf32>,
        %get3A_1143 = arith.index_cast %add3A_1140 : i32 to index
        %get3A_1144 = arith.constant 0 : index
        %get3A_1145 = tpu.vector_load %arg11[%get3A_1143, %get3A_1144] {strides = array<i32>} : memref<128x128xf32, #tpu.memory_space<vmem>>, vector<16xf32>,
        %mul3A_1146 = arith.mulf %get3A_1145, %gather3A_1142 : vector<16xf32>
        %swap3A_1147 = arith.index_cast %add3A_1140 : i32 to index
        %swap3A_1148 = arith.constant 0 : index
        %swap3A_1149 = tpu.vector_load %arg11[%swap3A_1147, %swap3A_1148] {strides = array<i32>} : memref<128x128xf32, #tpu.memory_space<vmem>>, vector<16xf32>,
        tpu.vector_store %arg11[%swap3A_1147, %swap3A_1148], %mul3A_1146 {strides = array<i32>} : memref<128x128xf32, #tpu.memory_space<vmem>>, vector<16xf32>,
        %get3A_1150 = arith.index_cast %add3A_1140 : i32 to index
        %get3A_1151 = arith.constant 16 : index
        %get3A_1152 = tpu.vector_load %arg11[%get3A_1150, %get3A_1151] {strides = array<i32>} : memref<128x128xf32, #tpu.memory_space<vmem>>, vector<16xf32>,
        %mul3A_1153 = arith.mulf %get3A_1152, %gather3A_1142 : vector<16xf32>
        %swap3A_1154 = arith.index_cast %add3A_1140 : i32 to index
        %swap3A_1155 = arith.constant 16 : index
        %swap3A_1156 = tpu.vector_load %arg11[%swap3A_1154, %swap3A_1155] {strides = array<i32>} : memref<128x128xf32, #tpu.memory_space<vmem>>, vector<16xf32>,
        tpu.vector_store %arg11[%swap3A_1154, %swap3A_1155], %mul3A_1153 {strides = array<i32>} : memref<128x128xf32, #tpu.memory_space<vmem>>, vector<16xf32>,
        %get3A_1157 = arith.index_cast %add3A_1140 : i32 to index
        %get3A_1158 = arith.constant 32 : index
        %get3A_1159 = tpu.vector_load %arg11[%get3A_1157, %get3A_1158] {strides = array<i32>} : memref<128x128xf32, #tpu.memory_space<vmem>>, vector<16xf32>,
        %mul3A_1160 = arith.mulf %get3A_1159, %gather3A_1142 : vector<16xf32>
        %swap3A_1161 = arith.index_cast %add3A_1140 : i32 to index
        %swap3A_1162 = arith.constant 32 : index
        %swap3A_1163 = tpu.vector_load %arg11[%swap3A_1161, %swap3A_1162] {strides = array<i32>} : memref<128x128xf32, #tpu.memory_space<vmem>>, vector<16xf32>,
        tpu.vector_store %arg11[%swap3A_1161, %swap3A_1162], %mul3A_1160 {strides = array<i32>} : memref<128x128xf32, #tpu.memory_space<vmem>>, vector<16xf32>,
        %get3A_1164 = arith.index_cast %add3A_1140 : i32 to index
        %get3A_1165 = arith.constant 48 : index
        %get3A_1166 = tpu.vector_load %arg11[%get3A_1164, %get3A_1165] {strides = array<i32>} : memref<128x128xf32, #tpu.memory_space<vmem>>, vector<16xf32>,
        %mul3A_1167 = arith.mulf %get3A_1166, %gather3A_1142 : vector<16xf32>
        %swap3A_1168 = arith.index_cast %add3A_1140 : i32 to index
        %swap3A_1169 = arith.constant 48 : index
        %swap3A_1170 = tpu.vector_load %arg11[%swap3A_1168, %swap3A_1169] {strides = array<i32>} : memref<128x128xf32, #tpu.memory_space<vmem>>, vector<16xf32>,
        tpu.vector_store %arg11[%swap3A_1168, %swap3A_1169], %mul3A_1167 {strides = array<i32>} : memref<128x128xf32, #tpu.memory_space<vmem>>, vector<16xf32>,
        %get3A_1171 = arith.index_cast %add3A_1140 : i32 to index
        %get3A_1172 = arith.constant 64 : index
        %get3A_1173 = tpu.vector_load %arg11[%get3A_1171, %get3A_1172] {strides = array<i32>} : memref<128x128xf32, #tpu.memory_space<vmem>>, vector<16xf32>,
        %mul3A_1174 = arith.mulf %get3A_1173, %gather3A_1142 : vector<16xf32>
        %swap3A_1175 = arith.index_cast %add3A_1140 : i32 to index
        %swap3A_1176 = arith.constant 64 : index
        %swap3A_1177 = tpu.vector_load %arg11[%swap3A_1175, %swap3A_1176] {strides = array<i32>} : memref<128x128xf32, #tpu.memory_space<vmem>>, vector<16xf32>,
        tpu.vector_store %arg11[%swap3A_1175, %swap3A_1176], %mul3A_1174 {strides = array<i32>} : memref<128x128xf32, #tpu.memory_space<vmem>>, vector<16xf32>,
        %get3A_1178 = arith.index_cast %add3A_1140 : i32 to index
        %get3A_1179 = arith.constant 80 : index
        %get3A_1180 = tpu.vector_load %arg11[%get3A_1178, %get3A_1179] {strides = array<i32>} : memref<128x128xf32, #tpu.memory_space<vmem>>, vector<16xf32>,
        %mul3A_1181 = arith.mulf %get3A_1180, %gather3A_1142 : vector<16xf32>
        %swap3A_1182 = arith.index_cast %add3A_1140 : i32 to index
        %swap3A_1183 = arith.constant 80 : index
        %swap3A_1184 = tpu.vector_load %arg11[%swap3A_1182, %swap3A_1183] {strides = array<i32>} : memref<128x128xf32, #tpu.memory_space<vmem>>, vector<16xf32>,
        tpu.vector_store %arg11[%swap3A_1182, %swap3A_1183], %mul3A_1181 {strides = array<i32>} : memref<128x128xf32, #tpu.memory_space<vmem>>, vector<16xf32>,
        %get3A_1185 = arith.index_cast %add3A_1140 : i32 to index
        %get3A_1186 = arith.constant 96 : index
        %get3A_1187 = tpu.vector_load %arg11[%get3A_1185, %get3A_1186] {strides = array<i32>} : memref<128x128xf32, #tpu.memory_space<vmem>>, vector<16xf32>,
        %mul3A_1188 = arith.mulf %get3A_1187, %gather3A_1142 : vector<16xf32>
        %swap3A_1189 = arith.index_cast %add3A_1140 : i32 to index
        %swap3A_1190 = arith.constant 96 : index
        %swap3A_1191 = tpu.vector_load %arg11[%swap3A_1189, %swap3A_1190] {strides = array<i32>} : memref<128x128xf32, #tpu.memory_space<vmem>>, vector<16xf32>,
        tpu.vector_store %arg11[%swap3A_1189, %swap3A_1190], %mul3A_1188 {strides = array<i32>} : memref<128x128xf32, #tpu.memory_space<vmem>>, vector<16xf32>,
        %get3A_1192 = arith.index_cast %add3A_1140 : i32 to index
        %get3A_1193 = arith.constant 112 : index
        %get3A_1194 = tpu.vector_load %arg11[%get3A_1192, %get3A_1193] {strides = array<i32>} : memref<128x128xf32, #tpu.memory_space<vmem>>, vector<16xf32>,
        %mul3A_1195 = arith.mulf %get3A_1194, %gather3A_1142 : vector<16xf32>
        %swap3A_1196 = arith.index_cast %add3A_1140 : i32 to index
        %swap3A_1197 = arith.constant 112 : index
        %swap3A_1198 = tpu.vector_load %arg11[%swap3A_1196, %swap3A_1197] {strides = array<i32>} : memref<128x128xf32, #tpu.memory_space<vmem>>, vector<16xf32>,
        tpu.vector_store %arg11[%swap3A_1196, %swap3A_1197], %mul3A_1195 {strides = array<i32>} : memref<128x128xf32, #tpu.memory_space<vmem>>, vector<16xf32>,
        %scan3A_1199 = arith.constant 0 : i32
        scf.yield %scan3A_1199 : i32
      }
      %scan3A_198 = arith.constant 8 : i32
      "tpu.region"() ({
        %run_scoped3A = tpu.sem_alloc : memref<!tpu.dma_semaphore, #tpu.memory_space<semaphore_mem>>
        %dma_start3A_200 = arith.constant 0 : i32
        %dma_start3A_201 = arith.constant 0 : i32
        %dma_start3A_202 = tpu.memref_slice %arg13[%dma_start3A_200, %dma_start3A_201] : memref<10000x128xf32, #tpu.memory_space<vmem_shared>> -> memref<10000x128xf32, #tpu.memory_space<vmem_shared>>
        tpu.enqueue_indirect_dma source(%arg11 : memref<128x128xf32, #tpu.memory_space<vmem>>) target(%dma_start3A_202 : memref<10000x128xf32, #tpu.memory_space<vmem_shared>>) offsets(%arg9 : memref<128xi32, #tpu.memory_space<vmem>>) semaphore(%run_scoped3A : memref<!tpu.dma_semaphore, #tpu.memory_space<semaphore_mem>>) {add = true}
        %dma_wait3A_203 = arith.constant 0 : i32
        %dma_wait3A_204 = arith.constant 0 : i32
        %dma_wait3A_205 = tpu.memref_slice %arg13[%dma_wait3A_203, %dma_wait3A_204] : memref<10000x128xf32, #tpu.memory_space<vmem_shared>> -> memref<10000x128xf32, #tpu.memory_space<vmem_shared>>
        tpu.wait_indirect_dma semaphore(%run_scoped3A : memref<!tpu.dma_semaphore, #tpu.memory_space<semaphore_mem>>) src(%arg11 : memref<128x128xf32, #tpu.memory_space<vmem>>) dst(%dma_wait3A_205 : memref<10000x128xf32, #tpu.memory_space<vmem_shared>>)
        tpu.yield
      }) : () -> ()
      %while3A_199 = arith.constant 0 : i32
      scf.yield %while3A_199 : i32
    }
    %while3A_99 = arith.constant 1 : i32
    %while3A_100 = scf.for %while3A_180 = %while3A_96 to %while3A_92 step %while3A_99 iter_args(%while3A_181 = %while3A_98) -> (i32)  : i32 {
      %mul3A_182 = arith.constant 32 : i32
      %mul3A_183 = arith.muli %while3A_180, %mul3A_182 : i32
      %add3A_184 = arith.addi %add3A, %mul3A_183 : i32
      %mul3A_185 = arith.constant 128 : i32
      %mul3A_186 = arith.muli %add3A_184, %mul3A_185 : i32
      %multiple_of3A_187 = tpu.assume_multiple %mul3A_186, 128 : i32
      "tpu.region"() ({
        %run_scoped3A = tpu.sem_alloc : memref<!tpu.dma_semaphore, #tpu.memory_space<semaphore_mem>>
        %dma_start3A_200 = tpu.memref_slice %arg3[%multiple_of3A_187] : memref<320000xi32, #tpu.memory_space<hbm>> -> memref<128xi32, #tpu.memory_space<hbm>>
        %dma_start3A_201 = tpu.memref_slice %arg3[%multiple_of3A_187] : memref<320000xi32, #tpu.memory_space<hbm>> -> memref<128xi32, #tpu.memory_space<hbm>>
        tpu.enqueue_dma source(%dma_start3A_201 : memref<128xi32, #tpu.memory_space<hbm>>) target(%arg8 : memref<128xi32, #tpu.memory_space<vmem>>) target_semaphore(%run_scoped3A : memref<!tpu.dma_semaphore, #tpu.memory_space<semaphore_mem>>)
        %dma_wait3A_202 = tpu.memref_slice %arg3[%multiple_of3A_187] : memref<320000xi32, #tpu.memory_space<hbm>> -> memref<128xi32, #tpu.memory_space<hbm>>
        %dma_wait3A_203 = tpu.memref_slice %arg3[%multiple_of3A_187] : memref<320000xi32, #tpu.memory_space<hbm>> -> memref<128xi32, #tpu.memory_space<hbm>>
        tpu.wait_dma2 semaphore(%run_scoped3A : memref<!tpu.dma_semaphore, #tpu.memory_space<semaphore_mem>>) src(%dma_wait3A_203 : memref<128xi32, #tpu.memory_space<hbm>>) dst(%arg8 : memref<128xi32, #tpu.memory_space<vmem>>)
        tpu.yield
      }) : () -> ()
      "tpu.region"() ({
        %run_scoped3A = tpu.sem_alloc : memref<!tpu.dma_semaphore, #tpu.memory_space<semaphore_mem>>
        %dma_start3A_200 = tpu.memref_slice %arg4[%multiple_of3A_187] : memref<320000xi32, #tpu.memory_space<hbm>> -> memref<128xi32, #tpu.memory_space<hbm>>
        %dma_start3A_201 = tpu.memref_slice %arg4[%multiple_of3A_187] : memref<320000xi32, #tpu.memory_space<hbm>> -> memref<128xi32, #tpu.memory_space<hbm>>
        tpu.enqueue_dma source(%dma_start3A_201 : memref<128xi32, #tpu.memory_space<hbm>>) target(%arg9 : memref<128xi32, #tpu.memory_space<vmem>>) target_semaphore(%run_scoped3A : memref<!tpu.dma_semaphore, #tpu.memory_space<semaphore_mem>>)
        %dma_wait3A_202 = tpu.memref_slice %arg4[%multiple_of3A_187] : memref<320000xi32, #tpu.memory_space<hbm>> -> memref<128xi32, #tpu.memory_space<hbm>>
        %dma_wait3A_203 = tpu.memref_slice %arg4[%multiple_of3A_187] : memref<320000xi32, #tpu.memory_space<hbm>> -> memref<128xi32, #tpu.memory_space<hbm>>
        tpu.wait_dma2 semaphore(%run_scoped3A : memref<!tpu.dma_semaphore, #tpu.memory_space<semaphore_mem>>) src(%dma_wait3A_203 : memref<128xi32, #tpu.memory_space<hbm>>) dst(%arg9 : memref<128xi32, #tpu.memory_space<vmem>>)
        tpu.yield
      }) : () -> ()
      "tpu.region"() ({
        %run_scoped3A = tpu.sem_alloc : memref<!tpu.dma_semaphore, #tpu.memory_space<semaphore_mem>>
        %dma_start3A_200 = tpu.memref_slice %arg5[%multiple_of3A_187] : memref<320000xf32, #tpu.memory_space<hbm>> -> memref<128xf32, #tpu.memory_space<hbm>>
        %dma_start3A_201 = tpu.memref_slice %arg5[%multiple_of3A_187] : memref<320000xf32, #tpu.memory_space<hbm>> -> memref<128xf32, #tpu.memory_space<hbm>>
        tpu.enqueue_dma source(%dma_start3A_201 : memref<128xf32, #tpu.memory_space<hbm>>) target(%arg10 : memref<128xf32, #tpu.memory_space<vmem>>) target_semaphore(%run_scoped3A : memref<!tpu.dma_semaphore, #tpu.memory_space<semaphore_mem>>)
        %dma_wait3A_202 = tpu.memref_slice %arg5[%multiple_of3A_187] : memref<320000xf32, #tpu.memory_space<hbm>> -> memref<128xf32, #tpu.memory_space<hbm>>
        %dma_wait3A_203 = tpu.memref_slice %arg5[%multiple_of3A_187] : memref<320000xf32, #tpu.memory_space<hbm>> -> memref<128xf32, #tpu.memory_space<hbm>>
        tpu.wait_dma2 semaphore(%run_scoped3A : memref<!tpu.dma_semaphore, #tpu.memory_space<semaphore_mem>>) src(%dma_wait3A_203 : memref<128xf32, #tpu.memory_space<hbm>>) dst(%arg10 : memref<128xf32, #tpu.memory_space<vmem>>)
        tpu.yield
      }) : () -> ()
      %dma_start3A = arith.constant 0 : i32
      %dma_start3A_188 = arith.constant 0 : i32
      %dma_start3A_189 = tpu.memref_slice %arg2[%dma_start3A, %dma_start3A_188] : memref<10000x128xf32, #tpu.memory_space<hbm>> -> memref<10000x128xf32, #tpu.memory_space<hbm>>
      tpu.enqueue_indirect_dma source(%dma_start3A_189 : memref<10000x128xf32, #tpu.memory_space<hbm>>) target(%arg11 : memref<128x128xf32, #tpu.memory_space<vmem>>) offsets(%arg8 : memref<128xi32, #tpu.memory_space<vmem>>) semaphore(%arg14 : memref<!tpu.dma_semaphore, #tpu.memory_space<semaphore_mem>>)
      %dma_wait3A = arith.constant 0 : i32
      %dma_wait3A_190 = arith.constant 0 : i32
      %dma_wait3A_191 = tpu.memref_slice %arg2[%dma_wait3A, %dma_wait3A_190] : memref<10000x128xf32, #tpu.memory_space<hbm>> -> memref<10000x128xf32, #tpu.memory_space<hbm>>
      tpu.wait_indirect_dma semaphore(%arg14 : memref<!tpu.dma_semaphore, #tpu.memory_space<semaphore_mem>>) src(%dma_wait3A_191 : memref<10000x128xf32, #tpu.memory_space<hbm>>) dst(%arg11 : memref<128x128xf32, #tpu.memory_space<vmem>>)
      %scan3A_192 = arith.constant 0 : i32
      %scan3A_193 = arith.constant 0 : i32
      %scan3A_194 = arith.constant 8 : i32
      %scan3A_195 = arith.addi %scan3A_193, %scan3A_194 : i32
      %scan3A_196 = arith.constant 1 : i32
      %scan3A_197 = scf.for %scan3A_200 = %scan3A_193 to %scan3A_195 step %scan3A_196 iter_args(%scan3A_201 = %scan3A_192) -> (i32)  : i32 {
        %mul3A_202 = arith.constant 16 : i32
        %mul3A_203 = arith.muli %scan3A_200, %mul3A_202 : i32
        %get3A = arith.index_cast %mul3A_203 : i32 to index
        %get3A_204 = tpu.vector_load %arg8[%get3A] {strides = array<i32>} : memref<128xi32, #tpu.memory_space<vmem>>, vector<16xi32>,
        %mul3A_205 = arith.constant 16 : i32
        %mul3A_206 = arith.muli %scan3A_200, %mul3A_205 : i32
        %get3A_207 = arith.index_cast %mul3A_206 : i32 to index
        %get3A_208 = tpu.vector_load %arg10[%get3A_207] {strides = array<i32>} : memref<128xf32, #tpu.memory_space<vmem>>, vector<16xf32>,
        tpu.vector_store_idx %arg12[%get3A_204], %get3A_208 {add = true} : memref<10000xf32, #tpu.memory_space<vmem>>[vector<16xi32>], vector<16xf32>,
        %mul3A_209 = arith.constant 16 : i32
        %mul3A_210 = arith.muli %scan3A_200, %mul3A_209 : i32
        %add3A_211 = arith.constant 0 : i32
        %add3A_212 = arith.addi %mul3A_210, %add3A_211 : i32
        %broadcast_in_dim3A_213 = vector.broadcast %add3A_212 : i32 to vector<16xi32>
        %gather3A = tpu.vector_load_idx %arg10[%broadcast_in_dim3A_213] : memref<128xf32, #tpu.memory_space<vmem>>[vector<16xi32>], vector<16xf32>,
        %get3A_214 = arith.index_cast %add3A_212 : i32 to index
        %get3A_215 = arith.constant 0 : index
        %get3A_216 = tpu.vector_load %arg11[%get3A_214, %get3A_215] {strides = array<i32>} : memref<128x128xf32, #tpu.memory_space<vmem>>, vector<16xf32>,
        %mul3A_217 = arith.mulf %get3A_216, %gather3A : vector<16xf32>
        %swap3A = arith.index_cast %add3A_212 : i32 to index
        %swap3A_218 = arith.constant 0 : index
        %swap3A_219 = tpu.vector_load %arg11[%swap3A, %swap3A_218] {strides = array<i32>} : memref<128x128xf32, #tpu.memory_space<vmem>>, vector<16xf32>,
        tpu.vector_store %arg11[%swap3A, %swap3A_218], %mul3A_217 {strides = array<i32>} : memref<128x128xf32, #tpu.memory_space<vmem>>, vector<16xf32>,
        %get3A_220 = arith.index_cast %add3A_212 : i32 to index
        %get3A_221 = arith.constant 16 : index
        %get3A_222 = tpu.vector_load %arg11[%get3A_220, %get3A_221] {strides = array<i32>} : memref<128x128xf32, #tpu.memory_space<vmem>>, vector<16xf32>,
        %mul3A_223 = arith.mulf %get3A_222, %gather3A : vector<16xf32>
        %swap3A_224 = arith.index_cast %add3A_212 : i32 to index
        %swap3A_225 = arith.constant 16 : index
        %swap3A_226 = tpu.vector_load %arg11[%swap3A_224, %swap3A_225] {strides = array<i32>} : memref<128x128xf32, #tpu.memory_space<vmem>>, vector<16xf32>,
        tpu.vector_store %arg11[%swap3A_224, %swap3A_225], %mul3A_223 {strides = array<i32>} : memref<128x128xf32, #tpu.memory_space<vmem>>, vector<16xf32>,
        %get3A_227 = arith.index_cast %add3A_212 : i32 to index
        %get3A_228 = arith.constant 32 : index
        %get3A_229 = tpu.vector_load %arg11[%get3A_227, %get3A_228] {strides = array<i32>} : memref<128x128xf32, #tpu.memory_space<vmem>>, vector<16xf32>,
        %mul3A_230 = arith.mulf %get3A_229, %gather3A : vector<16xf32>
        %swap3A_231 = arith.index_cast %add3A_212 : i32 to index
        %swap3A_232 = arith.constant 32 : index
        %swap3A_233 = tpu.vector_load %arg11[%swap3A_231, %swap3A_232] {strides = array<i32>} : memref<128x128xf32, #tpu.memory_space<vmem>>, vector<16xf32>,
        tpu.vector_store %arg11[%swap3A_231, %swap3A_232], %mul3A_230 {strides = array<i32>} : memref<128x128xf32, #tpu.memory_space<vmem>>, vector<16xf32>,
        %get3A_234 = arith.index_cast %add3A_212 : i32 to index
        %get3A_235 = arith.constant 48 : index
        %get3A_236 = tpu.vector_load %arg11[%get3A_234, %get3A_235] {strides = array<i32>} : memref<128x128xf32, #tpu.memory_space<vmem>>, vector<16xf32>,
        %mul3A_237 = arith.mulf %get3A_236, %gather3A : vector<16xf32>
        %swap3A_238 = arith.index_cast %add3A_212 : i32 to index
        %swap3A_239 = arith.constant 48 : index
        %swap3A_240 = tpu.vector_load %arg11[%swap3A_238, %swap3A_239] {strides = array<i32>} : memref<128x128xf32, #tpu.memory_space<vmem>>, vector<16xf32>,
        tpu.vector_store %arg11[%swap3A_238, %swap3A_239], %mul3A_237 {strides = array<i32>} : memref<128x128xf32, #tpu.memory_space<vmem>>, vector<16xf32>,
        %get3A_241 = arith.index_cast %add3A_212 : i32 to index
        %get3A_242 = arith.constant 64 : index
        %get3A_243 = tpu.vector_load %arg11[%get3A_241, %get3A_242] {strides = array<i32>} : memref<128x128xf32, #tpu.memory_space<vmem>>, vector<16xf32>,
        %mul3A_244 = arith.mulf %get3A_243, %gather3A : vector<16xf32>
        %swap3A_245 = arith.index_cast %add3A_212 : i32 to index
        %swap3A_246 = arith.constant 64 : index
        %swap3A_247 = tpu.vector_load %arg11[%swap3A_245, %swap3A_246] {strides = array<i32>} : memref<128x128xf32, #tpu.memory_space<vmem>>, vector<16xf32>,
        tpu.vector_store %arg11[%swap3A_245, %swap3A_246], %mul3A_244 {strides = array<i32>} : memref<128x128xf32, #tpu.memory_space<vmem>>, vector<16xf32>,
        %get3A_248 = arith.index_cast %add3A_212 : i32 to index
        %get3A_249 = arith.constant 80 : index
        %get3A_250 = tpu.vector_load %arg11[%get3A_248, %get3A_249] {strides = array<i32>} : memref<128x128xf32, #tpu.memory_space<vmem>>, vector<16xf32>,
        %mul3A_251 = arith.mulf %get3A_250, %gather3A : vector<16xf32>
        %swap3A_252 = arith.index_cast %add3A_212 : i32 to index
        %swap3A_253 = arith.constant 80 : index
        %swap3A_254 = tpu.vector_load %arg11[%swap3A_252, %swap3A_253] {strides = array<i32>} : memref<128x128xf32, #tpu.memory_space<vmem>>, vector<16xf32>,
        tpu.vector_store %arg11[%swap3A_252, %swap3A_253], %mul3A_251 {strides = array<i32>} : memref<128x128xf32, #tpu.memory_space<vmem>>, vector<16xf32>,
        %get3A_255 = arith.index_cast %add3A_212 : i32 to index
        %get3A_256 = arith.constant 96 : index
        %get3A_257 = tpu.vector_load %arg11[%get3A_255, %get3A_256] {strides = array<i32>} : memref<128x128xf32, #tpu.memory_space<vmem>>, vector<16xf32>,
        %mul3A_258 = arith.mulf %get3A_257, %gather3A : vector<16xf32>
        %swap3A_259 = arith.index_cast %add3A_212 : i32 to index
        %swap3A_260 = arith.constant 96 : index
        %swap3A_261 = tpu.vector_load %arg11[%swap3A_259, %swap3A_260] {strides = array<i32>} : memref<128x128xf32, #tpu.memory_space<vmem>>, vector<16xf32>,
        tpu.vector_store %arg11[%swap3A_259, %swap3A_260], %mul3A_258 {strides = array<i32>} : memref<128x128xf32, #tpu.memory_space<vmem>>, vector<16xf32>,
        %get3A_262 = arith.index_cast %add3A_212 : i32 to index
        %get3A_263 = arith.constant 112 : index
        %get3A_264 = tpu.vector_load %arg11[%get3A_262, %get3A_263] {strides = array<i32>} : memref<128x128xf32, #tpu.memory_space<vmem>>, vector<16xf32>,
        %mul3A_265 = arith.mulf %get3A_264, %gather3A : vector<16xf32>
        %swap3A_266 = arith.index_cast %add3A_212 : i32 to index
        %swap3A_267 = arith.constant 112 : index
        %swap3A_268 = tpu.vector_load %arg11[%swap3A_266, %swap3A_267] {strides = array<i32>} : memref<128x128xf32, #tpu.memory_space<vmem>>, vector<16xf32>,
        tpu.vector_store %arg11[%swap3A_266, %swap3A_267], %mul3A_265 {strides = array<i32>} : memref<128x128xf32, #tpu.memory_space<vmem>>, vector<16xf32>,
        %mul3A_269 = arith.constant 16 : i32
        %mul3A_270 = arith.muli %scan3A_200, %mul3A_269 : i32
        %add3A_271 = arith.constant 1 : i32
        %add3A_272 = arith.addi %mul3A_270, %add3A_271 : i32
        %broadcast_in_dim3A_273 = vector.broadcast %add3A_272 : i32 to vector<16xi32>
        %gather3A_274 = tpu.vector_load_idx %arg10[%broadcast_in_dim3A_273] : memref<128xf32, #tpu.memory_space<vmem>>[vector<16xi32>], vector<16xf32>,
        %get3A_275 = arith.index_cast %add3A_272 : i32 to index
        %get3A_276 = arith.constant 0 : index
        %get3A_277 = tpu.vector_load %arg11[%get3A_275, %get3A_276] {strides = array<i32>} : memref<128x128xf32, #tpu.memory_space<vmem>>, vector<16xf32>,
        %mul3A_278 = arith.mulf %get3A_277, %gather3A_274 : vector<16xf32>
        %swap3A_279 = arith.index_cast %add3A_272 : i32 to index
        %swap3A_280 = arith.constant 0 : index
        %swap3A_281 = tpu.vector_load %arg11[%swap3A_279, %swap3A_280] {strides = array<i32>} : memref<128x128xf32, #tpu.memory_space<vmem>>, vector<16xf32>,
        tpu.vector_store %arg11[%swap3A_279, %swap3A_280], %mul3A_278 {strides = array<i32>} : memref<128x128xf32, #tpu.memory_space<vmem>>, vector<16xf32>,
        %get3A_282 = arith.index_cast %add3A_272 : i32 to index
        %get3A_283 = arith.constant 16 : index
        %get3A_284 = tpu.vector_load %arg11[%get3A_282, %get3A_283] {strides = array<i32>} : memref<128x128xf32, #tpu.memory_space<vmem>>, vector<16xf32>,
        %mul3A_285 = arith.mulf %get3A_284, %gather3A_274 : vector<16xf32>
        %swap3A_286 = arith.index_cast %add3A_272 : i32 to index
        %swap3A_287 = arith.constant 16 : index
        %swap3A_288 = tpu.vector_load %arg11[%swap3A_286, %swap3A_287] {strides = array<i32>} : memref<128x128xf32, #tpu.memory_space<vmem>>, vector<16xf32>,
        tpu.vector_store %arg11[%swap3A_286, %swap3A_287], %mul3A_285 {strides = array<i32>} : memref<128x128xf32, #tpu.memory_space<vmem>>, vector<16xf32>,
        %get3A_289 = arith.index_cast %add3A_272 : i32 to index
        %get3A_290 = arith.constant 32 : index
        %get3A_291 = tpu.vector_load %arg11[%get3A_289, %get3A_290] {strides = array<i32>} : memref<128x128xf32, #tpu.memory_space<vmem>>, vector<16xf32>,
        %mul3A_292 = arith.mulf %get3A_291, %gather3A_274 : vector<16xf32>
        %swap3A_293 = arith.index_cast %add3A_272 : i32 to index
        %swap3A_294 = arith.constant 32 : index
        %swap3A_295 = tpu.vector_load %arg11[%swap3A_293, %swap3A_294] {strides = array<i32>} : memref<128x128xf32, #tpu.memory_space<vmem>>, vector<16xf32>,
        tpu.vector_store %arg11[%swap3A_293, %swap3A_294], %mul3A_292 {strides = array<i32>} : memref<128x128xf32, #tpu.memory_space<vmem>>, vector<16xf32>,
        %get3A_296 = arith.index_cast %add3A_272 : i32 to index
        %get3A_297 = arith.constant 48 : index
        %get3A_298 = tpu.vector_load %arg11[%get3A_296, %get3A_297] {strides = array<i32>} : memref<128x128xf32, #tpu.memory_space<vmem>>, vector<16xf32>,
        %mul3A_299 = arith.mulf %get3A_298, %gather3A_274 : vector<16xf32>
        %swap3A_300 = arith.index_cast %add3A_272 : i32 to index
        %swap3A_301 = arith.constant 48 : index
        %swap3A_302 = tpu.vector_load %arg11[%swap3A_300, %swap3A_301] {strides = array<i32>} : memref<128x128xf32, #tpu.memory_space<vmem>>, vector<16xf32>,
        tpu.vector_store %arg11[%swap3A_300, %swap3A_301], %mul3A_299 {strides = array<i32>} : memref<128x128xf32, #tpu.memory_space<vmem>>, vector<16xf32>,
        %get3A_303 = arith.index_cast %add3A_272 : i32 to index
        %get3A_304 = arith.constant 64 : index
        %get3A_305 = tpu.vector_load %arg11[%get3A_303, %get3A_304] {strides = array<i32>} : memref<128x128xf32, #tpu.memory_space<vmem>>, vector<16xf32>,
        %mul3A_306 = arith.mulf %get3A_305, %gather3A_274 : vector<16xf32>
        %swap3A_307 = arith.index_cast %add3A_272 : i32 to index
        %swap3A_308 = arith.constant 64 : index
        %swap3A_309 = tpu.vector_load %arg11[%swap3A_307, %swap3A_308] {strides = array<i32>} : memref<128x128xf32, #tpu.memory_space<vmem>>, vector<16xf32>,
        tpu.vector_store %arg11[%swap3A_307, %swap3A_308], %mul3A_306 {strides = array<i32>} : memref<128x128xf32, #tpu.memory_space<vmem>>, vector<16xf32>,
        %get3A_310 = arith.index_cast %add3A_272 : i32 to index
        %get3A_311 = arith.constant 80 : index
        %get3A_312 = tpu.vector_load %arg11[%get3A_310, %get3A_311] {strides = array<i32>} : memref<128x128xf32, #tpu.memory_space<vmem>>, vector<16xf32>,
        %mul3A_313 = arith.mulf %get3A_312, %gather3A_274 : vector<16xf32>
        %swap3A_314 = arith.index_cast %add3A_272 : i32 to index
        %swap3A_315 = arith.constant 80 : index
        %swap3A_316 = tpu.vector_load %arg11[%swap3A_314, %swap3A_315] {strides = array<i32>} : memref<128x128xf32, #tpu.memory_space<vmem>>, vector<16xf32>,
        tpu.vector_store %arg11[%swap3A_314, %swap3A_315], %mul3A_313 {strides = array<i32>} : memref<128x128xf32, #tpu.memory_space<vmem>>, vector<16xf32>,
        %get3A_317 = arith.index_cast %add3A_272 : i32 to index
        %get3A_318 = arith.constant 96 : index
        %get3A_319 = tpu.vector_load %arg11[%get3A_317, %get3A_318] {strides = array<i32>} : memref<128x128xf32, #tpu.memory_space<vmem>>, vector<16xf32>,
        %mul3A_320 = arith.mulf %get3A_319, %gather3A_274 : vector<16xf32>
        %swap3A_321 = arith.index_cast %add3A_272 : i32 to index
        %swap3A_322 = arith.constant 96 : index
        %swap3A_323 = tpu.vector_load %arg11[%swap3A_321, %swap3A_322] {strides = array<i32>} : memref<128x128xf32, #tpu.memory_space<vmem>>, vector<16xf32>,
        tpu.vector_store %arg11[%swap3A_321, %swap3A_322], %mul3A_320 {strides = array<i32>} : memref<128x128xf32, #tpu.memory_space<vmem>>, vector<16xf32>,
        %get3A_324 = arith.index_cast %add3A_272 : i32 to index
        %get3A_325 = arith.constant 112 : index
        %get3A_326 = tpu.vector_load %arg11[%get3A_324, %get3A_325] {strides = array<i32>} : memref<128x128xf32, #tpu.memory_space<vmem>>, vector<16xf32>,
        %mul3A_327 = arith.mulf %get3A_326, %gather3A_274 : vector<16xf32>
        %swap3A_328 = arith.index_cast %add3A_272 : i32 to index
        %swap3A_329 = arith.constant 112 : index
        %swap3A_330 = tpu.vector_load %arg11[%swap3A_328, %swap3A_329] {strides = array<i32>} : memref<128x128xf32, #tpu.memory_space<vmem>>, vector<16xf32>,
        tpu.vector_store %arg11[%swap3A_328, %swap3A_329], %mul3A_327 {strides = array<i32>} : memref<128x128xf32, #tpu.memory_space<vmem>>, vector<16xf32>,
        %mul3A_331 = arith.constant 16 : i32
        %mul3A_332 = arith.muli %scan3A_200, %mul3A_331 : i32
        %add3A_333 = arith.constant 2 : i32
        %add3A_334 = arith.addi %mul3A_332, %add3A_333 : i32
        %broadcast_in_dim3A_335 = vector.broadcast %add3A_334 : i32 to vector<16xi32>
        %gather3A_336 = tpu.vector_load_idx %arg10[%broadcast_in_dim3A_335] : memref<128xf32, #tpu.memory_space<vmem>>[vector<16xi32>], vector<16xf32>,
        %get3A_337 = arith.index_cast %add3A_334 : i32 to index
        %get3A_338 = arith.constant 0 : index
        %get3A_339 = tpu.vector_load %arg11[%get3A_337, %get3A_338] {strides = array<i32>} : memref<128x128xf32, #tpu.memory_space<vmem>>, vector<16xf32>,
        %mul3A_340 = arith.mulf %get3A_339, %gather3A_336 : vector<16xf32>
        %swap3A_341 = arith.index_cast %add3A_334 : i32 to index
        %swap3A_342 = arith.constant 0 : index
        %swap3A_343 = tpu.vector_load %arg11[%swap3A_341, %swap3A_342] {strides = array<i32>} : memref<128x128xf32, #tpu.memory_space<vmem>>, vector<16xf32>,
        tpu.vector_store %arg11[%swap3A_341, %swap3A_342], %mul3A_340 {strides = array<i32>} : memref<128x128xf32, #tpu.memory_space<vmem>>, vector<16xf32>,
        %get3A_344 = arith.index_cast %add3A_334 : i32 to index
        %get3A_345 = arith.constant 16 : index
        %get3A_346 = tpu.vector_load %arg11[%get3A_344, %get3A_345] {strides = array<i32>} : memref<128x128xf32, #tpu.memory_space<vmem>>, vector<16xf32>,
        %mul3A_347 = arith.mulf %get3A_346, %gather3A_336 : vector<16xf32>
        %swap3A_348 = arith.index_cast %add3A_334 : i32 to index
        %swap3A_349 = arith.constant 16 : index
        %swap3A_350 = tpu.vector_load %arg11[%swap3A_348, %swap3A_349] {strides = array<i32>} : memref<128x128xf32, #tpu.memory_space<vmem>>, vector<16xf32>,
        tpu.vector_store %arg11[%swap3A_348, %swap3A_349], %mul3A_347 {strides = array<i32>} : memref<128x128xf32, #tpu.memory_space<vmem>>, vector<16xf32>,
        %get3A_351 = arith.index_cast %add3A_334 : i32 to index
        %get3A_352 = arith.constant 32 : index
        %get3A_353 = tpu.vector_load %arg11[%get3A_351, %get3A_352] {strides = array<i32>} : memref<128x128xf32, #tpu.memory_space<vmem>>, vector<16xf32>,
        %mul3A_354 = arith.mulf %get3A_353, %gather3A_336 : vector<16xf32>
        %swap3A_355 = arith.index_cast %add3A_334 : i32 to index
        %swap3A_356 = arith.constant 32 : index
        %swap3A_357 = tpu.vector_load %arg11[%swap3A_355, %swap3A_356] {strides = array<i32>} : memref<128x128xf32, #tpu.memory_space<vmem>>, vector<16xf32>,
        tpu.vector_store %arg11[%swap3A_355, %swap3A_356], %mul3A_354 {strides = array<i32>} : memref<128x128xf32, #tpu.memory_space<vmem>>, vector<16xf32>,
        %get3A_358 = arith.index_cast %add3A_334 : i32 to index
        %get3A_359 = arith.constant 48 : index
        %get3A_360 = tpu.vector_load %arg11[%get3A_358, %get3A_359] {strides = array<i32>} : memref<128x128xf32, #tpu.memory_space<vmem>>, vector<16xf32>,
        %mul3A_361 = arith.mulf %get3A_360, %gather3A_336 : vector<16xf32>
        %swap3A_362 = arith.index_cast %add3A_334 : i32 to index
        %swap3A_363 = arith.constant 48 : index
        %swap3A_364 = tpu.vector_load %arg11[%swap3A_362, %swap3A_363] {strides = array<i32>} : memref<128x128xf32, #tpu.memory_space<vmem>>, vector<16xf32>,
        tpu.vector_store %arg11[%swap3A_362, %swap3A_363], %mul3A_361 {strides = array<i32>} : memref<128x128xf32, #tpu.memory_space<vmem>>, vector<16xf32>,
        %get3A_365 = arith.index_cast %add3A_334 : i32 to index
        %get3A_366 = arith.constant 64 : index
        %get3A_367 = tpu.vector_load %arg11[%get3A_365, %get3A_366] {strides = array<i32>} : memref<128x128xf32, #tpu.memory_space<vmem>>, vector<16xf32>,
        %mul3A_368 = arith.mulf %get3A_367, %gather3A_336 : vector<16xf32>
        %swap3A_369 = arith.index_cast %add3A_334 : i32 to index
        %swap3A_370 = arith.constant 64 : index
        %swap3A_371 = tpu.vector_load %arg11[%swap3A_369, %swap3A_370] {strides = array<i32>} : memref<128x128xf32, #tpu.memory_space<vmem>>, vector<16xf32>,
        tpu.vector_store %arg11[%swap3A_369, %swap3A_370], %mul3A_368 {strides = array<i32>} : memref<128x128xf32, #tpu.memory_space<vmem>>, vector<16xf32>,
        %get3A_372 = arith.index_cast %add3A_334 : i32 to index
        %get3A_373 = arith.constant 80 : index
        %get3A_374 = tpu.vector_load %arg11[%get3A_372, %get3A_373] {strides = array<i32>} : memref<128x128xf32, #tpu.memory_space<vmem>>, vector<16xf32>,
        %mul3A_375 = arith.mulf %get3A_374, %gather3A_336 : vector<16xf32>
        %swap3A_376 = arith.index_cast %add3A_334 : i32 to index
        %swap3A_377 = arith.constant 80 : index
        %swap3A_378 = tpu.vector_load %arg11[%swap3A_376, %swap3A_377] {strides = array<i32>} : memref<128x128xf32, #tpu.memory_space<vmem>>, vector<16xf32>,
        tpu.vector_store %arg11[%swap3A_376, %swap3A_377], %mul3A_375 {strides = array<i32>} : memref<128x128xf32, #tpu.memory_space<vmem>>, vector<16xf32>,
        %get3A_379 = arith.index_cast %add3A_334 : i32 to index
        %get3A_380 = arith.constant 96 : index
        %get3A_381 = tpu.vector_load %arg11[%get3A_379, %get3A_380] {strides = array<i32>} : memref<128x128xf32, #tpu.memory_space<vmem>>, vector<16xf32>,
        %mul3A_382 = arith.mulf %get3A_381, %gather3A_336 : vector<16xf32>
        %swap3A_383 = arith.index_cast %add3A_334 : i32 to index
        %swap3A_384 = arith.constant 96 : index
        %swap3A_385 = tpu.vector_load %arg11[%swap3A_383, %swap3A_384] {strides = array<i32>} : memref<128x128xf32, #tpu.memory_space<vmem>>, vector<16xf32>,
        tpu.vector_store %arg11[%swap3A_383, %swap3A_384], %mul3A_382 {strides = array<i32>} : memref<128x128xf32, #tpu.memory_space<vmem>>, vector<16xf32>,
        %get3A_386 = arith.index_cast %add3A_334 : i32 to index
        %get3A_387 = arith.constant 112 : index
        %get3A_388 = tpu.vector_load %arg11[%get3A_386, %get3A_387] {strides = array<i32>} : memref<128x128xf32, #tpu.memory_space<vmem>>, vector<16xf32>,
        %mul3A_389 = arith.mulf %get3A_388, %gather3A_336 : vector<16xf32>
        %swap3A_390 = arith.index_cast %add3A_334 : i32 to index
        %swap3A_391 = arith.constant 112 : index
        %swap3A_392 = tpu.vector_load %arg11[%swap3A_390, %swap3A_391] {strides = array<i32>} : memref<128x128xf32, #tpu.memory_space<vmem>>, vector<16xf32>,
        tpu.vector_store %arg11[%swap3A_390, %swap3A_391], %mul3A_389 {strides = array<i32>} : memref<128x128xf32, #tpu.memory_space<vmem>>, vector<16xf32>,
        %mul3A_393 = arith.constant 16 : i32
        %mul3A_394 = arith.muli %scan3A_200, %mul3A_393 : i32
        %add3A_395 = arith.constant 3 : i32
        %add3A_396 = arith.addi %mul3A_394, %add3A_395 : i32
        %broadcast_in_dim3A_397 = vector.broadcast %add3A_396 : i32 to vector<16xi32>
        %gather3A_398 = tpu.vector_load_idx %arg10[%broadcast_in_dim3A_397] : memref<128xf32, #tpu.memory_space<vmem>>[vector<16xi32>], vector<16xf32>,
        %get3A_399 = arith.index_cast %add3A_396 : i32 to index
        %get3A_400 = arith.constant 0 : index
        %get3A_401 = tpu.vector_load %arg11[%get3A_399, %get3A_400] {strides = array<i32>} : memref<128x128xf32, #tpu.memory_space<vmem>>, vector<16xf32>,
        %mul3A_402 = arith.mulf %get3A_401, %gather3A_398 : vector<16xf32>
        %swap3A_403 = arith.index_cast %add3A_396 : i32 to index
        %swap3A_404 = arith.constant 0 : index
        %swap3A_405 = tpu.vector_load %arg11[%swap3A_403, %swap3A_404] {strides = array<i32>} : memref<128x128xf32, #tpu.memory_space<vmem>>, vector<16xf32>,
        tpu.vector_store %arg11[%swap3A_403, %swap3A_404], %mul3A_402 {strides = array<i32>} : memref<128x128xf32, #tpu.memory_space<vmem>>, vector<16xf32>,
        %get3A_406 = arith.index_cast %add3A_396 : i32 to index
        %get3A_407 = arith.constant 16 : index
        %get3A_408 = tpu.vector_load %arg11[%get3A_406, %get3A_407] {strides = array<i32>} : memref<128x128xf32, #tpu.memory_space<vmem>>, vector<16xf32>,
        %mul3A_409 = arith.mulf %get3A_408, %gather3A_398 : vector<16xf32>
        %swap3A_410 = arith.index_cast %add3A_396 : i32 to index
        %swap3A_411 = arith.constant 16 : index
        %swap3A_412 = tpu.vector_load %arg11[%swap3A_410, %swap3A_411] {strides = array<i32>} : memref<128x128xf32, #tpu.memory_space<vmem>>, vector<16xf32>,
        tpu.vector_store %arg11[%swap3A_410, %swap3A_411], %mul3A_409 {strides = array<i32>} : memref<128x128xf32, #tpu.memory_space<vmem>>, vector<16xf32>,
        %get3A_413 = arith.index_cast %add3A_396 : i32 to index
        %get3A_414 = arith.constant 32 : index
        %get3A_415 = tpu.vector_load %arg11[%get3A_413, %get3A_414] {strides = array<i32>} : memref<128x128xf32, #tpu.memory_space<vmem>>, vector<16xf32>,
        %mul3A_416 = arith.mulf %get3A_415, %gather3A_398 : vector<16xf32>
        %swap3A_417 = arith.index_cast %add3A_396 : i32 to index
        %swap3A_418 = arith.constant 32 : index
        %swap3A_419 = tpu.vector_load %arg11[%swap3A_417, %swap3A_418] {strides = array<i32>} : memref<128x128xf32, #tpu.memory_space<vmem>>, vector<16xf32>,
        tpu.vector_store %arg11[%swap3A_417, %swap3A_418], %mul3A_416 {strides = array<i32>} : memref<128x128xf32, #tpu.memory_space<vmem>>, vector<16xf32>,
        %get3A_420 = arith.index_cast %add3A_396 : i32 to index
        %get3A_421 = arith.constant 48 : index
        %get3A_422 = tpu.vector_load %arg11[%get3A_420, %get3A_421] {strides = array<i32>} : memref<128x128xf32, #tpu.memory_space<vmem>>, vector<16xf32>,
        %mul3A_423 = arith.mulf %get3A_422, %gather3A_398 : vector<16xf32>
        %swap3A_424 = arith.index_cast %add3A_396 : i32 to index
        %swap3A_425 = arith.constant 48 : index
        %swap3A_426 = tpu.vector_load %arg11[%swap3A_424, %swap3A_425] {strides = array<i32>} : memref<128x128xf32, #tpu.memory_space<vmem>>, vector<16xf32>,
        tpu.vector_store %arg11[%swap3A_424, %swap3A_425], %mul3A_423 {strides = array<i32>} : memref<128x128xf32, #tpu.memory_space<vmem>>, vector<16xf32>,
        %get3A_427 = arith.index_cast %add3A_396 : i32 to index
        %get3A_428 = arith.constant 64 : index
        %get3A_429 = tpu.vector_load %arg11[%get3A_427, %get3A_428] {strides = array<i32>} : memref<128x128xf32, #tpu.memory_space<vmem>>, vector<16xf32>,
        %mul3A_430 = arith.mulf %get3A_429, %gather3A_398 : vector<16xf32>
        %swap3A_431 = arith.index_cast %add3A_396 : i32 to index
        %swap3A_432 = arith.constant 64 : index
        %swap3A_433 = tpu.vector_load %arg11[%swap3A_431, %swap3A_432] {strides = array<i32>} : memref<128x128xf32, #tpu.memory_space<vmem>>, vector<16xf32>,
        tpu.vector_store %arg11[%swap3A_431, %swap3A_432], %mul3A_430 {strides = array<i32>} : memref<128x128xf32, #tpu.memory_space<vmem>>, vector<16xf32>,
        %get3A_434 = arith.index_cast %add3A_396 : i32 to index
        %get3A_435 = arith.constant 80 : index
        %get3A_436 = tpu.vector_load %arg11[%get3A_434, %get3A_435] {strides = array<i32>} : memref<128x128xf32, #tpu.memory_space<vmem>>, vector<16xf32>,
        %mul3A_437 = arith.mulf %get3A_436, %gather3A_398 : vector<16xf32>
        %swap3A_438 = arith.index_cast %add3A_396 : i32 to index
        %swap3A_439 = arith.constant 80 : index
        %swap3A_440 = tpu.vector_load %arg11[%swap3A_438, %swap3A_439] {strides = array<i32>} : memref<128x128xf32, #tpu.memory_space<vmem>>, vector<16xf32>,
        tpu.vector_store %arg11[%swap3A_438, %swap3A_439], %mul3A_437 {strides = array<i32>} : memref<128x128xf32, #tpu.memory_space<vmem>>, vector<16xf32>,
        %get3A_441 = arith.index_cast %add3A_396 : i32 to index
        %get3A_442 = arith.constant 96 : index
        %get3A_443 = tpu.vector_load %arg11[%get3A_441, %get3A_442] {strides = array<i32>} : memref<128x128xf32, #tpu.memory_space<vmem>>, vector<16xf32>,
        %mul3A_444 = arith.mulf %get3A_443, %gather3A_398 : vector<16xf32>
        %swap3A_445 = arith.index_cast %add3A_396 : i32 to index
        %swap3A_446 = arith.constant 96 : index
        %swap3A_447 = tpu.vector_load %arg11[%swap3A_445, %swap3A_446] {strides = array<i32>} : memref<128x128xf32, #tpu.memory_space<vmem>>, vector<16xf32>,
        tpu.vector_store %arg11[%swap3A_445, %swap3A_446], %mul3A_444 {strides = array<i32>} : memref<128x128xf32, #tpu.memory_space<vmem>>, vector<16xf32>,
        %get3A_448 = arith.index_cast %add3A_396 : i32 to index
        %get3A_449 = arith.constant 112 : index
        %get3A_450 = tpu.vector_load %arg11[%get3A_448, %get3A_449] {strides = array<i32>} : memref<128x128xf32, #tpu.memory_space<vmem>>, vector<16xf32>,
        %mul3A_451 = arith.mulf %get3A_450, %gather3A_398 : vector<16xf32>
        %swap3A_452 = arith.index_cast %add3A_396 : i32 to index
        %swap3A_453 = arith.constant 112 : index
        %swap3A_454 = tpu.vector_load %arg11[%swap3A_452, %swap3A_453] {strides = array<i32>} : memref<128x128xf32, #tpu.memory_space<vmem>>, vector<16xf32>,
        tpu.vector_store %arg11[%swap3A_452, %swap3A_453], %mul3A_451 {strides = array<i32>} : memref<128x128xf32, #tpu.memory_space<vmem>>, vector<16xf32>,
        %mul3A_455 = arith.constant 16 : i32
        %mul3A_456 = arith.muli %scan3A_200, %mul3A_455 : i32
        %add3A_457 = arith.constant 4 : i32
        %add3A_458 = arith.addi %mul3A_456, %add3A_457 : i32
        %broadcast_in_dim3A_459 = vector.broadcast %add3A_458 : i32 to vector<16xi32>
        %gather3A_460 = tpu.vector_load_idx %arg10[%broadcast_in_dim3A_459] : memref<128xf32, #tpu.memory_space<vmem>>[vector<16xi32>], vector<16xf32>,
        %get3A_461 = arith.index_cast %add3A_458 : i32 to index
        %get3A_462 = arith.constant 0 : index
        %get3A_463 = tpu.vector_load %arg11[%get3A_461, %get3A_462] {strides = array<i32>} : memref<128x128xf32, #tpu.memory_space<vmem>>, vector<16xf32>,
        %mul3A_464 = arith.mulf %get3A_463, %gather3A_460 : vector<16xf32>
        %swap3A_465 = arith.index_cast %add3A_458 : i32 to index
        %swap3A_466 = arith.constant 0 : index
        %swap3A_467 = tpu.vector_load %arg11[%swap3A_465, %swap3A_466] {strides = array<i32>} : memref<128x128xf32, #tpu.memory_space<vmem>>, vector<16xf32>,
        tpu.vector_store %arg11[%swap3A_465, %swap3A_466], %mul3A_464 {strides = array<i32>} : memref<128x128xf32, #tpu.memory_space<vmem>>, vector<16xf32>,
        %get3A_468 = arith.index_cast %add3A_458 : i32 to index
        %get3A_469 = arith.constant 16 : index
        %get3A_470 = tpu.vector_load %arg11[%get3A_468, %get3A_469] {strides = array<i32>} : memref<128x128xf32, #tpu.memory_space<vmem>>, vector<16xf32>,
        %mul3A_471 = arith.mulf %get3A_470, %gather3A_460 : vector<16xf32>
        %swap3A_472 = arith.index_cast %add3A_458 : i32 to index
        %swap3A_473 = arith.constant 16 : index
        %swap3A_474 = tpu.vector_load %arg11[%swap3A_472, %swap3A_473] {strides = array<i32>} : memref<128x128xf32, #tpu.memory_space<vmem>>, vector<16xf32>,
        tpu.vector_store %arg11[%swap3A_472, %swap3A_473], %mul3A_471 {strides = array<i32>} : memref<128x128xf32, #tpu.memory_space<vmem>>, vector<16xf32>,
        %get3A_475 = arith.index_cast %add3A_458 : i32 to index
        %get3A_476 = arith.constant 32 : index
        %get3A_477 = tpu.vector_load %arg11[%get3A_475, %get3A_476] {strides = array<i32>} : memref<128x128xf32, #tpu.memory_space<vmem>>, vector<16xf32>,
        %mul3A_478 = arith.mulf %get3A_477, %gather3A_460 : vector<16xf32>
        %swap3A_479 = arith.index_cast %add3A_458 : i32 to index
        %swap3A_480 = arith.constant 32 : index
        %swap3A_481 = tpu.vector_load %arg11[%swap3A_479, %swap3A_480] {strides = array<i32>} : memref<128x128xf32, #tpu.memory_space<vmem>>, vector<16xf32>,
        tpu.vector_store %arg11[%swap3A_479, %swap3A_480], %mul3A_478 {strides = array<i32>} : memref<128x128xf32, #tpu.memory_space<vmem>>, vector<16xf32>,
        %get3A_482 = arith.index_cast %add3A_458 : i32 to index
        %get3A_483 = arith.constant 48 : index
        %get3A_484 = tpu.vector_load %arg11[%get3A_482, %get3A_483] {strides = array<i32>} : memref<128x128xf32, #tpu.memory_space<vmem>>, vector<16xf32>,
        %mul3A_485 = arith.mulf %get3A_484, %gather3A_460 : vector<16xf32>
        %swap3A_486 = arith.index_cast %add3A_458 : i32 to index
        %swap3A_487 = arith.constant 48 : index
        %swap3A_488 = tpu.vector_load %arg11[%swap3A_486, %swap3A_487] {strides = array<i32>} : memref<128x128xf32, #tpu.memory_space<vmem>>, vector<16xf32>,
        tpu.vector_store %arg11[%swap3A_486, %swap3A_487], %mul3A_485 {strides = array<i32>} : memref<128x128xf32, #tpu.memory_space<vmem>>, vector<16xf32>,
        %get3A_489 = arith.index_cast %add3A_458 : i32 to index
        %get3A_490 = arith.constant 64 : index
        %get3A_491 = tpu.vector_load %arg11[%get3A_489, %get3A_490] {strides = array<i32>} : memref<128x128xf32, #tpu.memory_space<vmem>>, vector<16xf32>,
        %mul3A_492 = arith.mulf %get3A_491, %gather3A_460 : vector<16xf32>
        %swap3A_493 = arith.index_cast %add3A_458 : i32 to index
        %swap3A_494 = arith.constant 64 : index
        %swap3A_495 = tpu.vector_load %arg11[%swap3A_493, %swap3A_494] {strides = array<i32>} : memref<128x128xf32, #tpu.memory_space<vmem>>, vector<16xf32>,
        tpu.vector_store %arg11[%swap3A_493, %swap3A_494], %mul3A_492 {strides = array<i32>} : memref<128x128xf32, #tpu.memory_space<vmem>>, vector<16xf32>,
        %get3A_496 = arith.index_cast %add3A_458 : i32 to index
        %get3A_497 = arith.constant 80 : index
        %get3A_498 = tpu.vector_load %arg11[%get3A_496, %get3A_497] {strides = array<i32>} : memref<128x128xf32, #tpu.memory_space<vmem>>, vector<16xf32>,
        %mul3A_499 = arith.mulf %get3A_498, %gather3A_460 : vector<16xf32>
        %swap3A_500 = arith.index_cast %add3A_458 : i32 to index
        %swap3A_501 = arith.constant 80 : index
        %swap3A_502 = tpu.vector_load %arg11[%swap3A_500, %swap3A_501] {strides = array<i32>} : memref<128x128xf32, #tpu.memory_space<vmem>>, vector<16xf32>,
        tpu.vector_store %arg11[%swap3A_500, %swap3A_501], %mul3A_499 {strides = array<i32>} : memref<128x128xf32, #tpu.memory_space<vmem>>, vector<16xf32>,
        %get3A_503 = arith.index_cast %add3A_458 : i32 to index
        %get3A_504 = arith.constant 96 : index
        %get3A_505 = tpu.vector_load %arg11[%get3A_503, %get3A_504] {strides = array<i32>} : memref<128x128xf32, #tpu.memory_space<vmem>>, vector<16xf32>,
        %mul3A_506 = arith.mulf %get3A_505, %gather3A_460 : vector<16xf32>
        %swap3A_507 = arith.index_cast %add3A_458 : i32 to index
        %swap3A_508 = arith.constant 96 : index
        %swap3A_509 = tpu.vector_load %arg11[%swap3A_507, %swap3A_508] {strides = array<i32>} : memref<128x128xf32, #tpu.memory_space<vmem>>, vector<16xf32>,
        tpu.vector_store %arg11[%swap3A_507, %swap3A_508], %mul3A_506 {strides = array<i32>} : memref<128x128xf32, #tpu.memory_space<vmem>>, vector<16xf32>,
        %get3A_510 = arith.index_cast %add3A_458 : i32 to index
        %get3A_511 = arith.constant 112 : index
        %get3A_512 = tpu.vector_load %arg11[%get3A_510, %get3A_511] {strides = array<i32>} : memref<128x128xf32, #tpu.memory_space<vmem>>, vector<16xf32>,
        %mul3A_513 = arith.mulf %get3A_512, %gather3A_460 : vector<16xf32>
        %swap3A_514 = arith.index_cast %add3A_458 : i32 to index
        %swap3A_515 = arith.constant 112 : index
        %swap3A_516 = tpu.vector_load %arg11[%swap3A_514, %swap3A_515] {strides = array<i32>} : memref<128x128xf32, #tpu.memory_space<vmem>>, vector<16xf32>,
        tpu.vector_store %arg11[%swap3A_514, %swap3A_515], %mul3A_513 {strides = array<i32>} : memref<128x128xf32, #tpu.memory_space<vmem>>, vector<16xf32>,
        %mul3A_517 = arith.constant 16 : i32
        %mul3A_518 = arith.muli %scan3A_200, %mul3A_517 : i32
        %add3A_519 = arith.constant 5 : i32
        %add3A_520 = arith.addi %mul3A_518, %add3A_519 : i32
        %broadcast_in_dim3A_521 = vector.broadcast %add3A_520 : i32 to vector<16xi32>
        %gather3A_522 = tpu.vector_load_idx %arg10[%broadcast_in_dim3A_521] : memref<128xf32, #tpu.memory_space<vmem>>[vector<16xi32>], vector<16xf32>,
        %get3A_523 = arith.index_cast %add3A_520 : i32 to index
        %get3A_524 = arith.constant 0 : index
        %get3A_525 = tpu.vector_load %arg11[%get3A_523, %get3A_524] {strides = array<i32>} : memref<128x128xf32, #tpu.memory_space<vmem>>, vector<16xf32>,
        %mul3A_526 = arith.mulf %get3A_525, %gather3A_522 : vector<16xf32>
        %swap3A_527 = arith.index_cast %add3A_520 : i32 to index
        %swap3A_528 = arith.constant 0 : index
        %swap3A_529 = tpu.vector_load %arg11[%swap3A_527, %swap3A_528] {strides = array<i32>} : memref<128x128xf32, #tpu.memory_space<vmem>>, vector<16xf32>,
        tpu.vector_store %arg11[%swap3A_527, %swap3A_528], %mul3A_526 {strides = array<i32>} : memref<128x128xf32, #tpu.memory_space<vmem>>, vector<16xf32>,
        %get3A_530 = arith.index_cast %add3A_520 : i32 to index
        %get3A_531 = arith.constant 16 : index
        %get3A_532 = tpu.vector_load %arg11[%get3A_530, %get3A_531] {strides = array<i32>} : memref<128x128xf32, #tpu.memory_space<vmem>>, vector<16xf32>,
        %mul3A_533 = arith.mulf %get3A_532, %gather3A_522 : vector<16xf32>
        %swap3A_534 = arith.index_cast %add3A_520 : i32 to index
        %swap3A_535 = arith.constant 16 : index
        %swap3A_536 = tpu.vector_load %arg11[%swap3A_534, %swap3A_535] {strides = array<i32>} : memref<128x128xf32, #tpu.memory_space<vmem>>, vector<16xf32>,
        tpu.vector_store %arg11[%swap3A_534, %swap3A_535], %mul3A_533 {strides = array<i32>} : memref<128x128xf32, #tpu.memory_space<vmem>>, vector<16xf32>,
        %get3A_537 = arith.index_cast %add3A_520 : i32 to index
        %get3A_538 = arith.constant 32 : index
        %get3A_539 = tpu.vector_load %arg11[%get3A_537, %get3A_538] {strides = array<i32>} : memref<128x128xf32, #tpu.memory_space<vmem>>, vector<16xf32>,
        %mul3A_540 = arith.mulf %get3A_539, %gather3A_522 : vector<16xf32>
        %swap3A_541 = arith.index_cast %add3A_520 : i32 to index
        %swap3A_542 = arith.constant 32 : index
        %swap3A_543 = tpu.vector_load %arg11[%swap3A_541, %swap3A_542] {strides = array<i32>} : memref<128x128xf32, #tpu.memory_space<vmem>>, vector<16xf32>,
        tpu.vector_store %arg11[%swap3A_541, %swap3A_542], %mul3A_540 {strides = array<i32>} : memref<128x128xf32, #tpu.memory_space<vmem>>, vector<16xf32>,
        %get3A_544 = arith.index_cast %add3A_520 : i32 to index
        %get3A_545 = arith.constant 48 : index
        %get3A_546 = tpu.vector_load %arg11[%get3A_544, %get3A_545] {strides = array<i32>} : memref<128x128xf32, #tpu.memory_space<vmem>>, vector<16xf32>,
        %mul3A_547 = arith.mulf %get3A_546, %gather3A_522 : vector<16xf32>
        %swap3A_548 = arith.index_cast %add3A_520 : i32 to index
        %swap3A_549 = arith.constant 48 : index
        %swap3A_550 = tpu.vector_load %arg11[%swap3A_548, %swap3A_549] {strides = array<i32>} : memref<128x128xf32, #tpu.memory_space<vmem>>, vector<16xf32>,
        tpu.vector_store %arg11[%swap3A_548, %swap3A_549], %mul3A_547 {strides = array<i32>} : memref<128x128xf32, #tpu.memory_space<vmem>>, vector<16xf32>,
        %get3A_551 = arith.index_cast %add3A_520 : i32 to index
        %get3A_552 = arith.constant 64 : index
        %get3A_553 = tpu.vector_load %arg11[%get3A_551, %get3A_552] {strides = array<i32>} : memref<128x128xf32, #tpu.memory_space<vmem>>, vector<16xf32>,
        %mul3A_554 = arith.mulf %get3A_553, %gather3A_522 : vector<16xf32>
        %swap3A_555 = arith.index_cast %add3A_520 : i32 to index
        %swap3A_556 = arith.constant 64 : index
        %swap3A_557 = tpu.vector_load %arg11[%swap3A_555, %swap3A_556] {strides = array<i32>} : memref<128x128xf32, #tpu.memory_space<vmem>>, vector<16xf32>,
        tpu.vector_store %arg11[%swap3A_555, %swap3A_556], %mul3A_554 {strides = array<i32>} : memref<128x128xf32, #tpu.memory_space<vmem>>, vector<16xf32>,
        %get3A_558 = arith.index_cast %add3A_520 : i32 to index
        %get3A_559 = arith.constant 80 : index
        %get3A_560 = tpu.vector_load %arg11[%get3A_558, %get3A_559] {strides = array<i32>} : memref<128x128xf32, #tpu.memory_space<vmem>>, vector<16xf32>,
        %mul3A_561 = arith.mulf %get3A_560, %gather3A_522 : vector<16xf32>
        %swap3A_562 = arith.index_cast %add3A_520 : i32 to index
        %swap3A_563 = arith.constant 80 : index
        %swap3A_564 = tpu.vector_load %arg11[%swap3A_562, %swap3A_563] {strides = array<i32>} : memref<128x128xf32, #tpu.memory_space<vmem>>, vector<16xf32>,
        tpu.vector_store %arg11[%swap3A_562, %swap3A_563], %mul3A_561 {strides = array<i32>} : memref<128x128xf32, #tpu.memory_space<vmem>>, vector<16xf32>,
        %get3A_565 = arith.index_cast %add3A_520 : i32 to index
        %get3A_566 = arith.constant 96 : index
        %get3A_567 = tpu.vector_load %arg11[%get3A_565, %get3A_566] {strides = array<i32>} : memref<128x128xf32, #tpu.memory_space<vmem>>, vector<16xf32>,
        %mul3A_568 = arith.mulf %get3A_567, %gather3A_522 : vector<16xf32>
        %swap3A_569 = arith.index_cast %add3A_520 : i32 to index
        %swap3A_570 = arith.constant 96 : index
        %swap3A_571 = tpu.vector_load %arg11[%swap3A_569, %swap3A_570] {strides = array<i32>} : memref<128x128xf32, #tpu.memory_space<vmem>>, vector<16xf32>,
        tpu.vector_store %arg11[%swap3A_569, %swap3A_570], %mul3A_568 {strides = array<i32>} : memref<128x128xf32, #tpu.memory_space<vmem>>, vector<16xf32>,
        %get3A_572 = arith.index_cast %add3A_520 : i32 to index
        %get3A_573 = arith.constant 112 : index
        %get3A_574 = tpu.vector_load %arg11[%get3A_572, %get3A_573] {strides = array<i32>} : memref<128x128xf32, #tpu.memory_space<vmem>>, vector<16xf32>,
        %mul3A_575 = arith.mulf %get3A_574, %gather3A_522 : vector<16xf32>
        %swap3A_576 = arith.index_cast %add3A_520 : i32 to index
        %swap3A_577 = arith.constant 112 : index
        %swap3A_578 = tpu.vector_load %arg11[%swap3A_576, %swap3A_577] {strides = array<i32>} : memref<128x128xf32, #tpu.memory_space<vmem>>, vector<16xf32>,
        tpu.vector_store %arg11[%swap3A_576, %swap3A_577], %mul3A_575 {strides = array<i32>} : memref<128x128xf32, #tpu.memory_space<vmem>>, vector<16xf32>,
        %mul3A_579 = arith.constant 16 : i32
        %mul3A_580 = arith.muli %scan3A_200, %mul3A_579 : i32
        %add3A_581 = arith.constant 6 : i32
        %add3A_582 = arith.addi %mul3A_580, %add3A_581 : i32
        %broadcast_in_dim3A_583 = vector.broadcast %add3A_582 : i32 to vector<16xi32>
        %gather3A_584 = tpu.vector_load_idx %arg10[%broadcast_in_dim3A_583] : memref<128xf32, #tpu.memory_space<vmem>>[vector<16xi32>], vector<16xf32>,
        %get3A_585 = arith.index_cast %add3A_582 : i32 to index
        %get3A_586 = arith.constant 0 : index
        %get3A_587 = tpu.vector_load %arg11[%get3A_585, %get3A_586] {strides = array<i32>} : memref<128x128xf32, #tpu.memory_space<vmem>>, vector<16xf32>,
        %mul3A_588 = arith.mulf %get3A_587, %gather3A_584 : vector<16xf32>
        %swap3A_589 = arith.index_cast %add3A_582 : i32 to index
        %swap3A_590 = arith.constant 0 : index
        %swap3A_591 = tpu.vector_load %arg11[%swap3A_589, %swap3A_590] {strides = array<i32>} : memref<128x128xf32, #tpu.memory_space<vmem>>, vector<16xf32>,
        tpu.vector_store %arg11[%swap3A_589, %swap3A_590], %mul3A_588 {strides = array<i32>} : memref<128x128xf32, #tpu.memory_space<vmem>>, vector<16xf32>,
        %get3A_592 = arith.index_cast %add3A_582 : i32 to index
        %get3A_593 = arith.constant 16 : index
        %get3A_594 = tpu.vector_load %arg11[%get3A_592, %get3A_593] {strides = array<i32>} : memref<128x128xf32, #tpu.memory_space<vmem>>, vector<16xf32>,
        %mul3A_595 = arith.mulf %get3A_594, %gather3A_584 : vector<16xf32>
        %swap3A_596 = arith.index_cast %add3A_582 : i32 to index
        %swap3A_597 = arith.constant 16 : index
        %swap3A_598 = tpu.vector_load %arg11[%swap3A_596, %swap3A_597] {strides = array<i32>} : memref<128x128xf32, #tpu.memory_space<vmem>>, vector<16xf32>,
        tpu.vector_store %arg11[%swap3A_596, %swap3A_597], %mul3A_595 {strides = array<i32>} : memref<128x128xf32, #tpu.memory_space<vmem>>, vector<16xf32>,
        %get3A_599 = arith.index_cast %add3A_582 : i32 to index
        %get3A_600 = arith.constant 32 : index
        %get3A_601 = tpu.vector_load %arg11[%get3A_599, %get3A_600] {strides = array<i32>} : memref<128x128xf32, #tpu.memory_space<vmem>>, vector<16xf32>,
        %mul3A_602 = arith.mulf %get3A_601, %gather3A_584 : vector<16xf32>
        %swap3A_603 = arith.index_cast %add3A_582 : i32 to index
        %swap3A_604 = arith.constant 32 : index
        %swap3A_605 = tpu.vector_load %arg11[%swap3A_603, %swap3A_604] {strides = array<i32>} : memref<128x128xf32, #tpu.memory_space<vmem>>, vector<16xf32>,
        tpu.vector_store %arg11[%swap3A_603, %swap3A_604], %mul3A_602 {strides = array<i32>} : memref<128x128xf32, #tpu.memory_space<vmem>>, vector<16xf32>,
        %get3A_606 = arith.index_cast %add3A_582 : i32 to index
        %get3A_607 = arith.constant 48 : index
        %get3A_608 = tpu.vector_load %arg11[%get3A_606, %get3A_607] {strides = array<i32>} : memref<128x128xf32, #tpu.memory_space<vmem>>, vector<16xf32>,
        %mul3A_609 = arith.mulf %get3A_608, %gather3A_584 : vector<16xf32>
        %swap3A_610 = arith.index_cast %add3A_582 : i32 to index
        %swap3A_611 = arith.constant 48 : index
        %swap3A_612 = tpu.vector_load %arg11[%swap3A_610, %swap3A_611] {strides = array<i32>} : memref<128x128xf32, #tpu.memory_space<vmem>>, vector<16xf32>,
        tpu.vector_store %arg11[%swap3A_610, %swap3A_611], %mul3A_609 {strides = array<i32>} : memref<128x128xf32, #tpu.memory_space<vmem>>, vector<16xf32>,
        %get3A_613 = arith.index_cast %add3A_582 : i32 to index
        %get3A_614 = arith.constant 64 : index
        %get3A_615 = tpu.vector_load %arg11[%get3A_613, %get3A_614] {strides = array<i32>} : memref<128x128xf32, #tpu.memory_space<vmem>>, vector<16xf32>,
        %mul3A_616 = arith.mulf %get3A_615, %gather3A_584 : vector<16xf32>
        %swap3A_617 = arith.index_cast %add3A_582 : i32 to index
        %swap3A_618 = arith.constant 64 : index
        %swap3A_619 = tpu.vector_load %arg11[%swap3A_617, %swap3A_618] {strides = array<i32>} : memref<128x128xf32, #tpu.memory_space<vmem>>, vector<16xf32>,
        tpu.vector_store %arg11[%swap3A_617, %swap3A_618], %mul3A_616 {strides = array<i32>} : memref<128x128xf32, #tpu.memory_space<vmem>>, vector<16xf32>,
        %get3A_620 = arith.index_cast %add3A_582 : i32 to index
        %get3A_621 = arith.constant 80 : index
        %get3A_622 = tpu.vector_load %arg11[%get3A_620, %get3A_621] {strides = array<i32>} : memref<128x128xf32, #tpu.memory_space<vmem>>, vector<16xf32>,
        %mul3A_623 = arith.mulf %get3A_622, %gather3A_584 : vector<16xf32>
        %swap3A_624 = arith.index_cast %add3A_582 : i32 to index
        %swap3A_625 = arith.constant 80 : index
        %swap3A_626 = tpu.vector_load %arg11[%swap3A_624, %swap3A_625] {strides = array<i32>} : memref<128x128xf32, #tpu.memory_space<vmem>>, vector<16xf32>,
        tpu.vector_store %arg11[%swap3A_624, %swap3A_625], %mul3A_623 {strides = array<i32>} : memref<128x128xf32, #tpu.memory_space<vmem>>, vector<16xf32>,
        %get3A_627 = arith.index_cast %add3A_582 : i32 to index
        %get3A_628 = arith.constant 96 : index
        %get3A_629 = tpu.vector_load %arg11[%get3A_627, %get3A_628] {strides = array<i32>} : memref<128x128xf32, #tpu.memory_space<vmem>>, vector<16xf32>,
        %mul3A_630 = arith.mulf %get3A_629, %gather3A_584 : vector<16xf32>
        %swap3A_631 = arith.index_cast %add3A_582 : i32 to index
        %swap3A_632 = arith.constant 96 : index
        %swap3A_633 = tpu.vector_load %arg11[%swap3A_631, %swap3A_632] {strides = array<i32>} : memref<128x128xf32, #tpu.memory_space<vmem>>, vector<16xf32>,
        tpu.vector_store %arg11[%swap3A_631, %swap3A_632], %mul3A_630 {strides = array<i32>} : memref<128x128xf32, #tpu.memory_space<vmem>>, vector<16xf32>,
        %get3A_634 = arith.index_cast %add3A_582 : i32 to index
        %get3A_635 = arith.constant 112 : index
        %get3A_636 = tpu.vector_load %arg11[%get3A_634, %get3A_635] {strides = array<i32>} : memref<128x128xf32, #tpu.memory_space<vmem>>, vector<16xf32>,
        %mul3A_637 = arith.mulf %get3A_636, %gather3A_584 : vector<16xf32>
        %swap3A_638 = arith.index_cast %add3A_582 : i32 to index
        %swap3A_639 = arith.constant 112 : index
        %swap3A_640 = tpu.vector_load %arg11[%swap3A_638, %swap3A_639] {strides = array<i32>} : memref<128x128xf32, #tpu.memory_space<vmem>>, vector<16xf32>,
        tpu.vector_store %arg11[%swap3A_638, %swap3A_639], %mul3A_637 {strides = array<i32>} : memref<128x128xf32, #tpu.memory_space<vmem>>, vector<16xf32>,
        %mul3A_641 = arith.constant 16 : i32
        %mul3A_642 = arith.muli %scan3A_200, %mul3A_641 : i32
        %add3A_643 = arith.constant 7 : i32
        %add3A_644 = arith.addi %mul3A_642, %add3A_643 : i32
        %broadcast_in_dim3A_645 = vector.broadcast %add3A_644 : i32 to vector<16xi32>
        %gather3A_646 = tpu.vector_load_idx %arg10[%broadcast_in_dim3A_645] : memref<128xf32, #tpu.memory_space<vmem>>[vector<16xi32>], vector<16xf32>,
        %get3A_647 = arith.index_cast %add3A_644 : i32 to index
        %get3A_648 = arith.constant 0 : index
        %get3A_649 = tpu.vector_load %arg11[%get3A_647, %get3A_648] {strides = array<i32>} : memref<128x128xf32, #tpu.memory_space<vmem>>, vector<16xf32>,
        %mul3A_650 = arith.mulf %get3A_649, %gather3A_646 : vector<16xf32>
        %swap3A_651 = arith.index_cast %add3A_644 : i32 to index
        %swap3A_652 = arith.constant 0 : index
        %swap3A_653 = tpu.vector_load %arg11[%swap3A_651, %swap3A_652] {strides = array<i32>} : memref<128x128xf32, #tpu.memory_space<vmem>>, vector<16xf32>,
        tpu.vector_store %arg11[%swap3A_651, %swap3A_652], %mul3A_650 {strides = array<i32>} : memref<128x128xf32, #tpu.memory_space<vmem>>, vector<16xf32>,
        %get3A_654 = arith.index_cast %add3A_644 : i32 to index
        %get3A_655 = arith.constant 16 : index
        %get3A_656 = tpu.vector_load %arg11[%get3A_654, %get3A_655] {strides = array<i32>} : memref<128x128xf32, #tpu.memory_space<vmem>>, vector<16xf32>,
        %mul3A_657 = arith.mulf %get3A_656, %gather3A_646 : vector<16xf32>
        %swap3A_658 = arith.index_cast %add3A_644 : i32 to index
        %swap3A_659 = arith.constant 16 : index
        %swap3A_660 = tpu.vector_load %arg11[%swap3A_658, %swap3A_659] {strides = array<i32>} : memref<128x128xf32, #tpu.memory_space<vmem>>, vector<16xf32>,
        tpu.vector_store %arg11[%swap3A_658, %swap3A_659], %mul3A_657 {strides = array<i32>} : memref<128x128xf32, #tpu.memory_space<vmem>>, vector<16xf32>,
        %get3A_661 = arith.index_cast %add3A_644 : i32 to index
        %get3A_662 = arith.constant 32 : index
        %get3A_663 = tpu.vector_load %arg11[%get3A_661, %get3A_662] {strides = array<i32>} : memref<128x128xf32, #tpu.memory_space<vmem>>, vector<16xf32>,
        %mul3A_664 = arith.mulf %get3A_663, %gather3A_646 : vector<16xf32>
        %swap3A_665 = arith.index_cast %add3A_644 : i32 to index
        %swap3A_666 = arith.constant 32 : index
        %swap3A_667 = tpu.vector_load %arg11[%swap3A_665, %swap3A_666] {strides = array<i32>} : memref<128x128xf32, #tpu.memory_space<vmem>>, vector<16xf32>,
        tpu.vector_store %arg11[%swap3A_665, %swap3A_666], %mul3A_664 {strides = array<i32>} : memref<128x128xf32, #tpu.memory_space<vmem>>, vector<16xf32>,
        %get3A_668 = arith.index_cast %add3A_644 : i32 to index
        %get3A_669 = arith.constant 48 : index
        %get3A_670 = tpu.vector_load %arg11[%get3A_668, %get3A_669] {strides = array<i32>} : memref<128x128xf32, #tpu.memory_space<vmem>>, vector<16xf32>,
        %mul3A_671 = arith.mulf %get3A_670, %gather3A_646 : vector<16xf32>
        %swap3A_672 = arith.index_cast %add3A_644 : i32 to index
        %swap3A_673 = arith.constant 48 : index
        %swap3A_674 = tpu.vector_load %arg11[%swap3A_672, %swap3A_673] {strides = array<i32>} : memref<128x128xf32, #tpu.memory_space<vmem>>, vector<16xf32>,
        tpu.vector_store %arg11[%swap3A_672, %swap3A_673], %mul3A_671 {strides = array<i32>} : memref<128x128xf32, #tpu.memory_space<vmem>>, vector<16xf32>,
        %get3A_675 = arith.index_cast %add3A_644 : i32 to index
        %get3A_676 = arith.constant 64 : index
        %get3A_677 = tpu.vector_load %arg11[%get3A_675, %get3A_676] {strides = array<i32>} : memref<128x128xf32, #tpu.memory_space<vmem>>, vector<16xf32>,
        %mul3A_678 = arith.mulf %get3A_677, %gather3A_646 : vector<16xf32>
        %swap3A_679 = arith.index_cast %add3A_644 : i32 to index
        %swap3A_680 = arith.constant 64 : index
        %swap3A_681 = tpu.vector_load %arg11[%swap3A_679, %swap3A_680] {strides = array<i32>} : memref<128x128xf32, #tpu.memory_space<vmem>>, vector<16xf32>,
        tpu.vector_store %arg11[%swap3A_679, %swap3A_680], %mul3A_678 {strides = array<i32>} : memref<128x128xf32, #tpu.memory_space<vmem>>, vector<16xf32>,
        %get3A_682 = arith.index_cast %add3A_644 : i32 to index
        %get3A_683 = arith.constant 80 : index
        %get3A_684 = tpu.vector_load %arg11[%get3A_682, %get3A_683] {strides = array<i32>} : memref<128x128xf32, #tpu.memory_space<vmem>>, vector<16xf32>,
        %mul3A_685 = arith.mulf %get3A_684, %gather3A_646 : vector<16xf32>
        %swap3A_686 = arith.index_cast %add3A_644 : i32 to index
        %swap3A_687 = arith.constant 80 : index
        %swap3A_688 = tpu.vector_load %arg11[%swap3A_686, %swap3A_687] {strides = array<i32>} : memref<128x128xf32, #tpu.memory_space<vmem>>, vector<16xf32>,
        tpu.vector_store %arg11[%swap3A_686, %swap3A_687], %mul3A_685 {strides = array<i32>} : memref<128x128xf32, #tpu.memory_space<vmem>>, vector<16xf32>,
        %get3A_689 = arith.index_cast %add3A_644 : i32 to index
        %get3A_690 = arith.constant 96 : index
        %get3A_691 = tpu.vector_load %arg11[%get3A_689, %get3A_690] {strides = array<i32>} : memref<128x128xf32, #tpu.memory_space<vmem>>, vector<16xf32>,
        %mul3A_692 = arith.mulf %get3A_691, %gather3A_646 : vector<16xf32>
        %swap3A_693 = arith.index_cast %add3A_644 : i32 to index
        %swap3A_694 = arith.constant 96 : index
        %swap3A_695 = tpu.vector_load %arg11[%swap3A_693, %swap3A_694] {strides = array<i32>} : memref<128x128xf32, #tpu.memory_space<vmem>>, vector<16xf32>,
        tpu.vector_store %arg11[%swap3A_693, %swap3A_694], %mul3A_692 {strides = array<i32>} : memref<128x128xf32, #tpu.memory_space<vmem>>, vector<16xf32>,
        %get3A_696 = arith.index_cast %add3A_644 : i32 to index
        %get3A_697 = arith.constant 112 : index
        %get3A_698 = tpu.vector_load %arg11[%get3A_696, %get3A_697] {strides = array<i32>} : memref<128x128xf32, #tpu.memory_space<vmem>>, vector<16xf32>,
        %mul3A_699 = arith.mulf %get3A_698, %gather3A_646 : vector<16xf32>
        %swap3A_700 = arith.index_cast %add3A_644 : i32 to index
        %swap3A_701 = arith.constant 112 : index
        %swap3A_702 = tpu.vector_load %arg11[%swap3A_700, %swap3A_701] {strides = array<i32>} : memref<128x128xf32, #tpu.memory_space<vmem>>, vector<16xf32>,
        tpu.vector_store %arg11[%swap3A_700, %swap3A_701], %mul3A_699 {strides = array<i32>} : memref<128x128xf32, #tpu.memory_space<vmem>>, vector<16xf32>,
        %mul3A_703 = arith.constant 16 : i32
        %mul3A_704 = arith.muli %scan3A_200, %mul3A_703 : i32
        %add3A_705 = arith.constant 8 : i32
        %add3A_706 = arith.addi %mul3A_704, %add3A_705 : i32
        %broadcast_in_dim3A_707 = vector.broadcast %add3A_706 : i32 to vector<16xi32>
        %gather3A_708 = tpu.vector_load_idx %arg10[%broadcast_in_dim3A_707] : memref<128xf32, #tpu.memory_space<vmem>>[vector<16xi32>], vector<16xf32>,
        %get3A_709 = arith.index_cast %add3A_706 : i32 to index
        %get3A_710 = arith.constant 0 : index
        %get3A_711 = tpu.vector_load %arg11[%get3A_709, %get3A_710] {strides = array<i32>} : memref<128x128xf32, #tpu.memory_space<vmem>>, vector<16xf32>,
        %mul3A_712 = arith.mulf %get3A_711, %gather3A_708 : vector<16xf32>
        %swap3A_713 = arith.index_cast %add3A_706 : i32 to index
        %swap3A_714 = arith.constant 0 : index
        %swap3A_715 = tpu.vector_load %arg11[%swap3A_713, %swap3A_714] {strides = array<i32>} : memref<128x128xf32, #tpu.memory_space<vmem>>, vector<16xf32>,
        tpu.vector_store %arg11[%swap3A_713, %swap3A_714], %mul3A_712 {strides = array<i32>} : memref<128x128xf32, #tpu.memory_space<vmem>>, vector<16xf32>,
        %get3A_716 = arith.index_cast %add3A_706 : i32 to index
        %get3A_717 = arith.constant 16 : index
        %get3A_718 = tpu.vector_load %arg11[%get3A_716, %get3A_717] {strides = array<i32>} : memref<128x128xf32, #tpu.memory_space<vmem>>, vector<16xf32>,
        %mul3A_719 = arith.mulf %get3A_718, %gather3A_708 : vector<16xf32>
        %swap3A_720 = arith.index_cast %add3A_706 : i32 to index
        %swap3A_721 = arith.constant 16 : index
        %swap3A_722 = tpu.vector_load %arg11[%swap3A_720, %swap3A_721] {strides = array<i32>} : memref<128x128xf32, #tpu.memory_space<vmem>>, vector<16xf32>,
        tpu.vector_store %arg11[%swap3A_720, %swap3A_721], %mul3A_719 {strides = array<i32>} : memref<128x128xf32, #tpu.memory_space<vmem>>, vector<16xf32>,
        %get3A_723 = arith.index_cast %add3A_706 : i32 to index
        %get3A_724 = arith.constant 32 : index
        %get3A_725 = tpu.vector_load %arg11[%get3A_723, %get3A_724] {strides = array<i32>} : memref<128x128xf32, #tpu.memory_space<vmem>>, vector<16xf32>,
        %mul3A_726 = arith.mulf %get3A_725, %gather3A_708 : vector<16xf32>
        %swap3A_727 = arith.index_cast %add3A_706 : i32 to index
        %swap3A_728 = arith.constant 32 : index
        %swap3A_729 = tpu.vector_load %arg11[%swap3A_727, %swap3A_728] {strides = array<i32>} : memref<128x128xf32, #tpu.memory_space<vmem>>, vector<16xf32>,
        tpu.vector_store %arg11[%swap3A_727, %swap3A_728], %mul3A_726 {strides = array<i32>} : memref<128x128xf32, #tpu.memory_space<vmem>>, vector<16xf32>,
        %get3A_730 = arith.index_cast %add3A_706 : i32 to index
        %get3A_731 = arith.constant 48 : index
        %get3A_732 = tpu.vector_load %arg11[%get3A_730, %get3A_731] {strides = array<i32>} : memref<128x128xf32, #tpu.memory_space<vmem>>, vector<16xf32>,
        %mul3A_733 = arith.mulf %get3A_732, %gather3A_708 : vector<16xf32>
        %swap3A_734 = arith.index_cast %add3A_706 : i32 to index
        %swap3A_735 = arith.constant 48 : index
        %swap3A_736 = tpu.vector_load %arg11[%swap3A_734, %swap3A_735] {strides = array<i32>} : memref<128x128xf32, #tpu.memory_space<vmem>>, vector<16xf32>,
        tpu.vector_store %arg11[%swap3A_734, %swap3A_735], %mul3A_733 {strides = array<i32>} : memref<128x128xf32, #tpu.memory_space<vmem>>, vector<16xf32>,
        %get3A_737 = arith.index_cast %add3A_706 : i32 to index
        %get3A_738 = arith.constant 64 : index
        %get3A_739 = tpu.vector_load %arg11[%get3A_737, %get3A_738] {strides = array<i32>} : memref<128x128xf32, #tpu.memory_space<vmem>>, vector<16xf32>,
        %mul3A_740 = arith.mulf %get3A_739, %gather3A_708 : vector<16xf32>
        %swap3A_741 = arith.index_cast %add3A_706 : i32 to index
        %swap3A_742 = arith.constant 64 : index
        %swap3A_743 = tpu.vector_load %arg11[%swap3A_741, %swap3A_742] {strides = array<i32>} : memref<128x128xf32, #tpu.memory_space<vmem>>, vector<16xf32>,
        tpu.vector_store %arg11[%swap3A_741, %swap3A_742], %mul3A_740 {strides = array<i32>} : memref<128x128xf32, #tpu.memory_space<vmem>>, vector<16xf32>,
        %get3A_744 = arith.index_cast %add3A_706 : i32 to index
        %get3A_745 = arith.constant 80 : index
        %get3A_746 = tpu.vector_load %arg11[%get3A_744, %get3A_745] {strides = array<i32>} : memref<128x128xf32, #tpu.memory_space<vmem>>, vector<16xf32>,
        %mul3A_747 = arith.mulf %get3A_746, %gather3A_708 : vector<16xf32>
        %swap3A_748 = arith.index_cast %add3A_706 : i32 to index
        %swap3A_749 = arith.constant 80 : index
        %swap3A_750 = tpu.vector_load %arg11[%swap3A_748, %swap3A_749] {strides = array<i32>} : memref<128x128xf32, #tpu.memory_space<vmem>>, vector<16xf32>,
        tpu.vector_store %arg11[%swap3A_748, %swap3A_749], %mul3A_747 {strides = array<i32>} : memref<128x128xf32, #tpu.memory_space<vmem>>, vector<16xf32>,
        %get3A_751 = arith.index_cast %add3A_706 : i32 to index
        %get3A_752 = arith.constant 96 : index
        %get3A_753 = tpu.vector_load %arg11[%get3A_751, %get3A_752] {strides = array<i32>} : memref<128x128xf32, #tpu.memory_space<vmem>>, vector<16xf32>,
        %mul3A_754 = arith.mulf %get3A_753, %gather3A_708 : vector<16xf32>
        %swap3A_755 = arith.index_cast %add3A_706 : i32 to index
        %swap3A_756 = arith.constant 96 : index
        %swap3A_757 = tpu.vector_load %arg11[%swap3A_755, %swap3A_756] {strides = array<i32>} : memref<128x128xf32, #tpu.memory_space<vmem>>, vector<16xf32>,
        tpu.vector_store %arg11[%swap3A_755, %swap3A_756], %mul3A_754 {strides = array<i32>} : memref<128x128xf32, #tpu.memory_space<vmem>>, vector<16xf32>,
        %get3A_758 = arith.index_cast %add3A_706 : i32 to index
        %get3A_759 = arith.constant 112 : index
        %get3A_760 = tpu.vector_load %arg11[%get3A_758, %get3A_759] {strides = array<i32>} : memref<128x128xf32, #tpu.memory_space<vmem>>, vector<16xf32>,
        %mul3A_761 = arith.mulf %get3A_760, %gather3A_708 : vector<16xf32>
        %swap3A_762 = arith.index_cast %add3A_706 : i32 to index
        %swap3A_763 = arith.constant 112 : index
        %swap3A_764 = tpu.vector_load %arg11[%swap3A_762, %swap3A_763] {strides = array<i32>} : memref<128x128xf32, #tpu.memory_space<vmem>>, vector<16xf32>,
        tpu.vector_store %arg11[%swap3A_762, %swap3A_763], %mul3A_761 {strides = array<i32>} : memref<128x128xf32, #tpu.memory_space<vmem>>, vector<16xf32>,
        %mul3A_765 = arith.constant 16 : i32
        %mul3A_766 = arith.muli %scan3A_200, %mul3A_765 : i32
        %add3A_767 = arith.constant 9 : i32
        %add3A_768 = arith.addi %mul3A_766, %add3A_767 : i32
        %broadcast_in_dim3A_769 = vector.broadcast %add3A_768 : i32 to vector<16xi32>
        %gather3A_770 = tpu.vector_load_idx %arg10[%broadcast_in_dim3A_769] : memref<128xf32, #tpu.memory_space<vmem>>[vector<16xi32>], vector<16xf32>,
        %get3A_771 = arith.index_cast %add3A_768 : i32 to index
        %get3A_772 = arith.constant 0 : index
        %get3A_773 = tpu.vector_load %arg11[%get3A_771, %get3A_772] {strides = array<i32>} : memref<128x128xf32, #tpu.memory_space<vmem>>, vector<16xf32>,
        %mul3A_774 = arith.mulf %get3A_773, %gather3A_770 : vector<16xf32>
        %swap3A_775 = arith.index_cast %add3A_768 : i32 to index
        %swap3A_776 = arith.constant 0 : index
        %swap3A_777 = tpu.vector_load %arg11[%swap3A_775, %swap3A_776] {strides = array<i32>} : memref<128x128xf32, #tpu.memory_space<vmem>>, vector<16xf32>,
        tpu.vector_store %arg11[%swap3A_775, %swap3A_776], %mul3A_774 {strides = array<i32>} : memref<128x128xf32, #tpu.memory_space<vmem>>, vector<16xf32>,
        %get3A_778 = arith.index_cast %add3A_768 : i32 to index
        %get3A_779 = arith.constant 16 : index
        %get3A_780 = tpu.vector_load %arg11[%get3A_778, %get3A_779] {strides = array<i32>} : memref<128x128xf32, #tpu.memory_space<vmem>>, vector<16xf32>,
        %mul3A_781 = arith.mulf %get3A_780, %gather3A_770 : vector<16xf32>
        %swap3A_782 = arith.index_cast %add3A_768 : i32 to index
        %swap3A_783 = arith.constant 16 : index
        %swap3A_784 = tpu.vector_load %arg11[%swap3A_782, %swap3A_783] {strides = array<i32>} : memref<128x128xf32, #tpu.memory_space<vmem>>, vector<16xf32>,
        tpu.vector_store %arg11[%swap3A_782, %swap3A_783], %mul3A_781 {strides = array<i32>} : memref<128x128xf32, #tpu.memory_space<vmem>>, vector<16xf32>,
        %get3A_785 = arith.index_cast %add3A_768 : i32 to index
        %get3A_786 = arith.constant 32 : index
        %get3A_787 = tpu.vector_load %arg11[%get3A_785, %get3A_786] {strides = array<i32>} : memref<128x128xf32, #tpu.memory_space<vmem>>, vector<16xf32>,
        %mul3A_788 = arith.mulf %get3A_787, %gather3A_770 : vector<16xf32>
        %swap3A_789 = arith.index_cast %add3A_768 : i32 to index
        %swap3A_790 = arith.constant 32 : index
        %swap3A_791 = tpu.vector_load %arg11[%swap3A_789, %swap3A_790] {strides = array<i32>} : memref<128x128xf32, #tpu.memory_space<vmem>>, vector<16xf32>,
        tpu.vector_store %arg11[%swap3A_789, %swap3A_790], %mul3A_788 {strides = array<i32>} : memref<128x128xf32, #tpu.memory_space<vmem>>, vector<16xf32>,
        %get3A_792 = arith.index_cast %add3A_768 : i32 to index
        %get3A_793 = arith.constant 48 : index
        %get3A_794 = tpu.vector_load %arg11[%get3A_792, %get3A_793] {strides = array<i32>} : memref<128x128xf32, #tpu.memory_space<vmem>>, vector<16xf32>,
        %mul3A_795 = arith.mulf %get3A_794, %gather3A_770 : vector<16xf32>
        %swap3A_796 = arith.index_cast %add3A_768 : i32 to index
        %swap3A_797 = arith.constant 48 : index
        %swap3A_798 = tpu.vector_load %arg11[%swap3A_796, %swap3A_797] {strides = array<i32>} : memref<128x128xf32, #tpu.memory_space<vmem>>, vector<16xf32>,
        tpu.vector_store %arg11[%swap3A_796, %swap3A_797], %mul3A_795 {strides = array<i32>} : memref<128x128xf32, #tpu.memory_space<vmem>>, vector<16xf32>,
        %get3A_799 = arith.index_cast %add3A_768 : i32 to index
        %get3A_800 = arith.constant 64 : index
        %get3A_801 = tpu.vector_load %arg11[%get3A_799, %get3A_800] {strides = array<i32>} : memref<128x128xf32, #tpu.memory_space<vmem>>, vector<16xf32>,
        %mul3A_802 = arith.mulf %get3A_801, %gather3A_770 : vector<16xf32>
        %swap3A_803 = arith.index_cast %add3A_768 : i32 to index
        %swap3A_804 = arith.constant 64 : index
        %swap3A_805 = tpu.vector_load %arg11[%swap3A_803, %swap3A_804] {strides = array<i32>} : memref<128x128xf32, #tpu.memory_space<vmem>>, vector<16xf32>,
        tpu.vector_store %arg11[%swap3A_803, %swap3A_804], %mul3A_802 {strides = array<i32>} : memref<128x128xf32, #tpu.memory_space<vmem>>, vector<16xf32>,
        %get3A_806 = arith.index_cast %add3A_768 : i32 to index
        %get3A_807 = arith.constant 80 : index
        %get3A_808 = tpu.vector_load %arg11[%get3A_806, %get3A_807] {strides = array<i32>} : memref<128x128xf32, #tpu.memory_space<vmem>>, vector<16xf32>,
        %mul3A_809 = arith.mulf %get3A_808, %gather3A_770 : vector<16xf32>
        %swap3A_810 = arith.index_cast %add3A_768 : i32 to index
        %swap3A_811 = arith.constant 80 : index
        %swap3A_812 = tpu.vector_load %arg11[%swap3A_810, %swap3A_811] {strides = array<i32>} : memref<128x128xf32, #tpu.memory_space<vmem>>, vector<16xf32>,
        tpu.vector_store %arg11[%swap3A_810, %swap3A_811], %mul3A_809 {strides = array<i32>} : memref<128x128xf32, #tpu.memory_space<vmem>>, vector<16xf32>,
        %get3A_813 = arith.index_cast %add3A_768 : i32 to index
        %get3A_814 = arith.constant 96 : index
        %get3A_815 = tpu.vector_load %arg11[%get3A_813, %get3A_814] {strides = array<i32>} : memref<128x128xf32, #tpu.memory_space<vmem>>, vector<16xf32>,
        %mul3A_816 = arith.mulf %get3A_815, %gather3A_770 : vector<16xf32>
        %swap3A_817 = arith.index_cast %add3A_768 : i32 to index
        %swap3A_818 = arith.constant 96 : index
        %swap3A_819 = tpu.vector_load %arg11[%swap3A_817, %swap3A_818] {strides = array<i32>} : memref<128x128xf32, #tpu.memory_space<vmem>>, vector<16xf32>,
        tpu.vector_store %arg11[%swap3A_817, %swap3A_818], %mul3A_816 {strides = array<i32>} : memref<128x128xf32, #tpu.memory_space<vmem>>, vector<16xf32>,
        %get3A_820 = arith.index_cast %add3A_768 : i32 to index
        %get3A_821 = arith.constant 112 : index
        %get3A_822 = tpu.vector_load %arg11[%get3A_820, %get3A_821] {strides = array<i32>} : memref<128x128xf32, #tpu.memory_space<vmem>>, vector<16xf32>,
        %mul3A_823 = arith.mulf %get3A_822, %gather3A_770 : vector<16xf32>
        %swap3A_824 = arith.index_cast %add3A_768 : i32 to index
        %swap3A_825 = arith.constant 112 : index
        %swap3A_826 = tpu.vector_load %arg11[%swap3A_824, %swap3A_825] {strides = array<i32>} : memref<128x128xf32, #tpu.memory_space<vmem>>, vector<16xf32>,
        tpu.vector_store %arg11[%swap3A_824, %swap3A_825], %mul3A_823 {strides = array<i32>} : memref<128x128xf32, #tpu.memory_space<vmem>>, vector<16xf32>,
        %mul3A_827 = arith.constant 16 : i32
        %mul3A_828 = arith.muli %scan3A_200, %mul3A_827 : i32
        %add3A_829 = arith.constant 10 : i32
        %add3A_830 = arith.addi %mul3A_828, %add3A_829 : i32
        %broadcast_in_dim3A_831 = vector.broadcast %add3A_830 : i32 to vector<16xi32>
        %gather3A_832 = tpu.vector_load_idx %arg10[%broadcast_in_dim3A_831] : memref<128xf32, #tpu.memory_space<vmem>>[vector<16xi32>], vector<16xf32>,
        %get3A_833 = arith.index_cast %add3A_830 : i32 to index
        %get3A_834 = arith.constant 0 : index
        %get3A_835 = tpu.vector_load %arg11[%get3A_833, %get3A_834] {strides = array<i32>} : memref<128x128xf32, #tpu.memory_space<vmem>>, vector<16xf32>,
        %mul3A_836 = arith.mulf %get3A_835, %gather3A_832 : vector<16xf32>
        %swap3A_837 = arith.index_cast %add3A_830 : i32 to index
        %swap3A_838 = arith.constant 0 : index
        %swap3A_839 = tpu.vector_load %arg11[%swap3A_837, %swap3A_838] {strides = array<i32>} : memref<128x128xf32, #tpu.memory_space<vmem>>, vector<16xf32>,
        tpu.vector_store %arg11[%swap3A_837, %swap3A_838], %mul3A_836 {strides = array<i32>} : memref<128x128xf32, #tpu.memory_space<vmem>>, vector<16xf32>,
        %get3A_840 = arith.index_cast %add3A_830 : i32 to index
        %get3A_841 = arith.constant 16 : index
        %get3A_842 = tpu.vector_load %arg11[%get3A_840, %get3A_841] {strides = array<i32>} : memref<128x128xf32, #tpu.memory_space<vmem>>, vector<16xf32>,
        %mul3A_843 = arith.mulf %get3A_842, %gather3A_832 : vector<16xf32>
        %swap3A_844 = arith.index_cast %add3A_830 : i32 to index
        %swap3A_845 = arith.constant 16 : index
        %swap3A_846 = tpu.vector_load %arg11[%swap3A_844, %swap3A_845] {strides = array<i32>} : memref<128x128xf32, #tpu.memory_space<vmem>>, vector<16xf32>,
        tpu.vector_store %arg11[%swap3A_844, %swap3A_845], %mul3A_843 {strides = array<i32>} : memref<128x128xf32, #tpu.memory_space<vmem>>, vector<16xf32>,
        %get3A_847 = arith.index_cast %add3A_830 : i32 to index
        %get3A_848 = arith.constant 32 : index
        %get3A_849 = tpu.vector_load %arg11[%get3A_847, %get3A_848] {strides = array<i32>} : memref<128x128xf32, #tpu.memory_space<vmem>>, vector<16xf32>,
        %mul3A_850 = arith.mulf %get3A_849, %gather3A_832 : vector<16xf32>
        %swap3A_851 = arith.index_cast %add3A_830 : i32 to index
        %swap3A_852 = arith.constant 32 : index
        %swap3A_853 = tpu.vector_load %arg11[%swap3A_851, %swap3A_852] {strides = array<i32>} : memref<128x128xf32, #tpu.memory_space<vmem>>, vector<16xf32>,
        tpu.vector_store %arg11[%swap3A_851, %swap3A_852], %mul3A_850 {strides = array<i32>} : memref<128x128xf32, #tpu.memory_space<vmem>>, vector<16xf32>,
        %get3A_854 = arith.index_cast %add3A_830 : i32 to index
        %get3A_855 = arith.constant 48 : index
        %get3A_856 = tpu.vector_load %arg11[%get3A_854, %get3A_855] {strides = array<i32>} : memref<128x128xf32, #tpu.memory_space<vmem>>, vector<16xf32>,
        %mul3A_857 = arith.mulf %get3A_856, %gather3A_832 : vector<16xf32>
        %swap3A_858 = arith.index_cast %add3A_830 : i32 to index
        %swap3A_859 = arith.constant 48 : index
        %swap3A_860 = tpu.vector_load %arg11[%swap3A_858, %swap3A_859] {strides = array<i32>} : memref<128x128xf32, #tpu.memory_space<vmem>>, vector<16xf32>,
        tpu.vector_store %arg11[%swap3A_858, %swap3A_859], %mul3A_857 {strides = array<i32>} : memref<128x128xf32, #tpu.memory_space<vmem>>, vector<16xf32>,
        %get3A_861 = arith.index_cast %add3A_830 : i32 to index
        %get3A_862 = arith.constant 64 : index
        %get3A_863 = tpu.vector_load %arg11[%get3A_861, %get3A_862] {strides = array<i32>} : memref<128x128xf32, #tpu.memory_space<vmem>>, vector<16xf32>,
        %mul3A_864 = arith.mulf %get3A_863, %gather3A_832 : vector<16xf32>
        %swap3A_865 = arith.index_cast %add3A_830 : i32 to index
        %swap3A_866 = arith.constant 64 : index
        %swap3A_867 = tpu.vector_load %arg11[%swap3A_865, %swap3A_866] {strides = array<i32>} : memref<128x128xf32, #tpu.memory_space<vmem>>, vector<16xf32>,
        tpu.vector_store %arg11[%swap3A_865, %swap3A_866], %mul3A_864 {strides = array<i32>} : memref<128x128xf32, #tpu.memory_space<vmem>>, vector<16xf32>,
        %get3A_868 = arith.index_cast %add3A_830 : i32 to index
        %get3A_869 = arith.constant 80 : index
        %get3A_870 = tpu.vector_load %arg11[%get3A_868, %get3A_869] {strides = array<i32>} : memref<128x128xf32, #tpu.memory_space<vmem>>, vector<16xf32>,
        %mul3A_871 = arith.mulf %get3A_870, %gather3A_832 : vector<16xf32>
        %swap3A_872 = arith.index_cast %add3A_830 : i32 to index
        %swap3A_873 = arith.constant 80 : index
        %swap3A_874 = tpu.vector_load %arg11[%swap3A_872, %swap3A_873] {strides = array<i32>} : memref<128x128xf32, #tpu.memory_space<vmem>>, vector<16xf32>,
        tpu.vector_store %arg11[%swap3A_872, %swap3A_873], %mul3A_871 {strides = array<i32>} : memref<128x128xf32, #tpu.memory_space<vmem>>, vector<16xf32>,
        %get3A_875 = arith.index_cast %add3A_830 : i32 to index
        %get3A_876 = arith.constant 96 : index
        %get3A_877 = tpu.vector_load %arg11[%get3A_875, %get3A_876] {strides = array<i32>} : memref<128x128xf32, #tpu.memory_space<vmem>>, vector<16xf32>,
        %mul3A_878 = arith.mulf %get3A_877, %gather3A_832 : vector<16xf32>
        %swap3A_879 = arith.index_cast %add3A_830 : i32 to index
        %swap3A_880 = arith.constant 96 : index
        %swap3A_881 = tpu.vector_load %arg11[%swap3A_879, %swap3A_880] {strides = array<i32>} : memref<128x128xf32, #tpu.memory_space<vmem>>, vector<16xf32>,
        tpu.vector_store %arg11[%swap3A_879, %swap3A_880], %mul3A_878 {strides = array<i32>} : memref<128x128xf32, #tpu.memory_space<vmem>>, vector<16xf32>,
        %get3A_882 = arith.index_cast %add3A_830 : i32 to index
        %get3A_883 = arith.constant 112 : index
        %get3A_884 = tpu.vector_load %arg11[%get3A_882, %get3A_883] {strides = array<i32>} : memref<128x128xf32, #tpu.memory_space<vmem>>, vector<16xf32>,
        %mul3A_885 = arith.mulf %get3A_884, %gather3A_832 : vector<16xf32>
        %swap3A_886 = arith.index_cast %add3A_830 : i32 to index
        %swap3A_887 = arith.constant 112 : index
        %swap3A_888 = tpu.vector_load %arg11[%swap3A_886, %swap3A_887] {strides = array<i32>} : memref<128x128xf32, #tpu.memory_space<vmem>>, vector<16xf32>,
        tpu.vector_store %arg11[%swap3A_886, %swap3A_887], %mul3A_885 {strides = array<i32>} : memref<128x128xf32, #tpu.memory_space<vmem>>, vector<16xf32>,
        %mul3A_889 = arith.constant 16 : i32
        %mul3A_890 = arith.muli %scan3A_200, %mul3A_889 : i32
        %add3A_891 = arith.constant 11 : i32
        %add3A_892 = arith.addi %mul3A_890, %add3A_891 : i32
        %broadcast_in_dim3A_893 = vector.broadcast %add3A_892 : i32 to vector<16xi32>
        %gather3A_894 = tpu.vector_load_idx %arg10[%broadcast_in_dim3A_893] : memref<128xf32, #tpu.memory_space<vmem>>[vector<16xi32>], vector<16xf32>,
        %get3A_895 = arith.index_cast %add3A_892 : i32 to index
        %get3A_896 = arith.constant 0 : index
        %get3A_897 = tpu.vector_load %arg11[%get3A_895, %get3A_896] {strides = array<i32>} : memref<128x128xf32, #tpu.memory_space<vmem>>, vector<16xf32>,
        %mul3A_898 = arith.mulf %get3A_897, %gather3A_894 : vector<16xf32>
        %swap3A_899 = arith.index_cast %add3A_892 : i32 to index
        %swap3A_900 = arith.constant 0 : index
        %swap3A_901 = tpu.vector_load %arg11[%swap3A_899, %swap3A_900] {strides = array<i32>} : memref<128x128xf32, #tpu.memory_space<vmem>>, vector<16xf32>,
        tpu.vector_store %arg11[%swap3A_899, %swap3A_900], %mul3A_898 {strides = array<i32>} : memref<128x128xf32, #tpu.memory_space<vmem>>, vector<16xf32>,
        %get3A_902 = arith.index_cast %add3A_892 : i32 to index
        %get3A_903 = arith.constant 16 : index
        %get3A_904 = tpu.vector_load %arg11[%get3A_902, %get3A_903] {strides = array<i32>} : memref<128x128xf32, #tpu.memory_space<vmem>>, vector<16xf32>,
        %mul3A_905 = arith.mulf %get3A_904, %gather3A_894 : vector<16xf32>
        %swap3A_906 = arith.index_cast %add3A_892 : i32 to index
        %swap3A_907 = arith.constant 16 : index
        %swap3A_908 = tpu.vector_load %arg11[%swap3A_906, %swap3A_907] {strides = array<i32>} : memref<128x128xf32, #tpu.memory_space<vmem>>, vector<16xf32>,
        tpu.vector_store %arg11[%swap3A_906, %swap3A_907], %mul3A_905 {strides = array<i32>} : memref<128x128xf32, #tpu.memory_space<vmem>>, vector<16xf32>,
        %get3A_909 = arith.index_cast %add3A_892 : i32 to index
        %get3A_910 = arith.constant 32 : index
        %get3A_911 = tpu.vector_load %arg11[%get3A_909, %get3A_910] {strides = array<i32>} : memref<128x128xf32, #tpu.memory_space<vmem>>, vector<16xf32>,
        %mul3A_912 = arith.mulf %get3A_911, %gather3A_894 : vector<16xf32>
        %swap3A_913 = arith.index_cast %add3A_892 : i32 to index
        %swap3A_914 = arith.constant 32 : index
        %swap3A_915 = tpu.vector_load %arg11[%swap3A_913, %swap3A_914] {strides = array<i32>} : memref<128x128xf32, #tpu.memory_space<vmem>>, vector<16xf32>,
        tpu.vector_store %arg11[%swap3A_913, %swap3A_914], %mul3A_912 {strides = array<i32>} : memref<128x128xf32, #tpu.memory_space<vmem>>, vector<16xf32>,
        %get3A_916 = arith.index_cast %add3A_892 : i32 to index
        %get3A_917 = arith.constant 48 : index
        %get3A_918 = tpu.vector_load %arg11[%get3A_916, %get3A_917] {strides = array<i32>} : memref<128x128xf32, #tpu.memory_space<vmem>>, vector<16xf32>,
        %mul3A_919 = arith.mulf %get3A_918, %gather3A_894 : vector<16xf32>
        %swap3A_920 = arith.index_cast %add3A_892 : i32 to index
        %swap3A_921 = arith.constant 48 : index
        %swap3A_922 = tpu.vector_load %arg11[%swap3A_920, %swap3A_921] {strides = array<i32>} : memref<128x128xf32, #tpu.memory_space<vmem>>, vector<16xf32>,
        tpu.vector_store %arg11[%swap3A_920, %swap3A_921], %mul3A_919 {strides = array<i32>} : memref<128x128xf32, #tpu.memory_space<vmem>>, vector<16xf32>,
        %get3A_923 = arith.index_cast %add3A_892 : i32 to index
        %get3A_924 = arith.constant 64 : index
        %get3A_925 = tpu.vector_load %arg11[%get3A_923, %get3A_924] {strides = array<i32>} : memref<128x128xf32, #tpu.memory_space<vmem>>, vector<16xf32>,
        %mul3A_926 = arith.mulf %get3A_925, %gather3A_894 : vector<16xf32>
        %swap3A_927 = arith.index_cast %add3A_892 : i32 to index
        %swap3A_928 = arith.constant 64 : index
        %swap3A_929 = tpu.vector_load %arg11[%swap3A_927, %swap3A_928] {strides = array<i32>} : memref<128x128xf32, #tpu.memory_space<vmem>>, vector<16xf32>,
        tpu.vector_store %arg11[%swap3A_927, %swap3A_928], %mul3A_926 {strides = array<i32>} : memref<128x128xf32, #tpu.memory_space<vmem>>, vector<16xf32>,
        %get3A_930 = arith.index_cast %add3A_892 : i32 to index
        %get3A_931 = arith.constant 80 : index
        %get3A_932 = tpu.vector_load %arg11[%get3A_930, %get3A_931] {strides = array<i32>} : memref<128x128xf32, #tpu.memory_space<vmem>>, vector<16xf32>,
        %mul3A_933 = arith.mulf %get3A_932, %gather3A_894 : vector<16xf32>
        %swap3A_934 = arith.index_cast %add3A_892 : i32 to index
        %swap3A_935 = arith.constant 80 : index
        %swap3A_936 = tpu.vector_load %arg11[%swap3A_934, %swap3A_935] {strides = array<i32>} : memref<128x128xf32, #tpu.memory_space<vmem>>, vector<16xf32>,
        tpu.vector_store %arg11[%swap3A_934, %swap3A_935], %mul3A_933 {strides = array<i32>} : memref<128x128xf32, #tpu.memory_space<vmem>>, vector<16xf32>,
        %get3A_937 = arith.index_cast %add3A_892 : i32 to index
        %get3A_938 = arith.constant 96 : index
        %get3A_939 = tpu.vector_load %arg11[%get3A_937, %get3A_938] {strides = array<i32>} : memref<128x128xf32, #tpu.memory_space<vmem>>, vector<16xf32>,
        %mul3A_940 = arith.mulf %get3A_939, %gather3A_894 : vector<16xf32>
        %swap3A_941 = arith.index_cast %add3A_892 : i32 to index
        %swap3A_942 = arith.constant 96 : index
        %swap3A_943 = tpu.vector_load %arg11[%swap3A_941, %swap3A_942] {strides = array<i32>} : memref<128x128xf32, #tpu.memory_space<vmem>>, vector<16xf32>,
        tpu.vector_store %arg11[%swap3A_941, %swap3A_942], %mul3A_940 {strides = array<i32>} : memref<128x128xf32, #tpu.memory_space<vmem>>, vector<16xf32>,
        %get3A_944 = arith.index_cast %add3A_892 : i32 to index
        %get3A_945 = arith.constant 112 : index
        %get3A_946 = tpu.vector_load %arg11[%get3A_944, %get3A_945] {strides = array<i32>} : memref<128x128xf32, #tpu.memory_space<vmem>>, vector<16xf32>,
        %mul3A_947 = arith.mulf %get3A_946, %gather3A_894 : vector<16xf32>
        %swap3A_948 = arith.index_cast %add3A_892 : i32 to index
        %swap3A_949 = arith.constant 112 : index
        %swap3A_950 = tpu.vector_load %arg11[%swap3A_948, %swap3A_949] {strides = array<i32>} : memref<128x128xf32, #tpu.memory_space<vmem>>, vector<16xf32>,
        tpu.vector_store %arg11[%swap3A_948, %swap3A_949], %mul3A_947 {strides = array<i32>} : memref<128x128xf32, #tpu.memory_space<vmem>>, vector<16xf32>,
        %mul3A_951 = arith.constant 16 : i32
        %mul3A_952 = arith.muli %scan3A_200, %mul3A_951 : i32
        %add3A_953 = arith.constant 12 : i32
        %add3A_954 = arith.addi %mul3A_952, %add3A_953 : i32
        %broadcast_in_dim3A_955 = vector.broadcast %add3A_954 : i32 to vector<16xi32>
        %gather3A_956 = tpu.vector_load_idx %arg10[%broadcast_in_dim3A_955] : memref<128xf32, #tpu.memory_space<vmem>>[vector<16xi32>], vector<16xf32>,
        %get3A_957 = arith.index_cast %add3A_954 : i32 to index
        %get3A_958 = arith.constant 0 : index
        %get3A_959 = tpu.vector_load %arg11[%get3A_957, %get3A_958] {strides = array<i32>} : memref<128x128xf32, #tpu.memory_space<vmem>>, vector<16xf32>,
        %mul3A_960 = arith.mulf %get3A_959, %gather3A_956 : vector<16xf32>
        %swap3A_961 = arith.index_cast %add3A_954 : i32 to index
        %swap3A_962 = arith.constant 0 : index
        %swap3A_963 = tpu.vector_load %arg11[%swap3A_961, %swap3A_962] {strides = array<i32>} : memref<128x128xf32, #tpu.memory_space<vmem>>, vector<16xf32>,
        tpu.vector_store %arg11[%swap3A_961, %swap3A_962], %mul3A_960 {strides = array<i32>} : memref<128x128xf32, #tpu.memory_space<vmem>>, vector<16xf32>,
        %get3A_964 = arith.index_cast %add3A_954 : i32 to index
        %get3A_965 = arith.constant 16 : index
        %get3A_966 = tpu.vector_load %arg11[%get3A_964, %get3A_965] {strides = array<i32>} : memref<128x128xf32, #tpu.memory_space<vmem>>, vector<16xf32>,
        %mul3A_967 = arith.mulf %get3A_966, %gather3A_956 : vector<16xf32>
        %swap3A_968 = arith.index_cast %add3A_954 : i32 to index
        %swap3A_969 = arith.constant 16 : index
        %swap3A_970 = tpu.vector_load %arg11[%swap3A_968, %swap3A_969] {strides = array<i32>} : memref<128x128xf32, #tpu.memory_space<vmem>>, vector<16xf32>,
        tpu.vector_store %arg11[%swap3A_968, %swap3A_969], %mul3A_967 {strides = array<i32>} : memref<128x128xf32, #tpu.memory_space<vmem>>, vector<16xf32>,
        %get3A_971 = arith.index_cast %add3A_954 : i32 to index
        %get3A_972 = arith.constant 32 : index
        %get3A_973 = tpu.vector_load %arg11[%get3A_971, %get3A_972] {strides = array<i32>} : memref<128x128xf32, #tpu.memory_space<vmem>>, vector<16xf32>,
        %mul3A_974 = arith.mulf %get3A_973, %gather3A_956 : vector<16xf32>
        %swap3A_975 = arith.index_cast %add3A_954 : i32 to index
        %swap3A_976 = arith.constant 32 : index
        %swap3A_977 = tpu.vector_load %arg11[%swap3A_975, %swap3A_976] {strides = array<i32>} : memref<128x128xf32, #tpu.memory_space<vmem>>, vector<16xf32>,
        tpu.vector_store %arg11[%swap3A_975, %swap3A_976], %mul3A_974 {strides = array<i32>} : memref<128x128xf32, #tpu.memory_space<vmem>>, vector<16xf32>,
        %get3A_978 = arith.index_cast %add3A_954 : i32 to index
        %get3A_979 = arith.constant 48 : index
        %get3A_980 = tpu.vector_load %arg11[%get3A_978, %get3A_979] {strides = array<i32>} : memref<128x128xf32, #tpu.memory_space<vmem>>, vector<16xf32>,
        %mul3A_981 = arith.mulf %get3A_980, %gather3A_956 : vector<16xf32>
        %swap3A_982 = arith.index_cast %add3A_954 : i32 to index
        %swap3A_983 = arith.constant 48 : index
        %swap3A_984 = tpu.vector_load %arg11[%swap3A_982, %swap3A_983] {strides = array<i32>} : memref<128x128xf32, #tpu.memory_space<vmem>>, vector<16xf32>,
        tpu.vector_store %arg11[%swap3A_982, %swap3A_983], %mul3A_981 {strides = array<i32>} : memref<128x128xf32, #tpu.memory_space<vmem>>, vector<16xf32>,
        %get3A_985 = arith.index_cast %add3A_954 : i32 to index
        %get3A_986 = arith.constant 64 : index
        %get3A_987 = tpu.vector_load %arg11[%get3A_985, %get3A_986] {strides = array<i32>} : memref<128x128xf32, #tpu.memory_space<vmem>>, vector<16xf32>,
        %mul3A_988 = arith.mulf %get3A_987, %gather3A_956 : vector<16xf32>
        %swap3A_989 = arith.index_cast %add3A_954 : i32 to index
        %swap3A_990 = arith.constant 64 : index
        %swap3A_991 = tpu.vector_load %arg11[%swap3A_989, %swap3A_990] {strides = array<i32>} : memref<128x128xf32, #tpu.memory_space<vmem>>, vector<16xf32>,
        tpu.vector_store %arg11[%swap3A_989, %swap3A_990], %mul3A_988 {strides = array<i32>} : memref<128x128xf32, #tpu.memory_space<vmem>>, vector<16xf32>,
        %get3A_992 = arith.index_cast %add3A_954 : i32 to index
        %get3A_993 = arith.constant 80 : index
        %get3A_994 = tpu.vector_load %arg11[%get3A_992, %get3A_993] {strides = array<i32>} : memref<128x128xf32, #tpu.memory_space<vmem>>, vector<16xf32>,
        %mul3A_995 = arith.mulf %get3A_994, %gather3A_956 : vector<16xf32>
        %swap3A_996 = arith.index_cast %add3A_954 : i32 to index
        %swap3A_997 = arith.constant 80 : index
        %swap3A_998 = tpu.vector_load %arg11[%swap3A_996, %swap3A_997] {strides = array<i32>} : memref<128x128xf32, #tpu.memory_space<vmem>>, vector<16xf32>,
        tpu.vector_store %arg11[%swap3A_996, %swap3A_997], %mul3A_995 {strides = array<i32>} : memref<128x128xf32, #tpu.memory_space<vmem>>, vector<16xf32>,
        %get3A_999 = arith.index_cast %add3A_954 : i32 to index
        %get3A_1000 = arith.constant 96 : index
        %get3A_1001 = tpu.vector_load %arg11[%get3A_999, %get3A_1000] {strides = array<i32>} : memref<128x128xf32, #tpu.memory_space<vmem>>, vector<16xf32>,
        %mul3A_1002 = arith.mulf %get3A_1001, %gather3A_956 : vector<16xf32>
        %swap3A_1003 = arith.index_cast %add3A_954 : i32 to index
        %swap3A_1004 = arith.constant 96 : index
        %swap3A_1005 = tpu.vector_load %arg11[%swap3A_1003, %swap3A_1004] {strides = array<i32>} : memref<128x128xf32, #tpu.memory_space<vmem>>, vector<16xf32>,
        tpu.vector_store %arg11[%swap3A_1003, %swap3A_1004], %mul3A_1002 {strides = array<i32>} : memref<128x128xf32, #tpu.memory_space<vmem>>, vector<16xf32>,
        %get3A_1006 = arith.index_cast %add3A_954 : i32 to index
        %get3A_1007 = arith.constant 112 : index
        %get3A_1008 = tpu.vector_load %arg11[%get3A_1006, %get3A_1007] {strides = array<i32>} : memref<128x128xf32, #tpu.memory_space<vmem>>, vector<16xf32>,
        %mul3A_1009 = arith.mulf %get3A_1008, %gather3A_956 : vector<16xf32>
        %swap3A_1010 = arith.index_cast %add3A_954 : i32 to index
        %swap3A_1011 = arith.constant 112 : index
        %swap3A_1012 = tpu.vector_load %arg11[%swap3A_1010, %swap3A_1011] {strides = array<i32>} : memref<128x128xf32, #tpu.memory_space<vmem>>, vector<16xf32>,
        tpu.vector_store %arg11[%swap3A_1010, %swap3A_1011], %mul3A_1009 {strides = array<i32>} : memref<128x128xf32, #tpu.memory_space<vmem>>, vector<16xf32>,
        %mul3A_1013 = arith.constant 16 : i32
        %mul3A_1014 = arith.muli %scan3A_200, %mul3A_1013 : i32
        %add3A_1015 = arith.constant 13 : i32
        %add3A_1016 = arith.addi %mul3A_1014, %add3A_1015 : i32
        %broadcast_in_dim3A_1017 = vector.broadcast %add3A_1016 : i32 to vector<16xi32>
        %gather3A_1018 = tpu.vector_load_idx %arg10[%broadcast_in_dim3A_1017] : memref<128xf32, #tpu.memory_space<vmem>>[vector<16xi32>], vector<16xf32>,
        %get3A_1019 = arith.index_cast %add3A_1016 : i32 to index
        %get3A_1020 = arith.constant 0 : index
        %get3A_1021 = tpu.vector_load %arg11[%get3A_1019, %get3A_1020] {strides = array<i32>} : memref<128x128xf32, #tpu.memory_space<vmem>>, vector<16xf32>,
        %mul3A_1022 = arith.mulf %get3A_1021, %gather3A_1018 : vector<16xf32>
        %swap3A_1023 = arith.index_cast %add3A_1016 : i32 to index
        %swap3A_1024 = arith.constant 0 : index
        %swap3A_1025 = tpu.vector_load %arg11[%swap3A_1023, %swap3A_1024] {strides = array<i32>} : memref<128x128xf32, #tpu.memory_space<vmem>>, vector<16xf32>,
        tpu.vector_store %arg11[%swap3A_1023, %swap3A_1024], %mul3A_1022 {strides = array<i32>} : memref<128x128xf32, #tpu.memory_space<vmem>>, vector<16xf32>,
        %get3A_1026 = arith.index_cast %add3A_1016 : i32 to index
        %get3A_1027 = arith.constant 16 : index
        %get3A_1028 = tpu.vector_load %arg11[%get3A_1026, %get3A_1027] {strides = array<i32>} : memref<128x128xf32, #tpu.memory_space<vmem>>, vector<16xf32>,
        %mul3A_1029 = arith.mulf %get3A_1028, %gather3A_1018 : vector<16xf32>
        %swap3A_1030 = arith.index_cast %add3A_1016 : i32 to index
        %swap3A_1031 = arith.constant 16 : index
        %swap3A_1032 = tpu.vector_load %arg11[%swap3A_1030, %swap3A_1031] {strides = array<i32>} : memref<128x128xf32, #tpu.memory_space<vmem>>, vector<16xf32>,
        tpu.vector_store %arg11[%swap3A_1030, %swap3A_1031], %mul3A_1029 {strides = array<i32>} : memref<128x128xf32, #tpu.memory_space<vmem>>, vector<16xf32>,
        %get3A_1033 = arith.index_cast %add3A_1016 : i32 to index
        %get3A_1034 = arith.constant 32 : index
        %get3A_1035 = tpu.vector_load %arg11[%get3A_1033, %get3A_1034] {strides = array<i32>} : memref<128x128xf32, #tpu.memory_space<vmem>>, vector<16xf32>,
        %mul3A_1036 = arith.mulf %get3A_1035, %gather3A_1018 : vector<16xf32>
        %swap3A_1037 = arith.index_cast %add3A_1016 : i32 to index
        %swap3A_1038 = arith.constant 32 : index
        %swap3A_1039 = tpu.vector_load %arg11[%swap3A_1037, %swap3A_1038] {strides = array<i32>} : memref<128x128xf32, #tpu.memory_space<vmem>>, vector<16xf32>,
        tpu.vector_store %arg11[%swap3A_1037, %swap3A_1038], %mul3A_1036 {strides = array<i32>} : memref<128x128xf32, #tpu.memory_space<vmem>>, vector<16xf32>,
        %get3A_1040 = arith.index_cast %add3A_1016 : i32 to index
        %get3A_1041 = arith.constant 48 : index
        %get3A_1042 = tpu.vector_load %arg11[%get3A_1040, %get3A_1041] {strides = array<i32>} : memref<128x128xf32, #tpu.memory_space<vmem>>, vector<16xf32>,
        %mul3A_1043 = arith.mulf %get3A_1042, %gather3A_1018 : vector<16xf32>
        %swap3A_1044 = arith.index_cast %add3A_1016 : i32 to index
        %swap3A_1045 = arith.constant 48 : index
        %swap3A_1046 = tpu.vector_load %arg11[%swap3A_1044, %swap3A_1045] {strides = array<i32>} : memref<128x128xf32, #tpu.memory_space<vmem>>, vector<16xf32>,
        tpu.vector_store %arg11[%swap3A_1044, %swap3A_1045], %mul3A_1043 {strides = array<i32>} : memref<128x128xf32, #tpu.memory_space<vmem>>, vector<16xf32>,
        %get3A_1047 = arith.index_cast %add3A_1016 : i32 to index
        %get3A_1048 = arith.constant 64 : index
        %get3A_1049 = tpu.vector_load %arg11[%get3A_1047, %get3A_1048] {strides = array<i32>} : memref<128x128xf32, #tpu.memory_space<vmem>>, vector<16xf32>,
        %mul3A_1050 = arith.mulf %get3A_1049, %gather3A_1018 : vector<16xf32>
        %swap3A_1051 = arith.index_cast %add3A_1016 : i32 to index
        %swap3A_1052 = arith.constant 64 : index
        %swap3A_1053 = tpu.vector_load %arg11[%swap3A_1051, %swap3A_1052] {strides = array<i32>} : memref<128x128xf32, #tpu.memory_space<vmem>>, vector<16xf32>,
        tpu.vector_store %arg11[%swap3A_1051, %swap3A_1052], %mul3A_1050 {strides = array<i32>} : memref<128x128xf32, #tpu.memory_space<vmem>>, vector<16xf32>,
        %get3A_1054 = arith.index_cast %add3A_1016 : i32 to index
        %get3A_1055 = arith.constant 80 : index
        %get3A_1056 = tpu.vector_load %arg11[%get3A_1054, %get3A_1055] {strides = array<i32>} : memref<128x128xf32, #tpu.memory_space<vmem>>, vector<16xf32>,
        %mul3A_1057 = arith.mulf %get3A_1056, %gather3A_1018 : vector<16xf32>
        %swap3A_1058 = arith.index_cast %add3A_1016 : i32 to index
        %swap3A_1059 = arith.constant 80 : index
        %swap3A_1060 = tpu.vector_load %arg11[%swap3A_1058, %swap3A_1059] {strides = array<i32>} : memref<128x128xf32, #tpu.memory_space<vmem>>, vector<16xf32>,
        tpu.vector_store %arg11[%swap3A_1058, %swap3A_1059], %mul3A_1057 {strides = array<i32>} : memref<128x128xf32, #tpu.memory_space<vmem>>, vector<16xf32>,
        %get3A_1061 = arith.index_cast %add3A_1016 : i32 to index
        %get3A_1062 = arith.constant 96 : index
        %get3A_1063 = tpu.vector_load %arg11[%get3A_1061, %get3A_1062] {strides = array<i32>} : memref<128x128xf32, #tpu.memory_space<vmem>>, vector<16xf32>,
        %mul3A_1064 = arith.mulf %get3A_1063, %gather3A_1018 : vector<16xf32>
        %swap3A_1065 = arith.index_cast %add3A_1016 : i32 to index
        %swap3A_1066 = arith.constant 96 : index
        %swap3A_1067 = tpu.vector_load %arg11[%swap3A_1065, %swap3A_1066] {strides = array<i32>} : memref<128x128xf32, #tpu.memory_space<vmem>>, vector<16xf32>,
        tpu.vector_store %arg11[%swap3A_1065, %swap3A_1066], %mul3A_1064 {strides = array<i32>} : memref<128x128xf32, #tpu.memory_space<vmem>>, vector<16xf32>,
        %get3A_1068 = arith.index_cast %add3A_1016 : i32 to index
        %get3A_1069 = arith.constant 112 : index
        %get3A_1070 = tpu.vector_load %arg11[%get3A_1068, %get3A_1069] {strides = array<i32>} : memref<128x128xf32, #tpu.memory_space<vmem>>, vector<16xf32>,
        %mul3A_1071 = arith.mulf %get3A_1070, %gather3A_1018 : vector<16xf32>
        %swap3A_1072 = arith.index_cast %add3A_1016 : i32 to index
        %swap3A_1073 = arith.constant 112 : index
        %swap3A_1074 = tpu.vector_load %arg11[%swap3A_1072, %swap3A_1073] {strides = array<i32>} : memref<128x128xf32, #tpu.memory_space<vmem>>, vector<16xf32>,
        tpu.vector_store %arg11[%swap3A_1072, %swap3A_1073], %mul3A_1071 {strides = array<i32>} : memref<128x128xf32, #tpu.memory_space<vmem>>, vector<16xf32>,
        %mul3A_1075 = arith.constant 16 : i32
        %mul3A_1076 = arith.muli %scan3A_200, %mul3A_1075 : i32
        %add3A_1077 = arith.constant 14 : i32
        %add3A_1078 = arith.addi %mul3A_1076, %add3A_1077 : i32
        %broadcast_in_dim3A_1079 = vector.broadcast %add3A_1078 : i32 to vector<16xi32>
        %gather3A_1080 = tpu.vector_load_idx %arg10[%broadcast_in_dim3A_1079] : memref<128xf32, #tpu.memory_space<vmem>>[vector<16xi32>], vector<16xf32>,
        %get3A_1081 = arith.index_cast %add3A_1078 : i32 to index
        %get3A_1082 = arith.constant 0 : index
        %get3A_1083 = tpu.vector_load %arg11[%get3A_1081, %get3A_1082] {strides = array<i32>} : memref<128x128xf32, #tpu.memory_space<vmem>>, vector<16xf32>,
        %mul3A_1084 = arith.mulf %get3A_1083, %gather3A_1080 : vector<16xf32>
        %swap3A_1085 = arith.index_cast %add3A_1078 : i32 to index
        %swap3A_1086 = arith.constant 0 : index
        %swap3A_1087 = tpu.vector_load %arg11[%swap3A_1085, %swap3A_1086] {strides = array<i32>} : memref<128x128xf32, #tpu.memory_space<vmem>>, vector<16xf32>,
        tpu.vector_store %arg11[%swap3A_1085, %swap3A_1086], %mul3A_1084 {strides = array<i32>} : memref<128x128xf32, #tpu.memory_space<vmem>>, vector<16xf32>,
        %get3A_1088 = arith.index_cast %add3A_1078 : i32 to index
        %get3A_1089 = arith.constant 16 : index
        %get3A_1090 = tpu.vector_load %arg11[%get3A_1088, %get3A_1089] {strides = array<i32>} : memref<128x128xf32, #tpu.memory_space<vmem>>, vector<16xf32>,
        %mul3A_1091 = arith.mulf %get3A_1090, %gather3A_1080 : vector<16xf32>
        %swap3A_1092 = arith.index_cast %add3A_1078 : i32 to index
        %swap3A_1093 = arith.constant 16 : index
        %swap3A_1094 = tpu.vector_load %arg11[%swap3A_1092, %swap3A_1093] {strides = array<i32>} : memref<128x128xf32, #tpu.memory_space<vmem>>, vector<16xf32>,
        tpu.vector_store %arg11[%swap3A_1092, %swap3A_1093], %mul3A_1091 {strides = array<i32>} : memref<128x128xf32, #tpu.memory_space<vmem>>, vector<16xf32>,
        %get3A_1095 = arith.index_cast %add3A_1078 : i32 to index
        %get3A_1096 = arith.constant 32 : index
        %get3A_1097 = tpu.vector_load %arg11[%get3A_1095, %get3A_1096] {strides = array<i32>} : memref<128x128xf32, #tpu.memory_space<vmem>>, vector<16xf32>,
        %mul3A_1098 = arith.mulf %get3A_1097, %gather3A_1080 : vector<16xf32>
        %swap3A_1099 = arith.index_cast %add3A_1078 : i32 to index
        %swap3A_1100 = arith.constant 32 : index
        %swap3A_1101 = tpu.vector_load %arg11[%swap3A_1099, %swap3A_1100] {strides = array<i32>} : memref<128x128xf32, #tpu.memory_space<vmem>>, vector<16xf32>,
        tpu.vector_store %arg11[%swap3A_1099, %swap3A_1100], %mul3A_1098 {strides = array<i32>} : memref<128x128xf32, #tpu.memory_space<vmem>>, vector<16xf32>,
        %get3A_1102 = arith.index_cast %add3A_1078 : i32 to index
        %get3A_1103 = arith.constant 48 : index
        %get3A_1104 = tpu.vector_load %arg11[%get3A_1102, %get3A_1103] {strides = array<i32>} : memref<128x128xf32, #tpu.memory_space<vmem>>, vector<16xf32>,
        %mul3A_1105 = arith.mulf %get3A_1104, %gather3A_1080 : vector<16xf32>
        %swap3A_1106 = arith.index_cast %add3A_1078 : i32 to index
        %swap3A_1107 = arith.constant 48 : index
        %swap3A_1108 = tpu.vector_load %arg11[%swap3A_1106, %swap3A_1107] {strides = array<i32>} : memref<128x128xf32, #tpu.memory_space<vmem>>, vector<16xf32>,
        tpu.vector_store %arg11[%swap3A_1106, %swap3A_1107], %mul3A_1105 {strides = array<i32>} : memref<128x128xf32, #tpu.memory_space<vmem>>, vector<16xf32>,
        %get3A_1109 = arith.index_cast %add3A_1078 : i32 to index
        %get3A_1110 = arith.constant 64 : index
        %get3A_1111 = tpu.vector_load %arg11[%get3A_1109, %get3A_1110] {strides = array<i32>} : memref<128x128xf32, #tpu.memory_space<vmem>>, vector<16xf32>,
        %mul3A_1112 = arith.mulf %get3A_1111, %gather3A_1080 : vector<16xf32>
        %swap3A_1113 = arith.index_cast %add3A_1078 : i32 to index
        %swap3A_1114 = arith.constant 64 : index
        %swap3A_1115 = tpu.vector_load %arg11[%swap3A_1113, %swap3A_1114] {strides = array<i32>} : memref<128x128xf32, #tpu.memory_space<vmem>>, vector<16xf32>,
        tpu.vector_store %arg11[%swap3A_1113, %swap3A_1114], %mul3A_1112 {strides = array<i32>} : memref<128x128xf32, #tpu.memory_space<vmem>>, vector<16xf32>,
        %get3A_1116 = arith.index_cast %add3A_1078 : i32 to index
        %get3A_1117 = arith.constant 80 : index
        %get3A_1118 = tpu.vector_load %arg11[%get3A_1116, %get3A_1117] {strides = array<i32>} : memref<128x128xf32, #tpu.memory_space<vmem>>, vector<16xf32>,
        %mul3A_1119 = arith.mulf %get3A_1118, %gather3A_1080 : vector<16xf32>
        %swap3A_1120 = arith.index_cast %add3A_1078 : i32 to index
        %swap3A_1121 = arith.constant 80 : index
        %swap3A_1122 = tpu.vector_load %arg11[%swap3A_1120, %swap3A_1121] {strides = array<i32>} : memref<128x128xf32, #tpu.memory_space<vmem>>, vector<16xf32>,
        tpu.vector_store %arg11[%swap3A_1120, %swap3A_1121], %mul3A_1119 {strides = array<i32>} : memref<128x128xf32, #tpu.memory_space<vmem>>, vector<16xf32>,
        %get3A_1123 = arith.index_cast %add3A_1078 : i32 to index
        %get3A_1124 = arith.constant 96 : index
        %get3A_1125 = tpu.vector_load %arg11[%get3A_1123, %get3A_1124] {strides = array<i32>} : memref<128x128xf32, #tpu.memory_space<vmem>>, vector<16xf32>,
        %mul3A_1126 = arith.mulf %get3A_1125, %gather3A_1080 : vector<16xf32>
        %swap3A_1127 = arith.index_cast %add3A_1078 : i32 to index
        %swap3A_1128 = arith.constant 96 : index
        %swap3A_1129 = tpu.vector_load %arg11[%swap3A_1127, %swap3A_1128] {strides = array<i32>} : memref<128x128xf32, #tpu.memory_space<vmem>>, vector<16xf32>,
        tpu.vector_store %arg11[%swap3A_1127, %swap3A_1128], %mul3A_1126 {strides = array<i32>} : memref<128x128xf32, #tpu.memory_space<vmem>>, vector<16xf32>,
        %get3A_1130 = arith.index_cast %add3A_1078 : i32 to index
        %get3A_1131 = arith.constant 112 : index
        %get3A_1132 = tpu.vector_load %arg11[%get3A_1130, %get3A_1131] {strides = array<i32>} : memref<128x128xf32, #tpu.memory_space<vmem>>, vector<16xf32>,
        %mul3A_1133 = arith.mulf %get3A_1132, %gather3A_1080 : vector<16xf32>
        %swap3A_1134 = arith.index_cast %add3A_1078 : i32 to index
        %swap3A_1135 = arith.constant 112 : index
        %swap3A_1136 = tpu.vector_load %arg11[%swap3A_1134, %swap3A_1135] {strides = array<i32>} : memref<128x128xf32, #tpu.memory_space<vmem>>, vector<16xf32>,
        tpu.vector_store %arg11[%swap3A_1134, %swap3A_1135], %mul3A_1133 {strides = array<i32>} : memref<128x128xf32, #tpu.memory_space<vmem>>, vector<16xf32>,
        %mul3A_1137 = arith.constant 16 : i32
        %mul3A_1138 = arith.muli %scan3A_200, %mul3A_1137 : i32
        %add3A_1139 = arith.constant 15 : i32
        %add3A_1140 = arith.addi %mul3A_1138, %add3A_1139 : i32
        %broadcast_in_dim3A_1141 = vector.broadcast %add3A_1140 : i32 to vector<16xi32>
        %gather3A_1142 = tpu.vector_load_idx %arg10[%broadcast_in_dim3A_1141] : memref<128xf32, #tpu.memory_space<vmem>>[vector<16xi32>], vector<16xf32>,
        %get3A_1143 = arith.index_cast %add3A_1140 : i32 to index
        %get3A_1144 = arith.constant 0 : index
        %get3A_1145 = tpu.vector_load %arg11[%get3A_1143, %get3A_1144] {strides = array<i32>} : memref<128x128xf32, #tpu.memory_space<vmem>>, vector<16xf32>,
        %mul3A_1146 = arith.mulf %get3A_1145, %gather3A_1142 : vector<16xf32>
        %swap3A_1147 = arith.index_cast %add3A_1140 : i32 to index
        %swap3A_1148 = arith.constant 0 : index
        %swap3A_1149 = tpu.vector_load %arg11[%swap3A_1147, %swap3A_1148] {strides = array<i32>} : memref<128x128xf32, #tpu.memory_space<vmem>>, vector<16xf32>,
        tpu.vector_store %arg11[%swap3A_1147, %swap3A_1148], %mul3A_1146 {strides = array<i32>} : memref<128x128xf32, #tpu.memory_space<vmem>>, vector<16xf32>,
        %get3A_1150 = arith.index_cast %add3A_1140 : i32 to index
        %get3A_1151 = arith.constant 16 : index
        %get3A_1152 = tpu.vector_load %arg11[%get3A_1150, %get3A_1151] {strides = array<i32>} : memref<128x128xf32, #tpu.memory_space<vmem>>, vector<16xf32>,
        %mul3A_1153 = arith.mulf %get3A_1152, %gather3A_1142 : vector<16xf32>
        %swap3A_1154 = arith.index_cast %add3A_1140 : i32 to index
        %swap3A_1155 = arith.constant 16 : index
        %swap3A_1156 = tpu.vector_load %arg11[%swap3A_1154, %swap3A_1155] {strides = array<i32>} : memref<128x128xf32, #tpu.memory_space<vmem>>, vector<16xf32>,
        tpu.vector_store %arg11[%swap3A_1154, %swap3A_1155], %mul3A_1153 {strides = array<i32>} : memref<128x128xf32, #tpu.memory_space<vmem>>, vector<16xf32>,
        %get3A_1157 = arith.index_cast %add3A_1140 : i32 to index
        %get3A_1158 = arith.constant 32 : index
        %get3A_1159 = tpu.vector_load %arg11[%get3A_1157, %get3A_1158] {strides = array<i32>} : memref<128x128xf32, #tpu.memory_space<vmem>>, vector<16xf32>,
        %mul3A_1160 = arith.mulf %get3A_1159, %gather3A_1142 : vector<16xf32>
        %swap3A_1161 = arith.index_cast %add3A_1140 : i32 to index
        %swap3A_1162 = arith.constant 32 : index
        %swap3A_1163 = tpu.vector_load %arg11[%swap3A_1161, %swap3A_1162] {strides = array<i32>} : memref<128x128xf32, #tpu.memory_space<vmem>>, vector<16xf32>,
        tpu.vector_store %arg11[%swap3A_1161, %swap3A_1162], %mul3A_1160 {strides = array<i32>} : memref<128x128xf32, #tpu.memory_space<vmem>>, vector<16xf32>,
        %get3A_1164 = arith.index_cast %add3A_1140 : i32 to index
        %get3A_1165 = arith.constant 48 : index
        %get3A_1166 = tpu.vector_load %arg11[%get3A_1164, %get3A_1165] {strides = array<i32>} : memref<128x128xf32, #tpu.memory_space<vmem>>, vector<16xf32>,
        %mul3A_1167 = arith.mulf %get3A_1166, %gather3A_1142 : vector<16xf32>
        %swap3A_1168 = arith.index_cast %add3A_1140 : i32 to index
        %swap3A_1169 = arith.constant 48 : index
        %swap3A_1170 = tpu.vector_load %arg11[%swap3A_1168, %swap3A_1169] {strides = array<i32>} : memref<128x128xf32, #tpu.memory_space<vmem>>, vector<16xf32>,
        tpu.vector_store %arg11[%swap3A_1168, %swap3A_1169], %mul3A_1167 {strides = array<i32>} : memref<128x128xf32, #tpu.memory_space<vmem>>, vector<16xf32>,
        %get3A_1171 = arith.index_cast %add3A_1140 : i32 to index
        %get3A_1172 = arith.constant 64 : index
        %get3A_1173 = tpu.vector_load %arg11[%get3A_1171, %get3A_1172] {strides = array<i32>} : memref<128x128xf32, #tpu.memory_space<vmem>>, vector<16xf32>,
        %mul3A_1174 = arith.mulf %get3A_1173, %gather3A_1142 : vector<16xf32>
        %swap3A_1175 = arith.index_cast %add3A_1140 : i32 to index
        %swap3A_1176 = arith.constant 64 : index
        %swap3A_1177 = tpu.vector_load %arg11[%swap3A_1175, %swap3A_1176] {strides = array<i32>} : memref<128x128xf32, #tpu.memory_space<vmem>>, vector<16xf32>,
        tpu.vector_store %arg11[%swap3A_1175, %swap3A_1176], %mul3A_1174 {strides = array<i32>} : memref<128x128xf32, #tpu.memory_space<vmem>>, vector<16xf32>,
        %get3A_1178 = arith.index_cast %add3A_1140 : i32 to index
        %get3A_1179 = arith.constant 80 : index
        %get3A_1180 = tpu.vector_load %arg11[%get3A_1178, %get3A_1179] {strides = array<i32>} : memref<128x128xf32, #tpu.memory_space<vmem>>, vector<16xf32>,
        %mul3A_1181 = arith.mulf %get3A_1180, %gather3A_1142 : vector<16xf32>
        %swap3A_1182 = arith.index_cast %add3A_1140 : i32 to index
        %swap3A_1183 = arith.constant 80 : index
        %swap3A_1184 = tpu.vector_load %arg11[%swap3A_1182, %swap3A_1183] {strides = array<i32>} : memref<128x128xf32, #tpu.memory_space<vmem>>, vector<16xf32>,
        tpu.vector_store %arg11[%swap3A_1182, %swap3A_1183], %mul3A_1181 {strides = array<i32>} : memref<128x128xf32, #tpu.memory_space<vmem>>, vector<16xf32>,
        %get3A_1185 = arith.index_cast %add3A_1140 : i32 to index
        %get3A_1186 = arith.constant 96 : index
        %get3A_1187 = tpu.vector_load %arg11[%get3A_1185, %get3A_1186] {strides = array<i32>} : memref<128x128xf32, #tpu.memory_space<vmem>>, vector<16xf32>,
        %mul3A_1188 = arith.mulf %get3A_1187, %gather3A_1142 : vector<16xf32>
        %swap3A_1189 = arith.index_cast %add3A_1140 : i32 to index
        %swap3A_1190 = arith.constant 96 : index
        %swap3A_1191 = tpu.vector_load %arg11[%swap3A_1189, %swap3A_1190] {strides = array<i32>} : memref<128x128xf32, #tpu.memory_space<vmem>>, vector<16xf32>,
        tpu.vector_store %arg11[%swap3A_1189, %swap3A_1190], %mul3A_1188 {strides = array<i32>} : memref<128x128xf32, #tpu.memory_space<vmem>>, vector<16xf32>,
        %get3A_1192 = arith.index_cast %add3A_1140 : i32 to index
        %get3A_1193 = arith.constant 112 : index
        %get3A_1194 = tpu.vector_load %arg11[%get3A_1192, %get3A_1193] {strides = array<i32>} : memref<128x128xf32, #tpu.memory_space<vmem>>, vector<16xf32>,
        %mul3A_1195 = arith.mulf %get3A_1194, %gather3A_1142 : vector<16xf32>
        %swap3A_1196 = arith.index_cast %add3A_1140 : i32 to index
        %swap3A_1197 = arith.constant 112 : index
        %swap3A_1198 = tpu.vector_load %arg11[%swap3A_1196, %swap3A_1197] {strides = array<i32>} : memref<128x128xf32, #tpu.memory_space<vmem>>, vector<16xf32>,
        tpu.vector_store %arg11[%swap3A_1196, %swap3A_1197], %mul3A_1195 {strides = array<i32>} : memref<128x128xf32, #tpu.memory_space<vmem>>, vector<16xf32>,
        %scan3A_1199 = arith.constant 0 : i32
        scf.yield %scan3A_1199 : i32
      }
      %scan3A_198 = arith.constant 8 : i32
      "tpu.region"() ({
        %run_scoped3A = tpu.sem_alloc : memref<!tpu.dma_semaphore, #tpu.memory_space<semaphore_mem>>
        %dma_start3A_200 = arith.constant 0 : i32
        %dma_start3A_201 = arith.constant 0 : i32
        %dma_start3A_202 = tpu.memref_slice %arg13[%dma_start3A_200, %dma_start3A_201] : memref<10000x128xf32, #tpu.memory_space<vmem_shared>> -> memref<10000x128xf32, #tpu.memory_space<vmem_shared>>
        tpu.enqueue_indirect_dma source(%arg11 : memref<128x128xf32, #tpu.memory_space<vmem>>) target(%dma_start3A_202 : memref<10000x128xf32, #tpu.memory_space<vmem_shared>>) offsets(%arg9 : memref<128xi32, #tpu.memory_space<vmem>>) semaphore(%run_scoped3A : memref<!tpu.dma_semaphore, #tpu.memory_space<semaphore_mem>>) {add = true}
        %dma_wait3A_203 = arith.constant 0 : i32
        %dma_wait3A_204 = arith.constant 0 : i32
        %dma_wait3A_205 = tpu.memref_slice %arg13[%dma_wait3A_203, %dma_wait3A_204] : memref<10000x128xf32, #tpu.memory_space<vmem_shared>> -> memref<10000x128xf32, #tpu.memory_space<vmem_shared>>
        tpu.wait_indirect_dma semaphore(%run_scoped3A : memref<!tpu.dma_semaphore, #tpu.memory_space<semaphore_mem>>) src(%arg11 : memref<128x128xf32, #tpu.memory_space<vmem>>) dst(%dma_wait3A_205 : memref<10000x128xf32, #tpu.memory_space<vmem_shared>>)
        tpu.yield
      }) : () -> ()
      %while3A_199 = arith.constant 0 : i32
      scf.yield %while3A_199 : i32
    }
    %barrier3A_101 = arith.constant 0 : index
    tpu.barrier barrier_id(%barrier3A_101)
    %add3A_102 = arith.constant 0 : i32
    %add3A_103 = arith.addi %arg1, %add3A_102 : i32
    %mul3A_104 = arith.constant 128 : i32
    %mul3A_105 = arith.muli %add3A_103, %mul3A_104 : i32
    %multiple_of3A_106 = tpu.assume_multiple %mul3A_105, 128 : i32
    %lt3A_107 = arith.constant 78 : i32
    %lt3A_108 = arith.cmpi slt, %add3A_103, %lt3A_107 : i32
    %convert_element_type3A_109 = arith.extui %lt3A_108 : i1 to i32
    %cond3A_110 = arith.constant 0 : i32
    %cond3A_111 = arith.cmpi ne, %convert_element_type3A_109, %cond3A_110 : i32
    scf.if %cond3A_111 {
      "tpu.region"() ({
        %run_scoped3A = tpu.sem_alloc : memref<!tpu.dma_semaphore, #tpu.memory_space<semaphore_mem>>
        %dma_start3A = arith.constant 0 : i32
        %dma_start3A_180 = tpu.memref_slice %arg13[%multiple_of3A_106, %dma_start3A] : memref<10000x128xf32, #tpu.memory_space<vmem_shared>> -> memref<128x128xf32, #tpu.memory_space<vmem_shared>>
        %dma_start3A_181 = arith.constant 0 : i32
        %dma_start3A_182 = tpu.memref_slice %arg13[%multiple_of3A_106, %dma_start3A_181] : memref<10000x128xf32, #tpu.memory_space<vmem_shared>> -> memref<128x128xf32, #tpu.memory_space<vmem_shared>>
        tpu.enqueue_dma source(%dma_start3A_182 : memref<128x128xf32, #tpu.memory_space<vmem_shared>>) target(%arg11 : memref<128x128xf32, #tpu.memory_space<vmem>>) target_semaphore(%run_scoped3A : memref<!tpu.dma_semaphore, #tpu.memory_space<semaphore_mem>>)
        %dma_wait3A = arith.constant 0 : i32
        %dma_wait3A_183 = tpu.memref_slice %arg13[%multiple_of3A_106, %dma_wait3A] : memref<10000x128xf32, #tpu.memory_space<vmem_shared>> -> memref<128x128xf32, #tpu.memory_space<vmem_shared>>
        %dma_wait3A_184 = arith.constant 0 : i32
        %dma_wait3A_185 = tpu.memref_slice %arg13[%multiple_of3A_106, %dma_wait3A_184] : memref<10000x128xf32, #tpu.memory_space<vmem_shared>> -> memref<128x128xf32, #tpu.memory_space<vmem_shared>>
        tpu.wait_dma2 semaphore(%run_scoped3A : memref<!tpu.dma_semaphore, #tpu.memory_space<semaphore_mem>>) src(%dma_wait3A_185 : memref<128x128xf32, #tpu.memory_space<vmem_shared>>) dst(%arg11 : memref<128x128xf32, #tpu.memory_space<vmem>>)
        tpu.yield
      }) : () -> ()
      "tpu.region"() ({
        %run_scoped3A = tpu.sem_alloc : memref<!tpu.dma_semaphore, #tpu.memory_space<semaphore_mem>>
        %dma_start3A = arith.constant 0 : i32
        %dma_start3A_180 = tpu.memref_slice %arg6[%arg0, %multiple_of3A_106, %dma_start3A] : memref<2x10000x128xf32, #tpu.memory_space<hbm>> -> memref<1x128x128xf32, #tpu.memory_space<hbm>>
        %dma_start3A_181 = tpu.memref_squeeze %dma_start3A_180 : memref<1x128x128xf32, #tpu.memory_space<hbm>> -> memref<128x128xf32, #tpu.memory_space<hbm>>
        %dma_start3A_182 = arith.constant 0 : i32
        %dma_start3A_183 = tpu.memref_slice %arg6[%arg0, %multiple_of3A_106, %dma_start3A_182] : memref<2x10000x128xf32, #tpu.memory_space<hbm>> -> memref<1x128x128xf32, #tpu.memory_space<hbm>>
        %dma_start3A_184 = tpu.memref_squeeze %dma_start3A_183 : memref<1x128x128xf32, #tpu.memory_space<hbm>> -> memref<128x128xf32, #tpu.memory_space<hbm>>
        tpu.enqueue_dma source(%arg11 : memref<128x128xf32, #tpu.memory_space<vmem>>) target(%dma_start3A_184 : memref<128x128xf32, #tpu.memory_space<hbm>>) target_semaphore(%run_scoped3A : memref<!tpu.dma_semaphore, #tpu.memory_space<semaphore_mem>>)
        %dma_wait3A = arith.constant 0 : i32
        %dma_wait3A_185 = tpu.memref_slice %arg6[%arg0, %multiple_of3A_106, %dma_wait3A] : memref<2x10000x128xf32, #tpu.memory_space<hbm>> -> memref<1x128x128xf32, #tpu.memory_space<hbm>>
        %dma_wait3A_186 = tpu.memref_squeeze %dma_wait3A_185 : memref<1x128x128xf32, #tpu.memory_space<hbm>> -> memref<128x128xf32, #tpu.memory_space<hbm>>
        %dma_wait3A_187 = arith.constant 0 : i32
        %dma_wait3A_188 = tpu.memref_slice %arg6[%arg0, %multiple_of3A_106, %dma_wait3A_187] : memref<2x10000x128xf32, #tpu.memory_space<hbm>> -> memref<1x128x128xf32, #tpu.memory_space<hbm>>
        %dma_wait3A_189 = tpu.memref_squeeze %dma_wait3A_188 : memref<1x128x128xf32, #tpu.memory_space<hbm>> -> memref<128x128xf32, #tpu.memory_space<hbm>>
        tpu.wait_dma2 semaphore(%run_scoped3A : memref<!tpu.dma_semaphore, #tpu.memory_space<semaphore_mem>>) src(%arg11 : memref<128x128xf32, #tpu.memory_space<vmem>>) dst(%dma_wait3A_189 : memref<128x128xf32, #tpu.memory_space<hbm>>)
        tpu.yield
      }) : () -> ()
    } else {
    }
    %eq3A_112 = arith.constant 78 : i32
    %eq3A_113 = arith.cmpi eq, %add3A_103, %eq3A_112 : i32
    %convert_element_type3A_114 = arith.extui %eq3A_113 : i1 to i32
    %cond3A_115 = arith.constant 0 : i32
    %cond3A_116 = arith.cmpi ne, %convert_element_type3A_114, %cond3A_115 : i32
    scf.if %cond3A_116 {
      "tpu.region"() ({
        %run_scoped3A = tpu.sem_alloc : memref<!tpu.dma_semaphore, #tpu.memory_space<semaphore_mem>>
        %dma_start3A = arith.constant 0 : i32
        %dma_start3A_180 = arith.constant 0 : i32
        %dma_start3A_181 = tpu.memref_slice %arg11[%dma_start3A, %dma_start3A_180] : memref<128x128xf32, #tpu.memory_space<vmem>> -> memref<16x128xf32, #tpu.memory_space<vmem>>
        %dma_start3A_182 = arith.constant 9984 : i32
        %dma_start3A_183 = arith.constant 0 : i32
        %dma_start3A_184 = tpu.memref_slice %arg13[%dma_start3A_182, %dma_start3A_183] : memref<10000x128xf32, #tpu.memory_space<vmem_shared>> -> memref<16x128xf32, #tpu.memory_space<vmem_shared>>
        %dma_start3A_185 = arith.constant 0 : i32
        %dma_start3A_186 = arith.constant 0 : i32
        %dma_start3A_187 = tpu.memref_slice %arg11[%dma_start3A_185, %dma_start3A_186] : memref<128x128xf32, #tpu.memory_space<vmem>> -> memref<16x128xf32, #tpu.memory_space<vmem>>
        %dma_start3A_188 = arith.constant 9984 : i32
        %dma_start3A_189 = arith.constant 0 : i32
        %dma_start3A_190 = tpu.memref_slice %arg13[%dma_start3A_188, %dma_start3A_189] : memref<10000x128xf32, #tpu.memory_space<vmem_shared>> -> memref<16x128xf32, #tpu.memory_space<vmem_shared>>
        tpu.enqueue_dma source(%dma_start3A_190 : memref<16x128xf32, #tpu.memory_space<vmem_shared>>) target(%dma_start3A_187 : memref<16x128xf32, #tpu.memory_space<vmem>>) target_semaphore(%run_scoped3A : memref<!tpu.dma_semaphore, #tpu.memory_space<semaphore_mem>>)
        %dma_wait3A = arith.constant 0 : i32
        %dma_wait3A_191 = arith.constant 0 : i32
        %dma_wait3A_192 = tpu.memref_slice %arg11[%dma_wait3A, %dma_wait3A_191] : memref<128x128xf32, #tpu.memory_space<vmem>> -> memref<16x128xf32, #tpu.memory_space<vmem>>
        %dma_wait3A_193 = arith.constant 9984 : i32
        %dma_wait3A_194 = arith.constant 0 : i32
        %dma_wait3A_195 = tpu.memref_slice %arg13[%dma_wait3A_193, %dma_wait3A_194] : memref<10000x128xf32, #tpu.memory_space<vmem_shared>> -> memref<16x128xf32, #tpu.memory_space<vmem_shared>>
        %dma_wait3A_196 = arith.constant 0 : i32
        %dma_wait3A_197 = arith.constant 0 : i32
        %dma_wait3A_198 = tpu.memref_slice %arg11[%dma_wait3A_196, %dma_wait3A_197] : memref<128x128xf32, #tpu.memory_space<vmem>> -> memref<16x128xf32, #tpu.memory_space<vmem>>
        %dma_wait3A_199 = arith.constant 9984 : i32
        %dma_wait3A_200 = arith.constant 0 : i32
        %dma_wait3A_201 = tpu.memref_slice %arg13[%dma_wait3A_199, %dma_wait3A_200] : memref<10000x128xf32, #tpu.memory_space<vmem_shared>> -> memref<16x128xf32, #tpu.memory_space<vmem_shared>>
        tpu.wait_dma2 semaphore(%run_scoped3A : memref<!tpu.dma_semaphore, #tpu.memory_space<semaphore_mem>>) src(%dma_wait3A_201 : memref<16x128xf32, #tpu.memory_space<vmem_shared>>) dst(%dma_wait3A_198 : memref<16x128xf32, #tpu.memory_space<vmem>>)
        tpu.yield
      }) : () -> ()
      "tpu.region"() ({
        %run_scoped3A = tpu.sem_alloc : memref<!tpu.dma_semaphore, #tpu.memory_space<semaphore_mem>>
        %dma_start3A = arith.constant 0 : i32
        %dma_start3A_180 = arith.constant 0 : i32
        %dma_start3A_181 = tpu.memref_slice %arg11[%dma_start3A, %dma_start3A_180] : memref<128x128xf32, #tpu.memory_space<vmem>> -> memref<16x128xf32, #tpu.memory_space<vmem>>
        %dma_start3A_182 = arith.constant 9984 : i32
        %dma_start3A_183 = arith.constant 0 : i32
        %dma_start3A_184 = tpu.memref_slice %arg6[%arg0, %dma_start3A_182, %dma_start3A_183] : memref<2x10000x128xf32, #tpu.memory_space<hbm>> -> memref<1x16x128xf32, #tpu.memory_space<hbm>>
        %dma_start3A_185 = tpu.memref_squeeze %dma_start3A_184 : memref<1x16x128xf32, #tpu.memory_space<hbm>> -> memref<16x128xf32, #tpu.memory_space<hbm>>
        %dma_start3A_186 = arith.constant 9984 : i32
        %dma_start3A_187 = arith.constant 0 : i32
        %dma_start3A_188 = tpu.memref_slice %arg6[%arg0, %dma_start3A_186, %dma_start3A_187] : memref<2x10000x128xf32, #tpu.memory_space<hbm>> -> memref<1x16x128xf32, #tpu.memory_space<hbm>>
        %dma_start3A_189 = tpu.memref_squeeze %dma_start3A_188 : memref<1x16x128xf32, #tpu.memory_space<hbm>> -> memref<16x128xf32, #tpu.memory_space<hbm>>
        %dma_start3A_190 = arith.constant 0 : i32
        %dma_start3A_191 = arith.constant 0 : i32
        %dma_start3A_192 = tpu.memref_slice %arg11[%dma_start3A_190, %dma_start3A_191] : memref<128x128xf32, #tpu.memory_space<vmem>> -> memref<16x128xf32, #tpu.memory_space<vmem>>
        tpu.enqueue_dma source(%dma_start3A_192 : memref<16x128xf32, #tpu.memory_space<vmem>>) target(%dma_start3A_189 : memref<16x128xf32, #tpu.memory_space<hbm>>) target_semaphore(%run_scoped3A : memref<!tpu.dma_semaphore, #tpu.memory_space<semaphore_mem>>)
        %dma_wait3A = arith.constant 0 : i32
        %dma_wait3A_193 = arith.constant 0 : i32
        %dma_wait3A_194 = tpu.memref_slice %arg11[%dma_wait3A, %dma_wait3A_193] : memref<128x128xf32, #tpu.memory_space<vmem>> -> memref<16x128xf32, #tpu.memory_space<vmem>>
        %dma_wait3A_195 = arith.constant 9984 : i32
        %dma_wait3A_196 = arith.constant 0 : i32
        %dma_wait3A_197 = tpu.memref_slice %arg6[%arg0, %dma_wait3A_195, %dma_wait3A_196] : memref<2x10000x128xf32, #tpu.memory_space<hbm>> -> memref<1x16x128xf32, #tpu.memory_space<hbm>>
        %dma_wait3A_198 = tpu.memref_squeeze %dma_wait3A_197 : memref<1x16x128xf32, #tpu.memory_space<hbm>> -> memref<16x128xf32, #tpu.memory_space<hbm>>
        %dma_wait3A_199 = arith.constant 9984 : i32
        %dma_wait3A_200 = arith.constant 0 : i32
        %dma_wait3A_201 = tpu.memref_slice %arg6[%arg0, %dma_wait3A_199, %dma_wait3A_200] : memref<2x10000x128xf32, #tpu.memory_space<hbm>> -> memref<1x16x128xf32, #tpu.memory_space<hbm>>
        %dma_wait3A_202 = tpu.memref_squeeze %dma_wait3A_201 : memref<1x16x128xf32, #tpu.memory_space<hbm>> -> memref<16x128xf32, #tpu.memory_space<hbm>>
        %dma_wait3A_203 = arith.constant 0 : i32
        %dma_wait3A_204 = arith.constant 0 : i32
        %dma_wait3A_205 = tpu.memref_slice %arg11[%dma_wait3A_203, %dma_wait3A_204] : memref<128x128xf32, #tpu.memory_space<vmem>> -> memref<16x128xf32, #tpu.memory_space<vmem>>
        tpu.wait_dma2 semaphore(%run_scoped3A : memref<!tpu.dma_semaphore, #tpu.memory_space<semaphore_mem>>) src(%dma_wait3A_205 : memref<16x128xf32, #tpu.memory_space<vmem>>) dst(%dma_wait3A_202 : memref<16x128xf32, #tpu.memory_space<hbm>>)
        tpu.yield
      }) : () -> ()
    } else {
    }
    %add3A_117 = arith.constant 16 : i32
    %add3A_118 = arith.addi %arg1, %add3A_117 : i32
    %mul3A_119 = arith.constant 128 : i32
    %mul3A_120 = arith.muli %add3A_118, %mul3A_119 : i32
    %multiple_of3A_121 = tpu.assume_multiple %mul3A_120, 128 : i32
    %lt3A_122 = arith.constant 78 : i32
    %lt3A_123 = arith.cmpi slt, %add3A_118, %lt3A_122 : i32
    %convert_element_type3A_124 = arith.extui %lt3A_123 : i1 to i32
    %cond3A_125 = arith.constant 0 : i32
    %cond3A_126 = arith.cmpi ne, %convert_element_type3A_124, %cond3A_125 : i32
    scf.if %cond3A_126 {
      "tpu.region"() ({
        %run_scoped3A = tpu.sem_alloc : memref<!tpu.dma_semaphore, #tpu.memory_space<semaphore_mem>>
        %dma_start3A = arith.constant 0 : i32
        %dma_start3A_180 = tpu.memref_slice %arg13[%multiple_of3A_121, %dma_start3A] : memref<10000x128xf32, #tpu.memory_space<vmem_shared>> -> memref<128x128xf32, #tpu.memory_space<vmem_shared>>
        %dma_start3A_181 = arith.constant 0 : i32
        %dma_start3A_182 = tpu.memref_slice %arg13[%multiple_of3A_121, %dma_start3A_181] : memref<10000x128xf32, #tpu.memory_space<vmem_shared>> -> memref<128x128xf32, #tpu.memory_space<vmem_shared>>
        tpu.enqueue_dma source(%dma_start3A_182 : memref<128x128xf32, #tpu.memory_space<vmem_shared>>) target(%arg11 : memref<128x128xf32, #tpu.memory_space<vmem>>) target_semaphore(%run_scoped3A : memref<!tpu.dma_semaphore, #tpu.memory_space<semaphore_mem>>)
        %dma_wait3A = arith.constant 0 : i32
        %dma_wait3A_183 = tpu.memref_slice %arg13[%multiple_of3A_121, %dma_wait3A] : memref<10000x128xf32, #tpu.memory_space<vmem_shared>> -> memref<128x128xf32, #tpu.memory_space<vmem_shared>>
        %dma_wait3A_184 = arith.constant 0 : i32
        %dma_wait3A_185 = tpu.memref_slice %arg13[%multiple_of3A_121, %dma_wait3A_184] : memref<10000x128xf32, #tpu.memory_space<vmem_shared>> -> memref<128x128xf32, #tpu.memory_space<vmem_shared>>
        tpu.wait_dma2 semaphore(%run_scoped3A : memref<!tpu.dma_semaphore, #tpu.memory_space<semaphore_mem>>) src(%dma_wait3A_185 : memref<128x128xf32, #tpu.memory_space<vmem_shared>>) dst(%arg11 : memref<128x128xf32, #tpu.memory_space<vmem>>)
        tpu.yield
      }) : () -> ()
      "tpu.region"() ({
        %run_scoped3A = tpu.sem_alloc : memref<!tpu.dma_semaphore, #tpu.memory_space<semaphore_mem>>
        %dma_start3A = arith.constant 0 : i32
        %dma_start3A_180 = tpu.memref_slice %arg6[%arg0, %multiple_of3A_121, %dma_start3A] : memref<2x10000x128xf32, #tpu.memory_space<hbm>> -> memref<1x128x128xf32, #tpu.memory_space<hbm>>
        %dma_start3A_181 = tpu.memref_squeeze %dma_start3A_180 : memref<1x128x128xf32, #tpu.memory_space<hbm>> -> memref<128x128xf32, #tpu.memory_space<hbm>>
        %dma_start3A_182 = arith.constant 0 : i32
        %dma_start3A_183 = tpu.memref_slice %arg6[%arg0, %multiple_of3A_121, %dma_start3A_182] : memref<2x10000x128xf32, #tpu.memory_space<hbm>> -> memref<1x128x128xf32, #tpu.memory_space<hbm>>
        %dma_start3A_184 = tpu.memref_squeeze %dma_start3A_183 : memref<1x128x128xf32, #tpu.memory_space<hbm>> -> memref<128x128xf32, #tpu.memory_space<hbm>>
        tpu.enqueue_dma source(%arg11 : memref<128x128xf32, #tpu.memory_space<vmem>>) target(%dma_start3A_184 : memref<128x128xf32, #tpu.memory_space<hbm>>) target_semaphore(%run_scoped3A : memref<!tpu.dma_semaphore, #tpu.memory_space<semaphore_mem>>)
        %dma_wait3A = arith.constant 0 : i32
        %dma_wait3A_185 = tpu.memref_slice %arg6[%arg0, %multiple_of3A_121, %dma_wait3A] : memref<2x10000x128xf32, #tpu.memory_space<hbm>> -> memref<1x128x128xf32, #tpu.memory_space<hbm>>
        %dma_wait3A_186 = tpu.memref_squeeze %dma_wait3A_185 : memref<1x128x128xf32, #tpu.memory_space<hbm>> -> memref<128x128xf32, #tpu.memory_space<hbm>>
        %dma_wait3A_187 = arith.constant 0 : i32
        %dma_wait3A_188 = tpu.memref_slice %arg6[%arg0, %multiple_of3A_121, %dma_wait3A_187] : memref<2x10000x128xf32, #tpu.memory_space<hbm>> -> memref<1x128x128xf32, #tpu.memory_space<hbm>>
        %dma_wait3A_189 = tpu.memref_squeeze %dma_wait3A_188 : memref<1x128x128xf32, #tpu.memory_space<hbm>> -> memref<128x128xf32, #tpu.memory_space<hbm>>
        tpu.wait_dma2 semaphore(%run_scoped3A : memref<!tpu.dma_semaphore, #tpu.memory_space<semaphore_mem>>) src(%arg11 : memref<128x128xf32, #tpu.memory_space<vmem>>) dst(%dma_wait3A_189 : memref<128x128xf32, #tpu.memory_space<hbm>>)
        tpu.yield
      }) : () -> ()
    } else {
    }
    %eq3A_127 = arith.constant 78 : i32
    %eq3A_128 = arith.cmpi eq, %add3A_118, %eq3A_127 : i32
    %convert_element_type3A_129 = arith.extui %eq3A_128 : i1 to i32
    %cond3A_130 = arith.constant 0 : i32
    %cond3A_131 = arith.cmpi ne, %convert_element_type3A_129, %cond3A_130 : i32
    scf.if %cond3A_131 {
      "tpu.region"() ({
        %run_scoped3A = tpu.sem_alloc : memref<!tpu.dma_semaphore, #tpu.memory_space<semaphore_mem>>
        %dma_start3A = arith.constant 0 : i32
        %dma_start3A_180 = arith.constant 0 : i32
        %dma_start3A_181 = tpu.memref_slice %arg11[%dma_start3A, %dma_start3A_180] : memref<128x128xf32, #tpu.memory_space<vmem>> -> memref<16x128xf32, #tpu.memory_space<vmem>>
        %dma_start3A_182 = arith.constant 9984 : i32
        %dma_start3A_183 = arith.constant 0 : i32
        %dma_start3A_184 = tpu.memref_slice %arg13[%dma_start3A_182, %dma_start3A_183] : memref<10000x128xf32, #tpu.memory_space<vmem_shared>> -> memref<16x128xf32, #tpu.memory_space<vmem_shared>>
        %dma_start3A_185 = arith.constant 0 : i32
        %dma_start3A_186 = arith.constant 0 : i32
        %dma_start3A_187 = tpu.memref_slice %arg11[%dma_start3A_185, %dma_start3A_186] : memref<128x128xf32, #tpu.memory_space<vmem>> -> memref<16x128xf32, #tpu.memory_space<vmem>>
        %dma_start3A_188 = arith.constant 9984 : i32
        %dma_start3A_189 = arith.constant 0 : i32
        %dma_start3A_190 = tpu.memref_slice %arg13[%dma_start3A_188, %dma_start3A_189] : memref<10000x128xf32, #tpu.memory_space<vmem_shared>> -> memref<16x128xf32, #tpu.memory_space<vmem_shared>>
        tpu.enqueue_dma source(%dma_start3A_190 : memref<16x128xf32, #tpu.memory_space<vmem_shared>>) target(%dma_start3A_187 : memref<16x128xf32, #tpu.memory_space<vmem>>) target_semaphore(%run_scoped3A : memref<!tpu.dma_semaphore, #tpu.memory_space<semaphore_mem>>)
        %dma_wait3A = arith.constant 0 : i32
        %dma_wait3A_191 = arith.constant 0 : i32
        %dma_wait3A_192 = tpu.memref_slice %arg11[%dma_wait3A, %dma_wait3A_191] : memref<128x128xf32, #tpu.memory_space<vmem>> -> memref<16x128xf32, #tpu.memory_space<vmem>>
        %dma_wait3A_193 = arith.constant 9984 : i32
        %dma_wait3A_194 = arith.constant 0 : i32
        %dma_wait3A_195 = tpu.memref_slice %arg13[%dma_wait3A_193, %dma_wait3A_194] : memref<10000x128xf32, #tpu.memory_space<vmem_shared>> -> memref<16x128xf32, #tpu.memory_space<vmem_shared>>
        %dma_wait3A_196 = arith.constant 0 : i32
        %dma_wait3A_197 = arith.constant 0 : i32
        %dma_wait3A_198 = tpu.memref_slice %arg11[%dma_wait3A_196, %dma_wait3A_197] : memref<128x128xf32, #tpu.memory_space<vmem>> -> memref<16x128xf32, #tpu.memory_space<vmem>>
        %dma_wait3A_199 = arith.constant 9984 : i32
        %dma_wait3A_200 = arith.constant 0 : i32
        %dma_wait3A_201 = tpu.memref_slice %arg13[%dma_wait3A_199, %dma_wait3A_200] : memref<10000x128xf32, #tpu.memory_space<vmem_shared>> -> memref<16x128xf32, #tpu.memory_space<vmem_shared>>
        tpu.wait_dma2 semaphore(%run_scoped3A : memref<!tpu.dma_semaphore, #tpu.memory_space<semaphore_mem>>) src(%dma_wait3A_201 : memref<16x128xf32, #tpu.memory_space<vmem_shared>>) dst(%dma_wait3A_198 : memref<16x128xf32, #tpu.memory_space<vmem>>)
        tpu.yield
      }) : () -> ()
      "tpu.region"() ({
        %run_scoped3A = tpu.sem_alloc : memref<!tpu.dma_semaphore, #tpu.memory_space<semaphore_mem>>
        %dma_start3A = arith.constant 0 : i32
        %dma_start3A_180 = arith.constant 0 : i32
        %dma_start3A_181 = tpu.memref_slice %arg11[%dma_start3A, %dma_start3A_180] : memref<128x128xf32, #tpu.memory_space<vmem>> -> memref<16x128xf32, #tpu.memory_space<vmem>>
        %dma_start3A_182 = arith.constant 9984 : i32
        %dma_start3A_183 = arith.constant 0 : i32
        %dma_start3A_184 = tpu.memref_slice %arg6[%arg0, %dma_start3A_182, %dma_start3A_183] : memref<2x10000x128xf32, #tpu.memory_space<hbm>> -> memref<1x16x128xf32, #tpu.memory_space<hbm>>
        %dma_start3A_185 = tpu.memref_squeeze %dma_start3A_184 : memref<1x16x128xf32, #tpu.memory_space<hbm>> -> memref<16x128xf32, #tpu.memory_space<hbm>>
        %dma_start3A_186 = arith.constant 9984 : i32
        %dma_start3A_187 = arith.constant 0 : i32
        %dma_start3A_188 = tpu.memref_slice %arg6[%arg0, %dma_start3A_186, %dma_start3A_187] : memref<2x10000x128xf32, #tpu.memory_space<hbm>> -> memref<1x16x128xf32, #tpu.memory_space<hbm>>
        %dma_start3A_189 = tpu.memref_squeeze %dma_start3A_188 : memref<1x16x128xf32, #tpu.memory_space<hbm>> -> memref<16x128xf32, #tpu.memory_space<hbm>>
        %dma_start3A_190 = arith.constant 0 : i32
        %dma_start3A_191 = arith.constant 0 : i32
        %dma_start3A_192 = tpu.memref_slice %arg11[%dma_start3A_190, %dma_start3A_191] : memref<128x128xf32, #tpu.memory_space<vmem>> -> memref<16x128xf32, #tpu.memory_space<vmem>>
        tpu.enqueue_dma source(%dma_start3A_192 : memref<16x128xf32, #tpu.memory_space<vmem>>) target(%dma_start3A_189 : memref<16x128xf32, #tpu.memory_space<hbm>>) target_semaphore(%run_scoped3A : memref<!tpu.dma_semaphore, #tpu.memory_space<semaphore_mem>>)
        %dma_wait3A = arith.constant 0 : i32
        %dma_wait3A_193 = arith.constant 0 : i32
        %dma_wait3A_194 = tpu.memref_slice %arg11[%dma_wait3A, %dma_wait3A_193] : memref<128x128xf32, #tpu.memory_space<vmem>> -> memref<16x128xf32, #tpu.memory_space<vmem>>
        %dma_wait3A_195 = arith.constant 9984 : i32
        %dma_wait3A_196 = arith.constant 0 : i32
        %dma_wait3A_197 = tpu.memref_slice %arg6[%arg0, %dma_wait3A_195, %dma_wait3A_196] : memref<2x10000x128xf32, #tpu.memory_space<hbm>> -> memref<1x16x128xf32, #tpu.memory_space<hbm>>
        %dma_wait3A_198 = tpu.memref_squeeze %dma_wait3A_197 : memref<1x16x128xf32, #tpu.memory_space<hbm>> -> memref<16x128xf32, #tpu.memory_space<hbm>>
        %dma_wait3A_199 = arith.constant 9984 : i32
        %dma_wait3A_200 = arith.constant 0 : i32
        %dma_wait3A_201 = tpu.memref_slice %arg6[%arg0, %dma_wait3A_199, %dma_wait3A_200] : memref<2x10000x128xf32, #tpu.memory_space<hbm>> -> memref<1x16x128xf32, #tpu.memory_space<hbm>>
        %dma_wait3A_202 = tpu.memref_squeeze %dma_wait3A_201 : memref<1x16x128xf32, #tpu.memory_space<hbm>> -> memref<16x128xf32, #tpu.memory_space<hbm>>
        %dma_wait3A_203 = arith.constant 0 : i32
        %dma_wait3A_204 = arith.constant 0 : i32
        %dma_wait3A_205 = tpu.memref_slice %arg11[%dma_wait3A_203, %dma_wait3A_204] : memref<128x128xf32, #tpu.memory_space<vmem>> -> memref<16x128xf32, #tpu.memory_space<vmem>>
        tpu.wait_dma2 semaphore(%run_scoped3A : memref<!tpu.dma_semaphore, #tpu.memory_space<semaphore_mem>>) src(%dma_wait3A_205 : memref<16x128xf32, #tpu.memory_space<vmem>>) dst(%dma_wait3A_202 : memref<16x128xf32, #tpu.memory_space<hbm>>)
        tpu.yield
      }) : () -> ()
    } else {
    }
    %add3A_132 = arith.constant 32 : i32
    %add3A_133 = arith.addi %arg1, %add3A_132 : i32
    %mul3A_134 = arith.constant 128 : i32
    %mul3A_135 = arith.muli %add3A_133, %mul3A_134 : i32
    %multiple_of3A_136 = tpu.assume_multiple %mul3A_135, 128 : i32
    %lt3A_137 = arith.constant 78 : i32
    %lt3A_138 = arith.cmpi slt, %add3A_133, %lt3A_137 : i32
    %convert_element_type3A_139 = arith.extui %lt3A_138 : i1 to i32
    %cond3A_140 = arith.constant 0 : i32
    %cond3A_141 = arith.cmpi ne, %convert_element_type3A_139, %cond3A_140 : i32
    scf.if %cond3A_141 {
      "tpu.region"() ({
        %run_scoped3A = tpu.sem_alloc : memref<!tpu.dma_semaphore, #tpu.memory_space<semaphore_mem>>
        %dma_start3A = arith.constant 0 : i32
        %dma_start3A_180 = tpu.memref_slice %arg13[%multiple_of3A_136, %dma_start3A] : memref<10000x128xf32, #tpu.memory_space<vmem_shared>> -> memref<128x128xf32, #tpu.memory_space<vmem_shared>>
        %dma_start3A_181 = arith.constant 0 : i32
        %dma_start3A_182 = tpu.memref_slice %arg13[%multiple_of3A_136, %dma_start3A_181] : memref<10000x128xf32, #tpu.memory_space<vmem_shared>> -> memref<128x128xf32, #tpu.memory_space<vmem_shared>>
        tpu.enqueue_dma source(%dma_start3A_182 : memref<128x128xf32, #tpu.memory_space<vmem_shared>>) target(%arg11 : memref<128x128xf32, #tpu.memory_space<vmem>>) target_semaphore(%run_scoped3A : memref<!tpu.dma_semaphore, #tpu.memory_space<semaphore_mem>>)
        %dma_wait3A = arith.constant 0 : i32
        %dma_wait3A_183 = tpu.memref_slice %arg13[%multiple_of3A_136, %dma_wait3A] : memref<10000x128xf32, #tpu.memory_space<vmem_shared>> -> memref<128x128xf32, #tpu.memory_space<vmem_shared>>
        %dma_wait3A_184 = arith.constant 0 : i32
        %dma_wait3A_185 = tpu.memref_slice %arg13[%multiple_of3A_136, %dma_wait3A_184] : memref<10000x128xf32, #tpu.memory_space<vmem_shared>> -> memref<128x128xf32, #tpu.memory_space<vmem_shared>>
        tpu.wait_dma2 semaphore(%run_scoped3A : memref<!tpu.dma_semaphore, #tpu.memory_space<semaphore_mem>>) src(%dma_wait3A_185 : memref<128x128xf32, #tpu.memory_space<vmem_shared>>) dst(%arg11 : memref<128x128xf32, #tpu.memory_space<vmem>>)
        tpu.yield
      }) : () -> ()
      "tpu.region"() ({
        %run_scoped3A = tpu.sem_alloc : memref<!tpu.dma_semaphore, #tpu.memory_space<semaphore_mem>>
        %dma_start3A = arith.constant 0 : i32
        %dma_start3A_180 = tpu.memref_slice %arg6[%arg0, %multiple_of3A_136, %dma_start3A] : memref<2x10000x128xf32, #tpu.memory_space<hbm>> -> memref<1x128x128xf32, #tpu.memory_space<hbm>>
        %dma_start3A_181 = tpu.memref_squeeze %dma_start3A_180 : memref<1x128x128xf32, #tpu.memory_space<hbm>> -> memref<128x128xf32, #tpu.memory_space<hbm>>
        %dma_start3A_182 = arith.constant 0 : i32
        %dma_start3A_183 = tpu.memref_slice %arg6[%arg0, %multiple_of3A_136, %dma_start3A_182] : memref<2x10000x128xf32, #tpu.memory_space<hbm>> -> memref<1x128x128xf32, #tpu.memory_space<hbm>>
        %dma_start3A_184 = tpu.memref_squeeze %dma_start3A_183 : memref<1x128x128xf32, #tpu.memory_space<hbm>> -> memref<128x128xf32, #tpu.memory_space<hbm>>
        tpu.enqueue_dma source(%arg11 : memref<128x128xf32, #tpu.memory_space<vmem>>) target(%dma_start3A_184 : memref<128x128xf32, #tpu.memory_space<hbm>>) target_semaphore(%run_scoped3A : memref<!tpu.dma_semaphore, #tpu.memory_space<semaphore_mem>>)
        %dma_wait3A = arith.constant 0 : i32
        %dma_wait3A_185 = tpu.memref_slice %arg6[%arg0, %multiple_of3A_136, %dma_wait3A] : memref<2x10000x128xf32, #tpu.memory_space<hbm>> -> memref<1x128x128xf32, #tpu.memory_space<hbm>>
        %dma_wait3A_186 = tpu.memref_squeeze %dma_wait3A_185 : memref<1x128x128xf32, #tpu.memory_space<hbm>> -> memref<128x128xf32, #tpu.memory_space<hbm>>
        %dma_wait3A_187 = arith.constant 0 : i32
        %dma_wait3A_188 = tpu.memref_slice %arg6[%arg0, %multiple_of3A_136, %dma_wait3A_187] : memref<2x10000x128xf32, #tpu.memory_space<hbm>> -> memref<1x128x128xf32, #tpu.memory_space<hbm>>
        %dma_wait3A_189 = tpu.memref_squeeze %dma_wait3A_188 : memref<1x128x128xf32, #tpu.memory_space<hbm>> -> memref<128x128xf32, #tpu.memory_space<hbm>>
        tpu.wait_dma2 semaphore(%run_scoped3A : memref<!tpu.dma_semaphore, #tpu.memory_space<semaphore_mem>>) src(%arg11 : memref<128x128xf32, #tpu.memory_space<vmem>>) dst(%dma_wait3A_189 : memref<128x128xf32, #tpu.memory_space<hbm>>)
        tpu.yield
      }) : () -> ()
    } else {
    }
    %eq3A_142 = arith.constant 78 : i32
    %eq3A_143 = arith.cmpi eq, %add3A_133, %eq3A_142 : i32
    %convert_element_type3A_144 = arith.extui %eq3A_143 : i1 to i32
    %cond3A_145 = arith.constant 0 : i32
    %cond3A_146 = arith.cmpi ne, %convert_element_type3A_144, %cond3A_145 : i32
    scf.if %cond3A_146 {
      "tpu.region"() ({
        %run_scoped3A = tpu.sem_alloc : memref<!tpu.dma_semaphore, #tpu.memory_space<semaphore_mem>>
        %dma_start3A = arith.constant 0 : i32
        %dma_start3A_180 = arith.constant 0 : i32
        %dma_start3A_181 = tpu.memref_slice %arg11[%dma_start3A, %dma_start3A_180] : memref<128x128xf32, #tpu.memory_space<vmem>> -> memref<16x128xf32, #tpu.memory_space<vmem>>
        %dma_start3A_182 = arith.constant 9984 : i32
        %dma_start3A_183 = arith.constant 0 : i32
        %dma_start3A_184 = tpu.memref_slice %arg13[%dma_start3A_182, %dma_start3A_183] : memref<10000x128xf32, #tpu.memory_space<vmem_shared>> -> memref<16x128xf32, #tpu.memory_space<vmem_shared>>
        %dma_start3A_185 = arith.constant 0 : i32
        %dma_start3A_186 = arith.constant 0 : i32
        %dma_start3A_187 = tpu.memref_slice %arg11[%dma_start3A_185, %dma_start3A_186] : memref<128x128xf32, #tpu.memory_space<vmem>> -> memref<16x128xf32, #tpu.memory_space<vmem>>
        %dma_start3A_188 = arith.constant 9984 : i32
        %dma_start3A_189 = arith.constant 0 : i32
        %dma_start3A_190 = tpu.memref_slice %arg13[%dma_start3A_188, %dma_start3A_189] : memref<10000x128xf32, #tpu.memory_space<vmem_shared>> -> memref<16x128xf32, #tpu.memory_space<vmem_shared>>
        tpu.enqueue_dma source(%dma_start3A_190 : memref<16x128xf32, #tpu.memory_space<vmem_shared>>) target(%dma_start3A_187 : memref<16x128xf32, #tpu.memory_space<vmem>>) target_semaphore(%run_scoped3A : memref<!tpu.dma_semaphore, #tpu.memory_space<semaphore_mem>>)
        %dma_wait3A = arith.constant 0 : i32
        %dma_wait3A_191 = arith.constant 0 : i32
        %dma_wait3A_192 = tpu.memref_slice %arg11[%dma_wait3A, %dma_wait3A_191] : memref<128x128xf32, #tpu.memory_space<vmem>> -> memref<16x128xf32, #tpu.memory_space<vmem>>
        %dma_wait3A_193 = arith.constant 9984 : i32
        %dma_wait3A_194 = arith.constant 0 : i32
        %dma_wait3A_195 = tpu.memref_slice %arg13[%dma_wait3A_193, %dma_wait3A_194] : memref<10000x128xf32, #tpu.memory_space<vmem_shared>> -> memref<16x128xf32, #tpu.memory_space<vmem_shared>>
        %dma_wait3A_196 = arith.constant 0 : i32
        %dma_wait3A_197 = arith.constant 0 : i32
        %dma_wait3A_198 = tpu.memref_slice %arg11[%dma_wait3A_196, %dma_wait3A_197] : memref<128x128xf32, #tpu.memory_space<vmem>> -> memref<16x128xf32, #tpu.memory_space<vmem>>
        %dma_wait3A_199 = arith.constant 9984 : i32
        %dma_wait3A_200 = arith.constant 0 : i32
        %dma_wait3A_201 = tpu.memref_slice %arg13[%dma_wait3A_199, %dma_wait3A_200] : memref<10000x128xf32, #tpu.memory_space<vmem_shared>> -> memref<16x128xf32, #tpu.memory_space<vmem_shared>>
        tpu.wait_dma2 semaphore(%run_scoped3A : memref<!tpu.dma_semaphore, #tpu.memory_space<semaphore_mem>>) src(%dma_wait3A_201 : memref<16x128xf32, #tpu.memory_space<vmem_shared>>) dst(%dma_wait3A_198 : memref<16x128xf32, #tpu.memory_space<vmem>>)
        tpu.yield
      }) : () -> ()
      "tpu.region"() ({
        %run_scoped3A = tpu.sem_alloc : memref<!tpu.dma_semaphore, #tpu.memory_space<semaphore_mem>>
        %dma_start3A = arith.constant 0 : i32
        %dma_start3A_180 = arith.constant 0 : i32
        %dma_start3A_181 = tpu.memref_slice %arg11[%dma_start3A, %dma_start3A_180] : memref<128x128xf32, #tpu.memory_space<vmem>> -> memref<16x128xf32, #tpu.memory_space<vmem>>
        %dma_start3A_182 = arith.constant 9984 : i32
        %dma_start3A_183 = arith.constant 0 : i32
        %dma_start3A_184 = tpu.memref_slice %arg6[%arg0, %dma_start3A_182, %dma_start3A_183] : memref<2x10000x128xf32, #tpu.memory_space<hbm>> -> memref<1x16x128xf32, #tpu.memory_space<hbm>>
        %dma_start3A_185 = tpu.memref_squeeze %dma_start3A_184 : memref<1x16x128xf32, #tpu.memory_space<hbm>> -> memref<16x128xf32, #tpu.memory_space<hbm>>
        %dma_start3A_186 = arith.constant 9984 : i32
        %dma_start3A_187 = arith.constant 0 : i32
        %dma_start3A_188 = tpu.memref_slice %arg6[%arg0, %dma_start3A_186, %dma_start3A_187] : memref<2x10000x128xf32, #tpu.memory_space<hbm>> -> memref<1x16x128xf32, #tpu.memory_space<hbm>>
        %dma_start3A_189 = tpu.memref_squeeze %dma_start3A_188 : memref<1x16x128xf32, #tpu.memory_space<hbm>> -> memref<16x128xf32, #tpu.memory_space<hbm>>
        %dma_start3A_190 = arith.constant 0 : i32
        %dma_start3A_191 = arith.constant 0 : i32
        %dma_start3A_192 = tpu.memref_slice %arg11[%dma_start3A_190, %dma_start3A_191] : memref<128x128xf32, #tpu.memory_space<vmem>> -> memref<16x128xf32, #tpu.memory_space<vmem>>
        tpu.enqueue_dma source(%dma_start3A_192 : memref<16x128xf32, #tpu.memory_space<vmem>>) target(%dma_start3A_189 : memref<16x128xf32, #tpu.memory_space<hbm>>) target_semaphore(%run_scoped3A : memref<!tpu.dma_semaphore, #tpu.memory_space<semaphore_mem>>)
        %dma_wait3A = arith.constant 0 : i32
        %dma_wait3A_193 = arith.constant 0 : i32
        %dma_wait3A_194 = tpu.memref_slice %arg11[%dma_wait3A, %dma_wait3A_193] : memref<128x128xf32, #tpu.memory_space<vmem>> -> memref<16x128xf32, #tpu.memory_space<vmem>>
        %dma_wait3A_195 = arith.constant 9984 : i32
        %dma_wait3A_196 = arith.constant 0 : i32
        %dma_wait3A_197 = tpu.memref_slice %arg6[%arg0, %dma_wait3A_195, %dma_wait3A_196] : memref<2x10000x128xf32, #tpu.memory_space<hbm>> -> memref<1x16x128xf32, #tpu.memory_space<hbm>>
        %dma_wait3A_198 = tpu.memref_squeeze %dma_wait3A_197 : memref<1x16x128xf32, #tpu.memory_space<hbm>> -> memref<16x128xf32, #tpu.memory_space<hbm>>
        %dma_wait3A_199 = arith.constant 9984 : i32
        %dma_wait3A_200 = arith.constant 0 : i32
        %dma_wait3A_201 = tpu.memref_slice %arg6[%arg0, %dma_wait3A_199, %dma_wait3A_200] : memref<2x10000x128xf32, #tpu.memory_space<hbm>> -> memref<1x16x128xf32, #tpu.memory_space<hbm>>
        %dma_wait3A_202 = tpu.memref_squeeze %dma_wait3A_201 : memref<1x16x128xf32, #tpu.memory_space<hbm>> -> memref<16x128xf32, #tpu.memory_space<hbm>>
        %dma_wait3A_203 = arith.constant 0 : i32
        %dma_wait3A_204 = arith.constant 0 : i32
        %dma_wait3A_205 = tpu.memref_slice %arg11[%dma_wait3A_203, %dma_wait3A_204] : memref<128x128xf32, #tpu.memory_space<vmem>> -> memref<16x128xf32, #tpu.memory_space<vmem>>
        tpu.wait_dma2 semaphore(%run_scoped3A : memref<!tpu.dma_semaphore, #tpu.memory_space<semaphore_mem>>) src(%dma_wait3A_205 : memref<16x128xf32, #tpu.memory_space<vmem>>) dst(%dma_wait3A_202 : memref<16x128xf32, #tpu.memory_space<hbm>>)
        tpu.yield
      }) : () -> ()
    } else {
    }
    %add3A_147 = arith.constant 48 : i32
    %add3A_148 = arith.addi %arg1, %add3A_147 : i32
    %mul3A_149 = arith.constant 128 : i32
    %mul3A_150 = arith.muli %add3A_148, %mul3A_149 : i32
    %multiple_of3A_151 = tpu.assume_multiple %mul3A_150, 128 : i32
    %lt3A_152 = arith.constant 78 : i32
    %lt3A_153 = arith.cmpi slt, %add3A_148, %lt3A_152 : i32
    %convert_element_type3A_154 = arith.extui %lt3A_153 : i1 to i32
    %cond3A_155 = arith.constant 0 : i32
    %cond3A_156 = arith.cmpi ne, %convert_element_type3A_154, %cond3A_155 : i32
    scf.if %cond3A_156 {
      "tpu.region"() ({
        %run_scoped3A = tpu.sem_alloc : memref<!tpu.dma_semaphore, #tpu.memory_space<semaphore_mem>>
        %dma_start3A = arith.constant 0 : i32
        %dma_start3A_180 = tpu.memref_slice %arg13[%multiple_of3A_151, %dma_start3A] : memref<10000x128xf32, #tpu.memory_space<vmem_shared>> -> memref<128x128xf32, #tpu.memory_space<vmem_shared>>
        %dma_start3A_181 = arith.constant 0 : i32
        %dma_start3A_182 = tpu.memref_slice %arg13[%multiple_of3A_151, %dma_start3A_181] : memref<10000x128xf32, #tpu.memory_space<vmem_shared>> -> memref<128x128xf32, #tpu.memory_space<vmem_shared>>
        tpu.enqueue_dma source(%dma_start3A_182 : memref<128x128xf32, #tpu.memory_space<vmem_shared>>) target(%arg11 : memref<128x128xf32, #tpu.memory_space<vmem>>) target_semaphore(%run_scoped3A : memref<!tpu.dma_semaphore, #tpu.memory_space<semaphore_mem>>)
        %dma_wait3A = arith.constant 0 : i32
        %dma_wait3A_183 = tpu.memref_slice %arg13[%multiple_of3A_151, %dma_wait3A] : memref<10000x128xf32, #tpu.memory_space<vmem_shared>> -> memref<128x128xf32, #tpu.memory_space<vmem_shared>>
        %dma_wait3A_184 = arith.constant 0 : i32
        %dma_wait3A_185 = tpu.memref_slice %arg13[%multiple_of3A_151, %dma_wait3A_184] : memref<10000x128xf32, #tpu.memory_space<vmem_shared>> -> memref<128x128xf32, #tpu.memory_space<vmem_shared>>
        tpu.wait_dma2 semaphore(%run_scoped3A : memref<!tpu.dma_semaphore, #tpu.memory_space<semaphore_mem>>) src(%dma_wait3A_185 : memref<128x128xf32, #tpu.memory_space<vmem_shared>>) dst(%arg11 : memref<128x128xf32, #tpu.memory_space<vmem>>)
        tpu.yield
      }) : () -> ()
      "tpu.region"() ({
        %run_scoped3A = tpu.sem_alloc : memref<!tpu.dma_semaphore, #tpu.memory_space<semaphore_mem>>
        %dma_start3A = arith.constant 0 : i32
        %dma_start3A_180 = tpu.memref_slice %arg6[%arg0, %multiple_of3A_151, %dma_start3A] : memref<2x10000x128xf32, #tpu.memory_space<hbm>> -> memref<1x128x128xf32, #tpu.memory_space<hbm>>
        %dma_start3A_181 = tpu.memref_squeeze %dma_start3A_180 : memref<1x128x128xf32, #tpu.memory_space<hbm>> -> memref<128x128xf32, #tpu.memory_space<hbm>>
        %dma_start3A_182 = arith.constant 0 : i32
        %dma_start3A_183 = tpu.memref_slice %arg6[%arg0, %multiple_of3A_151, %dma_start3A_182] : memref<2x10000x128xf32, #tpu.memory_space<hbm>> -> memref<1x128x128xf32, #tpu.memory_space<hbm>>
        %dma_start3A_184 = tpu.memref_squeeze %dma_start3A_183 : memref<1x128x128xf32, #tpu.memory_space<hbm>> -> memref<128x128xf32, #tpu.memory_space<hbm>>
        tpu.enqueue_dma source(%arg11 : memref<128x128xf32, #tpu.memory_space<vmem>>) target(%dma_start3A_184 : memref<128x128xf32, #tpu.memory_space<hbm>>) target_semaphore(%run_scoped3A : memref<!tpu.dma_semaphore, #tpu.memory_space<semaphore_mem>>)
        %dma_wait3A = arith.constant 0 : i32
        %dma_wait3A_185 = tpu.memref_slice %arg6[%arg0, %multiple_of3A_151, %dma_wait3A] : memref<2x10000x128xf32, #tpu.memory_space<hbm>> -> memref<1x128x128xf32, #tpu.memory_space<hbm>>
        %dma_wait3A_186 = tpu.memref_squeeze %dma_wait3A_185 : memref<1x128x128xf32, #tpu.memory_space<hbm>> -> memref<128x128xf32, #tpu.memory_space<hbm>>
        %dma_wait3A_187 = arith.constant 0 : i32
        %dma_wait3A_188 = tpu.memref_slice %arg6[%arg0, %multiple_of3A_151, %dma_wait3A_187] : memref<2x10000x128xf32, #tpu.memory_space<hbm>> -> memref<1x128x128xf32, #tpu.memory_space<hbm>>
        %dma_wait3A_189 = tpu.memref_squeeze %dma_wait3A_188 : memref<1x128x128xf32, #tpu.memory_space<hbm>> -> memref<128x128xf32, #tpu.memory_space<hbm>>
        tpu.wait_dma2 semaphore(%run_scoped3A : memref<!tpu.dma_semaphore, #tpu.memory_space<semaphore_mem>>) src(%arg11 : memref<128x128xf32, #tpu.memory_space<vmem>>) dst(%dma_wait3A_189 : memref<128x128xf32, #tpu.memory_space<hbm>>)
        tpu.yield
      }) : () -> ()
    } else {
    }
    %eq3A_157 = arith.constant 78 : i32
    %eq3A_158 = arith.cmpi eq, %add3A_148, %eq3A_157 : i32
    %convert_element_type3A_159 = arith.extui %eq3A_158 : i1 to i32
    %cond3A_160 = arith.constant 0 : i32
    %cond3A_161 = arith.cmpi ne, %convert_element_type3A_159, %cond3A_160 : i32
    scf.if %cond3A_161 {
      "tpu.region"() ({
        %run_scoped3A = tpu.sem_alloc : memref<!tpu.dma_semaphore, #tpu.memory_space<semaphore_mem>>
        %dma_start3A = arith.constant 0 : i32
        %dma_start3A_180 = arith.constant 0 : i32
        %dma_start3A_181 = tpu.memref_slice %arg11[%dma_start3A, %dma_start3A_180] : memref<128x128xf32, #tpu.memory_space<vmem>> -> memref<16x128xf32, #tpu.memory_space<vmem>>
        %dma_start3A_182 = arith.constant 9984 : i32
        %dma_start3A_183 = arith.constant 0 : i32
        %dma_start3A_184 = tpu.memref_slice %arg13[%dma_start3A_182, %dma_start3A_183] : memref<10000x128xf32, #tpu.memory_space<vmem_shared>> -> memref<16x128xf32, #tpu.memory_space<vmem_shared>>
        %dma_start3A_185 = arith.constant 0 : i32
        %dma_start3A_186 = arith.constant 0 : i32
        %dma_start3A_187 = tpu.memref_slice %arg11[%dma_start3A_185, %dma_start3A_186] : memref<128x128xf32, #tpu.memory_space<vmem>> -> memref<16x128xf32, #tpu.memory_space<vmem>>
        %dma_start3A_188 = arith.constant 9984 : i32
        %dma_start3A_189 = arith.constant 0 : i32
        %dma_start3A_190 = tpu.memref_slice %arg13[%dma_start3A_188, %dma_start3A_189] : memref<10000x128xf32, #tpu.memory_space<vmem_shared>> -> memref<16x128xf32, #tpu.memory_space<vmem_shared>>
        tpu.enqueue_dma source(%dma_start3A_190 : memref<16x128xf32, #tpu.memory_space<vmem_shared>>) target(%dma_start3A_187 : memref<16x128xf32, #tpu.memory_space<vmem>>) target_semaphore(%run_scoped3A : memref<!tpu.dma_semaphore, #tpu.memory_space<semaphore_mem>>)
        %dma_wait3A = arith.constant 0 : i32
        %dma_wait3A_191 = arith.constant 0 : i32
        %dma_wait3A_192 = tpu.memref_slice %arg11[%dma_wait3A, %dma_wait3A_191] : memref<128x128xf32, #tpu.memory_space<vmem>> -> memref<16x128xf32, #tpu.memory_space<vmem>>
        %dma_wait3A_193 = arith.constant 9984 : i32
        %dma_wait3A_194 = arith.constant 0 : i32
        %dma_wait3A_195 = tpu.memref_slice %arg13[%dma_wait3A_193, %dma_wait3A_194] : memref<10000x128xf32, #tpu.memory_space<vmem_shared>> -> memref<16x128xf32, #tpu.memory_space<vmem_shared>>
        %dma_wait3A_196 = arith.constant 0 : i32
        %dma_wait3A_197 = arith.constant 0 : i32
        %dma_wait3A_198 = tpu.memref_slice %arg11[%dma_wait3A_196, %dma_wait3A_197] : memref<128x128xf32, #tpu.memory_space<vmem>> -> memref<16x128xf32, #tpu.memory_space<vmem>>
        %dma_wait3A_199 = arith.constant 9984 : i32
        %dma_wait3A_200 = arith.constant 0 : i32
        %dma_wait3A_201 = tpu.memref_slice %arg13[%dma_wait3A_199, %dma_wait3A_200] : memref<10000x128xf32, #tpu.memory_space<vmem_shared>> -> memref<16x128xf32, #tpu.memory_space<vmem_shared>>
        tpu.wait_dma2 semaphore(%run_scoped3A : memref<!tpu.dma_semaphore, #tpu.memory_space<semaphore_mem>>) src(%dma_wait3A_201 : memref<16x128xf32, #tpu.memory_space<vmem_shared>>) dst(%dma_wait3A_198 : memref<16x128xf32, #tpu.memory_space<vmem>>)
        tpu.yield
      }) : () -> ()
      "tpu.region"() ({
        %run_scoped3A = tpu.sem_alloc : memref<!tpu.dma_semaphore, #tpu.memory_space<semaphore_mem>>
        %dma_start3A = arith.constant 0 : i32
        %dma_start3A_180 = arith.constant 0 : i32
        %dma_start3A_181 = tpu.memref_slice %arg11[%dma_start3A, %dma_start3A_180] : memref<128x128xf32, #tpu.memory_space<vmem>> -> memref<16x128xf32, #tpu.memory_space<vmem>>
        %dma_start3A_182 = arith.constant 9984 : i32
        %dma_start3A_183 = arith.constant 0 : i32
        %dma_start3A_184 = tpu.memref_slice %arg6[%arg0, %dma_start3A_182, %dma_start3A_183] : memref<2x10000x128xf32, #tpu.memory_space<hbm>> -> memref<1x16x128xf32, #tpu.memory_space<hbm>>
        %dma_start3A_185 = tpu.memref_squeeze %dma_start3A_184 : memref<1x16x128xf32, #tpu.memory_space<hbm>> -> memref<16x128xf32, #tpu.memory_space<hbm>>
        %dma_start3A_186 = arith.constant 9984 : i32
        %dma_start3A_187 = arith.constant 0 : i32
        %dma_start3A_188 = tpu.memref_slice %arg6[%arg0, %dma_start3A_186, %dma_start3A_187] : memref<2x10000x128xf32, #tpu.memory_space<hbm>> -> memref<1x16x128xf32, #tpu.memory_space<hbm>>
        %dma_start3A_189 = tpu.memref_squeeze %dma_start3A_188 : memref<1x16x128xf32, #tpu.memory_space<hbm>> -> memref<16x128xf32, #tpu.memory_space<hbm>>
        %dma_start3A_190 = arith.constant 0 : i32
        %dma_start3A_191 = arith.constant 0 : i32
        %dma_start3A_192 = tpu.memref_slice %arg11[%dma_start3A_190, %dma_start3A_191] : memref<128x128xf32, #tpu.memory_space<vmem>> -> memref<16x128xf32, #tpu.memory_space<vmem>>
        tpu.enqueue_dma source(%dma_start3A_192 : memref<16x128xf32, #tpu.memory_space<vmem>>) target(%dma_start3A_189 : memref<16x128xf32, #tpu.memory_space<hbm>>) target_semaphore(%run_scoped3A : memref<!tpu.dma_semaphore, #tpu.memory_space<semaphore_mem>>)
        %dma_wait3A = arith.constant 0 : i32
        %dma_wait3A_193 = arith.constant 0 : i32
        %dma_wait3A_194 = tpu.memref_slice %arg11[%dma_wait3A, %dma_wait3A_193] : memref<128x128xf32, #tpu.memory_space<vmem>> -> memref<16x128xf32, #tpu.memory_space<vmem>>
        %dma_wait3A_195 = arith.constant 9984 : i32
        %dma_wait3A_196 = arith.constant 0 : i32
        %dma_wait3A_197 = tpu.memref_slice %arg6[%arg0, %dma_wait3A_195, %dma_wait3A_196] : memref<2x10000x128xf32, #tpu.memory_space<hbm>> -> memref<1x16x128xf32, #tpu.memory_space<hbm>>
        %dma_wait3A_198 = tpu.memref_squeeze %dma_wait3A_197 : memref<1x16x128xf32, #tpu.memory_space<hbm>> -> memref<16x128xf32, #tpu.memory_space<hbm>>
        %dma_wait3A_199 = arith.constant 9984 : i32
        %dma_wait3A_200 = arith.constant 0 : i32
        %dma_wait3A_201 = tpu.memref_slice %arg6[%arg0, %dma_wait3A_199, %dma_wait3A_200] : memref<2x10000x128xf32, #tpu.memory_space<hbm>> -> memref<1x16x128xf32, #tpu.memory_space<hbm>>
        %dma_wait3A_202 = tpu.memref_squeeze %dma_wait3A_201 : memref<1x16x128xf32, #tpu.memory_space<hbm>> -> memref<16x128xf32, #tpu.memory_space<hbm>>
        %dma_wait3A_203 = arith.constant 0 : i32
        %dma_wait3A_204 = arith.constant 0 : i32
        %dma_wait3A_205 = tpu.memref_slice %arg11[%dma_wait3A_203, %dma_wait3A_204] : memref<128x128xf32, #tpu.memory_space<vmem>> -> memref<16x128xf32, #tpu.memory_space<vmem>>
        tpu.wait_dma2 semaphore(%run_scoped3A : memref<!tpu.dma_semaphore, #tpu.memory_space<semaphore_mem>>) src(%dma_wait3A_205 : memref<16x128xf32, #tpu.memory_space<vmem>>) dst(%dma_wait3A_202 : memref<16x128xf32, #tpu.memory_space<hbm>>)
        tpu.yield
      }) : () -> ()
    } else {
    }
    %add3A_162 = arith.constant 64 : i32
    %add3A_163 = arith.addi %arg1, %add3A_162 : i32
    %mul3A_164 = arith.constant 128 : i32
    %mul3A_165 = arith.muli %add3A_163, %mul3A_164 : i32
    %multiple_of3A_166 = tpu.assume_multiple %mul3A_165, 128 : i32
    %lt3A_167 = arith.constant 78 : i32
    %lt3A_168 = arith.cmpi slt, %add3A_163, %lt3A_167 : i32
    %convert_element_type3A_169 = arith.extui %lt3A_168 : i1 to i32
    %cond3A_170 = arith.constant 0 : i32
    %cond3A_171 = arith.cmpi ne, %convert_element_type3A_169, %cond3A_170 : i32
    scf.if %cond3A_171 {
      "tpu.region"() ({
        %run_scoped3A = tpu.sem_alloc : memref<!tpu.dma_semaphore, #tpu.memory_space<semaphore_mem>>
        %dma_start3A = arith.constant 0 : i32
        %dma_start3A_180 = tpu.memref_slice %arg13[%multiple_of3A_166, %dma_start3A] : memref<10000x128xf32, #tpu.memory_space<vmem_shared>> -> memref<128x128xf32, #tpu.memory_space<vmem_shared>>
        %dma_start3A_181 = arith.constant 0 : i32
        %dma_start3A_182 = tpu.memref_slice %arg13[%multiple_of3A_166, %dma_start3A_181] : memref<10000x128xf32, #tpu.memory_space<vmem_shared>> -> memref<128x128xf32, #tpu.memory_space<vmem_shared>>
        tpu.enqueue_dma source(%dma_start3A_182 : memref<128x128xf32, #tpu.memory_space<vmem_shared>>) target(%arg11 : memref<128x128xf32, #tpu.memory_space<vmem>>) target_semaphore(%run_scoped3A : memref<!tpu.dma_semaphore, #tpu.memory_space<semaphore_mem>>)
        %dma_wait3A = arith.constant 0 : i32
        %dma_wait3A_183 = tpu.memref_slice %arg13[%multiple_of3A_166, %dma_wait3A] : memref<10000x128xf32, #tpu.memory_space<vmem_shared>> -> memref<128x128xf32, #tpu.memory_space<vmem_shared>>
        %dma_wait3A_184 = arith.constant 0 : i32
        %dma_wait3A_185 = tpu.memref_slice %arg13[%multiple_of3A_166, %dma_wait3A_184] : memref<10000x128xf32, #tpu.memory_space<vmem_shared>> -> memref<128x128xf32, #tpu.memory_space<vmem_shared>>
        tpu.wait_dma2 semaphore(%run_scoped3A : memref<!tpu.dma_semaphore, #tpu.memory_space<semaphore_mem>>) src(%dma_wait3A_185 : memref<128x128xf32, #tpu.memory_space<vmem_shared>>) dst(%arg11 : memref<128x128xf32, #tpu.memory_space<vmem>>)
        tpu.yield
      }) : () -> ()
      "tpu.region"() ({
        %run_scoped3A = tpu.sem_alloc : memref<!tpu.dma_semaphore, #tpu.memory_space<semaphore_mem>>
        %dma_start3A = arith.constant 0 : i32
        %dma_start3A_180 = tpu.memref_slice %arg6[%arg0, %multiple_of3A_166, %dma_start3A] : memref<2x10000x128xf32, #tpu.memory_space<hbm>> -> memref<1x128x128xf32, #tpu.memory_space<hbm>>
        %dma_start3A_181 = tpu.memref_squeeze %dma_start3A_180 : memref<1x128x128xf32, #tpu.memory_space<hbm>> -> memref<128x128xf32, #tpu.memory_space<hbm>>
        %dma_start3A_182 = arith.constant 0 : i32
        %dma_start3A_183 = tpu.memref_slice %arg6[%arg0, %multiple_of3A_166, %dma_start3A_182] : memref<2x10000x128xf32, #tpu.memory_space<hbm>> -> memref<1x128x128xf32, #tpu.memory_space<hbm>>
        %dma_start3A_184 = tpu.memref_squeeze %dma_start3A_183 : memref<1x128x128xf32, #tpu.memory_space<hbm>> -> memref<128x128xf32, #tpu.memory_space<hbm>>
        tpu.enqueue_dma source(%arg11 : memref<128x128xf32, #tpu.memory_space<vmem>>) target(%dma_start3A_184 : memref<128x128xf32, #tpu.memory_space<hbm>>) target_semaphore(%run_scoped3A : memref<!tpu.dma_semaphore, #tpu.memory_space<semaphore_mem>>)
        %dma_wait3A = arith.constant 0 : i32
        %dma_wait3A_185 = tpu.memref_slice %arg6[%arg0, %multiple_of3A_166, %dma_wait3A] : memref<2x10000x128xf32, #tpu.memory_space<hbm>> -> memref<1x128x128xf32, #tpu.memory_space<hbm>>
        %dma_wait3A_186 = tpu.memref_squeeze %dma_wait3A_185 : memref<1x128x128xf32, #tpu.memory_space<hbm>> -> memref<128x128xf32, #tpu.memory_space<hbm>>
        %dma_wait3A_187 = arith.constant 0 : i32
        %dma_wait3A_188 = tpu.memref_slice %arg6[%arg0, %multiple_of3A_166, %dma_wait3A_187] : memref<2x10000x128xf32, #tpu.memory_space<hbm>> -> memref<1x128x128xf32, #tpu.memory_space<hbm>>
        %dma_wait3A_189 = tpu.memref_squeeze %dma_wait3A_188 : memref<1x128x128xf32, #tpu.memory_space<hbm>> -> memref<128x128xf32, #tpu.memory_space<hbm>>
        tpu.wait_dma2 semaphore(%run_scoped3A : memref<!tpu.dma_semaphore, #tpu.memory_space<semaphore_mem>>) src(%arg11 : memref<128x128xf32, #tpu.memory_space<vmem>>) dst(%dma_wait3A_189 : memref<128x128xf32, #tpu.memory_space<hbm>>)
        tpu.yield
      }) : () -> ()
    } else {
    }
    %eq3A_172 = arith.constant 78 : i32
    %eq3A_173 = arith.cmpi eq, %add3A_163, %eq3A_172 : i32
    %convert_element_type3A_174 = arith.extui %eq3A_173 : i1 to i32
    %cond3A_175 = arith.constant 0 : i32
    %cond3A_176 = arith.cmpi ne, %convert_element_type3A_174, %cond3A_175 : i32
    scf.if %cond3A_176 {
      "tpu.region"() ({
        %run_scoped3A = tpu.sem_alloc : memref<!tpu.dma_semaphore, #tpu.memory_space<semaphore_mem>>
        %dma_start3A = arith.constant 0 : i32
        %dma_start3A_180 = arith.constant 0 : i32
        %dma_start3A_181 = tpu.memref_slice %arg11[%dma_start3A, %dma_start3A_180] : memref<128x128xf32, #tpu.memory_space<vmem>> -> memref<16x128xf32, #tpu.memory_space<vmem>>
        %dma_start3A_182 = arith.constant 9984 : i32
        %dma_start3A_183 = arith.constant 0 : i32
        %dma_start3A_184 = tpu.memref_slice %arg13[%dma_start3A_182, %dma_start3A_183] : memref<10000x128xf32, #tpu.memory_space<vmem_shared>> -> memref<16x128xf32, #tpu.memory_space<vmem_shared>>
        %dma_start3A_185 = arith.constant 0 : i32
        %dma_start3A_186 = arith.constant 0 : i32
        %dma_start3A_187 = tpu.memref_slice %arg11[%dma_start3A_185, %dma_start3A_186] : memref<128x128xf32, #tpu.memory_space<vmem>> -> memref<16x128xf32, #tpu.memory_space<vmem>>
        %dma_start3A_188 = arith.constant 9984 : i32
        %dma_start3A_189 = arith.constant 0 : i32
        %dma_start3A_190 = tpu.memref_slice %arg13[%dma_start3A_188, %dma_start3A_189] : memref<10000x128xf32, #tpu.memory_space<vmem_shared>> -> memref<16x128xf32, #tpu.memory_space<vmem_shared>>
        tpu.enqueue_dma source(%dma_start3A_190 : memref<16x128xf32, #tpu.memory_space<vmem_shared>>) target(%dma_start3A_187 : memref<16x128xf32, #tpu.memory_space<vmem>>) target_semaphore(%run_scoped3A : memref<!tpu.dma_semaphore, #tpu.memory_space<semaphore_mem>>)
        %dma_wait3A = arith.constant 0 : i32
        %dma_wait3A_191 = arith.constant 0 : i32
        %dma_wait3A_192 = tpu.memref_slice %arg11[%dma_wait3A, %dma_wait3A_191] : memref<128x128xf32, #tpu.memory_space<vmem>> -> memref<16x128xf32, #tpu.memory_space<vmem>>
        %dma_wait3A_193 = arith.constant 9984 : i32
        %dma_wait3A_194 = arith.constant 0 : i32
        %dma_wait3A_195 = tpu.memref_slice %arg13[%dma_wait3A_193, %dma_wait3A_194] : memref<10000x128xf32, #tpu.memory_space<vmem_shared>> -> memref<16x128xf32, #tpu.memory_space<vmem_shared>>
        %dma_wait3A_196 = arith.constant 0 : i32
        %dma_wait3A_197 = arith.constant 0 : i32
        %dma_wait3A_198 = tpu.memref_slice %arg11[%dma_wait3A_196, %dma_wait3A_197] : memref<128x128xf32, #tpu.memory_space<vmem>> -> memref<16x128xf32, #tpu.memory_space<vmem>>
        %dma_wait3A_199 = arith.constant 9984 : i32
        %dma_wait3A_200 = arith.constant 0 : i32
        %dma_wait3A_201 = tpu.memref_slice %arg13[%dma_wait3A_199, %dma_wait3A_200] : memref<10000x128xf32, #tpu.memory_space<vmem_shared>> -> memref<16x128xf32, #tpu.memory_space<vmem_shared>>
        tpu.wait_dma2 semaphore(%run_scoped3A : memref<!tpu.dma_semaphore, #tpu.memory_space<semaphore_mem>>) src(%dma_wait3A_201 : memref<16x128xf32, #tpu.memory_space<vmem_shared>>) dst(%dma_wait3A_198 : memref<16x128xf32, #tpu.memory_space<vmem>>)
        tpu.yield
      }) : () -> ()
      "tpu.region"() ({
        %run_scoped3A = tpu.sem_alloc : memref<!tpu.dma_semaphore, #tpu.memory_space<semaphore_mem>>
        %dma_start3A = arith.constant 0 : i32
        %dma_start3A_180 = arith.constant 0 : i32
        %dma_start3A_181 = tpu.memref_slice %arg11[%dma_start3A, %dma_start3A_180] : memref<128x128xf32, #tpu.memory_space<vmem>> -> memref<16x128xf32, #tpu.memory_space<vmem>>
        %dma_start3A_182 = arith.constant 9984 : i32
        %dma_start3A_183 = arith.constant 0 : i32
        %dma_start3A_184 = tpu.memref_slice %arg6[%arg0, %dma_start3A_182, %dma_start3A_183] : memref<2x10000x128xf32, #tpu.memory_space<hbm>> -> memref<1x16x128xf32, #tpu.memory_space<hbm>>
        %dma_start3A_185 = tpu.memref_squeeze %dma_start3A_184 : memref<1x16x128xf32, #tpu.memory_space<hbm>> -> memref<16x128xf32, #tpu.memory_space<hbm>>
        %dma_start3A_186 = arith.constant 9984 : i32
        %dma_start3A_187 = arith.constant 0 : i32
        %dma_start3A_188 = tpu.memref_slice %arg6[%arg0, %dma_start3A_186, %dma_start3A_187] : memref<2x10000x128xf32, #tpu.memory_space<hbm>> -> memref<1x16x128xf32, #tpu.memory_space<hbm>>
        %dma_start3A_189 = tpu.memref_squeeze %dma_start3A_188 : memref<1x16x128xf32, #tpu.memory_space<hbm>> -> memref<16x128xf32, #tpu.memory_space<hbm>>
        %dma_start3A_190 = arith.constant 0 : i32
        %dma_start3A_191 = arith.constant 0 : i32
        %dma_start3A_192 = tpu.memref_slice %arg11[%dma_start3A_190, %dma_start3A_191] : memref<128x128xf32, #tpu.memory_space<vmem>> -> memref<16x128xf32, #tpu.memory_space<vmem>>
        tpu.enqueue_dma source(%dma_start3A_192 : memref<16x128xf32, #tpu.memory_space<vmem>>) target(%dma_start3A_189 : memref<16x128xf32, #tpu.memory_space<hbm>>) target_semaphore(%run_scoped3A : memref<!tpu.dma_semaphore, #tpu.memory_space<semaphore_mem>>)
        %dma_wait3A = arith.constant 0 : i32
        %dma_wait3A_193 = arith.constant 0 : i32
        %dma_wait3A_194 = tpu.memref_slice %arg11[%dma_wait3A, %dma_wait3A_193] : memref<128x128xf32, #tpu.memory_space<vmem>> -> memref<16x128xf32, #tpu.memory_space<vmem>>
        %dma_wait3A_195 = arith.constant 9984 : i32
        %dma_wait3A_196 = arith.constant 0 : i32
        %dma_wait3A_197 = tpu.memref_slice %arg6[%arg0, %dma_wait3A_195, %dma_wait3A_196] : memref<2x10000x128xf32, #tpu.memory_space<hbm>> -> memref<1x16x128xf32, #tpu.memory_space<hbm>>
        %dma_wait3A_198 = tpu.memref_squeeze %dma_wait3A_197 : memref<1x16x128xf32, #tpu.memory_space<hbm>> -> memref<16x128xf32, #tpu.memory_space<hbm>>
        %dma_wait3A_199 = arith.constant 9984 : i32
        %dma_wait3A_200 = arith.constant 0 : i32
        %dma_wait3A_201 = tpu.memref_slice %arg6[%arg0, %dma_wait3A_199, %dma_wait3A_200] : memref<2x10000x128xf32, #tpu.memory_space<hbm>> -> memref<1x16x128xf32, #tpu.memory_space<hbm>>
        %dma_wait3A_202 = tpu.memref_squeeze %dma_wait3A_201 : memref<1x16x128xf32, #tpu.memory_space<hbm>> -> memref<16x128xf32, #tpu.memory_space<hbm>>
        %dma_wait3A_203 = arith.constant 0 : i32
        %dma_wait3A_204 = arith.constant 0 : i32
        %dma_wait3A_205 = tpu.memref_slice %arg11[%dma_wait3A_203, %dma_wait3A_204] : memref<128x128xf32, #tpu.memory_space<vmem>> -> memref<16x128xf32, #tpu.memory_space<vmem>>
        tpu.wait_dma2 semaphore(%run_scoped3A : memref<!tpu.dma_semaphore, #tpu.memory_space<semaphore_mem>>) src(%dma_wait3A_205 : memref<16x128xf32, #tpu.memory_space<vmem>>) dst(%dma_wait3A_202 : memref<16x128xf32, #tpu.memory_space<hbm>>)
        tpu.yield
      }) : () -> ()
    } else {
    }
    %mul3A_177 = arith.constant 10000 : i32
    %mul3A_178 = arith.muli %add3A, %mul3A_177 : i32
    %multiple_of3A_179 = tpu.assume_multiple %mul3A_178, 8 : i32
    "tpu.region"() ({
      %run_scoped3A = tpu.sem_alloc : memref<!tpu.dma_semaphore, #tpu.memory_space<semaphore_mem>>
      %dma_start3A = tpu.memref_slice %arg7[%multiple_of3A_179] : memref<320000xf32, #tpu.memory_space<hbm>> -> memref<10000xf32, #tpu.memory_space<hbm>>
      %dma_start3A_180 = tpu.memref_slice %arg7[%multiple_of3A_179] : memref<320000xf32, #tpu.memory_space<hbm>> -> memref<10000xf32, #tpu.memory_space<hbm>>
      tpu.enqueue_dma source(%arg12 : memref<10000xf32, #tpu.memory_space<vmem>>) target(%dma_start3A_180 : memref<10000xf32, #tpu.memory_space<hbm>>) target_semaphore(%run_scoped3A : memref<!tpu.dma_semaphore, #tpu.memory_space<semaphore_mem>>)
      %dma_wait3A = tpu.memref_slice %arg7[%multiple_of3A_179] : memref<320000xf32, #tpu.memory_space<hbm>> -> memref<10000xf32, #tpu.memory_space<hbm>>
      %dma_wait3A_181 = tpu.memref_slice %arg7[%multiple_of3A_179] : memref<320000xf32, #tpu.memory_space<hbm>> -> memref<10000xf32, #tpu.memory_space<hbm>>
      tpu.wait_dma2 semaphore(%run_scoped3A : memref<!tpu.dma_semaphore, #tpu.memory_space<semaphore_mem>>) src(%arg12 : memref<10000xf32, #tpu.memory_space<vmem>>) dst(%dma_wait3A_181 : memref<10000xf32, #tpu.memory_space<hbm>>)
      tpu.yield
    }) : () -> ()
    return
  }
}

module attributes {stable_mosaic.version = 14 : i64} {
  func.func @body(%arg0: memref<2x10000x128xf32, #tpu.memory_space<vmem>>, %arg1: memref<32x10000xf32, #tpu.memory_space<vmem>>, %arg2: memref<10000x128xf32, #tpu.memory_space<vmem>>, %arg3: memref<10000x1xf32, #tpu.memory_space<vmem>>, %arg4: memref<128x128xf32, #tpu.memory_space<vmem>>, %arg5: memref<1x128xf32, #tpu.memory_space<vmem>>, %arg6: memref<128x128xf32, #tpu.memory_space<vmem>>, %arg7: memref<1x128xf32, #tpu.memory_space<vmem>>, %arg8: memref<1x128xf32, #tpu.memory_space<vmem>>) attributes {dimension_semantics = [], scalar_prefetch = 0 : i64, scratch_operands = 0 : i64, tpu.core_type = #tpu.core_type<tc>} {
    %get3A = arith.constant 0 : index
    %get3A_0 = arith.constant 0 : index
    %get3A_1 = arith.constant 0 : index
    %get3A_2 = vector.load %arg0[%get3A, %get3A_0, %get3A_1] : memref<2x10000x128xf32, #tpu.memory_space<vmem>>, vector<1x10000x128xf32>
    %get3A_3 = vector.shape_cast %get3A_2 : vector<1x10000x128xf32> to vector<10000x128xf32>
    %get3A_4 = arith.constant 1 : index
    %get3A_5 = arith.constant 0 : index
    %get3A_6 = arith.constant 0 : index
    %get3A_7 = vector.load %arg0[%get3A_4, %get3A_5, %get3A_6] : memref<2x10000x128xf32, #tpu.memory_space<vmem>>, vector<1x10000x128xf32>
    %get3A_8 = vector.shape_cast %get3A_7 : vector<1x10000x128xf32> to vector<10000x128xf32>
    %add3A = arith.addf %get3A_3, %get3A_8 : vector<10000x128xf32>
    %get3A_9 = arith.constant 0 : index
    %get3A_10 = arith.constant 0 : index
    %get3A_11 = vector.load %arg3[%get3A_9, %get3A_10] : memref<10000x1xf32, #tpu.memory_space<vmem>>, vector<10000x1xf32>
    %get3A_12 = arith.constant 0 : index
    %get3A_13 = arith.constant 0 : index
    %get3A_14 = vector.load %arg2[%get3A_12, %get3A_13] : memref<10000x128xf32, #tpu.memory_space<vmem>>, vector<10000x128xf32>
    %mul3A = vector.broadcast %get3A_11 : vector<10000x1xf32> to vector<10000x128xf32>
    %mul3A_15 = arith.mulf %mul3A, %get3A_14 : vector<10000x128xf32>
    %add3A_16 = arith.addf %add3A, %mul3A_15 : vector<10000x128xf32>
    %get3A_17 = arith.constant 0 : index
    %get3A_18 = arith.constant 0 : index
    %get3A_19 = vector.load %arg4[%get3A_17, %get3A_18] : memref<128x128xf32, #tpu.memory_space<vmem>>, vector<128x128xf32>
    %dot_general3A = arith.constant dense<0.000000e+00> : vector<10000x128xf32>
    %dot_general3A_20 = tpu.matmul %add3A_16, %get3A_19, %dot_general3A {dimension_numbers = #tpu.dot_dimension_numbers<[1], [1], [0], [0], [0, 0, 1, 0], [], []>, transpose_lhs_hint = false} : vector<10000x128xf32>, vector<128x128xf32>, vector<10000x128xf32> -> vector<10000x128xf32>
    %get3A_21 = arith.constant 0 : index
    %get3A_22 = arith.constant 0 : index
    %get3A_23 = vector.load %arg5[%get3A_21, %get3A_22] : memref<1x128xf32, #tpu.memory_space<vmem>>, vector<1x128xf32>
    %add3A_24 = vector.broadcast %get3A_23 : vector<1x128xf32> to vector<10000x128xf32>
    %add3A_25 = arith.addf %dot_general3A_20, %add3A_24 : vector<10000x128xf32>
    %max3A = arith.constant 0.000000e+00 : f32
    %max3A_26 = vector.broadcast %max3A : f32 to vector<10000x128xf32>
    %max3A_27 = arith.maximumf %add3A_25, %max3A_26 : vector<10000x128xf32>
    %get3A_28 = arith.constant 0 : index
    %get3A_29 = arith.constant 0 : index
    %get3A_30 = vector.load %arg1[%get3A_28, %get3A_29] : memref<32x10000xf32, #tpu.memory_space<vmem>>, vector<32x10000xf32>
    %reduce_sum3A = arith.constant dense<0.000000e+00> : vector<10000xf32>
    %reduce_sum3A_31 = vector.multi_reduction <add>, %get3A_30, %reduce_sum3A [0] : vector<32x10000xf32> to vector<10000xf32>
    %broadcast_in_dim3A = vector.shape_cast %reduce_sum3A_31 : vector<10000xf32> to vector<10000x1xf32>
    %get3A_32 = arith.constant 0 : index
    %get3A_33 = arith.constant 0 : index
    %get3A_34 = vector.load %arg3[%get3A_32, %get3A_33] : memref<10000x1xf32, #tpu.memory_space<vmem>>, vector<10000x1xf32>
    %add3A_35 = arith.addf %broadcast_in_dim3A, %get3A_34 : vector<10000x1xf32>
    %mul3A_36 = vector.broadcast %add3A_35 : vector<10000x1xf32> to vector<10000x128xf32>
    %mul3A_37 = arith.mulf %mul3A_36, %max3A_27 : vector<10000x128xf32>
    %reduce_sum3A_38 = arith.constant dense<0.000000e+00> : vector<128xf32>
    %reduce_sum3A_39 = vector.multi_reduction <add>, %mul3A_37, %reduce_sum3A_38 [0] : vector<10000x128xf32> to vector<128xf32>
    %broadcast_in_dim3A_40 = vector.shape_cast %reduce_sum3A_39 : vector<128xf32> to vector<1x128xf32>
    %mul3A_41 = arith.constant 9.99999974E-5 : f32
    %mul3A_42 = vector.broadcast %mul3A_41 : f32 to vector<1x128xf32>
    %mul3A_43 = arith.mulf %broadcast_in_dim3A_40, %mul3A_42 : vector<1x128xf32>
    %get3A_44 = arith.constant 0 : index
    %get3A_45 = arith.constant 0 : index
    %get3A_46 = vector.load %arg6[%get3A_44, %get3A_45] : memref<128x128xf32, #tpu.memory_space<vmem>>, vector<128x128xf32>
    %dot_general3A_47 = arith.constant dense<0.000000e+00> : vector<1x128xf32>
    %dot_general3A_48 = tpu.matmul %mul3A_43, %get3A_46, %dot_general3A_47 {dimension_numbers = #tpu.dot_dimension_numbers<[1], [1], [0], [0], [0, 0, 1, 0], [], []>, transpose_lhs_hint = false} : vector<1x128xf32>, vector<128x128xf32>, vector<1x128xf32> -> vector<1x128xf32>
    %get3A_49 = arith.constant 0 : index
    %get3A_50 = arith.constant 0 : index
    %get3A_51 = vector.load %arg7[%get3A_49, %get3A_50] : memref<1x128xf32, #tpu.memory_space<vmem>>, vector<1x128xf32>
    %add3A_52 = arith.addf %dot_general3A_48, %get3A_51 : vector<1x128xf32>
    %swap3A = arith.constant 0 : index
    %swap3A_53 = arith.constant 0 : index
    %swap3A_54 = vector.load %arg8[%swap3A, %swap3A_53] : memref<1x128xf32, #tpu.memory_space<vmem>>, vector<1x128xf32>
    tpu.vector_store %arg8[%swap3A, %swap3A_53], %add3A_52 {strides = array<i32>} : memref<1x128xf32, #tpu.memory_space<vmem>>, vector<1x128xf32>,
    return
  }
}

</mosaic_0001>

<sc_bundles>
// kernel: kernel.4.cloned.1.call-start
scs
__scs_entry_jumppad:
0x0: {  	(pc) =	sbr.rel $0x88, $3  }
0x1: {  	(tag) =	ssettag $0x0;
	lr =	simm.s32 $0x1  }
0x2: {  	[smem:$0x3F9A] =	sst lr;
	_ =	strace $0xD0000000  }
0x3: {  	_ = 	snop  }
0x4: {  	_ = 	snop  }
0x5: {  	_ = 	snop  }
0x6: {  	_ = 	snop  }
0x7: {  	_ = 	snop  }
__scs_overlays_trampoline_lowered:
0x8: {  	[smem:$0x3FA9] =	sst s0  }
0x9: {  	[smem:$0x3FAA] =	sst s1  }
0xa: {  	[smem:$0x3FAB] =	sst s2  }
0xb: {  	[smem:$0x3FAC] =	sst s3  }
0xc: {  	[smem:$0x3FAD] =	sst s4  }
0xd: {  	[smem:$0x3FAE] =	sst s5  }
0xe: {  	[smem:$0x3FAF] =	sst s6  }
0xf: {  	[smem:$0x3FB0] =	sst s7  }
0x10: {  	[smem:$0x3FB1] =	sst s8  }
0x11: {  	[smem:$0x3FB2] =	sst s9;
	s0 =	simm.s32 @!p0 $0x0  }
0x12: {  	s1 =	sld [smem:$0x3F98];
	s0 =	simm.s32 @p0 $0x1  }
0x13: {  	[smem:$0x3FB3] =	sst s0;
	s0 =	simm.s32 @!p1 $0x0  }
0x14: {  	s2 =	sld [smem:$0x3F97];
	s0 =	simm.s32 @p1 $0x1  }
0x15: {  	[smem:$0x3FB4] =	sst s0;
	s0 =	simm.s32 @!p2 $0x0  }
0x16: {  	s3 =	sld [smem:$0x3FDB];
	s0 =	simm.s32 @p2 $0x1  }
0x17: {  	s4 =	simm.s32 $0x1BF5;
	[smem:$0x3FB6] =	sst s0  }
0x18: {  	s0 =	sld [smem:$0x3F99];
	_ =	swait.ge [sflag:s4], $0x0  }
0x19: {  	s7 =	sld [smem:$0x3F9A]  }
0x1a: {  	s8 =	sadd.s32 $0xFFFFE003, lr  }
0x1b: {  	s9 =	sadd.s32 $0xFFFFFEF7, lr;
	s5 =	simm.s32 $0xFFFFFFFF;
	p2 =	slt.u32 s8, $0xFFFFF086  }
0x1c: {  	p1 =	slt.u32 s9, $0xF7A;
	s5 =	simm.s32 @!p2 $0x0  }
0x1d: {  	s5 =	simm.s32 @p1 $0x1;
	p0 =	seq.s32 s7, s2  }
0x1e: {  	s7 =	smul.u32 @!p0 $0xF7A, s2;
	p2 =	seq.s32 @!p0 s5, $0x0  }
0x1f: {  	s9 =	smul.u32 $0xF7A, s1;
	s8 =	simm.s32 @!p0 $0x1BF5;
	p2 =	por !p2, p0  }
0x20: {  	[sflag:s8] =	ssyncset.s32 @!p0 $0xFFFFF086;
	s6 =	sadd.s32 @!p0 s3, s7;
	s7 =	simm.s32 @!p0 $0x108  }
0x21: {  	s3 =	sadd.s32 s3, s9;
	s6 =	sadd.s32 @!p0 $0x88, s6;
	s7 =	simm.s32 @p2 $0x1082  }
0x22: {  	[simem:s7], [sflag:s8] =	dma.local @!p0 [hbm:s6], $0xF7A  }
0x23: {  	s9 =	sor.u32 $0xD0000000, s2;
	s6 =	simm.s32 $0x108;
	_ =	swait.ge @!p0 [sflag:s8], $0x0  }
0x24: {  	s3 =	sadd.s32 $0x88, s3;
	s6 =	simm.s32 @!p1 $0x1082;
	[sflag:s4] =	ssyncset.s32 $0xFFFFF086  }
0x25: {  	[simem:s6], [sflag:s4] =	dma.local [hbm:s3], $0xF7A  }
0x26: {  	[smem:$0x3F9A] =	sst s1;
	(tag) =	ssettag s2;
	_ =	strace s9  }
0x27: {  	s1 =	sld [smem:$0x3FAA]  }
0x28: {  	s2 =	sld [smem:$0x3FAB]  }
0x29: {  	s4 =	sld [smem:$0x3FAD]  }
0x2a: {  	p0 =	seq.s32 s5, $0x0;
	s5 =	sld [smem:$0x3FAE]  }
0x2b: {  	s6 =	sld [smem:$0x3FAF]  }
0x2c: {  	s7 =	sld [smem:$0x3FB0]  }
0x2d: {  	s3 =	simm.s32 $0x108;
	s8 =	sld [smem:$0x3FB1]  }
0x2e: {  	s3 =	simm.s32 @!p0 $0x1082;
	s9 =	sld [smem:$0x3FB2]  }
0x2f: {  	lr =	sadd.s32 s0, s3;
	s0 =	sld [smem:$0x3FA9]  }
0x30: {  	s3 =	sld [smem:$0x3FAC]  }
0x31: {  	[smem:$0x3FB5] =	sst s10  }
0x32: {  	s10 =	sld [smem:$0x3FB3];
	_ =	sdelay $0x3  }
0x33: {  	p0 =	seq.s32 s10, $0x1;
	s10 =	sld [smem:$0x3FB5];
	_ =	sdelay $0x3  }
0x34: {  	[smem:$0x3FB5] =	sst s10  }
0x35: {  	s10 =	sld [smem:$0x3FB4];
	_ =	sdelay $0x3  }
0x36: {  	p1 =	seq.s32 s10, $0x1;
	s10 =	sld [smem:$0x3FB5];
	_ =	sdelay $0x3  }
0x37: {  	[smem:$0x3FB5] =	sst s10  }
0x38: {  	s10 =	sld [smem:$0x3FB6]  }
0x39: {  	_ = 	snop;
	(pc) =	sbr.ind lr, $3  }
0x3a: {  	_ = 	snop  }
0x3b: {  	_ = 	snop  }
0x3c: {  	p2 =	seq.s32 s10, $0x1;
	s10 =	sld [smem:$0x3FB5]  }
0x3d: {  	_ =	shalt  }
0x3e: {  	_ =	shalt  }
0x3f: {  	_ =	shalt  }
0x40: {  	_ =	shalt  }
0x41: {  	_ =	shalt  }
0x42: {  	_ =	shalt  }
0x43: {  	_ =	shalt  }
0x44: {  	_ =	shalt  }
0x45: {  	_ =	shalt  }
0x46: {  	_ =	shalt  }
0x47: {  	_ =	shalt  }
0x48: {  	_ =	shalt  }
0x49: {  	_ =	shalt  }
0x4a: {  	_ =	shalt  }
0x4b: {  	_ =	shalt  }
0x4c: {  	_ =	shalt  }
0x4d: {  	_ =	shalt  }
0x4e: {  	_ =	shalt  }
0x4f: {  	_ =	shalt  }
0x50: {  	_ =	shalt  }
0x51: {  	_ =	shalt  }
0x52: {  	_ =	shalt  }
0x53: {  	_ =	shalt  }
0x54: {  	_ =	shalt  }
0x55: {  	_ =	shalt  }
0x56: {  	_ =	shalt  }
0x57: {  	_ =	shalt  }
0x58: {  	_ =	shalt  }
0x59: {  	_ =	shalt  }
0x5a: {  	_ =	shalt  }
0x5b: {  	_ =	shalt  }
0x5c: {  	_ =	shalt  }
0x5d: {  	_ =	shalt  }
0x5e: {  	_ =	shalt  }
0x5f: {  	_ =	shalt  }
0x60: {  	_ =	shalt  }
0x61: {  	_ =	shalt  }
0x62: {  	_ =	shalt  }
0x63: {  	_ =	shalt  }
0x64: {  	_ =	shalt  }
0x65: {  	_ =	shalt  }
0x66: {  	_ =	shalt  }
0x67: {  	_ =	shalt  }
0x68: {  	_ =	shalt  }
0x69: {  	_ =	shalt  }
0x6a: {  	_ =	shalt  }
0x6b: {  	_ =	shalt  }
0x6c: {  	_ =	shalt  }
0x6d: {  	_ =	shalt  }
0x6e: {  	_ =	shalt  }
0x6f: {  	_ =	shalt  }
0x70: {  	_ =	shalt  }
0x71: {  	_ =	shalt  }
0x72: {  	_ =	shalt  }
0x73: {  	_ =	shalt  }
0x74: {  	_ =	shalt  }
0x75: {  	_ =	shalt  }
0x76: {  	_ =	shalt  }
0x77: {  	_ =	shalt  }
0x78: {  	_ =	shalt  }
0x79: {  	_ =	shalt  }
0x7a: {  	_ =	shalt  }
0x7b: {  	_ =	shalt  }
0x7c: {  	_ =	shalt  }
0x7d: {  	_ =	shalt  }
0x7e: {  	_ =	shalt  }
0x7f: {  	_ =	shalt  }
0x80: {  	_ =	shalt  }
0x81: {  	_ =	shalt  }
0x82: {  	_ =	shalt  }
0x83: {  	_ =	shalt  }
0x84: {  	_ =	shalt  }
0x85: {  	_ =	shalt  }
0x86: {  	_ =	shalt  }
0x87: {  	_ =	shalt  }
.Lfunc_end0:
.L_simem_size_0:
called_computation_lowered:
.L_overlay_start_0:
0x88: {  	s2 =	sld [smem:$0x3FD9]  }
0x89: {  	s3 =	sld [smem:$0x3FFE];
	_ =	sdelay $0x1  }
0x8a: {  	s1 =	srdreg.scid  }
0x8b: {  	s0 =	sand.u32 $0x1, s1  }
0x8c: {  	s17 =	sshll.u32 s0, $0xA;
	s2 =	sadd.s32 s3, s2  }
0x8d: {  	s2 =	sadd.s32 s2, s17  }
0x8e: {  	[smem:$0x3FC1] =	sst s2  }
0x8f: {  	_ = 	snop  }
0x90: {  	s2 =	sld [smem:$0x3FC9];
	(tm) =	ssettm $0x1  }
0x91: {  	s18 =	sld [smem:$0x3FFB];
	_ =	sdelay $0x3  }
0x92: {  	_ =	strace s18  }
0x93: {  	s3 =	sld [smem:$0x3FFC];
	_ =	sdelay $0x3  }
0x94: {  	_ =	strace s3  }
0x95: {  	s3 =	sld [smem:$0x3FFD];
	_ =	sdelay $0x3  }
0x96: {  	_ =	strace s3  }
0x97: {  	_ =	strace $0x8FFFFFFF  }
0x98: {  	s19 =	sld [smem:$0x3FDB];
	_ =	sdelay $0x1  }
0x99: {  	s4 =	simm.s32 $_scs_section_size  }
0x9a: {  	s5 =	simm.s32 $_size__tile_overlayer_lowered;
	s6 =	simm.s32 $_tile_overlayer_lowered  }
0x9b: {  	s22 =	simm.s32 $0x1BFF;
	s21 =	sshll.u32 s6, $0x1;
	s3 =	sadd.s32 s4, s19  }
0x9c: {  	s7 =	simm.s32 $0x0;
	s20 =	sshll.u32 s5, $0x1;
	s5 =	sadd.s32 s21, s3  }
0x9d: {  	[timem:s7], [sflag:s22] =	dma.local [hbm:s5], s20  }
0x9e: {  	_ =	swait.ge [sflag:s22], s20  }
0x9f: {  	s4 =	ssub.s32 $0x0, s20;
	[sflag:s22] =	ssyncset.done $0x0  }
0xa0: {  	[sflag:s22] =	ssyncadd.s32 s4;
	_ =	sdelay $0x1  }
0xa1: {  	s23 =	simm.s32 $0x1B8B  }
0xa2: {  	_ =	swait.ge [sflag:s23], $0x1  }
0xa3: {  	[sflag:s23] =	ssyncset.done $0x0  }
0xa4: {  	s25 =	simm.s32 $0x1B8E;
	s24 =	sld [smem:$0x3FFE];
	[sflag:s23] =	ssyncadd.s32 $0xFFFFFFFF  }
0xa5: {  	s26 =	simm.s32 $execute0_lowered;
	[smem:$0x3FD2] =	sst s25  }
0xa6: {  	s5 =	sshll.u32 s26, $0x1;
	_ =	strace $0x80000046;
	[dreg:$0x1] =	wrdreg $0xFFFFFFFF  }
0xa7: {  	s28 =	simm.s32 $_size_execute0_lowered;
	s3 =	sadd.s32 s3, s5;
	[dreg:$0x0] =	wrdreg $0x0  }
0xa8: {  	s5 =	sshll.u32 s28, $0x1;
	[dreg:$0x2] =	wrdreg s3  }
0xa9: {  	[dreg:$0x3] =	wrdreg s5  }
0xaa: {  	[dreg:$0x4] =	wrdreg $0xC0  }
0xab: {  	_ =	task [dreg:s7], $0x5FFFF  }
0xac: {  	[dreg:$0x1] =	wrdreg $0xFFFFFFFF  }
0xad: {  	[dreg:$0x0] =	wrdreg $0x60  }
0xae: {  	[dreg:$0x2] =	wrdreg s2  }
0xaf: {  	[dreg:$0x3] =	wrdreg s24  }
0xb0: {  	[dreg:$0x4] =	wrdreg $0x69000  }
0xb1: {  	[dreg:$0x5] =	wrdreg $0x9  }
0xb2: {  	_ =	task.clear_ibuf [dreg:s7], $0x6FFFF;
	_ =	strace $0x90000046  }
0xb3: {  	s29 =	simm.s32 $0x9;
	_ =	strace $0x80000048  }
0xb4: {  	_ =	swait.ge [sflag:s29], $0x1  }
0xb5: {  	[sflag:s29] =	ssyncadd.s32 $0xFFFFFFFF  }
0xb6: {  	_ =	strace $0x90000048  }
0xb7: {  	_ =	sfence  }
0xb8: {  	s30 =	sld [smem:$0x0];
	_ =	sdelay $0x2  }
0xb9: {  	s31 =	sshll.u32 s1, $0xD;
	s1 =	sshrl.u32 s1, $0x2  }
0xba: {  	s3 =	sand.u32 $0x4000, s31;
	s1 =	sadd.s32 s1, s30  }
0xbb: {  	s0 =	sor.u32 s3, s0;
	s1 =	sshll.u32 s1, $0x11  }
0xbc: {  	s0 =	sor.u32 s1, s0  }
0xbd: {  	s0 =	sadd.s32 $0x8F2B, s0  }
0xbe: {  	[sflag:s0] =	ssyncadd.remote.s32 $0x1  }
0xbf: {  	_ =	sfence.sel $0xFFFF  }
0xc0: {  	[dreg:$0x0] =	wrdreg $0xFFFFFFFF;
	(pc) =	sbr.abs _section_cstart, $3  }
0xc1: {  	[dreg:$0x1] =	wrdreg $0xFFFFFFFF  }
0xc2: {  	_ =	task.clear_ibuf [dreg:s7], $0x2FFFF;
	_ =	strace $0x9FFFFFFF  }
0xc3: {  	(tm) =	ssettm $0x7FFFFFFF  }
tec
execute0_lowered:
.L_overlay_start_1:
0x0: {  	(tag) =	ssettag $0x1  }
0x1: {  	s1 =	rddreg [dreg:$0x0]  }
0x2: {  	s0 =	rddreg [dreg:$0x1]  }
0x3: {  	s2 =	rddreg [dreg:$0x2];
	s4 =	simm.s32 $0x0;
	s3 =	srdreg.scid  }
0x4: {  	s24 =	stileid.u32;
	s14 =	simm.s32 $0x4F;
	s28 =	simm.s32 $0x100  }
0x5: {  	s29 =	simm.s32 $0x1;
	s30 =	simm.s32 $0x4180;
	s31 =	simm.s32 $0x0  }
0x6: {  	[smem:$0x7FF] =	sst s4;
	s3 =	sand.u32 $0x1, s3;
	s7 =	sshll.u32 s24, $0x1  }
0x7: {  	s5 =	sadd.s32 $0xB200, s0;
	s6 =	sadd.s32 $0x1400, s0;
	s16 =	sadd.s32 $0x28C00, s0  }
0x8: {  	s17 =	sshll.u32 s24, $0xE;
	s12 =	sadd.s32 $0x138000, s2;
	p0 =	slt.u32 s24, $0x2  }
0x9: {  	_ =	strace $0x80000047;
	s15 =	sor.u32 s3, s7;
	s7 =	sadd.s32 $0x15000, s0  }
0xa: {  	s9 =	ssub.s32 $0x2, s3;
	s18 =	sor.u32 $0x40000, s17;
	s19 =	sor.u32 $0x80000, s17  }
0xb: {  	s20 =	sor.u32 $0xC0000, s17;
	s21 =	sor.u32 $0x100000, s17;
	s3 =	smul.u32 $0x138800, s3  }
0xc: {  	s14 =	simm.s32 @!p0 $0x4E;
	p0 =	sgt.u32 s24, $0xD;
	s8 =	smul.u32 $0x4E2, s15  }
0xd: {  	s10 =	sshrl.u32 s9, $0x1;
	s11 =	sadd.s32 s20, s2;
	s13 =	sadd.s32 s21, s2  }
0xe: {  	s15 =	sshll.u32 s15, $0x7;
	p2 =	sne.s32 @p0 s24, $0xE;
	s24 =	simm.s32 $0x180  }
0xf: {  	s23 =	ssub.s32 s9, s10;
	s9 =	sadd.s32 s18, s2;
	s10 =	sadd.s32 s19, s2  }
0x10: {  	s18 =	sadd.s32 s3, s18;
	s19 =	sadd.s32 s3, s19;
	s22 =	sadd.s32 s3, s20  }
0x11: {  	p1 =	por p2, !p0;
	p2 =	por !p2, !p0;
	s0 =	sadd.s32 s8, s0  }
0x12: {  	s8 =	sadd.s32 s17, s2;
	s17 =	sadd.s32 s17, s3;
	s26 =	sshrl.u32 s19, $0x3  }
0x13: {  	s25 =	sshrl.u32 s18, $0x3;
	s17 =	sshrl.u32 s17, $0x3;
	s19 =	sadd.s32 s16, s26  }
0x14: {  	s23 =	smax.u32 s23, $0x1;
	s17 =	sadd.s32 s16, s17;
	[dreg:$0x6] =	wrdreg s19  }
0x15: {  	[dreg:$0x4] =	wrdreg s17;
	s17 =	sadd.s32 s16, s25;
	s25 =	sadd.s32 s3, s21  }
0x16: {  	s3 =	sshrl.u32 s3, $0x3;
	[dreg:$0x5] =	wrdreg s17;
	s17 =	sshrl.u32 s22, $0x3  }
0x17: {  	s26 =	sshrl.u32 s25, $0x3;
	s3 =	sadd.s32 s16, s3;
	s22 =	sadd.s32 $0x1EE00, s0  }
0x18: {  	s25 =	simm.s32 $0x2;
	s17 =	sadd.s32 s16, s17;
	s20 =	sadd.s32 s16, s26  }
0x19: {  	v0 =	vimm.f32 $0.0e+00;
	s21 =	sadd.s32 $0x27000, s3;
	s26 =	simm.s32 $0x80;
	[dreg:$0x7] =	wrdreg s17  }
.LBB2_1:
0x1a: {  	s0 =	simm.s32 $0x0;
	s3 =	simm.s32 $0x200  }
.LBB2_2:
0x1b: {  	p3 =	sne.s32 s3, $0xFE00;
	[tilespmem:s0+$0x1F0] =	vst v0  }
0x1c: {  	[tilespmem:s0+$0x180] =	vst v0  }
0x1d: {  	[tilespmem:s0+$0x190] =	vst v0  }
.Ltmp0:
0x1e: {  	[tilespmem:s0+$0x1A0] =	vst v0;
	(pc) =	sbr.rel @p3 .LBB2_2-.Ltmp0, $4  }
0x1f: {  	[tilespmem:s0+$0x1B0] =	vst v0  }
0x20: {  	[tilespmem:s0+$0x1C0] =	vst v0  }
0x21: {  	[tilespmem:s0+$0x1D0] =	vst v0  }
0x22: {  	[tilespmem:s0+$0x1E0] =	vst v0;
	s0 =	sshra.s32 s3, $0x2;
	s3 =	sadd.s32 $0x200, s3  }
0x23: {  	[tilespmem:s0+$0x1F0] =	vst v0  }
0x24: {  	[tilespmem:s0+$0x180] =	vst v0  }
0x25: {  	[tilespmem:s0+$0x190] =	vst v0  }
0x26: {  	[tilespmem:s0+$0x1A0] =	vst v0  }
0x27: {  	[tilespmem:s0+$0x1B0] =	vst v0  }
0x28: {  	[tilespmem:s0+$0x1C0] =	vst v0  }
0x29: {  	[tilespmem:s0+$0x1D0] =	vst v0  }
0x2a: {  	[tilespmem:s0+$0x1E0] =	vst v0  }
0x2b: {  	[spmem:s8] =	stream.linear.scatter [tilespmem:s24], [sflag:$0x2], $0x4000, $0x38;
	[tilespmem:$0x1A180] =	vst v63  }
0x2c: {  	_ =	swait.ge [sflag:s25], $0x4000  }
0x2d: {  	[sflag:s25] =	ssyncset.done $0x0  }
0x2e: {  	[sflag:s25] =	ssyncadd.s32 $0xFFFFC000  }
0x2f: {  	[spmem:s9] =	stream.linear.scatter [tilespmem:s24], [sflag:$0x2], $0x4000, $0x38;
	[tilespmem:$0x1A180] =	vst v63  }
0x30: {  	_ =	swait.ge [sflag:s25], $0x4000  }
0x31: {  	[sflag:s25] =	ssyncset.done $0x0  }
0x32: {  	[sflag:s25] =	ssyncadd.s32 $0xFFFFC000  }
0x33: {  	[spmem:s10] =	stream.linear.scatter [tilespmem:s24], [sflag:$0x2], $0x4000, $0x38;
	[tilespmem:$0x1A180] =	vst v63  }
0x34: {  	_ =	swait.ge [sflag:s25], $0x4000  }
0x35: {  	[sflag:s25] =	ssyncset.done $0x0  }
0x36: {  	[sflag:s25] =	ssyncadd.s32 $0xFFFFC000  }
0x37: {  	[spmem:s11] =	stream.linear.scatter [tilespmem:s24], [sflag:$0x2], $0x4000, $0x38;
	[tilespmem:$0x1A180] =	vst v63  }
0x38: {  	_ =	swait.ge [sflag:s25], $0x4000  }
0x39: {  	[sflag:s25] =	ssyncset.done $0x0  }
0x3a: {  	s0 =	simm.s32 @!p1 $0x180;
	[sflag:s25] =	ssyncadd.s32 $0xFFFFC000  }
0x3b: {  	[spmem:s12] =	stream.linear.scatter @!p1 [tilespmem:s0], [sflag:$0x2], $0x800, $0x38;
	[tilespmem:$0x1A180] =	vst v63  }
0x3c: {  	s0 =	simm.s32 @!p1 $0x2  }
0x3d: {  	_ =	swait.ge @!p1 [sflag:s0], $0x800  }
0x3e: {  	[sflag:s0] =	ssyncset.done @!p1 $0x0  }
0x3f: {  	[sflag:s0] =	ssyncadd.s32 @!p1 $0xFFFFF800;
	s0 =	simm.s32 @!p0 $0x180  }
0x40: {  	[spmem:s13] =	stream.linear.scatter @!p0 [tilespmem:s0], [sflag:$0x2], $0x4000, $0x38;
	[tilespmem:$0x1A180] =	vst v63  }
0x41: {  	p4 =	por @p0 $0x0, $0x0;
	s0 =	simm.s32 @!p0 $0x2  }
0x42: {  	p3 =	por @!p1 $0x1, $0x1;
	s3 =	simm.s32 $0x0;
	_ =	swait.ge @!p0 [sflag:s0], $0x4000  }
0x43: {  	p3 =	por @!p2 p4, p4;
	p4 =	por @!p0 $0x0, $0x0;
	[sflag:s0] =	ssyncset.done @!p0 $0x0  }
0x44: {  	p3 =	por @!p0 p4, p4;
	[sflag:s0] =	ssyncadd.s32 @!p0 $0xFFFFC000;
	s0 =	simm.s32 $0x40  }
.LBB2_4:
0x45: {  	p4 =	sne.s32 s0, $0x9C00;
	[tilespmem:s3+$0x4180] =	vst v0;
	s3 =	smov.u32 s0;
	s0 =	sadd.s32 $0x40, s0  }
.Ltmp1:
0x46: {  	(pc) =	sbr.rel @p4 .LBB2_4-.Ltmp1, $2  }
0x47: {  	_ =	sdelay $0x2  }
0x48: {  	s3 =	sshra.s32 s3, $0x2  }
0x49: {  	[tilespmem:s3+$0x4180] =	vst v0  }
0x4a: {  	s0 =	simm.s32 $0x0;
	s3 =	simm.s32 $0x0;
	[bflag:$0x0] =	sbarrier.arrive $0xFFFF  }
.LBB2_6:
0x4b: {  	s16 =	sshll.u32 s3, $0xC  }
0x4c: {  	s16 =	sor.u32 s15, s16  }
0x4d: {  	s16 =	sshrl.u32 s16, $0x3  }
0x4e: {  	s17 =	sadd.s32 s5, s16  }
0x4f: {  	[tilespmem:s0], [sflag:$0x2] =	stream.linear.gather [hbm4b:s17+s0], $0x80, $0x38;
	[tilespmem:$0x1A180] =	vst v63  }
0x50: {  	_ =	swait.ge [sflag:s25], $0x80  }
0x51: {  	[sflag:s25] =	ssyncset.done $0x0  }
0x52: {  	s19 =	sadd.s32 s6, s16;
	[sflag:s25] =	ssyncadd.s32 $0xFFFFFF80  }
0x53: {  	[tilespmem:s26], [sflag:$0x2] =	stream.linear.gather [hbm4b:s19+s0], $0x80, $0x38;
	[tilespmem:$0x1A180] =	vst v63  }
0x54: {  	_ =	swait.ge [sflag:s25], $0x80  }
0x55: {  	[sflag:s25] =	ssyncset.done $0x0  }
0x56: {  	s16 =	sadd.s32 s7, s16;
	[sflag:s25] =	ssyncadd.s32 $0xFFFFFF80  }
0x57: {  	[tilespmem:s28], [sflag:$0x2] =	stream.linear.gather [hbm4b:s16+s0], $0x80, $0x38;
	[tilespmem:$0x1A180] =	vst v63  }
0x58: {  	_ =	swait.ge [sflag:s25], $0x80  }
0x59: {  	[sflag:s25] =	ssyncset.done $0x0  }
0x5a: {  	[sflag:s25] =	ssyncadd.s32 $0xFFFFFF80  }
0x5b: {  	[tilespmem:s24], [sflag:$0x1] =	stream.indirect.gather [hbm4b:s1+s26], $0x80, s0, s26, $0xb8;
	[tilespmem:$0x1A180] =	vst v63  }
0x5c: {  	_ =	swait.ge [sflag:s29], $0x4000  }
0x5d: {  	[sflag:s29] =	ssyncset.done $0x0  }
0x5e: {  	s16 =	simm.s32 $0x0;
	[sflag:s29] =	ssyncadd.s32 $0xFFFFC000  }
.LBB2_7:
0x5f: {  	s17 =	sshll.u32 s16, $0x4  }
0x60: {  	v1 =	vld [tilespmem:s17+$0x0];
	_ =	sdelay $0x1  }
0x61: {  	v2 =	vmov s17  }
0x62: {  	v3 =	vld [tilespmem:s17+$0x100];
	v2 =	vbroadcast v2, $0x0;
	_ =	sdelay $0x4  }
0x63: {  	s18 =	sshll.u32 s16, $0xB;
	[tilespmem:v1+s30+$0x0] =	vst.idx.add.f32.msk $0xffff, v3  }
0x64: {  	s18 =	sand.u32 $0x3FFFF800, s18;
	v1 =	vld.idx.msk [tilespmem:v2+s28+$0x0], $0xffff  }
0x65: {  	v2 =	vld [tilespmem:s18+$0x180]  }
0x66: {  	v3 =	vld [tilespmem:s18+$0x190]  }
0x67: {  	v4 =	vld [tilespmem:s18+$0x1A0]  }
0x68: {  	v5 =	vld [tilespmem:s18+$0x1B0]  }
0x69: {  	v6 =	vld [tilespmem:s18+$0x1C0]  }
0x6a: {  	v7 =	vld [tilespmem:s18+$0x1D0];
	v2 =	vmul.f32 v2, v1  }
0x6b: {  	v8 =	vld [tilespmem:s18+$0x1E0];
	v3 =	vmul.f32 v3, v1  }
0x6c: {  	s19 =	sor.u32 $0x1, s17;
	v10 =	vld [tilespmem:s18+$0x1F0];
	[tilespmem:s18+$0x180] =	vst v2;
	v2 =	vmul.f32 v4, v1  }
0x6d: {  	v11 =	vmov s19;
	[tilespmem:s18+$0x190] =	vst v3;
	v3 =	vmul.f32 v5, v1  }
0x6e: {  	v5 =	vbroadcast v11, $0x0;
	[tilespmem:s18+$0x1A0] =	vst v2;
	v2 =	vmul.f32 v6, v1  }
0x6f: {  	[tilespmem:s18+$0x1B0] =	vst v3;
	v3 =	vmul.f32 v7, v1  }
0x70: {  	[tilespmem:s18+$0x1C0] =	vst v2;
	v2 =	vmul.f32 v8, v1  }
0x71: {  	[tilespmem:s18+$0x1D0] =	vst v3;
	v1 =	vmul.f32 v10, v1  }
0x72: {  	[tilespmem:s18+$0x1E0] =	vst v2  }
0x73: {  	s19 =	sshll.u32 s19, $0x7;
	[tilespmem:s18+$0x1F0] =	vst v1  }
0x74: {  	s18 =	sand.u32 $0x3FFFF880, s19;
	v1 =	vld.idx.msk [tilespmem:v5+s28+$0x0], $0xffff  }
0x75: {  	v2 =	vld [tilespmem:s18+$0x180]  }
0x76: {  	v3 =	vld [tilespmem:s18+$0x190]  }
0x77: {  	v12 =	vld [tilespmem:s18+$0x1A0]  }
0x78: {  	v13 =	vld [tilespmem:s18+$0x1B0]  }
0x79: {  	v14 =	vld [tilespmem:s18+$0x1C0]  }
0x7a: {  	v15 =	vld [tilespmem:s18+$0x1D0];
	v2 =	vmul.f32 v2, v1  }
0x7b: {  	v16 =	vld [tilespmem:s18+$0x1E0];
	v3 =	vmul.f32 v3, v1  }
0x7c: {  	s19 =	sor.u32 $0x2, s17;
	v17 =	vld [tilespmem:s18+$0x1F0];
	[tilespmem:s18+$0x180] =	vst v2;
	v2 =	vmul.f32 v12, v1  }
0x7d: {  	v18 =	vmov s19;
	[tilespmem:s18+$0x190] =	vst v3;
	v3 =	vmul.f32 v13, v1  }
0x7e: {  	v5 =	vbroadcast v18, $0x0;
	[tilespmem:s18+$0x1A0] =	vst v2;
	v2 =	vmul.f32 v14, v1  }
0x7f: {  	[tilespmem:s18+$0x1B0] =	vst v3;
	v3 =	vmul.f32 v15, v1  }
0x80: {  	[tilespmem:s18+$0x1C0] =	vst v2;
	v2 =	vmul.f32 v16, v1  }
0x81: {  	[tilespmem:s18+$0x1D0] =	vst v3;
	v1 =	vmul.f32 v17, v1  }
0x82: {  	[tilespmem:s18+$0x1E0] =	vst v2  }
0x83: {  	s19 =	sshll.u32 s19, $0x7;
	[tilespmem:s18+$0x1F0] =	vst v1  }
0x84: {  	s18 =	sand.u32 $0x3FFFF900, s19;
	v1 =	vld.idx.msk [tilespmem:v5+s28+$0x0], $0xffff  }
0x85: {  	v2 =	vld [tilespmem:s18+$0x180]  }
0x86: {  	v3 =	vld [tilespmem:s18+$0x190]  }
0x87: {  	v19 =	vld [tilespmem:s18+$0x1A0]  }
0x88: {  	v20 =	vld [tilespmem:s18+$0x1B0]  }
0x89: {  	v21 =	vld [tilespmem:s18+$0x1C0]  }
0x8a: {  	v22 =	vld [tilespmem:s18+$0x1D0];
	v2 =	vmul.f32 v2, v1  }
0x8b: {  	v23 =	vld [tilespmem:s18+$0x1E0];
	v3 =	vmul.f32 v3, v1  }
0x8c: {  	s19 =	sor.u32 $0x3, s17;
	v24 =	vld [tilespmem:s18+$0x1F0];
	[tilespmem:s18+$0x180] =	vst v2;
	v2 =	vmul.f32 v19, v1  }
0x8d: {  	v25 =	vmov s19;
	[tilespmem:s18+$0x190] =	vst v3;
	v3 =	vmul.f32 v20, v1  }
0x8e: {  	v5 =	vbroadcast v25, $0x0;
	[tilespmem:s18+$0x1A0] =	vst v2;
	v2 =	vmul.f32 v21, v1  }
0x8f: {  	[tilespmem:s18+$0x1B0] =	vst v3;
	v3 =	vmul.f32 v22, v1  }
0x90: {  	[tilespmem:s18+$0x1C0] =	vst v2;
	v2 =	vmul.f32 v23, v1  }
0x91: {  	[tilespmem:s18+$0x1D0] =	vst v3;
	v1 =	vmul.f32 v24, v1  }
0x92: {  	[tilespmem:s18+$0x1E0] =	vst v2  }
0x93: {  	s19 =	sshll.u32 s19, $0x7;
	[tilespmem:s18+$0x1F0] =	vst v1  }
0x94: {  	s18 =	sand.u32 $0x3FFFF980, s19;
	v1 =	vld.idx.msk [tilespmem:v5+s28+$0x0], $0xffff  }
0x95: {  	v2 =	vld [tilespmem:s18+$0x180]  }
0x96: {  	v3 =	vld [tilespmem:s18+$0x190]  }
0x97: {  	v26 =	vld [tilespmem:s18+$0x1A0]  }
0x98: {  	v27 =	vld [tilespmem:s18+$0x1B0]  }
0x99: {  	v28 =	vld [tilespmem:s18+$0x1C0]  }
0x9a: {  	v29 =	vld [tilespmem:s18+$0x1D0];
	v2 =	vmul.f32 v2, v1  }
0x9b: {  	v30 =	vld [tilespmem:s18+$0x1E0];
	v3 =	vmul.f32 v3, v1  }
0x9c: {  	s19 =	sor.u32 $0x4, s17;
	v31 =	vld [tilespmem:s18+$0x1F0];
	[tilespmem:s18+$0x180] =	vst v2;
	v2 =	vmul.f32 v26, v1  }
0x9d: {  	v32 =	vmov s19;
	[tilespmem:s18+$0x190] =	vst v3;
	v3 =	vmul.f32 v27, v1  }
0x9e: {  	v5 =	vbroadcast v32, $0x0;
	[tilespmem:s18+$0x1A0] =	vst v2;
	v2 =	vmul.f32 v28, v1  }
0x9f: {  	[tilespmem:s18+$0x1B0] =	vst v3;
	v3 =	vmul.f32 v29, v1  }
0xa0: {  	[tilespmem:s18+$0x1C0] =	vst v2;
	v2 =	vmul.f32 v30, v1  }
0xa1: {  	[tilespmem:s18+$0x1D0] =	vst v3;
	v1 =	vmul.f32 v31, v1  }
0xa2: {  	[tilespmem:s18+$0x1E0] =	vst v2  }
0xa3: {  	s19 =	sshll.u32 s19, $0x7;
	[tilespmem:s18+$0x1F0] =	vst v1  }
0xa4: {  	s18 =	sand.u32 $0x3FFFFA00, s19;
	v1 =	vld.idx.msk [tilespmem:v5+s28+$0x0], $0xffff  }
0xa5: {  	v2 =	vld [tilespmem:s18+$0x180]  }
0xa6: {  	v3 =	vld [tilespmem:s18+$0x190]  }
0xa7: {  	v33 =	vld [tilespmem:s18+$0x1A0]  }
0xa8: {  	v34 =	vld [tilespmem:s18+$0x1B0]  }
0xa9: {  	v35 =	vld [tilespmem:s18+$0x1C0]  }
0xaa: {  	v36 =	vld [tilespmem:s18+$0x1D0];
	v2 =	vmul.f32 v2, v1  }
0xab: {  	v37 =	vld [tilespmem:s18+$0x1E0];
	v3 =	vmul.f32 v3, v1  }
0xac: {  	s19 =	sor.u32 $0x5, s17;
	v38 =	vld [tilespmem:s18+$0x1F0];
	[tilespmem:s18+$0x180] =	vst v2;
	v2 =	vmul.f32 v33, v1  }
0xad: {  	v39 =	vmov s19;
	[tilespmem:s18+$0x190] =	vst v3;
	v3 =	vmul.f32 v34, v1  }
0xae: {  	v5 =	vbroadcast v39, $0x0;
	[tilespmem:s18+$0x1A0] =	vst v2;
	v2 =	vmul.f32 v35, v1  }
0xaf: {  	[tilespmem:s18+$0x1B0] =	vst v3;
	v3 =	vmul.f32 v36, v1  }
0xb0: {  	[tilespmem:s18+$0x1C0] =	vst v2;
	v2 =	vmul.f32 v37, v1  }
0xb1: {  	[tilespmem:s18+$0x1D0] =	vst v3;
	v1 =	vmul.f32 v38, v1  }
0xb2: {  	[tilespmem:s18+$0x1E0] =	vst v2  }
0xb3: {  	s19 =	sshll.u32 s19, $0x7;
	[tilespmem:s18+$0x1F0] =	vst v1  }
0xb4: {  	s18 =	sand.u32 $0x3FFFFA80, s19;
	v1 =	vld.idx.msk [tilespmem:v5+s28+$0x0], $0xffff  }
0xb5: {  	v2 =	vld [tilespmem:s18+$0x180]  }
0xb6: {  	v3 =	vld [tilespmem:s18+$0x190]  }
0xb7: {  	v40 =	vld [tilespmem:s18+$0x1A0]  }
0xb8: {  	v41 =	vld [tilespmem:s18+$0x1B0]  }
0xb9: {  	v42 =	vld [tilespmem:s18+$0x1C0]  }
0xba: {  	v43 =	vld [tilespmem:s18+$0x1D0];
	v2 =	vmul.f32 v2, v1  }
0xbb: {  	v44 =	vld [tilespmem:s18+$0x1E0];
	v3 =	vmul.f32 v3, v1  }
0xbc: {  	s19 =	sor.u32 $0x6, s17;
	v45 =	vld [tilespmem:s18+$0x1F0];
	[tilespmem:s18+$0x180] =	vst v2;
	v2 =	vmul.f32 v40, v1  }
0xbd: {  	v46 =	vmov s19;
	[tilespmem:s18+$0x190] =	vst v3;
	v3 =	vmul.f32 v41, v1  }
0xbe: {  	v5 =	vbroadcast v46, $0x0;
	[tilespmem:s18+$0x1A0] =	vst v2;
	v2 =	vmul.f32 v42, v1  }
0xbf: {  	[tilespmem:s18+$0x1B0] =	vst v3;
	v3 =	vmul.f32 v43, v1  }
0xc0: {  	[tilespmem:s18+$0x1C0] =	vst v2;
	v2 =	vmul.f32 v44, v1  }
0xc1: {  	[tilespmem:s18+$0x1D0] =	vst v3;
	v1 =	vmul.f32 v45, v1  }
0xc2: {  	[tilespmem:s18+$0x1E0] =	vst v2  }
0xc3: {  	s19 =	sshll.u32 s19, $0x7;
	[tilespmem:s18+$0x1F0] =	vst v1  }
0xc4: {  	s18 =	sand.u32 $0x3FFFFB00, s19;
	v1 =	vld.idx.msk [tilespmem:v5+s28+$0x0], $0xffff  }
0xc5: {  	v2 =	vld [tilespmem:s18+$0x180]  }
0xc6: {  	v3 =	vld [tilespmem:s18+$0x190]  }
0xc7: {  	v47 =	vld [tilespmem:s18+$0x1A0]  }
0xc8: {  	v48 =	vld [tilespmem:s18+$0x1B0]  }
0xc9: {  	v49 =	vld [tilespmem:s18+$0x1C0]  }
0xca: {  	v50 =	vld [tilespmem:s18+$0x1D0];
	v2 =	vmul.f32 v2, v1  }
0xcb: {  	v51 =	vld [tilespmem:s18+$0x1E0];
	v3 =	vmul.f32 v3, v1  }
0xcc: {  	s19 =	sor.u32 $0x7, s17;
	v52 =	vld [tilespmem:s18+$0x1F0];
	[tilespmem:s18+$0x180] =	vst v2;
	v2 =	vmul.f32 v47, v1  }
0xcd: {  	v53 =	vmov s19;
	[tilespmem:s18+$0x190] =	vst v3;
	v3 =	vmul.f32 v48, v1  }
0xce: {  	v5 =	vbroadcast v53, $0x0;
	[tilespmem:s18+$0x1A0] =	vst v2;
	v2 =	vmul.f32 v49, v1  }
0xcf: {  	[tilespmem:s18+$0x1B0] =	vst v3;
	v3 =	vmul.f32 v50, v1  }
0xd0: {  	[tilespmem:s18+$0x1C0] =	vst v2;
	v2 =	vmul.f32 v51, v1  }
0xd1: {  	[tilespmem:s18+$0x1D0] =	vst v3;
	v1 =	vmul.f32 v52, v1  }
0xd2: {  	[tilespmem:s18+$0x1E0] =	vst v2  }
0xd3: {  	s19 =	sshll.u32 s19, $0x7;
	[tilespmem:s18+$0x1F0] =	vst v1  }
0xd4: {  	s18 =	sand.u32 $0x3FFFFB80, s19;
	v1 =	vld.idx.msk [tilespmem:v5+s28+$0x0], $0xffff  }
0xd5: {  	v2 =	vld [tilespmem:s18+$0x180]  }
0xd6: {  	v3 =	vld [tilespmem:s18+$0x190]  }
0xd7: {  	v54 =	vld [tilespmem:s18+$0x1A0]  }
0xd8: {  	v55 =	vld [tilespmem:s18+$0x1B0]  }
0xd9: {  	v56 =	vld [tilespmem:s18+$0x1C0]  }
0xda: {  	v57 =	vld [tilespmem:s18+$0x1D0];
	v2 =	vmul.f32 v2, v1  }
0xdb: {  	v58 =	vld [tilespmem:s18+$0x1E0];
	v3 =	vmul.f32 v3, v1  }
0xdc: {  	s19 =	sor.u32 $0x8, s17;
	v59 =	vld [tilespmem:s18+$0x1F0];
	[tilespmem:s18+$0x180] =	vst v2;
	v2 =	vmul.f32 v54, v1  }
0xdd: {  	v60 =	vmov s19;
	[tilespmem:s18+$0x190] =	vst v3;
	v3 =	vmul.f32 v55, v1  }
0xde: {  	v5 =	vbroadcast v60, $0x0;
	[tilespmem:s18+$0x1A0] =	vst v2;
	v2 =	vmul.f32 v56, v1  }
0xdf: {  	[tilespmem:s18+$0x1B0] =	vst v3;
	v3 =	vmul.f32 v57, v1  }
0xe0: {  	[tilespmem:s18+$0x1C0] =	vst v2;
	v2 =	vmul.f32 v58, v1  }
0xe1: {  	[tilespmem:s18+$0x1D0] =	vst v3;
	v1 =	vmul.f32 v59, v1  }
0xe2: {  	[tilespmem:s18+$0x1E0] =	vst v2  }
0xe3: {  	s19 =	sshll.u32 s19, $0x7;
	[tilespmem:s18+$0x1F0] =	vst v1  }
0xe4: {  	s18 =	sand.u32 $0x3FFFFC00, s19;
	v1 =	vld.idx.msk [tilespmem:v5+s28+$0x0], $0xffff  }
0xe5: {  	v2 =	vld [tilespmem:s18+$0x180]  }
0xe6: {  	v3 =	vld [tilespmem:s18+$0x190]  }
0xe7: {  	v61 =	vld [tilespmem:s18+$0x1A0]  }
0xe8: {  	v62 =	vld [tilespmem:s18+$0x1B0]  }
0xe9: {  	v63 =	vld [tilespmem:s18+$0x1C0]  }
0xea: {  	v12 =	vld [tilespmem:s18+$0x1D0];
	v2 =	vmul.f32 v2, v1  }
0xeb: {  	v13 =	vld [tilespmem:s18+$0x1E0];
	v3 =	vmul.f32 v3, v1  }
0xec: {  	s19 =	sor.u32 $0x9, s17;
	v14 =	vld [tilespmem:s18+$0x1F0];
	[tilespmem:s18+$0x180] =	vst v2;
	v2 =	vmul.f32 v61, v1  }
0xed: {  	v15 =	vmov s19;
	[tilespmem:s18+$0x190] =	vst v3;
	v3 =	vmul.f32 v62, v1  }
0xee: {  	v5 =	vbroadcast v15, $0x0;
	[tilespmem:s18+$0x1A0] =	vst v2;
	v2 =	vmul.f32 v63, v1  }
0xef: {  	[tilespmem:s18+$0x1B0] =	vst v3;
	v3 =	vmul.f32 v12, v1  }
0xf0: {  	[tilespmem:s18+$0x1C0] =	vst v2;
	v2 =	vmul.f32 v13, v1  }
0xf1: {  	[tilespmem:s18+$0x1D0] =	vst v3;
	v1 =	vmul.f32 v14, v1  }
0xf2: {  	[tilespmem:s18+$0x1E0] =	vst v2  }
0xf3: {  	s19 =	sshll.u32 s19, $0x7;
	[tilespmem:s18+$0x1F0] =	vst v1  }
0xf4: {  	s18 =	sand.u32 $0x3FFFFC80, s19;
	v1 =	vld.idx.msk [tilespmem:v5+s28+$0x0], $0xffff  }
0xf5: {  	v2 =	vld [tilespmem:s18+$0x180]  }
0xf6: {  	v3 =	vld [tilespmem:s18+$0x190]  }
0xf7: {  	v16 =	vld [tilespmem:s18+$0x1A0]  }
0xf8: {  	v17 =	vld [tilespmem:s18+$0x1B0]  }
0xf9: {  	v18 =	vld [tilespmem:s18+$0x1C0]  }
0xfa: {  	v19 =	vld [tilespmem:s18+$0x1D0];
	v2 =	vmul.f32 v2, v1  }
0xfb: {  	v20 =	vld [tilespmem:s18+$0x1E0];
	v3 =	vmul.f32 v3, v1  }
0xfc: {  	s19 =	sor.u32 $0xA, s17;
	v21 =	vld [tilespmem:s18+$0x1F0];
	[tilespmem:s18+$0x180] =	vst v2;
	v2 =	vmul.f32 v16, v1  }
0xfd: {  	v22 =	vmov s19;
	[tilespmem:s18+$0x190] =	vst v3;
	v3 =	vmul.f32 v17, v1  }
0xfe: {  	v5 =	vbroadcast v22, $0x0;
	[tilespmem:s18+$0x1A0] =	vst v2;
	v2 =	vmul.f32 v18, v1  }
0xff: {  	[tilespmem:s18+$0x1B0] =	vst v3;
	v3 =	vmul.f32 v19, v1  }
0x100: {  	[tilespmem:s18+$0x1C0] =	vst v2;
	v2 =	vmul.f32 v20, v1  }
0x101: {  	[tilespmem:s18+$0x1D0] =	vst v3;
	v1 =	vmul.f32 v21, v1  }
0x102: {  	[tilespmem:s18+$0x1E0] =	vst v2  }
0x103: {  	s19 =	sshll.u32 s19, $0x7;
	[tilespmem:s18+$0x1F0] =	vst v1  }
0x104: {  	s18 =	sand.u32 $0x3FFFFD00, s19;
	v1 =	vld.idx.msk [tilespmem:v5+s28+$0x0], $0xffff  }
0x105: {  	v2 =	vld [tilespmem:s18+$0x180]  }
0x106: {  	v3 =	vld [tilespmem:s18+$0x190]  }
0x107: {  	v23 =	vld [tilespmem:s18+$0x1A0]  }
0x108: {  	v24 =	vld [tilespmem:s18+$0x1B0]  }
0x109: {  	v25 =	vld [tilespmem:s18+$0x1C0]  }
0x10a: {  	v26 =	vld [tilespmem:s18+$0x1D0];
	v2 =	vmul.f32 v2, v1  }
0x10b: {  	v27 =	vld [tilespmem:s18+$0x1E0];
	v3 =	vmul.f32 v3, v1  }
0x10c: {  	s19 =	sor.u32 $0xB, s17;
	v28 =	vld [tilespmem:s18+$0x1F0];
	[tilespmem:s18+$0x180] =	vst v2;
	v2 =	vmul.f32 v23, v1  }
0x10d: {  	v29 =	vmov s19;
	[tilespmem:s18+$0x190] =	vst v3;
	v3 =	vmul.f32 v24, v1  }
0x10e: {  	v5 =	vbroadcast v29, $0x0;
	[tilespmem:s18+$0x1A0] =	vst v2;
	v2 =	vmul.f32 v25, v1  }
0x10f: {  	[tilespmem:s18+$0x1B0] =	vst v3;
	v3 =	vmul.f32 v26, v1  }
0x110: {  	[tilespmem:s18+$0x1C0] =	vst v2;
	v2 =	vmul.f32 v27, v1  }
0x111: {  	[tilespmem:s18+$0x1D0] =	vst v3;
	v1 =	vmul.f32 v28, v1  }
0x112: {  	[tilespmem:s18+$0x1E0] =	vst v2  }
0x113: {  	s19 =	sshll.u32 s19, $0x7;
	[tilespmem:s18+$0x1F0] =	vst v1  }
0x114: {  	s18 =	sand.u32 $0x3FFFFD80, s19;
	v1 =	vld.idx.msk [tilespmem:v5+s28+$0x0], $0xffff  }
0x115: {  	v2 =	vld [tilespmem:s18+$0x180]  }
0x116: {  	v3 =	vld [tilespmem:s18+$0x190]  }
0x117: {  	v30 =	vld [tilespmem:s18+$0x1A0]  }
0x118: {  	v31 =	vld [tilespmem:s18+$0x1B0]  }
0x119: {  	v32 =	vld [tilespmem:s18+$0x1C0]  }
0x11a: {  	v33 =	vld [tilespmem:s18+$0x1D0];
	v2 =	vmul.f32 v2, v1  }
0x11b: {  	v34 =	vld [tilespmem:s18+$0x1E0];
	v3 =	vmul.f32 v3, v1  }
0x11c: {  	s19 =	sor.u32 $0xC, s17;
	v35 =	vld [tilespmem:s18+$0x1F0];
	[tilespmem:s18+$0x180] =	vst v2;
	v2 =	vmul.f32 v30, v1  }
0x11d: {  	v36 =	vmov s19;
	[tilespmem:s18+$0x190] =	vst v3;
	v3 =	vmul.f32 v31, v1  }
0x11e: {  	v5 =	vbroadcast v36, $0x0;
	[tilespmem:s18+$0x1A0] =	vst v2;
	v2 =	vmul.f32 v32, v1  }
0x11f: {  	[tilespmem:s18+$0x1B0] =	vst v3;
	v3 =	vmul.f32 v33, v1  }
0x120: {  	[tilespmem:s18+$0x1C0] =	vst v2;
	v2 =	vmul.f32 v34, v1  }
0x121: {  	[tilespmem:s18+$0x1D0] =	vst v3;
	v1 =	vmul.f32 v35, v1  }
0x122: {  	[tilespmem:s18+$0x1E0] =	vst v2  }
0x123: {  	s19 =	sshll.u32 s19, $0x7;
	[tilespmem:s18+$0x1F0] =	vst v1  }
0x124: {  	s18 =	sand.u32 $0x3FFFFE00, s19;
	v1 =	vld.idx.msk [tilespmem:v5+s28+$0x0], $0xffff  }
0x125: {  	v2 =	vld [tilespmem:s18+$0x180]  }
0x126: {  	v3 =	vld [tilespmem:s18+$0x190]  }
0x127: {  	v37 =	vld [tilespmem:s18+$0x1A0]  }
0x128: {  	v38 =	vld [tilespmem:s18+$0x1B0]  }
0x129: {  	v39 =	vld [tilespmem:s18+$0x1C0]  }
0x12a: {  	v40 =	vld [tilespmem:s18+$0x1D0];
	v2 =	vmul.f32 v2, v1  }
0x12b: {  	v41 =	vld [tilespmem:s18+$0x1E0];
	v3 =	vmul.f32 v3, v1  }
0x12c: {  	s19 =	sor.u32 $0xD, s17;
	v42 =	vld [tilespmem:s18+$0x1F0];
	[tilespmem:s18+$0x180] =	vst v2;
	v2 =	vmul.f32 v37, v1  }
0x12d: {  	v43 =	vmov s19;
	[tilespmem:s18+$0x190] =	vst v3;
	v3 =	vmul.f32 v38, v1  }
0x12e: {  	v5 =	vbroadcast v43, $0x0;
	[tilespmem:s18+$0x1A0] =	vst v2;
	v2 =	vmul.f32 v39, v1  }
0x12f: {  	[tilespmem:s18+$0x1B0] =	vst v3;
	v3 =	vmul.f32 v40, v1  }
0x130: {  	[tilespmem:s18+$0x1C0] =	vst v2;
	v2 =	vmul.f32 v41, v1  }
0x131: {  	[tilespmem:s18+$0x1D0] =	vst v3;
	v1 =	vmul.f32 v42, v1  }
0x132: {  	[tilespmem:s18+$0x1E0] =	vst v2  }
0x133: {  	s19 =	sshll.u32 s19, $0x7;
	[tilespmem:s18+$0x1F0] =	vst v1  }
0x134: {  	s18 =	sand.u32 $0x3FFFFE80, s19;
	v1 =	vld.idx.msk [tilespmem:v5+s28+$0x0], $0xffff  }
0x135: {  	v2 =	vld [tilespmem:s18+$0x180]  }
0x136: {  	v3 =	vld [tilespmem:s18+$0x190]  }
0x137: {  	v44 =	vld [tilespmem:s18+$0x1A0]  }
0x138: {  	v45 =	vld [tilespmem:s18+$0x1B0]  }
0x139: {  	v46 =	vld [tilespmem:s18+$0x1C0]  }
0x13a: {  	v47 =	vld [tilespmem:s18+$0x1D0];
	v2 =	vmul.f32 v2, v1  }
0x13b: {  	v48 =	vld [tilespmem:s18+$0x1E0];
	v3 =	vmul.f32 v3, v1  }
0x13c: {  	s17 =	sor.u32 $0xE, s17;
	v49 =	vld [tilespmem:s18+$0x1F0];
	[tilespmem:s18+$0x180] =	vst v2;
	v2 =	vmul.f32 v44, v1  }
0x13d: {  	v50 =	vmov s17;
	[tilespmem:s18+$0x190] =	vst v3;
	v3 =	vmul.f32 v45, v1  }
0x13e: {  	v5 =	vbroadcast v50, $0x0;
	[tilespmem:s18+$0x1A0] =	vst v2;
	v2 =	vmul.f32 v46, v1  }
0x13f: {  	[tilespmem:s18+$0x1B0] =	vst v3;
	v3 =	vmul.f32 v47, v1  }
0x140: {  	[tilespmem:s18+$0x1C0] =	vst v2;
	v2 =	vmul.f32 v48, v1  }
0x141: {  	[tilespmem:s18+$0x1D0] =	vst v3;
	v1 =	vmul.f32 v49, v1  }
0x142: {  	[tilespmem:s18+$0x1E0] =	vst v2  }
0x143: {  	s17 =	sshll.u32 s17, $0x7;
	[tilespmem:s18+$0x1F0] =	vst v1  }
0x144: {  	s17 =	sand.u32 $0x3FFFFF00, s17;
	v1 =	vld.idx.msk [tilespmem:v5+s28+$0x0], $0xffff  }
0x145: {  	v2 =	vld [tilespmem:s17+$0x180]  }
0x146: {  	v3 =	vld [tilespmem:s17+$0x190]  }
0x147: {  	v51 =	vld [tilespmem:s17+$0x1A0]  }
0x148: {  	v52 =	vld [tilespmem:s17+$0x1B0]  }
0x149: {  	v53 =	vld [tilespmem:s17+$0x1C0]  }
0x14a: {  	v54 =	vld [tilespmem:s17+$0x1D0];
	v2 =	vmul.f32 v2, v1  }
0x14b: {  	v55 =	vld [tilespmem:s17+$0x1E0];
	v3 =	vmul.f32 v3, v1  }
0x14c: {  	v56 =	vld [tilespmem:s17+$0x1F0];
	[tilespmem:s17+$0x180] =	vst v2;
	v2 =	vmul.f32 v51, v1  }
0x14d: {  	[tilespmem:s17+$0x190] =	vst v3;
	v3 =	vmul.f32 v52, v1  }
0x14e: {  	s19 =	sshllo.u32 s16, $0x4;
	[tilespmem:s17+$0x1A0] =	vst v2;
	v2 =	vmul.f32 v53, v1  }
0x14f: {  	v57 =	vmov s19;
	[tilespmem:s17+$0x1B0] =	vst v3;
	v3 =	vmul.f32 v54, v1  }
0x150: {  	[tilespmem:s17+$0x1C0] =	vst v2;
	v2 =	vmul.f32 v55, v1  }
0x151: {  	[tilespmem:s17+$0x1D0] =	vst v3;
	v1 =	vmul.f32 v56, v1  }
0x152: {  	[tilespmem:s17+$0x1E0] =	vst v2  }
0x153: {  	s19 =	sshll.u32 s19, $0x7;
	[tilespmem:s17+$0x1F0] =	vst v1  }
0x154: {  	s17 =	sand.u32 $0x3FFFFF80, s19;
	v1 =	vld.idx.msk [tilespmem:v57+s28+$0x0], $0xffff  }
0x155: {  	v2 =	vld [tilespmem:s17+$0x180]  }
0x156: {  	v3 =	vld [tilespmem:s17+$0x190]  }
0x157: {  	v58 =	vld [tilespmem:s17+$0x1A0]  }
0x158: {  	v59 =	vld [tilespmem:s17+$0x1B0]  }
0x159: {  	v60 =	vld [tilespmem:s17+$0x1C0]  }
0x15a: {  	v61 =	vld [tilespmem:s17+$0x1D0];
	v2 =	vmul.f32 v2, v1  }
0x15b: {  	v62 =	vld [tilespmem:s17+$0x1E0];
	v3 =	vmul.f32 v3, v1  }
0x15c: {  	v63 =	vld [tilespmem:s17+$0x1F0];
	[tilespmem:s17+$0x180] =	vst v2;
	v2 =	vmul.f32 v58, v1  }
0x15d: {  	[tilespmem:s17+$0x190] =	vst v3;
	v3 =	vmul.f32 v59, v1  }
0x15e: {  	p4 =	sne.s32 s16, $0x7;
	[tilespmem:s17+$0x1A0] =	vst v2;
	v2 =	vmul.f32 v60, v1  }
.Ltmp2:
0x15f: {  	[tilespmem:s17+$0x1B0] =	vst v3;
	v3 =	vmul.f32 v61, v1;
	(pc) =	sbr.rel @p4 .LBB2_7-.Ltmp2, $4  }
0x160: {  	[tilespmem:s17+$0x1C0] =	vst v2;
	v2 =	vmul.f32 v62, v1  }
0x161: {  	[tilespmem:s17+$0x1D0] =	vst v3;
	v1 =	vmul.f32 v63, v1  }
0x162: {  	[tilespmem:s17+$0x1E0] =	vst v2  }
0x163: {  	s16 =	sadd.s32 $0x1, s16;
	[tilespmem:s17+$0x1F0] =	vst v1  }
0x164: {  	s3 =	sadd.s32 $0x1, s3  }
0x165: {  	p4 =	sne.s32 s3, s14  }
.Ltmp3:
0x166: {  	_ = 	snop;
	(pc) =	sbr.rel @p4 .LBB2_6-.Ltmp3, $4  }
0x167: {  	[spmem:s2] =	stream.indirect.scatter.add.f32 [tilespmem:s24], [sflag:$0x2], $0x80, s26, s26, $0xb8;
	[tilespmem:$0x1A180] =	vst v63  }
0x168: {  	_ =	swait.ge [sflag:s25], $0x4000  }
0x169: {  	[sflag:s25] =	ssyncset.done $0x0  }
0x16a: {  	[sflag:s25] =	ssyncadd.s32 $0xFFFFC000  }
0x16b: {  	[bflag:$0x0] =	sbarrier.arrive $0xFFFF  }
0x16c: {  	[tilespmem:s24], [sflag:$0x2] =	stream.linear.gather [spmem:s8], $0x4000, $0x38;
	[tilespmem:$0x1A180] =	vst v63  }
0x16d: {  	_ =	swait.ge [sflag:s25], $0x4000  }
0x16e: {  	[sflag:s25] =	ssyncset.done $0x0  }
0x16f: {  	s0 =	rddreg [dreg:$0x4];
	[sflag:s25] =	ssyncadd.s32 $0xFFFFC000  }
0x170: {  	[hbm4b:s0+s4] =	stream.linear.scatter [tilespmem:s24], [sflag:$0x2], $0x4000, $0x38;
	[tilespmem:$0x1A180] =	vst v63  }
0x171: {  	_ =	swait.ge [sflag:s25], $0x4000  }
0x172: {  	[sflag:s25] =	ssyncset.done $0x0  }
0x173: {  	[sflag:s25] =	ssyncadd.s32 $0xFFFFC000  }
0x174: {  	[tilespmem:s24], [sflag:$0x2] =	stream.linear.gather [spmem:s9], $0x4000, $0x38;
	[tilespmem:$0x1A180] =	vst v63  }
0x175: {  	_ =	swait.ge [sflag:s25], $0x4000  }
0x176: {  	[sflag:s25] =	ssyncset.done $0x0  }
0x177: {  	s17 =	rddreg [dreg:$0x5];
	[sflag:s25] =	ssyncadd.s32 $0xFFFFC000  }
0x178: {  	[hbm4b:s17+s4] =	stream.linear.scatter [tilespmem:s24], [sflag:$0x2], $0x4000, $0x38;
	[tilespmem:$0x1A180] =	vst v63  }
0x179: {  	_ =	swait.ge [sflag:s25], $0x4000  }
0x17a: {  	[sflag:s25] =	ssyncset.done $0x0  }
0x17b: {  	[sflag:s25] =	ssyncadd.s32 $0xFFFFC000  }
0x17c: {  	[tilespmem:s24], [sflag:$0x2] =	stream.linear.gather [spmem:s10], $0x4000, $0x38;
	[tilespmem:$0x1A180] =	vst v63  }
0x17d: {  	_ =	swait.ge [sflag:s25], $0x4000  }
0x17e: {  	[sflag:s25] =	ssyncset.done $0x0  }
0x17f: {  	s18 =	rddreg [dreg:$0x6];
	[sflag:s25] =	ssyncadd.s32 $0xFFFFC000  }
0x180: {  	[hbm4b:s18+s4] =	stream.linear.scatter [tilespmem:s24], [sflag:$0x2], $0x4000, $0x38;
	[tilespmem:$0x1A180] =	vst v63  }
0x181: {  	_ =	swait.ge [sflag:s25], $0x4000  }
0x182: {  	[sflag:s25] =	ssyncset.done $0x0  }
0x183: {  	[sflag:s25] =	ssyncadd.s32 $0xFFFFC000  }
0x184: {  	[tilespmem:s24], [sflag:$0x2] =	stream.linear.gather [spmem:s11], $0x4000, $0x38;
	[tilespmem:$0x1A180] =	vst v63  }
0x185: {  	_ =	swait.ge [sflag:s25], $0x4000  }
0x186: {  	[sflag:s25] =	ssyncset.done $0x0  }
0x187: {  	s19 =	rddreg [dreg:$0x7];
	[sflag:s25] =	ssyncadd.s32 $0xFFFFC000  }
0x188: {  	[hbm4b:s19+s4] =	stream.linear.scatter [tilespmem:s24], [sflag:$0x2], $0x4000, $0x38;
	[tilespmem:$0x1A180] =	vst v63  }
0x189: {  	_ =	swait.ge [sflag:s25], $0x4000  }
0x18a: {  	[sflag:s25] =	ssyncset.done $0x0  }
0x18b: {  	s3 =	simm.s32 @!p0 $0x2;
	s0 =	simm.s32 @!p0 $0x180;
	[sflag:s25] =	ssyncadd.s32 $0xFFFFC000  }
0x18c: {  	[tilespmem:s0], [sflag:$0x2] =	stream.linear.gather @!p0 [spmem:s13], $0x4000, $0x38;
	[tilespmem:$0x1A180] =	vst v63  }
0x18d: {  	_ =	swait.ge @!p0 [sflag:s3], $0x4000  }
0x18e: {  	[sflag:s3] =	ssyncset.done @!p0 $0x0  }
0x18f: {  	s16 =	simm.s32 @!p0 $0x0;
	[sflag:s3] =	ssyncadd.s32 @!p0 $0xFFFFC000  }
0x190: {  	[hbm4b:s20+s16] =	stream.linear.scatter @!p0 [tilespmem:s0], [sflag:$0x2], $0x4000, $0x38;
	[tilespmem:$0x1A180] =	vst v63  }
0x191: {  	_ =	swait.ge @!p0 [sflag:s3], $0x4000  }
0x192: {  	[sflag:s3] =	ssyncset.done @!p0 $0x0  }
0x193: {  	s0 =	simm.s32 @p3 $0x180;
	[sflag:s3] =	ssyncadd.s32 @!p0 $0xFFFFC000;
	s3 =	simm.s32 @p3 $0x2  }
0x194: {  	[tilespmem:s0], [sflag:$0x2] =	stream.linear.gather @p3 [spmem:s12], $0x800, $0x38;
	[tilespmem:$0x1A180] =	vst v63  }
0x195: {  	_ =	swait.ge @p3 [sflag:s3], $0x800  }
0x196: {  	[sflag:s3] =	ssyncset.done @p3 $0x0  }
0x197: {  	s16 =	simm.s32 @p3 $0x0;
	[sflag:s3] =	ssyncadd.s32 @p3 $0xFFFFF800  }
0x198: {  	[hbm4b:s21+s16] =	stream.linear.scatter @p3 [tilespmem:s0], [sflag:$0x2], $0x800, $0x38;
	[tilespmem:$0x1A180] =	vst v63  }
0x199: {  	_ =	swait.ge @p3 [sflag:s3], $0x800  }
0x19a: {  	s31 =	sadd.s32 $0x1, s31;
	[sflag:s3] =	ssyncset.done @p3 $0x0  }
0x19b: {  	[sflag:s3] =	ssyncadd.s32 @p3 $0xFFFFF800;
	p3 =	sne.s32 s31, s23  }
.Ltmp4:
0x19c: {  	_ = 	snop;
	(pc) =	sbr.rel @p3 .LBB2_1-.Ltmp4, $4  }
0x19d: {  	[hbm4b:s22+s4] =	stream.linear.scatter [tilespmem:s30], [sflag:$0x2], $0x2710, $0x38;
	[tilespmem:$0x1A180] =	vst v63  }
0x19e: {  	_ =	swait.ge [sflag:s25], $0x2710  }
0x19f: {  	[sflag:s25] =	ssyncset.done $0x0  }
0x1a0: {  	[sflag:s25] =	ssyncadd.s32 $0xFFFFD8F0  }
0x1a1: {  	_ =	sfence.sel $0x180000  }
0x1a2: {  	[bflag:$0x0] =	sbarrier.arrive $0xFFFF  }
0x1a3: {  	_ =	strace $0x90000047  }
0x1a4: {  	s0 =	stileid.u32;
	[bflag:$0x2] =	sbarrier.arrive $0xFFFF  }
0x1a5: {  	p0 =	sne.s32 s0, $0x0;
	s0 =	rddreg [dreg:$0x3]  }
0x1a6: {  	s0 =	sadd.s32 @!p0 $0x100000, s0  }
0x1a7: {  	[sflag:s0] =	ssyncadd.tile.s32 @!p0 $0x1;
	_ =	shalt  }
.Lfunc_end2:
_tile_overlayer_lowered:
.L_overlay_start_2:
0x1a8: {  	(tag) =	ssettag $0x2  }
0x1a9: {  	s0 =	rddreg [dreg:$0x0];
	s2 =	stileid.u32  }
0x1aa: {  	s1 =	rddreg [dreg:$0x1];
	p0 =	sne.s32 s2, $0x0  }
0x1ab: {  	s3 =	rddreg [dreg:$0x2];
	[bflag:$0x3] =	sbarrier.arrive $0xFFFF;
	s2 =	simm.s32 @!p0 $0x1C02  }
0x1ac: {  	[timem:s3], [sflag:s2] =	dma.local @!p0 [hbm:s0], s1  }
0x1ad: {  	s0 =	simm.s32 @!p0 $0x2  }
0x1ae: {  	_ =	swait.ge @!p0 [sflag:s0], s1  }
0x1af: {  	s1 =	ssub.s32 @!p0 $0x0, s1;
	[sflag:s0] =	ssyncset.done @!p0 $0x0  }
0x1b0: {  	[sflag:s0] =	ssyncadd.s32 @!p0 s1  }
0x1b1: {  	[bflag:$0x3] =	sbarrier.arrive $0xFFFF  }
0x1b2: {  	_ =	shalt  }

</sc_bundles>
